<compile_context>
chip_gen: v7x
topology: tpu7x:2x2x1
jax: 0.10.2.dev20260603
libtpu: 0.0.44.dev20260713+nightly
codegen_flags: <defaults>
</compile_context>

<pallas_src>
import functools

import jax
import jax.numpy as jnp
from jax import lax
from jax.experimental import pallas as pl
from jax.experimental.pallas import tpu as pltpu
from jax.experimental.pallas import tpu_sc as plsc

D = 64
SCALE = 8.0
NB = 4096
NT = 200
B = NB * NT
NC = 2
NS = 16
NW = NC * NS
BPW = B // NW
C = 128
NCHUNK = BPW // C
NBUF = 8
PF = 4


def _sc_gather(idx3, table):
    mesh = plsc.VectorSubcoreMesh(core_axis_name="c", subcore_axis_name="s")

    scratch = [pltpu.VMEM((NCHUNK, C), jnp.int32)]
    scratch += [pltpu.VMEM((C, D), jnp.float32) for _ in range(NBUF)]
    scratch += [pltpu.SemaphoreType.DMA for _ in range(2 * NBUF + 1)]

    @functools.partial(
        pl.kernel,
        mesh=mesh,
        out_type=jax.ShapeDtypeStruct((B, 2 * D), jnp.float32),
        scratch_types=scratch,
        compiler_params=pltpu.CompilerParams(
            use_tc_tiling_on_sc=False, needs_layout_passes=False),
    )
    def kern(idx_hbm, tab_hbm, out_hbm, idx_v, *bufs_and_sems):
        gbuf = bufs_and_sems[:NBUF]
        gsem = bufs_and_sems[NBUF:2 * NBUF]
        ssem = bufs_and_sems[2 * NBUF:3 * NBUF]
        isem = bufs_and_sems[3 * NBUF]

        wid = lax.axis_index("s") * NC + lax.axis_index("c")
        pltpu.async_copy(idx_hbm.at[wid], idx_v, isem).wait()

        def gather(ci, p):
            pltpu.async_copy(tab_hbm.at[idx_v.at[ci]], gbuf[p], gsem[p])

        def store_wait(p):
            pltpu.make_async_copy(
                gbuf[p], out_hbm.at[pl.ds(0, C), pl.ds(0, D)], ssem[p]).wait()

        for p in range(PF):
            gather(p, p)

        def outer(i, _):
            cg = i * NBUF
            for k in range(NBUF):
                ci = cg + k
                p = k
                pltpu.make_async_copy(
                    tab_hbm.at[idx_v.at[ci]], gbuf[p], gsem[p]).wait()

                def srows(rb, _):
                    for rr in range(8):
                        for c in range(D // 16):
                            sl = pl.ds(c * 16, 16)
                            r = rb * 8 + rr
                            gbuf[p][r, sl] = gbuf[p][r, sl] * SCALE
                    return 0

                lax.fori_loop(0, C // 8, srows, 0)

                row = wid * BPW + ci * C
                pltpu.async_copy(
                    gbuf[p], out_hbm.at[pl.ds(row, C), pl.ds(0, D)], ssem[p])

                q = (k + PF) % NBUF

                @pl.when(ci >= PF)
                def _():
                    store_wait(q)

                @pl.when(ci + PF < NCHUNK)
                def _():
                    gather(ci + PF, q)
            return 0

        lax.fori_loop(0, NCHUNK // NBUF, outer, 0)

        for p in range(NBUF - PF, NBUF):
            store_wait(p)

    return kern(idx3, table)


def kernel(inp, emb_weight):
    idx3 = inp.reshape(NW, NCHUNK, C)
    out128 = _sc_gather(idx3, emb_weight)
    return out128.reshape(NB, NT, 2 * D)[:, :, :D]

# --- scband reference (transcript-rebuilt; emitter-appended) ---
"""Pipeline reference for scband-adaptive-embedding-46694884442530 (READ-ONLY COPY).

The authoritative reference and input builder live on the scoring server;
editing this copy changes nothing except your own understanding.
"""

import jax, jax.numpy as jnp
import numpy as np

VOCAB = 1000000
D_EMBED = 64
D_PROJ = 64
EMB_SCALE = D_PROJ ** 0.5


def setup_inputs(seed: int = 0) -> dict:
    key = jax.random.key(seed)
    k1, k2 = jax.random.split(key)
    inp = jax.random.randint(k1, (4096, 200), 0, VOCAB, dtype=jnp.int64 if jax.config.read('jax_enable_x64') else jnp.int32)
    emb_weight = jax.random.normal(k2, (VOCAB, D_EMBED), dtype=jnp.float32) * 0.02
    return {"inp": inp, "emb_weight": emb_weight}


def reference(inp, emb_weight):
    # div_val == 1 path of AdaptiveEmbedding: single embedding lookup.
    # d_proj == d_embed, so no projection is applied.
    embed = jnp.take(emb_weight, inp, axis=0)
    # embed.mul_(self.emb_scale)
    embed = embed * EMB_SCALE
    return embed

if __name__ == "__main__":
    import jax
    _d = setup_inputs()
    print(jax.jit(kernel)(*tuple(_d.values())))

</pallas_src>

<mosaic_0001>
#map = affine_map<(d0, d1) -> (0, 0, 0)>
#map1 = affine_map<(d0, d1) -> (0, 0)>
module attributes {stable_mosaic.version = 14 : i64} {
  func.func @kern(%arg0: i32, %arg1: i32, %arg2: memref<32x200x128xi32, #tpu.memory_space<hbm>>, %arg3: memref<1000000x64xf32, #tpu.memory_space<hbm>>, %arg4: memref<819200x128xf32, #tpu.memory_space<hbm>>, %arg5: memref<200x128xi32, #tpu.memory_space<vmem>>, %arg6: memref<128x64xf32, #tpu.memory_space<vmem>>, %arg7: memref<128x64xf32, #tpu.memory_space<vmem>>, %arg8: memref<128x64xf32, #tpu.memory_space<vmem>>, %arg9: memref<128x64xf32, #tpu.memory_space<vmem>>, %arg10: memref<128x64xf32, #tpu.memory_space<vmem>>, %arg11: memref<128x64xf32, #tpu.memory_space<vmem>>, %arg12: memref<128x64xf32, #tpu.memory_space<vmem>>, %arg13: memref<128x64xf32, #tpu.memory_space<vmem>>, %arg14: memref<!tpu.dma_semaphore, #tpu.memory_space<semaphore_mem>>, %arg15: memref<!tpu.dma_semaphore, #tpu.memory_space<semaphore_mem>>, %arg16: memref<!tpu.dma_semaphore, #tpu.memory_space<semaphore_mem>>, %arg17: memref<!tpu.dma_semaphore, #tpu.memory_space<semaphore_mem>>, %arg18: memref<!tpu.dma_semaphore, #tpu.memory_space<semaphore_mem>>, %arg19: memref<!tpu.dma_semaphore, #tpu.memory_space<semaphore_mem>>, %arg20: memref<!tpu.dma_semaphore, #tpu.memory_space<semaphore_mem>>, %arg21: memref<!tpu.dma_semaphore, #tpu.memory_space<semaphore_mem>>, %arg22: memref<!tpu.dma_semaphore, #tpu.memory_space<semaphore_mem>>, %arg23: memref<!tpu.dma_semaphore, #tpu.memory_space<semaphore_mem>>, %arg24: memref<!tpu.dma_semaphore, #tpu.memory_space<semaphore_mem>>, %arg25: memref<!tpu.dma_semaphore, #tpu.memory_space<semaphore_mem>>, %arg26: memref<!tpu.dma_semaphore, #tpu.memory_space<semaphore_mem>>, %arg27: memref<!tpu.dma_semaphore, #tpu.memory_space<semaphore_mem>>, %arg28: memref<!tpu.dma_semaphore, #tpu.memory_space<semaphore_mem>>, %arg29: memref<!tpu.dma_semaphore, #tpu.memory_space<semaphore_mem>>, %arg30: memref<!tpu.dma_semaphore, #tpu.memory_space<semaphore_mem>>) attributes {dimension_semantics = [#tpu.dimension_semantics<core_parallel>, #tpu.dimension_semantics<subcore_parallel>], iteration_bounds = array<i64: 2, 16>, scalar_prefetch = 0 : i64, scratch_operands = 26 : i64, tpu.core_type = #tpu.core_type<sc_vector_subcore>, window_params = [{transform_indices = #map}, {transform_indices = #map1}, {transform_indices = #map1}]} {
    %mul3A = arith.constant 2 : i32
    %mul3A_0 = arith.muli %arg1, %mul3A : i32
    %add3A = arith.addi %mul3A_0, %arg0 : i32
    %dma_start3A = arith.constant 0 : i32
    %dma_start3A_1 = arith.constant 0 : i32
    %dma_start3A_2 = tpu.memref_slice %arg2[%add3A, %dma_start3A, %dma_start3A_1] : memref<32x200x128xi32, #tpu.memory_space<hbm>> -> memref<1x200x128xi32, #tpu.memory_space<hbm>>
    %dma_start3A_3 = tpu.memref_squeeze %dma_start3A_2 : memref<1x200x128xi32, #tpu.memory_space<hbm>> -> memref<200x128xi32, #tpu.memory_space<hbm>>
    %dma_start3A_4 = arith.constant 0 : i32
    %dma_start3A_5 = arith.constant 0 : i32
    %dma_start3A_6 = tpu.memref_slice %arg2[%add3A, %dma_start3A_4, %dma_start3A_5] : memref<32x200x128xi32, #tpu.memory_space<hbm>> -> memref<1x200x128xi32, #tpu.memory_space<hbm>>
    %dma_start3A_7 = tpu.memref_squeeze %dma_start3A_6 : memref<1x200x128xi32, #tpu.memory_space<hbm>> -> memref<200x128xi32, #tpu.memory_space<hbm>>
    tpu.enqueue_dma source(%dma_start3A_7 : memref<200x128xi32, #tpu.memory_space<hbm>>) target(%arg5 : memref<200x128xi32, #tpu.memory_space<vmem>>) target_semaphore(%arg30 : memref<!tpu.dma_semaphore, #tpu.memory_space<semaphore_mem>>)
    %dma_wait3A = arith.constant 0 : i32
    %dma_wait3A_8 = arith.constant 0 : i32
    %dma_wait3A_9 = tpu.memref_slice %arg2[%add3A, %dma_wait3A, %dma_wait3A_8] : memref<32x200x128xi32, #tpu.memory_space<hbm>> -> memref<1x200x128xi32, #tpu.memory_space<hbm>>
    %dma_wait3A_10 = tpu.memref_squeeze %dma_wait3A_9 : memref<1x200x128xi32, #tpu.memory_space<hbm>> -> memref<200x128xi32, #tpu.memory_space<hbm>>
    %dma_wait3A_11 = arith.constant 0 : i32
    %dma_wait3A_12 = arith.constant 0 : i32
    %dma_wait3A_13 = tpu.memref_slice %arg2[%add3A, %dma_wait3A_11, %dma_wait3A_12] : memref<32x200x128xi32, #tpu.memory_space<hbm>> -> memref<1x200x128xi32, #tpu.memory_space<hbm>>
    %dma_wait3A_14 = tpu.memref_squeeze %dma_wait3A_13 : memref<1x200x128xi32, #tpu.memory_space<hbm>> -> memref<200x128xi32, #tpu.memory_space<hbm>>
    tpu.wait_dma2 semaphore(%arg30 : memref<!tpu.dma_semaphore, #tpu.memory_space<semaphore_mem>>) src(%dma_wait3A_14 : memref<200x128xi32, #tpu.memory_space<hbm>>) dst(%arg5 : memref<200x128xi32, #tpu.memory_space<vmem>>)
    %dma_start3A_15 = arith.constant 0 : i32
    %dma_start3A_16 = arith.constant 0 : i32
    %dma_start3A_17 = tpu.memref_slice %arg5[%dma_start3A_15, %dma_start3A_16] : memref<200x128xi32, #tpu.memory_space<vmem>> -> memref<1x128xi32, #tpu.memory_space<vmem>>
    %dma_start3A_18 = tpu.memref_squeeze %dma_start3A_17 : memref<1x128xi32, #tpu.memory_space<vmem>> -> memref<128xi32, #tpu.memory_space<vmem>>
    %dma_start3A_19 = arith.constant 0 : i32
    %dma_start3A_20 = arith.constant 0 : i32
    %dma_start3A_21 = tpu.memref_slice %arg3[%dma_start3A_19, %dma_start3A_20] : memref<1000000x64xf32, #tpu.memory_space<hbm>> -> memref<1000000x64xf32, #tpu.memory_space<hbm>>
    tpu.enqueue_indirect_dma source(%dma_start3A_21 : memref<1000000x64xf32, #tpu.memory_space<hbm>>) target(%arg6 : memref<128x64xf32, #tpu.memory_space<vmem>>) offsets(%dma_start3A_18 : memref<128xi32, #tpu.memory_space<vmem>>) semaphore(%arg14 : memref<!tpu.dma_semaphore, #tpu.memory_space<semaphore_mem>>)
    %dma_start3A_22 = arith.constant 1 : i32
    %dma_start3A_23 = arith.constant 0 : i32
    %dma_start3A_24 = tpu.memref_slice %arg5[%dma_start3A_22, %dma_start3A_23] : memref<200x128xi32, #tpu.memory_space<vmem>> -> memref<1x128xi32, #tpu.memory_space<vmem>>
    %dma_start3A_25 = tpu.memref_squeeze %dma_start3A_24 : memref<1x128xi32, #tpu.memory_space<vmem>> -> memref<128xi32, #tpu.memory_space<vmem>>
    %dma_start3A_26 = arith.constant 0 : i32
    %dma_start3A_27 = arith.constant 0 : i32
    %dma_start3A_28 = tpu.memref_slice %arg3[%dma_start3A_26, %dma_start3A_27] : memref<1000000x64xf32, #tpu.memory_space<hbm>> -> memref<1000000x64xf32, #tpu.memory_space<hbm>>
    tpu.enqueue_indirect_dma source(%dma_start3A_28 : memref<1000000x64xf32, #tpu.memory_space<hbm>>) target(%arg7 : memref<128x64xf32, #tpu.memory_space<vmem>>) offsets(%dma_start3A_25 : memref<128xi32, #tpu.memory_space<vmem>>) semaphore(%arg15 : memref<!tpu.dma_semaphore, #tpu.memory_space<semaphore_mem>>)
    %dma_start3A_29 = arith.constant 2 : i32
    %dma_start3A_30 = arith.constant 0 : i32
    %dma_start3A_31 = tpu.memref_slice %arg5[%dma_start3A_29, %dma_start3A_30] : memref<200x128xi32, #tpu.memory_space<vmem>> -> memref<1x128xi32, #tpu.memory_space<vmem>>
    %dma_start3A_32 = tpu.memref_squeeze %dma_start3A_31 : memref<1x128xi32, #tpu.memory_space<vmem>> -> memref<128xi32, #tpu.memory_space<vmem>>
    %dma_start3A_33 = arith.constant 0 : i32
    %dma_start3A_34 = arith.constant 0 : i32
    %dma_start3A_35 = tpu.memref_slice %arg3[%dma_start3A_33, %dma_start3A_34] : memref<1000000x64xf32, #tpu.memory_space<hbm>> -> memref<1000000x64xf32, #tpu.memory_space<hbm>>
    tpu.enqueue_indirect_dma source(%dma_start3A_35 : memref<1000000x64xf32, #tpu.memory_space<hbm>>) target(%arg8 : memref<128x64xf32, #tpu.memory_space<vmem>>) offsets(%dma_start3A_32 : memref<128xi32, #tpu.memory_space<vmem>>) semaphore(%arg16 : memref<!tpu.dma_semaphore, #tpu.memory_space<semaphore_mem>>)
    %dma_start3A_36 = arith.constant 3 : i32
    %dma_start3A_37 = arith.constant 0 : i32
    %dma_start3A_38 = tpu.memref_slice %arg5[%dma_start3A_36, %dma_start3A_37] : memref<200x128xi32, #tpu.memory_space<vmem>> -> memref<1x128xi32, #tpu.memory_space<vmem>>
    %dma_start3A_39 = tpu.memref_squeeze %dma_start3A_38 : memref<1x128xi32, #tpu.memory_space<vmem>> -> memref<128xi32, #tpu.memory_space<vmem>>
    %dma_start3A_40 = arith.constant 0 : i32
    %dma_start3A_41 = arith.constant 0 : i32
    %dma_start3A_42 = tpu.memref_slice %arg3[%dma_start3A_40, %dma_start3A_41] : memref<1000000x64xf32, #tpu.memory_space<hbm>> -> memref<1000000x64xf32, #tpu.memory_space<hbm>>
    tpu.enqueue_indirect_dma source(%dma_start3A_42 : memref<1000000x64xf32, #tpu.memory_space<hbm>>) target(%arg9 : memref<128x64xf32, #tpu.memory_space<vmem>>) offsets(%dma_start3A_39 : memref<128xi32, #tpu.memory_space<vmem>>) semaphore(%arg17 : memref<!tpu.dma_semaphore, #tpu.memory_space<semaphore_mem>>)
    %scan3A = arith.constant 0 : i32
    %scan3A_43 = arith.constant 0 : i32
    %scan3A_44 = arith.constant 25 : i32
    %scan3A_45 = arith.addi %scan3A_43, %scan3A_44 : i32
    %scan3A_46 = arith.constant 1 : i32
    %scan3A_47 = scf.for %scan3A_73 = %scan3A_43 to %scan3A_45 step %scan3A_46 iter_args(%scan3A_74 = %scan3A) -> (i32)  : i32 {
      %mul3A_75 = arith.constant 8 : i32
      %mul3A_76 = arith.muli %scan3A_73, %mul3A_75 : i32
      %add3A_77 = arith.constant 0 : i32
      %add3A_78 = arith.addi %mul3A_76, %add3A_77 : i32
      %dma_wait3A_79 = arith.constant 0 : i32
      %dma_wait3A_80 = tpu.memref_slice %arg5[%add3A_78, %dma_wait3A_79] : memref<200x128xi32, #tpu.memory_space<vmem>> -> memref<1x128xi32, #tpu.memory_space<vmem>>
      %dma_wait3A_81 = tpu.memref_squeeze %dma_wait3A_80 : memref<1x128xi32, #tpu.memory_space<vmem>> -> memref<128xi32, #tpu.memory_space<vmem>>
      %dma_wait3A_82 = arith.constant 0 : i32
      %dma_wait3A_83 = arith.constant 0 : i32
      %dma_wait3A_84 = tpu.memref_slice %arg3[%dma_wait3A_82, %dma_wait3A_83] : memref<1000000x64xf32, #tpu.memory_space<hbm>> -> memref<1000000x64xf32, #tpu.memory_space<hbm>>
      tpu.wait_indirect_dma semaphore(%arg14 : memref<!tpu.dma_semaphore, #tpu.memory_space<semaphore_mem>>) src(%dma_wait3A_84 : memref<1000000x64xf32, #tpu.memory_space<hbm>>) dst(%arg6 : memref<128x64xf32, #tpu.memory_space<vmem>>)
      %scan3A_85 = arith.constant 0 : i32
      %scan3A_86 = arith.constant 0 : i32
      %scan3A_87 = arith.constant 16 : i32
      %scan3A_88 = arith.addi %scan3A_86, %scan3A_87 : i32
      %scan3A_89 = arith.constant 1 : i32
      %scan3A_90 = scf.for %scan3A_362 = %scan3A_86 to %scan3A_88 step %scan3A_89 iter_args(%scan3A_363 = %scan3A_85) -> (i32)  : i32 {
        %mul3A_364 = arith.constant 8 : i32
        %mul3A_365 = arith.muli %scan3A_362, %mul3A_364 : i32
        %add3A_366 = arith.constant 0 : i32
        %add3A_367 = arith.addi %mul3A_365, %add3A_366 : i32
        %get3A = arith.index_cast %add3A_367 : i32 to index
        %get3A_368 = arith.constant 0 : index
        %get3A_369 = tpu.vector_load %arg6[%get3A, %get3A_368] {strides = array<i32>} : memref<128x64xf32, #tpu.memory_space<vmem>>, vector<16xf32>,
        %mul3A_370 = arith.constant 8.000000e+00 : f32
        %mul3A_371 = vector.broadcast %mul3A_370 : f32 to vector<16xf32>
        %mul3A_372 = arith.mulf %get3A_369, %mul3A_371 : vector<16xf32>
        %swap3A = arith.index_cast %add3A_367 : i32 to index
        %swap3A_373 = arith.constant 0 : index
        %swap3A_374 = tpu.vector_load %arg6[%swap3A, %swap3A_373] {strides = array<i32>} : memref<128x64xf32, #tpu.memory_space<vmem>>, vector<16xf32>,
        tpu.vector_store %arg6[%swap3A, %swap3A_373], %mul3A_372 {strides = array<i32>} : memref<128x64xf32, #tpu.memory_space<vmem>>, vector<16xf32>,
        %mul3A_375 = arith.constant 8 : i32
        %mul3A_376 = arith.muli %scan3A_362, %mul3A_375 : i32
        %add3A_377 = arith.constant 0 : i32
        %add3A_378 = arith.addi %mul3A_376, %add3A_377 : i32
        %get3A_379 = arith.index_cast %add3A_378 : i32 to index
        %get3A_380 = arith.constant 16 : index
        %get3A_381 = tpu.vector_load %arg6[%get3A_379, %get3A_380] {strides = array<i32>} : memref<128x64xf32, #tpu.memory_space<vmem>>, vector<16xf32>,
        %mul3A_382 = arith.constant 8.000000e+00 : f32
        %mul3A_383 = vector.broadcast %mul3A_382 : f32 to vector<16xf32>
        %mul3A_384 = arith.mulf %get3A_381, %mul3A_383 : vector<16xf32>
        %swap3A_385 = arith.index_cast %add3A_378 : i32 to index
        %swap3A_386 = arith.constant 16 : index
        %swap3A_387 = tpu.vector_load %arg6[%swap3A_385, %swap3A_386] {strides = array<i32>} : memref<128x64xf32, #tpu.memory_space<vmem>>, vector<16xf32>,
        tpu.vector_store %arg6[%swap3A_385, %swap3A_386], %mul3A_384 {strides = array<i32>} : memref<128x64xf32, #tpu.memory_space<vmem>>, vector<16xf32>,
        %mul3A_388 = arith.constant 8 : i32
        %mul3A_389 = arith.muli %scan3A_362, %mul3A_388 : i32
        %add3A_390 = arith.constant 0 : i32
        %add3A_391 = arith.addi %mul3A_389, %add3A_390 : i32
        %get3A_392 = arith.index_cast %add3A_391 : i32 to index
        %get3A_393 = arith.constant 32 : index
        %get3A_394 = tpu.vector_load %arg6[%get3A_392, %get3A_393] {strides = array<i32>} : memref<128x64xf32, #tpu.memory_space<vmem>>, vector<16xf32>,
        %mul3A_395 = arith.constant 8.000000e+00 : f32
        %mul3A_396 = vector.broadcast %mul3A_395 : f32 to vector<16xf32>
        %mul3A_397 = arith.mulf %get3A_394, %mul3A_396 : vector<16xf32>
        %swap3A_398 = arith.index_cast %add3A_391 : i32 to index
        %swap3A_399 = arith.constant 32 : index
        %swap3A_400 = tpu.vector_load %arg6[%swap3A_398, %swap3A_399] {strides = array<i32>} : memref<128x64xf32, #tpu.memory_space<vmem>>, vector<16xf32>,
        tpu.vector_store %arg6[%swap3A_398, %swap3A_399], %mul3A_397 {strides = array<i32>} : memref<128x64xf32, #tpu.memory_space<vmem>>, vector<16xf32>,
        %mul3A_401 = arith.constant 8 : i32
        %mul3A_402 = arith.muli %scan3A_362, %mul3A_401 : i32
        %add3A_403 = arith.constant 0 : i32
        %add3A_404 = arith.addi %mul3A_402, %add3A_403 : i32
        %get3A_405 = arith.index_cast %add3A_404 : i32 to index
        %get3A_406 = arith.constant 48 : index
        %get3A_407 = tpu.vector_load %arg6[%get3A_405, %get3A_406] {strides = array<i32>} : memref<128x64xf32, #tpu.memory_space<vmem>>, vector<16xf32>,
        %mul3A_408 = arith.constant 8.000000e+00 : f32
        %mul3A_409 = vector.broadcast %mul3A_408 : f32 to vector<16xf32>
        %mul3A_410 = arith.mulf %get3A_407, %mul3A_409 : vector<16xf32>
        %swap3A_411 = arith.index_cast %add3A_404 : i32 to index
        %swap3A_412 = arith.constant 48 : index
        %swap3A_413 = tpu.vector_load %arg6[%swap3A_411, %swap3A_412] {strides = array<i32>} : memref<128x64xf32, #tpu.memory_space<vmem>>, vector<16xf32>,
        tpu.vector_store %arg6[%swap3A_411, %swap3A_412], %mul3A_410 {strides = array<i32>} : memref<128x64xf32, #tpu.memory_space<vmem>>, vector<16xf32>,
        %mul3A_414 = arith.constant 8 : i32
        %mul3A_415 = arith.muli %scan3A_362, %mul3A_414 : i32
        %add3A_416 = arith.constant 1 : i32
        %add3A_417 = arith.addi %mul3A_415, %add3A_416 : i32
        %get3A_418 = arith.index_cast %add3A_417 : i32 to index
        %get3A_419 = arith.constant 0 : index
        %get3A_420 = tpu.vector_load %arg6[%get3A_418, %get3A_419] {strides = array<i32>} : memref<128x64xf32, #tpu.memory_space<vmem>>, vector<16xf32>,
        %mul3A_421 = arith.constant 8.000000e+00 : f32
        %mul3A_422 = vector.broadcast %mul3A_421 : f32 to vector<16xf32>
        %mul3A_423 = arith.mulf %get3A_420, %mul3A_422 : vector<16xf32>
        %swap3A_424 = arith.index_cast %add3A_417 : i32 to index
        %swap3A_425 = arith.constant 0 : index
        %swap3A_426 = tpu.vector_load %arg6[%swap3A_424, %swap3A_425] {strides = array<i32>} : memref<128x64xf32, #tpu.memory_space<vmem>>, vector<16xf32>,
        tpu.vector_store %arg6[%swap3A_424, %swap3A_425], %mul3A_423 {strides = array<i32>} : memref<128x64xf32, #tpu.memory_space<vmem>>, vector<16xf32>,
        %mul3A_427 = arith.constant 8 : i32
        %mul3A_428 = arith.muli %scan3A_362, %mul3A_427 : i32
        %add3A_429 = arith.constant 1 : i32
        %add3A_430 = arith.addi %mul3A_428, %add3A_429 : i32
        %get3A_431 = arith.index_cast %add3A_430 : i32 to index
        %get3A_432 = arith.constant 16 : index
        %get3A_433 = tpu.vector_load %arg6[%get3A_431, %get3A_432] {strides = array<i32>} : memref<128x64xf32, #tpu.memory_space<vmem>>, vector<16xf32>,
        %mul3A_434 = arith.constant 8.000000e+00 : f32
        %mul3A_435 = vector.broadcast %mul3A_434 : f32 to vector<16xf32>
        %mul3A_436 = arith.mulf %get3A_433, %mul3A_435 : vector<16xf32>
        %swap3A_437 = arith.index_cast %add3A_430 : i32 to index
        %swap3A_438 = arith.constant 16 : index
        %swap3A_439 = tpu.vector_load %arg6[%swap3A_437, %swap3A_438] {strides = array<i32>} : memref<128x64xf32, #tpu.memory_space<vmem>>, vector<16xf32>,
        tpu.vector_store %arg6[%swap3A_437, %swap3A_438], %mul3A_436 {strides = array<i32>} : memref<128x64xf32, #tpu.memory_space<vmem>>, vector<16xf32>,
        %mul3A_440 = arith.constant 8 : i32
        %mul3A_441 = arith.muli %scan3A_362, %mul3A_440 : i32
        %add3A_442 = arith.constant 1 : i32
        %add3A_443 = arith.addi %mul3A_441, %add3A_442 : i32
        %get3A_444 = arith.index_cast %add3A_443 : i32 to index
        %get3A_445 = arith.constant 32 : index
        %get3A_446 = tpu.vector_load %arg6[%get3A_444, %get3A_445] {strides = array<i32>} : memref<128x64xf32, #tpu.memory_space<vmem>>, vector<16xf32>,
        %mul3A_447 = arith.constant 8.000000e+00 : f32
        %mul3A_448 = vector.broadcast %mul3A_447 : f32 to vector<16xf32>
        %mul3A_449 = arith.mulf %get3A_446, %mul3A_448 : vector<16xf32>
        %swap3A_450 = arith.index_cast %add3A_443 : i32 to index
        %swap3A_451 = arith.constant 32 : index
        %swap3A_452 = tpu.vector_load %arg6[%swap3A_450, %swap3A_451] {strides = array<i32>} : memref<128x64xf32, #tpu.memory_space<vmem>>, vector<16xf32>,
        tpu.vector_store %arg6[%swap3A_450, %swap3A_451], %mul3A_449 {strides = array<i32>} : memref<128x64xf32, #tpu.memory_space<vmem>>, vector<16xf32>,
        %mul3A_453 = arith.constant 8 : i32
        %mul3A_454 = arith.muli %scan3A_362, %mul3A_453 : i32
        %add3A_455 = arith.constant 1 : i32
        %add3A_456 = arith.addi %mul3A_454, %add3A_455 : i32
        %get3A_457 = arith.index_cast %add3A_456 : i32 to index
        %get3A_458 = arith.constant 48 : index
        %get3A_459 = tpu.vector_load %arg6[%get3A_457, %get3A_458] {strides = array<i32>} : memref<128x64xf32, #tpu.memory_space<vmem>>, vector<16xf32>,
        %mul3A_460 = arith.constant 8.000000e+00 : f32
        %mul3A_461 = vector.broadcast %mul3A_460 : f32 to vector<16xf32>
        %mul3A_462 = arith.mulf %get3A_459, %mul3A_461 : vector<16xf32>
        %swap3A_463 = arith.index_cast %add3A_456 : i32 to index
        %swap3A_464 = arith.constant 48 : index
        %swap3A_465 = tpu.vector_load %arg6[%swap3A_463, %swap3A_464] {strides = array<i32>} : memref<128x64xf32, #tpu.memory_space<vmem>>, vector<16xf32>,
        tpu.vector_store %arg6[%swap3A_463, %swap3A_464], %mul3A_462 {strides = array<i32>} : memref<128x64xf32, #tpu.memory_space<vmem>>, vector<16xf32>,
        %mul3A_466 = arith.constant 8 : i32
        %mul3A_467 = arith.muli %scan3A_362, %mul3A_466 : i32
        %add3A_468 = arith.constant 2 : i32
        %add3A_469 = arith.addi %mul3A_467, %add3A_468 : i32
        %get3A_470 = arith.index_cast %add3A_469 : i32 to index
        %get3A_471 = arith.constant 0 : index
        %get3A_472 = tpu.vector_load %arg6[%get3A_470, %get3A_471] {strides = array<i32>} : memref<128x64xf32, #tpu.memory_space<vmem>>, vector<16xf32>,
        %mul3A_473 = arith.constant 8.000000e+00 : f32
        %mul3A_474 = vector.broadcast %mul3A_473 : f32 to vector<16xf32>
        %mul3A_475 = arith.mulf %get3A_472, %mul3A_474 : vector<16xf32>
        %swap3A_476 = arith.index_cast %add3A_469 : i32 to index
        %swap3A_477 = arith.constant 0 : index
        %swap3A_478 = tpu.vector_load %arg6[%swap3A_476, %swap3A_477] {strides = array<i32>} : memref<128x64xf32, #tpu.memory_space<vmem>>, vector<16xf32>,
        tpu.vector_store %arg6[%swap3A_476, %swap3A_477], %mul3A_475 {strides = array<i32>} : memref<128x64xf32, #tpu.memory_space<vmem>>, vector<16xf32>,
        %mul3A_479 = arith.constant 8 : i32
        %mul3A_480 = arith.muli %scan3A_362, %mul3A_479 : i32
        %add3A_481 = arith.constant 2 : i32
        %add3A_482 = arith.addi %mul3A_480, %add3A_481 : i32
        %get3A_483 = arith.index_cast %add3A_482 : i32 to index
        %get3A_484 = arith.constant 16 : index
        %get3A_485 = tpu.vector_load %arg6[%get3A_483, %get3A_484] {strides = array<i32>} : memref<128x64xf32, #tpu.memory_space<vmem>>, vector<16xf32>,
        %mul3A_486 = arith.constant 8.000000e+00 : f32
        %mul3A_487 = vector.broadcast %mul3A_486 : f32 to vector<16xf32>
        %mul3A_488 = arith.mulf %get3A_485, %mul3A_487 : vector<16xf32>
        %swap3A_489 = arith.index_cast %add3A_482 : i32 to index
        %swap3A_490 = arith.constant 16 : index
        %swap3A_491 = tpu.vector_load %arg6[%swap3A_489, %swap3A_490] {strides = array<i32>} : memref<128x64xf32, #tpu.memory_space<vmem>>, vector<16xf32>,
        tpu.vector_store %arg6[%swap3A_489, %swap3A_490], %mul3A_488 {strides = array<i32>} : memref<128x64xf32, #tpu.memory_space<vmem>>, vector<16xf32>,
        %mul3A_492 = arith.constant 8 : i32
        %mul3A_493 = arith.muli %scan3A_362, %mul3A_492 : i32
        %add3A_494 = arith.constant 2 : i32
        %add3A_495 = arith.addi %mul3A_493, %add3A_494 : i32
        %get3A_496 = arith.index_cast %add3A_495 : i32 to index
        %get3A_497 = arith.constant 32 : index
        %get3A_498 = tpu.vector_load %arg6[%get3A_496, %get3A_497] {strides = array<i32>} : memref<128x64xf32, #tpu.memory_space<vmem>>, vector<16xf32>,
        %mul3A_499 = arith.constant 8.000000e+00 : f32
        %mul3A_500 = vector.broadcast %mul3A_499 : f32 to vector<16xf32>
        %mul3A_501 = arith.mulf %get3A_498, %mul3A_500 : vector<16xf32>
        %swap3A_502 = arith.index_cast %add3A_495 : i32 to index
        %swap3A_503 = arith.constant 32 : index
        %swap3A_504 = tpu.vector_load %arg6[%swap3A_502, %swap3A_503] {strides = array<i32>} : memref<128x64xf32, #tpu.memory_space<vmem>>, vector<16xf32>,
        tpu.vector_store %arg6[%swap3A_502, %swap3A_503], %mul3A_501 {strides = array<i32>} : memref<128x64xf32, #tpu.memory_space<vmem>>, vector<16xf32>,
        %mul3A_505 = arith.constant 8 : i32
        %mul3A_506 = arith.muli %scan3A_362, %mul3A_505 : i32
        %add3A_507 = arith.constant 2 : i32
        %add3A_508 = arith.addi %mul3A_506, %add3A_507 : i32
        %get3A_509 = arith.index_cast %add3A_508 : i32 to index
        %get3A_510 = arith.constant 48 : index
        %get3A_511 = tpu.vector_load %arg6[%get3A_509, %get3A_510] {strides = array<i32>} : memref<128x64xf32, #tpu.memory_space<vmem>>, vector<16xf32>,
        %mul3A_512 = arith.constant 8.000000e+00 : f32
        %mul3A_513 = vector.broadcast %mul3A_512 : f32 to vector<16xf32>
        %mul3A_514 = arith.mulf %get3A_511, %mul3A_513 : vector<16xf32>
        %swap3A_515 = arith.index_cast %add3A_508 : i32 to index
        %swap3A_516 = arith.constant 48 : index
        %swap3A_517 = tpu.vector_load %arg6[%swap3A_515, %swap3A_516] {strides = array<i32>} : memref<128x64xf32, #tpu.memory_space<vmem>>, vector<16xf32>,
        tpu.vector_store %arg6[%swap3A_515, %swap3A_516], %mul3A_514 {strides = array<i32>} : memref<128x64xf32, #tpu.memory_space<vmem>>, vector<16xf32>,
        %mul3A_518 = arith.constant 8 : i32
        %mul3A_519 = arith.muli %scan3A_362, %mul3A_518 : i32
        %add3A_520 = arith.constant 3 : i32
        %add3A_521 = arith.addi %mul3A_519, %add3A_520 : i32
        %get3A_522 = arith.index_cast %add3A_521 : i32 to index
        %get3A_523 = arith.constant 0 : index
        %get3A_524 = tpu.vector_load %arg6[%get3A_522, %get3A_523] {strides = array<i32>} : memref<128x64xf32, #tpu.memory_space<vmem>>, vector<16xf32>,
        %mul3A_525 = arith.constant 8.000000e+00 : f32
        %mul3A_526 = vector.broadcast %mul3A_525 : f32 to vector<16xf32>
        %mul3A_527 = arith.mulf %get3A_524, %mul3A_526 : vector<16xf32>
        %swap3A_528 = arith.index_cast %add3A_521 : i32 to index
        %swap3A_529 = arith.constant 0 : index
        %swap3A_530 = tpu.vector_load %arg6[%swap3A_528, %swap3A_529] {strides = array<i32>} : memref<128x64xf32, #tpu.memory_space<vmem>>, vector<16xf32>,
        tpu.vector_store %arg6[%swap3A_528, %swap3A_529], %mul3A_527 {strides = array<i32>} : memref<128x64xf32, #tpu.memory_space<vmem>>, vector<16xf32>,
        %mul3A_531 = arith.constant 8 : i32
        %mul3A_532 = arith.muli %scan3A_362, %mul3A_531 : i32
        %add3A_533 = arith.constant 3 : i32
        %add3A_534 = arith.addi %mul3A_532, %add3A_533 : i32
        %get3A_535 = arith.index_cast %add3A_534 : i32 to index
        %get3A_536 = arith.constant 16 : index
        %get3A_537 = tpu.vector_load %arg6[%get3A_535, %get3A_536] {strides = array<i32>} : memref<128x64xf32, #tpu.memory_space<vmem>>, vector<16xf32>,
        %mul3A_538 = arith.constant 8.000000e+00 : f32
        %mul3A_539 = vector.broadcast %mul3A_538 : f32 to vector<16xf32>
        %mul3A_540 = arith.mulf %get3A_537, %mul3A_539 : vector<16xf32>
        %swap3A_541 = arith.index_cast %add3A_534 : i32 to index
        %swap3A_542 = arith.constant 16 : index
        %swap3A_543 = tpu.vector_load %arg6[%swap3A_541, %swap3A_542] {strides = array<i32>} : memref<128x64xf32, #tpu.memory_space<vmem>>, vector<16xf32>,
        tpu.vector_store %arg6[%swap3A_541, %swap3A_542], %mul3A_540 {strides = array<i32>} : memref<128x64xf32, #tpu.memory_space<vmem>>, vector<16xf32>,
        %mul3A_544 = arith.constant 8 : i32
        %mul3A_545 = arith.muli %scan3A_362, %mul3A_544 : i32
        %add3A_546 = arith.constant 3 : i32
        %add3A_547 = arith.addi %mul3A_545, %add3A_546 : i32
        %get3A_548 = arith.index_cast %add3A_547 : i32 to index
        %get3A_549 = arith.constant 32 : index
        %get3A_550 = tpu.vector_load %arg6[%get3A_548, %get3A_549] {strides = array<i32>} : memref<128x64xf32, #tpu.memory_space<vmem>>, vector<16xf32>,
        %mul3A_551 = arith.constant 8.000000e+00 : f32
        %mul3A_552 = vector.broadcast %mul3A_551 : f32 to vector<16xf32>
        %mul3A_553 = arith.mulf %get3A_550, %mul3A_552 : vector<16xf32>
        %swap3A_554 = arith.index_cast %add3A_547 : i32 to index
        %swap3A_555 = arith.constant 32 : index
        %swap3A_556 = tpu.vector_load %arg6[%swap3A_554, %swap3A_555] {strides = array<i32>} : memref<128x64xf32, #tpu.memory_space<vmem>>, vector<16xf32>,
        tpu.vector_store %arg6[%swap3A_554, %swap3A_555], %mul3A_553 {strides = array<i32>} : memref<128x64xf32, #tpu.memory_space<vmem>>, vector<16xf32>,
        %mul3A_557 = arith.constant 8 : i32
        %mul3A_558 = arith.muli %scan3A_362, %mul3A_557 : i32
        %add3A_559 = arith.constant 3 : i32
        %add3A_560 = arith.addi %mul3A_558, %add3A_559 : i32
        %get3A_561 = arith.index_cast %add3A_560 : i32 to index
        %get3A_562 = arith.constant 48 : index
        %get3A_563 = tpu.vector_load %arg6[%get3A_561, %get3A_562] {strides = array<i32>} : memref<128x64xf32, #tpu.memory_space<vmem>>, vector<16xf32>,
        %mul3A_564 = arith.constant 8.000000e+00 : f32
        %mul3A_565 = vector.broadcast %mul3A_564 : f32 to vector<16xf32>
        %mul3A_566 = arith.mulf %get3A_563, %mul3A_565 : vector<16xf32>
        %swap3A_567 = arith.index_cast %add3A_560 : i32 to index
        %swap3A_568 = arith.constant 48 : index
        %swap3A_569 = tpu.vector_load %arg6[%swap3A_567, %swap3A_568] {strides = array<i32>} : memref<128x64xf32, #tpu.memory_space<vmem>>, vector<16xf32>,
        tpu.vector_store %arg6[%swap3A_567, %swap3A_568], %mul3A_566 {strides = array<i32>} : memref<128x64xf32, #tpu.memory_space<vmem>>, vector<16xf32>,
        %mul3A_570 = arith.constant 8 : i32
        %mul3A_571 = arith.muli %scan3A_362, %mul3A_570 : i32
        %add3A_572 = arith.constant 4 : i32
        %add3A_573 = arith.addi %mul3A_571, %add3A_572 : i32
        %get3A_574 = arith.index_cast %add3A_573 : i32 to index
        %get3A_575 = arith.constant 0 : index
        %get3A_576 = tpu.vector_load %arg6[%get3A_574, %get3A_575] {strides = array<i32>} : memref<128x64xf32, #tpu.memory_space<vmem>>, vector<16xf32>,
        %mul3A_577 = arith.constant 8.000000e+00 : f32
        %mul3A_578 = vector.broadcast %mul3A_577 : f32 to vector<16xf32>
        %mul3A_579 = arith.mulf %get3A_576, %mul3A_578 : vector<16xf32>
        %swap3A_580 = arith.index_cast %add3A_573 : i32 to index
        %swap3A_581 = arith.constant 0 : index
        %swap3A_582 = tpu.vector_load %arg6[%swap3A_580, %swap3A_581] {strides = array<i32>} : memref<128x64xf32, #tpu.memory_space<vmem>>, vector<16xf32>,
        tpu.vector_store %arg6[%swap3A_580, %swap3A_581], %mul3A_579 {strides = array<i32>} : memref<128x64xf32, #tpu.memory_space<vmem>>, vector<16xf32>,
        %mul3A_583 = arith.constant 8 : i32
        %mul3A_584 = arith.muli %scan3A_362, %mul3A_583 : i32
        %add3A_585 = arith.constant 4 : i32
        %add3A_586 = arith.addi %mul3A_584, %add3A_585 : i32
        %get3A_587 = arith.index_cast %add3A_586 : i32 to index
        %get3A_588 = arith.constant 16 : index
        %get3A_589 = tpu.vector_load %arg6[%get3A_587, %get3A_588] {strides = array<i32>} : memref<128x64xf32, #tpu.memory_space<vmem>>, vector<16xf32>,
        %mul3A_590 = arith.constant 8.000000e+00 : f32
        %mul3A_591 = vector.broadcast %mul3A_590 : f32 to vector<16xf32>
        %mul3A_592 = arith.mulf %get3A_589, %mul3A_591 : vector<16xf32>
        %swap3A_593 = arith.index_cast %add3A_586 : i32 to index
        %swap3A_594 = arith.constant 16 : index
        %swap3A_595 = tpu.vector_load %arg6[%swap3A_593, %swap3A_594] {strides = array<i32>} : memref<128x64xf32, #tpu.memory_space<vmem>>, vector<16xf32>,
        tpu.vector_store %arg6[%swap3A_593, %swap3A_594], %mul3A_592 {strides = array<i32>} : memref<128x64xf32, #tpu.memory_space<vmem>>, vector<16xf32>,
        %mul3A_596 = arith.constant 8 : i32
        %mul3A_597 = arith.muli %scan3A_362, %mul3A_596 : i32
        %add3A_598 = arith.constant 4 : i32
        %add3A_599 = arith.addi %mul3A_597, %add3A_598 : i32
        %get3A_600 = arith.index_cast %add3A_599 : i32 to index
        %get3A_601 = arith.constant 32 : index
        %get3A_602 = tpu.vector_load %arg6[%get3A_600, %get3A_601] {strides = array<i32>} : memref<128x64xf32, #tpu.memory_space<vmem>>, vector<16xf32>,
        %mul3A_603 = arith.constant 8.000000e+00 : f32
        %mul3A_604 = vector.broadcast %mul3A_603 : f32 to vector<16xf32>
        %mul3A_605 = arith.mulf %get3A_602, %mul3A_604 : vector<16xf32>
        %swap3A_606 = arith.index_cast %add3A_599 : i32 to index
        %swap3A_607 = arith.constant 32 : index
        %swap3A_608 = tpu.vector_load %arg6[%swap3A_606, %swap3A_607] {strides = array<i32>} : memref<128x64xf32, #tpu.memory_space<vmem>>, vector<16xf32>,
        tpu.vector_store %arg6[%swap3A_606, %swap3A_607], %mul3A_605 {strides = array<i32>} : memref<128x64xf32, #tpu.memory_space<vmem>>, vector<16xf32>,
        %mul3A_609 = arith.constant 8 : i32
        %mul3A_610 = arith.muli %scan3A_362, %mul3A_609 : i32
        %add3A_611 = arith.constant 4 : i32
        %add3A_612 = arith.addi %mul3A_610, %add3A_611 : i32
        %get3A_613 = arith.index_cast %add3A_612 : i32 to index
        %get3A_614 = arith.constant 48 : index
        %get3A_615 = tpu.vector_load %arg6[%get3A_613, %get3A_614] {strides = array<i32>} : memref<128x64xf32, #tpu.memory_space<vmem>>, vector<16xf32>,
        %mul3A_616 = arith.constant 8.000000e+00 : f32
        %mul3A_617 = vector.broadcast %mul3A_616 : f32 to vector<16xf32>
        %mul3A_618 = arith.mulf %get3A_615, %mul3A_617 : vector<16xf32>
        %swap3A_619 = arith.index_cast %add3A_612 : i32 to index
        %swap3A_620 = arith.constant 48 : index
        %swap3A_621 = tpu.vector_load %arg6[%swap3A_619, %swap3A_620] {strides = array<i32>} : memref<128x64xf32, #tpu.memory_space<vmem>>, vector<16xf32>,
        tpu.vector_store %arg6[%swap3A_619, %swap3A_620], %mul3A_618 {strides = array<i32>} : memref<128x64xf32, #tpu.memory_space<vmem>>, vector<16xf32>,
        %mul3A_622 = arith.constant 8 : i32
        %mul3A_623 = arith.muli %scan3A_362, %mul3A_622 : i32
        %add3A_624 = arith.constant 5 : i32
        %add3A_625 = arith.addi %mul3A_623, %add3A_624 : i32
        %get3A_626 = arith.index_cast %add3A_625 : i32 to index
        %get3A_627 = arith.constant 0 : index
        %get3A_628 = tpu.vector_load %arg6[%get3A_626, %get3A_627] {strides = array<i32>} : memref<128x64xf32, #tpu.memory_space<vmem>>, vector<16xf32>,
        %mul3A_629 = arith.constant 8.000000e+00 : f32
        %mul3A_630 = vector.broadcast %mul3A_629 : f32 to vector<16xf32>
        %mul3A_631 = arith.mulf %get3A_628, %mul3A_630 : vector<16xf32>
        %swap3A_632 = arith.index_cast %add3A_625 : i32 to index
        %swap3A_633 = arith.constant 0 : index
        %swap3A_634 = tpu.vector_load %arg6[%swap3A_632, %swap3A_633] {strides = array<i32>} : memref<128x64xf32, #tpu.memory_space<vmem>>, vector<16xf32>,
        tpu.vector_store %arg6[%swap3A_632, %swap3A_633], %mul3A_631 {strides = array<i32>} : memref<128x64xf32, #tpu.memory_space<vmem>>, vector<16xf32>,
        %mul3A_635 = arith.constant 8 : i32
        %mul3A_636 = arith.muli %scan3A_362, %mul3A_635 : i32
        %add3A_637 = arith.constant 5 : i32
        %add3A_638 = arith.addi %mul3A_636, %add3A_637 : i32
        %get3A_639 = arith.index_cast %add3A_638 : i32 to index
        %get3A_640 = arith.constant 16 : index
        %get3A_641 = tpu.vector_load %arg6[%get3A_639, %get3A_640] {strides = array<i32>} : memref<128x64xf32, #tpu.memory_space<vmem>>, vector<16xf32>,
        %mul3A_642 = arith.constant 8.000000e+00 : f32
        %mul3A_643 = vector.broadcast %mul3A_642 : f32 to vector<16xf32>
        %mul3A_644 = arith.mulf %get3A_641, %mul3A_643 : vector<16xf32>
        %swap3A_645 = arith.index_cast %add3A_638 : i32 to index
        %swap3A_646 = arith.constant 16 : index
        %swap3A_647 = tpu.vector_load %arg6[%swap3A_645, %swap3A_646] {strides = array<i32>} : memref<128x64xf32, #tpu.memory_space<vmem>>, vector<16xf32>,
        tpu.vector_store %arg6[%swap3A_645, %swap3A_646], %mul3A_644 {strides = array<i32>} : memref<128x64xf32, #tpu.memory_space<vmem>>, vector<16xf32>,
        %mul3A_648 = arith.constant 8 : i32
        %mul3A_649 = arith.muli %scan3A_362, %mul3A_648 : i32
        %add3A_650 = arith.constant 5 : i32
        %add3A_651 = arith.addi %mul3A_649, %add3A_650 : i32
        %get3A_652 = arith.index_cast %add3A_651 : i32 to index
        %get3A_653 = arith.constant 32 : index
        %get3A_654 = tpu.vector_load %arg6[%get3A_652, %get3A_653] {strides = array<i32>} : memref<128x64xf32, #tpu.memory_space<vmem>>, vector<16xf32>,
        %mul3A_655 = arith.constant 8.000000e+00 : f32
        %mul3A_656 = vector.broadcast %mul3A_655 : f32 to vector<16xf32>
        %mul3A_657 = arith.mulf %get3A_654, %mul3A_656 : vector<16xf32>
        %swap3A_658 = arith.index_cast %add3A_651 : i32 to index
        %swap3A_659 = arith.constant 32 : index
        %swap3A_660 = tpu.vector_load %arg6[%swap3A_658, %swap3A_659] {strides = array<i32>} : memref<128x64xf32, #tpu.memory_space<vmem>>, vector<16xf32>,
        tpu.vector_store %arg6[%swap3A_658, %swap3A_659], %mul3A_657 {strides = array<i32>} : memref<128x64xf32, #tpu.memory_space<vmem>>, vector<16xf32>,
        %mul3A_661 = arith.constant 8 : i32
        %mul3A_662 = arith.muli %scan3A_362, %mul3A_661 : i32
        %add3A_663 = arith.constant 5 : i32
        %add3A_664 = arith.addi %mul3A_662, %add3A_663 : i32
        %get3A_665 = arith.index_cast %add3A_664 : i32 to index
        %get3A_666 = arith.constant 48 : index
        %get3A_667 = tpu.vector_load %arg6[%get3A_665, %get3A_666] {strides = array<i32>} : memref<128x64xf32, #tpu.memory_space<vmem>>, vector<16xf32>,
        %mul3A_668 = arith.constant 8.000000e+00 : f32
        %mul3A_669 = vector.broadcast %mul3A_668 : f32 to vector<16xf32>
        %mul3A_670 = arith.mulf %get3A_667, %mul3A_669 : vector<16xf32>
        %swap3A_671 = arith.index_cast %add3A_664 : i32 to index
        %swap3A_672 = arith.constant 48 : index
        %swap3A_673 = tpu.vector_load %arg6[%swap3A_671, %swap3A_672] {strides = array<i32>} : memref<128x64xf32, #tpu.memory_space<vmem>>, vector<16xf32>,
        tpu.vector_store %arg6[%swap3A_671, %swap3A_672], %mul3A_670 {strides = array<i32>} : memref<128x64xf32, #tpu.memory_space<vmem>>, vector<16xf32>,
        %mul3A_674 = arith.constant 8 : i32
        %mul3A_675 = arith.muli %scan3A_362, %mul3A_674 : i32
        %add3A_676 = arith.constant 6 : i32
        %add3A_677 = arith.addi %mul3A_675, %add3A_676 : i32
        %get3A_678 = arith.index_cast %add3A_677 : i32 to index
        %get3A_679 = arith.constant 0 : index
        %get3A_680 = tpu.vector_load %arg6[%get3A_678, %get3A_679] {strides = array<i32>} : memref<128x64xf32, #tpu.memory_space<vmem>>, vector<16xf32>,
        %mul3A_681 = arith.constant 8.000000e+00 : f32
        %mul3A_682 = vector.broadcast %mul3A_681 : f32 to vector<16xf32>
        %mul3A_683 = arith.mulf %get3A_680, %mul3A_682 : vector<16xf32>
        %swap3A_684 = arith.index_cast %add3A_677 : i32 to index
        %swap3A_685 = arith.constant 0 : index
        %swap3A_686 = tpu.vector_load %arg6[%swap3A_684, %swap3A_685] {strides = array<i32>} : memref<128x64xf32, #tpu.memory_space<vmem>>, vector<16xf32>,
        tpu.vector_store %arg6[%swap3A_684, %swap3A_685], %mul3A_683 {strides = array<i32>} : memref<128x64xf32, #tpu.memory_space<vmem>>, vector<16xf32>,
        %mul3A_687 = arith.constant 8 : i32
        %mul3A_688 = arith.muli %scan3A_362, %mul3A_687 : i32
        %add3A_689 = arith.constant 6 : i32
        %add3A_690 = arith.addi %mul3A_688, %add3A_689 : i32
        %get3A_691 = arith.index_cast %add3A_690 : i32 to index
        %get3A_692 = arith.constant 16 : index
        %get3A_693 = tpu.vector_load %arg6[%get3A_691, %get3A_692] {strides = array<i32>} : memref<128x64xf32, #tpu.memory_space<vmem>>, vector<16xf32>,
        %mul3A_694 = arith.constant 8.000000e+00 : f32
        %mul3A_695 = vector.broadcast %mul3A_694 : f32 to vector<16xf32>
        %mul3A_696 = arith.mulf %get3A_693, %mul3A_695 : vector<16xf32>
        %swap3A_697 = arith.index_cast %add3A_690 : i32 to index
        %swap3A_698 = arith.constant 16 : index
        %swap3A_699 = tpu.vector_load %arg6[%swap3A_697, %swap3A_698] {strides = array<i32>} : memref<128x64xf32, #tpu.memory_space<vmem>>, vector<16xf32>,
        tpu.vector_store %arg6[%swap3A_697, %swap3A_698], %mul3A_696 {strides = array<i32>} : memref<128x64xf32, #tpu.memory_space<vmem>>, vector<16xf32>,
        %mul3A_700 = arith.constant 8 : i32
        %mul3A_701 = arith.muli %scan3A_362, %mul3A_700 : i32
        %add3A_702 = arith.constant 6 : i32
        %add3A_703 = arith.addi %mul3A_701, %add3A_702 : i32
        %get3A_704 = arith.index_cast %add3A_703 : i32 to index
        %get3A_705 = arith.constant 32 : index
        %get3A_706 = tpu.vector_load %arg6[%get3A_704, %get3A_705] {strides = array<i32>} : memref<128x64xf32, #tpu.memory_space<vmem>>, vector<16xf32>,
        %mul3A_707 = arith.constant 8.000000e+00 : f32
        %mul3A_708 = vector.broadcast %mul3A_707 : f32 to vector<16xf32>
        %mul3A_709 = arith.mulf %get3A_706, %mul3A_708 : vector<16xf32>
        %swap3A_710 = arith.index_cast %add3A_703 : i32 to index
        %swap3A_711 = arith.constant 32 : index
        %swap3A_712 = tpu.vector_load %arg6[%swap3A_710, %swap3A_711] {strides = array<i32>} : memref<128x64xf32, #tpu.memory_space<vmem>>, vector<16xf32>,
        tpu.vector_store %arg6[%swap3A_710, %swap3A_711], %mul3A_709 {strides = array<i32>} : memref<128x64xf32, #tpu.memory_space<vmem>>, vector<16xf32>,
        %mul3A_713 = arith.constant 8 : i32
        %mul3A_714 = arith.muli %scan3A_362, %mul3A_713 : i32
        %add3A_715 = arith.constant 6 : i32
        %add3A_716 = arith.addi %mul3A_714, %add3A_715 : i32
        %get3A_717 = arith.index_cast %add3A_716 : i32 to index
        %get3A_718 = arith.constant 48 : index
        %get3A_719 = tpu.vector_load %arg6[%get3A_717, %get3A_718] {strides = array<i32>} : memref<128x64xf32, #tpu.memory_space<vmem>>, vector<16xf32>,
        %mul3A_720 = arith.constant 8.000000e+00 : f32
        %mul3A_721 = vector.broadcast %mul3A_720 : f32 to vector<16xf32>
        %mul3A_722 = arith.mulf %get3A_719, %mul3A_721 : vector<16xf32>
        %swap3A_723 = arith.index_cast %add3A_716 : i32 to index
        %swap3A_724 = arith.constant 48 : index
        %swap3A_725 = tpu.vector_load %arg6[%swap3A_723, %swap3A_724] {strides = array<i32>} : memref<128x64xf32, #tpu.memory_space<vmem>>, vector<16xf32>,
        tpu.vector_store %arg6[%swap3A_723, %swap3A_724], %mul3A_722 {strides = array<i32>} : memref<128x64xf32, #tpu.memory_space<vmem>>, vector<16xf32>,
        %mul3A_726 = arith.constant 8 : i32
        %mul3A_727 = arith.muli %scan3A_362, %mul3A_726 : i32
        %add3A_728 = arith.constant 7 : i32
        %add3A_729 = arith.addi %mul3A_727, %add3A_728 : i32
        %get3A_730 = arith.index_cast %add3A_729 : i32 to index
        %get3A_731 = arith.constant 0 : index
        %get3A_732 = tpu.vector_load %arg6[%get3A_730, %get3A_731] {strides = array<i32>} : memref<128x64xf32, #tpu.memory_space<vmem>>, vector<16xf32>,
        %mul3A_733 = arith.constant 8.000000e+00 : f32
        %mul3A_734 = vector.broadcast %mul3A_733 : f32 to vector<16xf32>
        %mul3A_735 = arith.mulf %get3A_732, %mul3A_734 : vector<16xf32>
        %swap3A_736 = arith.index_cast %add3A_729 : i32 to index
        %swap3A_737 = arith.constant 0 : index
        %swap3A_738 = tpu.vector_load %arg6[%swap3A_736, %swap3A_737] {strides = array<i32>} : memref<128x64xf32, #tpu.memory_space<vmem>>, vector<16xf32>,
        tpu.vector_store %arg6[%swap3A_736, %swap3A_737], %mul3A_735 {strides = array<i32>} : memref<128x64xf32, #tpu.memory_space<vmem>>, vector<16xf32>,
        %mul3A_739 = arith.constant 8 : i32
        %mul3A_740 = arith.muli %scan3A_362, %mul3A_739 : i32
        %add3A_741 = arith.constant 7 : i32
        %add3A_742 = arith.addi %mul3A_740, %add3A_741 : i32
        %get3A_743 = arith.index_cast %add3A_742 : i32 to index
        %get3A_744 = arith.constant 16 : index
        %get3A_745 = tpu.vector_load %arg6[%get3A_743, %get3A_744] {strides = array<i32>} : memref<128x64xf32, #tpu.memory_space<vmem>>, vector<16xf32>,
        %mul3A_746 = arith.constant 8.000000e+00 : f32
        %mul3A_747 = vector.broadcast %mul3A_746 : f32 to vector<16xf32>
        %mul3A_748 = arith.mulf %get3A_745, %mul3A_747 : vector<16xf32>
        %swap3A_749 = arith.index_cast %add3A_742 : i32 to index
        %swap3A_750 = arith.constant 16 : index
        %swap3A_751 = tpu.vector_load %arg6[%swap3A_749, %swap3A_750] {strides = array<i32>} : memref<128x64xf32, #tpu.memory_space<vmem>>, vector<16xf32>,
        tpu.vector_store %arg6[%swap3A_749, %swap3A_750], %mul3A_748 {strides = array<i32>} : memref<128x64xf32, #tpu.memory_space<vmem>>, vector<16xf32>,
        %mul3A_752 = arith.constant 8 : i32
        %mul3A_753 = arith.muli %scan3A_362, %mul3A_752 : i32
        %add3A_754 = arith.constant 7 : i32
        %add3A_755 = arith.addi %mul3A_753, %add3A_754 : i32
        %get3A_756 = arith.index_cast %add3A_755 : i32 to index
        %get3A_757 = arith.constant 32 : index
        %get3A_758 = tpu.vector_load %arg6[%get3A_756, %get3A_757] {strides = array<i32>} : memref<128x64xf32, #tpu.memory_space<vmem>>, vector<16xf32>,
        %mul3A_759 = arith.constant 8.000000e+00 : f32
        %mul3A_760 = vector.broadcast %mul3A_759 : f32 to vector<16xf32>
        %mul3A_761 = arith.mulf %get3A_758, %mul3A_760 : vector<16xf32>
        %swap3A_762 = arith.index_cast %add3A_755 : i32 to index
        %swap3A_763 = arith.constant 32 : index
        %swap3A_764 = tpu.vector_load %arg6[%swap3A_762, %swap3A_763] {strides = array<i32>} : memref<128x64xf32, #tpu.memory_space<vmem>>, vector<16xf32>,
        tpu.vector_store %arg6[%swap3A_762, %swap3A_763], %mul3A_761 {strides = array<i32>} : memref<128x64xf32, #tpu.memory_space<vmem>>, vector<16xf32>,
        %mul3A_765 = arith.constant 8 : i32
        %mul3A_766 = arith.muli %scan3A_362, %mul3A_765 : i32
        %add3A_767 = arith.constant 7 : i32
        %add3A_768 = arith.addi %mul3A_766, %add3A_767 : i32
        %get3A_769 = arith.index_cast %add3A_768 : i32 to index
        %get3A_770 = arith.constant 48 : index
        %get3A_771 = tpu.vector_load %arg6[%get3A_769, %get3A_770] {strides = array<i32>} : memref<128x64xf32, #tpu.memory_space<vmem>>, vector<16xf32>,
        %mul3A_772 = arith.constant 8.000000e+00 : f32
        %mul3A_773 = vector.broadcast %mul3A_772 : f32 to vector<16xf32>
        %mul3A_774 = arith.mulf %get3A_771, %mul3A_773 : vector<16xf32>
        %swap3A_775 = arith.index_cast %add3A_768 : i32 to index
        %swap3A_776 = arith.constant 48 : index
        %swap3A_777 = tpu.vector_load %arg6[%swap3A_775, %swap3A_776] {strides = array<i32>} : memref<128x64xf32, #tpu.memory_space<vmem>>, vector<16xf32>,
        tpu.vector_store %arg6[%swap3A_775, %swap3A_776], %mul3A_774 {strides = array<i32>} : memref<128x64xf32, #tpu.memory_space<vmem>>, vector<16xf32>,
        %scan3A_778 = arith.constant 0 : i32
        scf.yield %scan3A_778 : i32
      }
      %scan3A_91 = arith.constant 16 : i32
      %mul3A_92 = arith.constant 25600 : i32
      %mul3A_93 = arith.muli %add3A, %mul3A_92 : i32
      %mul3A_94 = arith.constant 128 : i32
      %mul3A_95 = arith.muli %add3A_78, %mul3A_94 : i32
      %add3A_96 = arith.addi %mul3A_93, %mul3A_95 : i32
      %dma_start3A_97 = arith.constant 0 : i32
      %dma_start3A_98 = tpu.memref_slice %arg4[%add3A_96, %dma_start3A_97] : memref<819200x128xf32, #tpu.memory_space<hbm>> -> memref<128x64xf32, #tpu.memory_space<hbm>>
      %dma_start3A_99 = arith.constant 0 : i32
      %dma_start3A_100 = tpu.memref_slice %arg4[%add3A_96, %dma_start3A_99] : memref<819200x128xf32, #tpu.memory_space<hbm>> -> memref<128x64xf32, #tpu.memory_space<hbm>>
      tpu.enqueue_dma source(%arg6 : memref<128x64xf32, #tpu.memory_space<vmem>>) target(%dma_start3A_100 : memref<128x64xf32, #tpu.memory_space<hbm>>) target_semaphore(%arg22 : memref<!tpu.dma_semaphore, #tpu.memory_space<semaphore_mem>>)
      %ge3A = arith.constant 4 : i32
      %ge3A_101 = arith.cmpi sge, %add3A_78, %ge3A : i32
      %convert_element_type3A = arith.extui %ge3A_101 : i1 to i32
      %cond3A = arith.constant 0 : i32
      %cond3A_102 = arith.cmpi ne, %convert_element_type3A, %cond3A : i32
      scf.if %cond3A_102 {
        %dma_wait3A_362 = arith.constant 0 : i32
        %dma_wait3A_363 = arith.constant 0 : i32
        %dma_wait3A_364 = tpu.memref_slice %arg4[%dma_wait3A_362, %dma_wait3A_363] : memref<819200x128xf32, #tpu.memory_space<hbm>> -> memref<128x64xf32, #tpu.memory_space<hbm>>
        %dma_wait3A_365 = arith.constant 0 : i32
        %dma_wait3A_366 = arith.constant 0 : i32
        %dma_wait3A_367 = tpu.memref_slice %arg4[%dma_wait3A_365, %dma_wait3A_366] : memref<819200x128xf32, #tpu.memory_space<hbm>> -> memref<128x64xf32, #tpu.memory_space<hbm>>
        tpu.wait_dma2 semaphore(%arg26 : memref<!tpu.dma_semaphore, #tpu.memory_space<semaphore_mem>>) src(%arg10 : memref<128x64xf32, #tpu.memory_space<vmem>>) dst(%dma_wait3A_367 : memref<128x64xf32, #tpu.memory_space<hbm>>)
      } else {
      }
      %add3A_103 = arith.constant 4 : i32
      %add3A_104 = arith.addi %add3A_78, %add3A_103 : i32
      %lt3A = arith.constant 200 : i32
      %lt3A_105 = arith.cmpi slt, %add3A_104, %lt3A : i32
      %convert_element_type3A_106 = arith.extui %lt3A_105 : i1 to i32
      %cond3A_107 = arith.constant 0 : i32
      %cond3A_108 = arith.cmpi ne, %convert_element_type3A_106, %cond3A_107 : i32
      scf.if %cond3A_108 {
        %add3A_362 = arith.constant 4 : i32
        %add3A_363 = arith.addi %add3A_78, %add3A_362 : i32
        %dma_start3A_364 = arith.constant 0 : i32
        %dma_start3A_365 = tpu.memref_slice %arg5[%add3A_363, %dma_start3A_364] : memref<200x128xi32, #tpu.memory_space<vmem>> -> memref<1x128xi32, #tpu.memory_space<vmem>>
        %dma_start3A_366 = tpu.memref_squeeze %dma_start3A_365 : memref<1x128xi32, #tpu.memory_space<vmem>> -> memref<128xi32, #tpu.memory_space<vmem>>
        %dma_start3A_367 = arith.constant 0 : i32
        %dma_start3A_368 = arith.constant 0 : i32
        %dma_start3A_369 = tpu.memref_slice %arg3[%dma_start3A_367, %dma_start3A_368] : memref<1000000x64xf32, #tpu.memory_space<hbm>> -> memref<1000000x64xf32, #tpu.memory_space<hbm>>
        tpu.enqueue_indirect_dma source(%dma_start3A_369 : memref<1000000x64xf32, #tpu.memory_space<hbm>>) target(%arg10 : memref<128x64xf32, #tpu.memory_space<vmem>>) offsets(%dma_start3A_366 : memref<128xi32, #tpu.memory_space<vmem>>) semaphore(%arg18 : memref<!tpu.dma_semaphore, #tpu.memory_space<semaphore_mem>>)
      } else {
      }
      %add3A_109 = arith.constant 1 : i32
      %add3A_110 = arith.addi %mul3A_76, %add3A_109 : i32
      %dma_wait3A_111 = arith.constant 0 : i32
      %dma_wait3A_112 = tpu.memref_slice %arg5[%add3A_110, %dma_wait3A_111] : memref<200x128xi32, #tpu.memory_space<vmem>> -> memref<1x128xi32, #tpu.memory_space<vmem>>
      %dma_wait3A_113 = tpu.memref_squeeze %dma_wait3A_112 : memref<1x128xi32, #tpu.memory_space<vmem>> -> memref<128xi32, #tpu.memory_space<vmem>>
      %dma_wait3A_114 = arith.constant 0 : i32
      %dma_wait3A_115 = arith.constant 0 : i32
      %dma_wait3A_116 = tpu.memref_slice %arg3[%dma_wait3A_114, %dma_wait3A_115] : memref<1000000x64xf32, #tpu.memory_space<hbm>> -> memref<1000000x64xf32, #tpu.memory_space<hbm>>
      tpu.wait_indirect_dma semaphore(%arg15 : memref<!tpu.dma_semaphore, #tpu.memory_space<semaphore_mem>>) src(%dma_wait3A_116 : memref<1000000x64xf32, #tpu.memory_space<hbm>>) dst(%arg7 : memref<128x64xf32, #tpu.memory_space<vmem>>)
      %scan3A_117 = arith.constant 0 : i32
      %scan3A_118 = arith.constant 0 : i32
      %scan3A_119 = arith.constant 16 : i32
      %scan3A_120 = arith.addi %scan3A_118, %scan3A_119 : i32
      %scan3A_121 = arith.constant 1 : i32
      %scan3A_122 = scf.for %scan3A_362 = %scan3A_118 to %scan3A_120 step %scan3A_121 iter_args(%scan3A_363 = %scan3A_117) -> (i32)  : i32 {
        %mul3A_364 = arith.constant 8 : i32
        %mul3A_365 = arith.muli %scan3A_362, %mul3A_364 : i32
        %add3A_366 = arith.constant 0 : i32
        %add3A_367 = arith.addi %mul3A_365, %add3A_366 : i32
        %get3A = arith.index_cast %add3A_367 : i32 to index
        %get3A_368 = arith.constant 0 : index
        %get3A_369 = tpu.vector_load %arg7[%get3A, %get3A_368] {strides = array<i32>} : memref<128x64xf32, #tpu.memory_space<vmem>>, vector<16xf32>,
        %mul3A_370 = arith.constant 8.000000e+00 : f32
        %mul3A_371 = vector.broadcast %mul3A_370 : f32 to vector<16xf32>
        %mul3A_372 = arith.mulf %get3A_369, %mul3A_371 : vector<16xf32>
        %swap3A = arith.index_cast %add3A_367 : i32 to index
        %swap3A_373 = arith.constant 0 : index
        %swap3A_374 = tpu.vector_load %arg7[%swap3A, %swap3A_373] {strides = array<i32>} : memref<128x64xf32, #tpu.memory_space<vmem>>, vector<16xf32>,
        tpu.vector_store %arg7[%swap3A, %swap3A_373], %mul3A_372 {strides = array<i32>} : memref<128x64xf32, #tpu.memory_space<vmem>>, vector<16xf32>,
        %mul3A_375 = arith.constant 8 : i32
        %mul3A_376 = arith.muli %scan3A_362, %mul3A_375 : i32
        %add3A_377 = arith.constant 0 : i32
        %add3A_378 = arith.addi %mul3A_376, %add3A_377 : i32
        %get3A_379 = arith.index_cast %add3A_378 : i32 to index
        %get3A_380 = arith.constant 16 : index
        %get3A_381 = tpu.vector_load %arg7[%get3A_379, %get3A_380] {strides = array<i32>} : memref<128x64xf32, #tpu.memory_space<vmem>>, vector<16xf32>,
        %mul3A_382 = arith.constant 8.000000e+00 : f32
        %mul3A_383 = vector.broadcast %mul3A_382 : f32 to vector<16xf32>
        %mul3A_384 = arith.mulf %get3A_381, %mul3A_383 : vector<16xf32>
        %swap3A_385 = arith.index_cast %add3A_378 : i32 to index
        %swap3A_386 = arith.constant 16 : index
        %swap3A_387 = tpu.vector_load %arg7[%swap3A_385, %swap3A_386] {strides = array<i32>} : memref<128x64xf32, #tpu.memory_space<vmem>>, vector<16xf32>,
        tpu.vector_store %arg7[%swap3A_385, %swap3A_386], %mul3A_384 {strides = array<i32>} : memref<128x64xf32, #tpu.memory_space<vmem>>, vector<16xf32>,
        %mul3A_388 = arith.constant 8 : i32
        %mul3A_389 = arith.muli %scan3A_362, %mul3A_388 : i32
        %add3A_390 = arith.constant 0 : i32
        %add3A_391 = arith.addi %mul3A_389, %add3A_390 : i32
        %get3A_392 = arith.index_cast %add3A_391 : i32 to index
        %get3A_393 = arith.constant 32 : index
        %get3A_394 = tpu.vector_load %arg7[%get3A_392, %get3A_393] {strides = array<i32>} : memref<128x64xf32, #tpu.memory_space<vmem>>, vector<16xf32>,
        %mul3A_395 = arith.constant 8.000000e+00 : f32
        %mul3A_396 = vector.broadcast %mul3A_395 : f32 to vector<16xf32>
        %mul3A_397 = arith.mulf %get3A_394, %mul3A_396 : vector<16xf32>
        %swap3A_398 = arith.index_cast %add3A_391 : i32 to index
        %swap3A_399 = arith.constant 32 : index
        %swap3A_400 = tpu.vector_load %arg7[%swap3A_398, %swap3A_399] {strides = array<i32>} : memref<128x64xf32, #tpu.memory_space<vmem>>, vector<16xf32>,
        tpu.vector_store %arg7[%swap3A_398, %swap3A_399], %mul3A_397 {strides = array<i32>} : memref<128x64xf32, #tpu.memory_space<vmem>>, vector<16xf32>,
        %mul3A_401 = arith.constant 8 : i32
        %mul3A_402 = arith.muli %scan3A_362, %mul3A_401 : i32
        %add3A_403 = arith.constant 0 : i32
        %add3A_404 = arith.addi %mul3A_402, %add3A_403 : i32
        %get3A_405 = arith.index_cast %add3A_404 : i32 to index
        %get3A_406 = arith.constant 48 : index
        %get3A_407 = tpu.vector_load %arg7[%get3A_405, %get3A_406] {strides = array<i32>} : memref<128x64xf32, #tpu.memory_space<vmem>>, vector<16xf32>,
        %mul3A_408 = arith.constant 8.000000e+00 : f32
        %mul3A_409 = vector.broadcast %mul3A_408 : f32 to vector<16xf32>
        %mul3A_410 = arith.mulf %get3A_407, %mul3A_409 : vector<16xf32>
        %swap3A_411 = arith.index_cast %add3A_404 : i32 to index
        %swap3A_412 = arith.constant 48 : index
        %swap3A_413 = tpu.vector_load %arg7[%swap3A_411, %swap3A_412] {strides = array<i32>} : memref<128x64xf32, #tpu.memory_space<vmem>>, vector<16xf32>,
        tpu.vector_store %arg7[%swap3A_411, %swap3A_412], %mul3A_410 {strides = array<i32>} : memref<128x64xf32, #tpu.memory_space<vmem>>, vector<16xf32>,
        %mul3A_414 = arith.constant 8 : i32
        %mul3A_415 = arith.muli %scan3A_362, %mul3A_414 : i32
        %add3A_416 = arith.constant 1 : i32
        %add3A_417 = arith.addi %mul3A_415, %add3A_416 : i32
        %get3A_418 = arith.index_cast %add3A_417 : i32 to index
        %get3A_419 = arith.constant 0 : index
        %get3A_420 = tpu.vector_load %arg7[%get3A_418, %get3A_419] {strides = array<i32>} : memref<128x64xf32, #tpu.memory_space<vmem>>, vector<16xf32>,
        %mul3A_421 = arith.constant 8.000000e+00 : f32
        %mul3A_422 = vector.broadcast %mul3A_421 : f32 to vector<16xf32>
        %mul3A_423 = arith.mulf %get3A_420, %mul3A_422 : vector<16xf32>
        %swap3A_424 = arith.index_cast %add3A_417 : i32 to index
        %swap3A_425 = arith.constant 0 : index
        %swap3A_426 = tpu.vector_load %arg7[%swap3A_424, %swap3A_425] {strides = array<i32>} : memref<128x64xf32, #tpu.memory_space<vmem>>, vector<16xf32>,
        tpu.vector_store %arg7[%swap3A_424, %swap3A_425], %mul3A_423 {strides = array<i32>} : memref<128x64xf32, #tpu.memory_space<vmem>>, vector<16xf32>,
        %mul3A_427 = arith.constant 8 : i32
        %mul3A_428 = arith.muli %scan3A_362, %mul3A_427 : i32
        %add3A_429 = arith.constant 1 : i32
        %add3A_430 = arith.addi %mul3A_428, %add3A_429 : i32
        %get3A_431 = arith.index_cast %add3A_430 : i32 to index
        %get3A_432 = arith.constant 16 : index
        %get3A_433 = tpu.vector_load %arg7[%get3A_431, %get3A_432] {strides = array<i32>} : memref<128x64xf32, #tpu.memory_space<vmem>>, vector<16xf32>,
        %mul3A_434 = arith.constant 8.000000e+00 : f32
        %mul3A_435 = vector.broadcast %mul3A_434 : f32 to vector<16xf32>
        %mul3A_436 = arith.mulf %get3A_433, %mul3A_435 : vector<16xf32>
        %swap3A_437 = arith.index_cast %add3A_430 : i32 to index
        %swap3A_438 = arith.constant 16 : index
        %swap3A_439 = tpu.vector_load %arg7[%swap3A_437, %swap3A_438] {strides = array<i32>} : memref<128x64xf32, #tpu.memory_space<vmem>>, vector<16xf32>,
        tpu.vector_store %arg7[%swap3A_437, %swap3A_438], %mul3A_436 {strides = array<i32>} : memref<128x64xf32, #tpu.memory_space<vmem>>, vector<16xf32>,
        %mul3A_440 = arith.constant 8 : i32
        %mul3A_441 = arith.muli %scan3A_362, %mul3A_440 : i32
        %add3A_442 = arith.constant 1 : i32
        %add3A_443 = arith.addi %mul3A_441, %add3A_442 : i32
        %get3A_444 = arith.index_cast %add3A_443 : i32 to index
        %get3A_445 = arith.constant 32 : index
        %get3A_446 = tpu.vector_load %arg7[%get3A_444, %get3A_445] {strides = array<i32>} : memref<128x64xf32, #tpu.memory_space<vmem>>, vector<16xf32>,
        %mul3A_447 = arith.constant 8.000000e+00 : f32
        %mul3A_448 = vector.broadcast %mul3A_447 : f32 to vector<16xf32>
        %mul3A_449 = arith.mulf %get3A_446, %mul3A_448 : vector<16xf32>
        %swap3A_450 = arith.index_cast %add3A_443 : i32 to index
        %swap3A_451 = arith.constant 32 : index
        %swap3A_452 = tpu.vector_load %arg7[%swap3A_450, %swap3A_451] {strides = array<i32>} : memref<128x64xf32, #tpu.memory_space<vmem>>, vector<16xf32>,
        tpu.vector_store %arg7[%swap3A_450, %swap3A_451], %mul3A_449 {strides = array<i32>} : memref<128x64xf32, #tpu.memory_space<vmem>>, vector<16xf32>,
        %mul3A_453 = arith.constant 8 : i32
        %mul3A_454 = arith.muli %scan3A_362, %mul3A_453 : i32
        %add3A_455 = arith.constant 1 : i32
        %add3A_456 = arith.addi %mul3A_454, %add3A_455 : i32
        %get3A_457 = arith.index_cast %add3A_456 : i32 to index
        %get3A_458 = arith.constant 48 : index
        %get3A_459 = tpu.vector_load %arg7[%get3A_457, %get3A_458] {strides = array<i32>} : memref<128x64xf32, #tpu.memory_space<vmem>>, vector<16xf32>,
        %mul3A_460 = arith.constant 8.000000e+00 : f32
        %mul3A_461 = vector.broadcast %mul3A_460 : f32 to vector<16xf32>
        %mul3A_462 = arith.mulf %get3A_459, %mul3A_461 : vector<16xf32>
        %swap3A_463 = arith.index_cast %add3A_456 : i32 to index
        %swap3A_464 = arith.constant 48 : index
        %swap3A_465 = tpu.vector_load %arg7[%swap3A_463, %swap3A_464] {strides = array<i32>} : memref<128x64xf32, #tpu.memory_space<vmem>>, vector<16xf32>,
        tpu.vector_store %arg7[%swap3A_463, %swap3A_464], %mul3A_462 {strides = array<i32>} : memref<128x64xf32, #tpu.memory_space<vmem>>, vector<16xf32>,
        %mul3A_466 = arith.constant 8 : i32
        %mul3A_467 = arith.muli %scan3A_362, %mul3A_466 : i32
        %add3A_468 = arith.constant 2 : i32
        %add3A_469 = arith.addi %mul3A_467, %add3A_468 : i32
        %get3A_470 = arith.index_cast %add3A_469 : i32 to index
        %get3A_471 = arith.constant 0 : index
        %get3A_472 = tpu.vector_load %arg7[%get3A_470, %get3A_471] {strides = array<i32>} : memref<128x64xf32, #tpu.memory_space<vmem>>, vector<16xf32>,
        %mul3A_473 = arith.constant 8.000000e+00 : f32
        %mul3A_474 = vector.broadcast %mul3A_473 : f32 to vector<16xf32>
        %mul3A_475 = arith.mulf %get3A_472, %mul3A_474 : vector<16xf32>
        %swap3A_476 = arith.index_cast %add3A_469 : i32 to index
        %swap3A_477 = arith.constant 0 : index
        %swap3A_478 = tpu.vector_load %arg7[%swap3A_476, %swap3A_477] {strides = array<i32>} : memref<128x64xf32, #tpu.memory_space<vmem>>, vector<16xf32>,
        tpu.vector_store %arg7[%swap3A_476, %swap3A_477], %mul3A_475 {strides = array<i32>} : memref<128x64xf32, #tpu.memory_space<vmem>>, vector<16xf32>,
        %mul3A_479 = arith.constant 8 : i32
        %mul3A_480 = arith.muli %scan3A_362, %mul3A_479 : i32
        %add3A_481 = arith.constant 2 : i32
        %add3A_482 = arith.addi %mul3A_480, %add3A_481 : i32
        %get3A_483 = arith.index_cast %add3A_482 : i32 to index
        %get3A_484 = arith.constant 16 : index
        %get3A_485 = tpu.vector_load %arg7[%get3A_483, %get3A_484] {strides = array<i32>} : memref<128x64xf32, #tpu.memory_space<vmem>>, vector<16xf32>,
        %mul3A_486 = arith.constant 8.000000e+00 : f32
        %mul3A_487 = vector.broadcast %mul3A_486 : f32 to vector<16xf32>
        %mul3A_488 = arith.mulf %get3A_485, %mul3A_487 : vector<16xf32>
        %swap3A_489 = arith.index_cast %add3A_482 : i32 to index
        %swap3A_490 = arith.constant 16 : index
        %swap3A_491 = tpu.vector_load %arg7[%swap3A_489, %swap3A_490] {strides = array<i32>} : memref<128x64xf32, #tpu.memory_space<vmem>>, vector<16xf32>,
        tpu.vector_store %arg7[%swap3A_489, %swap3A_490], %mul3A_488 {strides = array<i32>} : memref<128x64xf32, #tpu.memory_space<vmem>>, vector<16xf32>,
        %mul3A_492 = arith.constant 8 : i32
        %mul3A_493 = arith.muli %scan3A_362, %mul3A_492 : i32
        %add3A_494 = arith.constant 2 : i32
        %add3A_495 = arith.addi %mul3A_493, %add3A_494 : i32
        %get3A_496 = arith.index_cast %add3A_495 : i32 to index
        %get3A_497 = arith.constant 32 : index
        %get3A_498 = tpu.vector_load %arg7[%get3A_496, %get3A_497] {strides = array<i32>} : memref<128x64xf32, #tpu.memory_space<vmem>>, vector<16xf32>,
        %mul3A_499 = arith.constant 8.000000e+00 : f32
        %mul3A_500 = vector.broadcast %mul3A_499 : f32 to vector<16xf32>
        %mul3A_501 = arith.mulf %get3A_498, %mul3A_500 : vector<16xf32>
        %swap3A_502 = arith.index_cast %add3A_495 : i32 to index
        %swap3A_503 = arith.constant 32 : index
        %swap3A_504 = tpu.vector_load %arg7[%swap3A_502, %swap3A_503] {strides = array<i32>} : memref<128x64xf32, #tpu.memory_space<vmem>>, vector<16xf32>,
        tpu.vector_store %arg7[%swap3A_502, %swap3A_503], %mul3A_501 {strides = array<i32>} : memref<128x64xf32, #tpu.memory_space<vmem>>, vector<16xf32>,
        %mul3A_505 = arith.constant 8 : i32
        %mul3A_506 = arith.muli %scan3A_362, %mul3A_505 : i32
        %add3A_507 = arith.constant 2 : i32
        %add3A_508 = arith.addi %mul3A_506, %add3A_507 : i32
        %get3A_509 = arith.index_cast %add3A_508 : i32 to index
        %get3A_510 = arith.constant 48 : index
        %get3A_511 = tpu.vector_load %arg7[%get3A_509, %get3A_510] {strides = array<i32>} : memref<128x64xf32, #tpu.memory_space<vmem>>, vector<16xf32>,
        %mul3A_512 = arith.constant 8.000000e+00 : f32
        %mul3A_513 = vector.broadcast %mul3A_512 : f32 to vector<16xf32>
        %mul3A_514 = arith.mulf %get3A_511, %mul3A_513 : vector<16xf32>
        %swap3A_515 = arith.index_cast %add3A_508 : i32 to index
        %swap3A_516 = arith.constant 48 : index
        %swap3A_517 = tpu.vector_load %arg7[%swap3A_515, %swap3A_516] {strides = array<i32>} : memref<128x64xf32, #tpu.memory_space<vmem>>, vector<16xf32>,
        tpu.vector_store %arg7[%swap3A_515, %swap3A_516], %mul3A_514 {strides = array<i32>} : memref<128x64xf32, #tpu.memory_space<vmem>>, vector<16xf32>,
        %mul3A_518 = arith.constant 8 : i32
        %mul3A_519 = arith.muli %scan3A_362, %mul3A_518 : i32
        %add3A_520 = arith.constant 3 : i32
        %add3A_521 = arith.addi %mul3A_519, %add3A_520 : i32
        %get3A_522 = arith.index_cast %add3A_521 : i32 to index
        %get3A_523 = arith.constant 0 : index
        %get3A_524 = tpu.vector_load %arg7[%get3A_522, %get3A_523] {strides = array<i32>} : memref<128x64xf32, #tpu.memory_space<vmem>>, vector<16xf32>,
        %mul3A_525 = arith.constant 8.000000e+00 : f32
        %mul3A_526 = vector.broadcast %mul3A_525 : f32 to vector<16xf32>
        %mul3A_527 = arith.mulf %get3A_524, %mul3A_526 : vector<16xf32>
        %swap3A_528 = arith.index_cast %add3A_521 : i32 to index
        %swap3A_529 = arith.constant 0 : index
        %swap3A_530 = tpu.vector_load %arg7[%swap3A_528, %swap3A_529] {strides = array<i32>} : memref<128x64xf32, #tpu.memory_space<vmem>>, vector<16xf32>,
        tpu.vector_store %arg7[%swap3A_528, %swap3A_529], %mul3A_527 {strides = array<i32>} : memref<128x64xf32, #tpu.memory_space<vmem>>, vector<16xf32>,
        %mul3A_531 = arith.constant 8 : i32
        %mul3A_532 = arith.muli %scan3A_362, %mul3A_531 : i32
        %add3A_533 = arith.constant 3 : i32
        %add3A_534 = arith.addi %mul3A_532, %add3A_533 : i32
        %get3A_535 = arith.index_cast %add3A_534 : i32 to index
        %get3A_536 = arith.constant 16 : index
        %get3A_537 = tpu.vector_load %arg7[%get3A_535, %get3A_536] {strides = array<i32>} : memref<128x64xf32, #tpu.memory_space<vmem>>, vector<16xf32>,
        %mul3A_538 = arith.constant 8.000000e+00 : f32
        %mul3A_539 = vector.broadcast %mul3A_538 : f32 to vector<16xf32>
        %mul3A_540 = arith.mulf %get3A_537, %mul3A_539 : vector<16xf32>
        %swap3A_541 = arith.index_cast %add3A_534 : i32 to index
        %swap3A_542 = arith.constant 16 : index
        %swap3A_543 = tpu.vector_load %arg7[%swap3A_541, %swap3A_542] {strides = array<i32>} : memref<128x64xf32, #tpu.memory_space<vmem>>, vector<16xf32>,
        tpu.vector_store %arg7[%swap3A_541, %swap3A_542], %mul3A_540 {strides = array<i32>} : memref<128x64xf32, #tpu.memory_space<vmem>>, vector<16xf32>,
        %mul3A_544 = arith.constant 8 : i32
        %mul3A_545 = arith.muli %scan3A_362, %mul3A_544 : i32
        %add3A_546 = arith.constant 3 : i32
        %add3A_547 = arith.addi %mul3A_545, %add3A_546 : i32
        %get3A_548 = arith.index_cast %add3A_547 : i32 to index
        %get3A_549 = arith.constant 32 : index
        %get3A_550 = tpu.vector_load %arg7[%get3A_548, %get3A_549] {strides = array<i32>} : memref<128x64xf32, #tpu.memory_space<vmem>>, vector<16xf32>,
        %mul3A_551 = arith.constant 8.000000e+00 : f32
        %mul3A_552 = vector.broadcast %mul3A_551 : f32 to vector<16xf32>
        %mul3A_553 = arith.mulf %get3A_550, %mul3A_552 : vector<16xf32>
        %swap3A_554 = arith.index_cast %add3A_547 : i32 to index
        %swap3A_555 = arith.constant 32 : index
        %swap3A_556 = tpu.vector_load %arg7[%swap3A_554, %swap3A_555] {strides = array<i32>} : memref<128x64xf32, #tpu.memory_space<vmem>>, vector<16xf32>,
        tpu.vector_store %arg7[%swap3A_554, %swap3A_555], %mul3A_553 {strides = array<i32>} : memref<128x64xf32, #tpu.memory_space<vmem>>, vector<16xf32>,
        %mul3A_557 = arith.constant 8 : i32
        %mul3A_558 = arith.muli %scan3A_362, %mul3A_557 : i32
        %add3A_559 = arith.constant 3 : i32
        %add3A_560 = arith.addi %mul3A_558, %add3A_559 : i32
        %get3A_561 = arith.index_cast %add3A_560 : i32 to index
        %get3A_562 = arith.constant 48 : index
        %get3A_563 = tpu.vector_load %arg7[%get3A_561, %get3A_562] {strides = array<i32>} : memref<128x64xf32, #tpu.memory_space<vmem>>, vector<16xf32>,
        %mul3A_564 = arith.constant 8.000000e+00 : f32
        %mul3A_565 = vector.broadcast %mul3A_564 : f32 to vector<16xf32>
        %mul3A_566 = arith.mulf %get3A_563, %mul3A_565 : vector<16xf32>
        %swap3A_567 = arith.index_cast %add3A_560 : i32 to index
        %swap3A_568 = arith.constant 48 : index
        %swap3A_569 = tpu.vector_load %arg7[%swap3A_567, %swap3A_568] {strides = array<i32>} : memref<128x64xf32, #tpu.memory_space<vmem>>, vector<16xf32>,
        tpu.vector_store %arg7[%swap3A_567, %swap3A_568], %mul3A_566 {strides = array<i32>} : memref<128x64xf32, #tpu.memory_space<vmem>>, vector<16xf32>,
        %mul3A_570 = arith.constant 8 : i32
        %mul3A_571 = arith.muli %scan3A_362, %mul3A_570 : i32
        %add3A_572 = arith.constant 4 : i32
        %add3A_573 = arith.addi %mul3A_571, %add3A_572 : i32
        %get3A_574 = arith.index_cast %add3A_573 : i32 to index
        %get3A_575 = arith.constant 0 : index
        %get3A_576 = tpu.vector_load %arg7[%get3A_574, %get3A_575] {strides = array<i32>} : memref<128x64xf32, #tpu.memory_space<vmem>>, vector<16xf32>,
        %mul3A_577 = arith.constant 8.000000e+00 : f32
        %mul3A_578 = vector.broadcast %mul3A_577 : f32 to vector<16xf32>
        %mul3A_579 = arith.mulf %get3A_576, %mul3A_578 : vector<16xf32>
        %swap3A_580 = arith.index_cast %add3A_573 : i32 to index
        %swap3A_581 = arith.constant 0 : index
        %swap3A_582 = tpu.vector_load %arg7[%swap3A_580, %swap3A_581] {strides = array<i32>} : memref<128x64xf32, #tpu.memory_space<vmem>>, vector<16xf32>,
        tpu.vector_store %arg7[%swap3A_580, %swap3A_581], %mul3A_579 {strides = array<i32>} : memref<128x64xf32, #tpu.memory_space<vmem>>, vector<16xf32>,
        %mul3A_583 = arith.constant 8 : i32
        %mul3A_584 = arith.muli %scan3A_362, %mul3A_583 : i32
        %add3A_585 = arith.constant 4 : i32
        %add3A_586 = arith.addi %mul3A_584, %add3A_585 : i32
        %get3A_587 = arith.index_cast %add3A_586 : i32 to index
        %get3A_588 = arith.constant 16 : index
        %get3A_589 = tpu.vector_load %arg7[%get3A_587, %get3A_588] {strides = array<i32>} : memref<128x64xf32, #tpu.memory_space<vmem>>, vector<16xf32>,
        %mul3A_590 = arith.constant 8.000000e+00 : f32
        %mul3A_591 = vector.broadcast %mul3A_590 : f32 to vector<16xf32>
        %mul3A_592 = arith.mulf %get3A_589, %mul3A_591 : vector<16xf32>
        %swap3A_593 = arith.index_cast %add3A_586 : i32 to index
        %swap3A_594 = arith.constant 16 : index
        %swap3A_595 = tpu.vector_load %arg7[%swap3A_593, %swap3A_594] {strides = array<i32>} : memref<128x64xf32, #tpu.memory_space<vmem>>, vector<16xf32>,
        tpu.vector_store %arg7[%swap3A_593, %swap3A_594], %mul3A_592 {strides = array<i32>} : memref<128x64xf32, #tpu.memory_space<vmem>>, vector<16xf32>,
        %mul3A_596 = arith.constant 8 : i32
        %mul3A_597 = arith.muli %scan3A_362, %mul3A_596 : i32
        %add3A_598 = arith.constant 4 : i32
        %add3A_599 = arith.addi %mul3A_597, %add3A_598 : i32
        %get3A_600 = arith.index_cast %add3A_599 : i32 to index
        %get3A_601 = arith.constant 32 : index
        %get3A_602 = tpu.vector_load %arg7[%get3A_600, %get3A_601] {strides = array<i32>} : memref<128x64xf32, #tpu.memory_space<vmem>>, vector<16xf32>,
        %mul3A_603 = arith.constant 8.000000e+00 : f32
        %mul3A_604 = vector.broadcast %mul3A_603 : f32 to vector<16xf32>
        %mul3A_605 = arith.mulf %get3A_602, %mul3A_604 : vector<16xf32>
        %swap3A_606 = arith.index_cast %add3A_599 : i32 to index
        %swap3A_607 = arith.constant 32 : index
        %swap3A_608 = tpu.vector_load %arg7[%swap3A_606, %swap3A_607] {strides = array<i32>} : memref<128x64xf32, #tpu.memory_space<vmem>>, vector<16xf32>,
        tpu.vector_store %arg7[%swap3A_606, %swap3A_607], %mul3A_605 {strides = array<i32>} : memref<128x64xf32, #tpu.memory_space<vmem>>, vector<16xf32>,
        %mul3A_609 = arith.constant 8 : i32
        %mul3A_610 = arith.muli %scan3A_362, %mul3A_609 : i32
        %add3A_611 = arith.constant 4 : i32
        %add3A_612 = arith.addi %mul3A_610, %add3A_611 : i32
        %get3A_613 = arith.index_cast %add3A_612 : i32 to index
        %get3A_614 = arith.constant 48 : index
        %get3A_615 = tpu.vector_load %arg7[%get3A_613, %get3A_614] {strides = array<i32>} : memref<128x64xf32, #tpu.memory_space<vmem>>, vector<16xf32>,
        %mul3A_616 = arith.constant 8.000000e+00 : f32
        %mul3A_617 = vector.broadcast %mul3A_616 : f32 to vector<16xf32>
        %mul3A_618 = arith.mulf %get3A_615, %mul3A_617 : vector<16xf32>
        %swap3A_619 = arith.index_cast %add3A_612 : i32 to index
        %swap3A_620 = arith.constant 48 : index
        %swap3A_621 = tpu.vector_load %arg7[%swap3A_619, %swap3A_620] {strides = array<i32>} : memref<128x64xf32, #tpu.memory_space<vmem>>, vector<16xf32>,
        tpu.vector_store %arg7[%swap3A_619, %swap3A_620], %mul3A_618 {strides = array<i32>} : memref<128x64xf32, #tpu.memory_space<vmem>>, vector<16xf32>,
        %mul3A_622 = arith.constant 8 : i32
        %mul3A_623 = arith.muli %scan3A_362, %mul3A_622 : i32
        %add3A_624 = arith.constant 5 : i32
        %add3A_625 = arith.addi %mul3A_623, %add3A_624 : i32
        %get3A_626 = arith.index_cast %add3A_625 : i32 to index
        %get3A_627 = arith.constant 0 : index
        %get3A_628 = tpu.vector_load %arg7[%get3A_626, %get3A_627] {strides = array<i32>} : memref<128x64xf32, #tpu.memory_space<vmem>>, vector<16xf32>,
        %mul3A_629 = arith.constant 8.000000e+00 : f32
        %mul3A_630 = vector.broadcast %mul3A_629 : f32 to vector<16xf32>
        %mul3A_631 = arith.mulf %get3A_628, %mul3A_630 : vector<16xf32>
        %swap3A_632 = arith.index_cast %add3A_625 : i32 to index
        %swap3A_633 = arith.constant 0 : index
        %swap3A_634 = tpu.vector_load %arg7[%swap3A_632, %swap3A_633] {strides = array<i32>} : memref<128x64xf32, #tpu.memory_space<vmem>>, vector<16xf32>,
        tpu.vector_store %arg7[%swap3A_632, %swap3A_633], %mul3A_631 {strides = array<i32>} : memref<128x64xf32, #tpu.memory_space<vmem>>, vector<16xf32>,
        %mul3A_635 = arith.constant 8 : i32
        %mul3A_636 = arith.muli %scan3A_362, %mul3A_635 : i32
        %add3A_637 = arith.constant 5 : i32
        %add3A_638 = arith.addi %mul3A_636, %add3A_637 : i32
        %get3A_639 = arith.index_cast %add3A_638 : i32 to index
        %get3A_640 = arith.constant 16 : index
        %get3A_641 = tpu.vector_load %arg7[%get3A_639, %get3A_640] {strides = array<i32>} : memref<128x64xf32, #tpu.memory_space<vmem>>, vector<16xf32>,
        %mul3A_642 = arith.constant 8.000000e+00 : f32
        %mul3A_643 = vector.broadcast %mul3A_642 : f32 to vector<16xf32>
        %mul3A_644 = arith.mulf %get3A_641, %mul3A_643 : vector<16xf32>
        %swap3A_645 = arith.index_cast %add3A_638 : i32 to index
        %swap3A_646 = arith.constant 16 : index
        %swap3A_647 = tpu.vector_load %arg7[%swap3A_645, %swap3A_646] {strides = array<i32>} : memref<128x64xf32, #tpu.memory_space<vmem>>, vector<16xf32>,
        tpu.vector_store %arg7[%swap3A_645, %swap3A_646], %mul3A_644 {strides = array<i32>} : memref<128x64xf32, #tpu.memory_space<vmem>>, vector<16xf32>,
        %mul3A_648 = arith.constant 8 : i32
        %mul3A_649 = arith.muli %scan3A_362, %mul3A_648 : i32
        %add3A_650 = arith.constant 5 : i32
        %add3A_651 = arith.addi %mul3A_649, %add3A_650 : i32
        %get3A_652 = arith.index_cast %add3A_651 : i32 to index
        %get3A_653 = arith.constant 32 : index
        %get3A_654 = tpu.vector_load %arg7[%get3A_652, %get3A_653] {strides = array<i32>} : memref<128x64xf32, #tpu.memory_space<vmem>>, vector<16xf32>,
        %mul3A_655 = arith.constant 8.000000e+00 : f32
        %mul3A_656 = vector.broadcast %mul3A_655 : f32 to vector<16xf32>
        %mul3A_657 = arith.mulf %get3A_654, %mul3A_656 : vector<16xf32>
        %swap3A_658 = arith.index_cast %add3A_651 : i32 to index
        %swap3A_659 = arith.constant 32 : index
        %swap3A_660 = tpu.vector_load %arg7[%swap3A_658, %swap3A_659] {strides = array<i32>} : memref<128x64xf32, #tpu.memory_space<vmem>>, vector<16xf32>,
        tpu.vector_store %arg7[%swap3A_658, %swap3A_659], %mul3A_657 {strides = array<i32>} : memref<128x64xf32, #tpu.memory_space<vmem>>, vector<16xf32>,
        %mul3A_661 = arith.constant 8 : i32
        %mul3A_662 = arith.muli %scan3A_362, %mul3A_661 : i32
        %add3A_663 = arith.constant 5 : i32
        %add3A_664 = arith.addi %mul3A_662, %add3A_663 : i32
        %get3A_665 = arith.index_cast %add3A_664 : i32 to index
        %get3A_666 = arith.constant 48 : index
        %get3A_667 = tpu.vector_load %arg7[%get3A_665, %get3A_666] {strides = array<i32>} : memref<128x64xf32, #tpu.memory_space<vmem>>, vector<16xf32>,
        %mul3A_668 = arith.constant 8.000000e+00 : f32
        %mul3A_669 = vector.broadcast %mul3A_668 : f32 to vector<16xf32>
        %mul3A_670 = arith.mulf %get3A_667, %mul3A_669 : vector<16xf32>
        %swap3A_671 = arith.index_cast %add3A_664 : i32 to index
        %swap3A_672 = arith.constant 48 : index
        %swap3A_673 = tpu.vector_load %arg7[%swap3A_671, %swap3A_672] {strides = array<i32>} : memref<128x64xf32, #tpu.memory_space<vmem>>, vector<16xf32>,
        tpu.vector_store %arg7[%swap3A_671, %swap3A_672], %mul3A_670 {strides = array<i32>} : memref<128x64xf32, #tpu.memory_space<vmem>>, vector<16xf32>,
        %mul3A_674 = arith.constant 8 : i32
        %mul3A_675 = arith.muli %scan3A_362, %mul3A_674 : i32
        %add3A_676 = arith.constant 6 : i32
        %add3A_677 = arith.addi %mul3A_675, %add3A_676 : i32
        %get3A_678 = arith.index_cast %add3A_677 : i32 to index
        %get3A_679 = arith.constant 0 : index
        %get3A_680 = tpu.vector_load %arg7[%get3A_678, %get3A_679] {strides = array<i32>} : memref<128x64xf32, #tpu.memory_space<vmem>>, vector<16xf32>,
        %mul3A_681 = arith.constant 8.000000e+00 : f32
        %mul3A_682 = vector.broadcast %mul3A_681 : f32 to vector<16xf32>
        %mul3A_683 = arith.mulf %get3A_680, %mul3A_682 : vector<16xf32>
        %swap3A_684 = arith.index_cast %add3A_677 : i32 to index
        %swap3A_685 = arith.constant 0 : index
        %swap3A_686 = tpu.vector_load %arg7[%swap3A_684, %swap3A_685] {strides = array<i32>} : memref<128x64xf32, #tpu.memory_space<vmem>>, vector<16xf32>,
        tpu.vector_store %arg7[%swap3A_684, %swap3A_685], %mul3A_683 {strides = array<i32>} : memref<128x64xf32, #tpu.memory_space<vmem>>, vector<16xf32>,
        %mul3A_687 = arith.constant 8 : i32
        %mul3A_688 = arith.muli %scan3A_362, %mul3A_687 : i32
        %add3A_689 = arith.constant 6 : i32
        %add3A_690 = arith.addi %mul3A_688, %add3A_689 : i32
        %get3A_691 = arith.index_cast %add3A_690 : i32 to index
        %get3A_692 = arith.constant 16 : index
        %get3A_693 = tpu.vector_load %arg7[%get3A_691, %get3A_692] {strides = array<i32>} : memref<128x64xf32, #tpu.memory_space<vmem>>, vector<16xf32>,
        %mul3A_694 = arith.constant 8.000000e+00 : f32
        %mul3A_695 = vector.broadcast %mul3A_694 : f32 to vector<16xf32>
        %mul3A_696 = arith.mulf %get3A_693, %mul3A_695 : vector<16xf32>
        %swap3A_697 = arith.index_cast %add3A_690 : i32 to index
        %swap3A_698 = arith.constant 16 : index
        %swap3A_699 = tpu.vector_load %arg7[%swap3A_697, %swap3A_698] {strides = array<i32>} : memref<128x64xf32, #tpu.memory_space<vmem>>, vector<16xf32>,
        tpu.vector_store %arg7[%swap3A_697, %swap3A_698], %mul3A_696 {strides = array<i32>} : memref<128x64xf32, #tpu.memory_space<vmem>>, vector<16xf32>,
        %mul3A_700 = arith.constant 8 : i32
        %mul3A_701 = arith.muli %scan3A_362, %mul3A_700 : i32
        %add3A_702 = arith.constant 6 : i32
        %add3A_703 = arith.addi %mul3A_701, %add3A_702 : i32
        %get3A_704 = arith.index_cast %add3A_703 : i32 to index
        %get3A_705 = arith.constant 32 : index
        %get3A_706 = tpu.vector_load %arg7[%get3A_704, %get3A_705] {strides = array<i32>} : memref<128x64xf32, #tpu.memory_space<vmem>>, vector<16xf32>,
        %mul3A_707 = arith.constant 8.000000e+00 : f32
        %mul3A_708 = vector.broadcast %mul3A_707 : f32 to vector<16xf32>
        %mul3A_709 = arith.mulf %get3A_706, %mul3A_708 : vector<16xf32>
        %swap3A_710 = arith.index_cast %add3A_703 : i32 to index
        %swap3A_711 = arith.constant 32 : index
        %swap3A_712 = tpu.vector_load %arg7[%swap3A_710, %swap3A_711] {strides = array<i32>} : memref<128x64xf32, #tpu.memory_space<vmem>>, vector<16xf32>,
        tpu.vector_store %arg7[%swap3A_710, %swap3A_711], %mul3A_709 {strides = array<i32>} : memref<128x64xf32, #tpu.memory_space<vmem>>, vector<16xf32>,
        %mul3A_713 = arith.constant 8 : i32
        %mul3A_714 = arith.muli %scan3A_362, %mul3A_713 : i32
        %add3A_715 = arith.constant 6 : i32
        %add3A_716 = arith.addi %mul3A_714, %add3A_715 : i32
        %get3A_717 = arith.index_cast %add3A_716 : i32 to index
        %get3A_718 = arith.constant 48 : index
        %get3A_719 = tpu.vector_load %arg7[%get3A_717, %get3A_718] {strides = array<i32>} : memref<128x64xf32, #tpu.memory_space<vmem>>, vector<16xf32>,
        %mul3A_720 = arith.constant 8.000000e+00 : f32
        %mul3A_721 = vector.broadcast %mul3A_720 : f32 to vector<16xf32>
        %mul3A_722 = arith.mulf %get3A_719, %mul3A_721 : vector<16xf32>
        %swap3A_723 = arith.index_cast %add3A_716 : i32 to index
        %swap3A_724 = arith.constant 48 : index
        %swap3A_725 = tpu.vector_load %arg7[%swap3A_723, %swap3A_724] {strides = array<i32>} : memref<128x64xf32, #tpu.memory_space<vmem>>, vector<16xf32>,
        tpu.vector_store %arg7[%swap3A_723, %swap3A_724], %mul3A_722 {strides = array<i32>} : memref<128x64xf32, #tpu.memory_space<vmem>>, vector<16xf32>,
        %mul3A_726 = arith.constant 8 : i32
        %mul3A_727 = arith.muli %scan3A_362, %mul3A_726 : i32
        %add3A_728 = arith.constant 7 : i32
        %add3A_729 = arith.addi %mul3A_727, %add3A_728 : i32
        %get3A_730 = arith.index_cast %add3A_729 : i32 to index
        %get3A_731 = arith.constant 0 : index
        %get3A_732 = tpu.vector_load %arg7[%get3A_730, %get3A_731] {strides = array<i32>} : memref<128x64xf32, #tpu.memory_space<vmem>>, vector<16xf32>,
        %mul3A_733 = arith.constant 8.000000e+00 : f32
        %mul3A_734 = vector.broadcast %mul3A_733 : f32 to vector<16xf32>
        %mul3A_735 = arith.mulf %get3A_732, %mul3A_734 : vector<16xf32>
        %swap3A_736 = arith.index_cast %add3A_729 : i32 to index
        %swap3A_737 = arith.constant 0 : index
        %swap3A_738 = tpu.vector_load %arg7[%swap3A_736, %swap3A_737] {strides = array<i32>} : memref<128x64xf32, #tpu.memory_space<vmem>>, vector<16xf32>,
        tpu.vector_store %arg7[%swap3A_736, %swap3A_737], %mul3A_735 {strides = array<i32>} : memref<128x64xf32, #tpu.memory_space<vmem>>, vector<16xf32>,
        %mul3A_739 = arith.constant 8 : i32
        %mul3A_740 = arith.muli %scan3A_362, %mul3A_739 : i32
        %add3A_741 = arith.constant 7 : i32
        %add3A_742 = arith.addi %mul3A_740, %add3A_741 : i32
        %get3A_743 = arith.index_cast %add3A_742 : i32 to index
        %get3A_744 = arith.constant 16 : index
        %get3A_745 = tpu.vector_load %arg7[%get3A_743, %get3A_744] {strides = array<i32>} : memref<128x64xf32, #tpu.memory_space<vmem>>, vector<16xf32>,
        %mul3A_746 = arith.constant 8.000000e+00 : f32
        %mul3A_747 = vector.broadcast %mul3A_746 : f32 to vector<16xf32>
        %mul3A_748 = arith.mulf %get3A_745, %mul3A_747 : vector<16xf32>
        %swap3A_749 = arith.index_cast %add3A_742 : i32 to index
        %swap3A_750 = arith.constant 16 : index
        %swap3A_751 = tpu.vector_load %arg7[%swap3A_749, %swap3A_750] {strides = array<i32>} : memref<128x64xf32, #tpu.memory_space<vmem>>, vector<16xf32>,
        tpu.vector_store %arg7[%swap3A_749, %swap3A_750], %mul3A_748 {strides = array<i32>} : memref<128x64xf32, #tpu.memory_space<vmem>>, vector<16xf32>,
        %mul3A_752 = arith.constant 8 : i32
        %mul3A_753 = arith.muli %scan3A_362, %mul3A_752 : i32
        %add3A_754 = arith.constant 7 : i32
        %add3A_755 = arith.addi %mul3A_753, %add3A_754 : i32
        %get3A_756 = arith.index_cast %add3A_755 : i32 to index
        %get3A_757 = arith.constant 32 : index
        %get3A_758 = tpu.vector_load %arg7[%get3A_756, %get3A_757] {strides = array<i32>} : memref<128x64xf32, #tpu.memory_space<vmem>>, vector<16xf32>,
        %mul3A_759 = arith.constant 8.000000e+00 : f32
        %mul3A_760 = vector.broadcast %mul3A_759 : f32 to vector<16xf32>
        %mul3A_761 = arith.mulf %get3A_758, %mul3A_760 : vector<16xf32>
        %swap3A_762 = arith.index_cast %add3A_755 : i32 to index
        %swap3A_763 = arith.constant 32 : index
        %swap3A_764 = tpu.vector_load %arg7[%swap3A_762, %swap3A_763] {strides = array<i32>} : memref<128x64xf32, #tpu.memory_space<vmem>>, vector<16xf32>,
        tpu.vector_store %arg7[%swap3A_762, %swap3A_763], %mul3A_761 {strides = array<i32>} : memref<128x64xf32, #tpu.memory_space<vmem>>, vector<16xf32>,
        %mul3A_765 = arith.constant 8 : i32
        %mul3A_766 = arith.muli %scan3A_362, %mul3A_765 : i32
        %add3A_767 = arith.constant 7 : i32
        %add3A_768 = arith.addi %mul3A_766, %add3A_767 : i32
        %get3A_769 = arith.index_cast %add3A_768 : i32 to index
        %get3A_770 = arith.constant 48 : index
        %get3A_771 = tpu.vector_load %arg7[%get3A_769, %get3A_770] {strides = array<i32>} : memref<128x64xf32, #tpu.memory_space<vmem>>, vector<16xf32>,
        %mul3A_772 = arith.constant 8.000000e+00 : f32
        %mul3A_773 = vector.broadcast %mul3A_772 : f32 to vector<16xf32>
        %mul3A_774 = arith.mulf %get3A_771, %mul3A_773 : vector<16xf32>
        %swap3A_775 = arith.index_cast %add3A_768 : i32 to index
        %swap3A_776 = arith.constant 48 : index
        %swap3A_777 = tpu.vector_load %arg7[%swap3A_775, %swap3A_776] {strides = array<i32>} : memref<128x64xf32, #tpu.memory_space<vmem>>, vector<16xf32>,
        tpu.vector_store %arg7[%swap3A_775, %swap3A_776], %mul3A_774 {strides = array<i32>} : memref<128x64xf32, #tpu.memory_space<vmem>>, vector<16xf32>,
        %scan3A_778 = arith.constant 0 : i32
        scf.yield %scan3A_778 : i32
      }
      %scan3A_123 = arith.constant 16 : i32
      %mul3A_124 = arith.constant 25600 : i32
      %mul3A_125 = arith.muli %add3A, %mul3A_124 : i32
      %mul3A_126 = arith.constant 128 : i32
      %mul3A_127 = arith.muli %add3A_110, %mul3A_126 : i32
      %add3A_128 = arith.addi %mul3A_125, %mul3A_127 : i32
      %dma_start3A_129 = arith.constant 0 : i32
      %dma_start3A_130 = tpu.memref_slice %arg4[%add3A_128, %dma_start3A_129] : memref<819200x128xf32, #tpu.memory_space<hbm>> -> memref<128x64xf32, #tpu.memory_space<hbm>>
      %dma_start3A_131 = arith.constant 0 : i32
      %dma_start3A_132 = tpu.memref_slice %arg4[%add3A_128, %dma_start3A_131] : memref<819200x128xf32, #tpu.memory_space<hbm>> -> memref<128x64xf32, #tpu.memory_space<hbm>>
      tpu.enqueue_dma source(%arg7 : memref<128x64xf32, #tpu.memory_space<vmem>>) target(%dma_start3A_132 : memref<128x64xf32, #tpu.memory_space<hbm>>) target_semaphore(%arg23 : memref<!tpu.dma_semaphore, #tpu.memory_space<semaphore_mem>>)
      %ge3A_133 = arith.constant 4 : i32
      %ge3A_134 = arith.cmpi sge, %add3A_110, %ge3A_133 : i32
      %convert_element_type3A_135 = arith.extui %ge3A_134 : i1 to i32
      %cond3A_136 = arith.constant 0 : i32
      %cond3A_137 = arith.cmpi ne, %convert_element_type3A_135, %cond3A_136 : i32
      scf.if %cond3A_137 {
        %dma_wait3A_362 = arith.constant 0 : i32
        %dma_wait3A_363 = arith.constant 0 : i32
        %dma_wait3A_364 = tpu.memref_slice %arg4[%dma_wait3A_362, %dma_wait3A_363] : memref<819200x128xf32, #tpu.memory_space<hbm>> -> memref<128x64xf32, #tpu.memory_space<hbm>>
        %dma_wait3A_365 = arith.constant 0 : i32
        %dma_wait3A_366 = arith.constant 0 : i32
        %dma_wait3A_367 = tpu.memref_slice %arg4[%dma_wait3A_365, %dma_wait3A_366] : memref<819200x128xf32, #tpu.memory_space<hbm>> -> memref<128x64xf32, #tpu.memory_space<hbm>>
        tpu.wait_dma2 semaphore(%arg27 : memref<!tpu.dma_semaphore, #tpu.memory_space<semaphore_mem>>) src(%arg11 : memref<128x64xf32, #tpu.memory_space<vmem>>) dst(%dma_wait3A_367 : memref<128x64xf32, #tpu.memory_space<hbm>>)
      } else {
      }
      %add3A_138 = arith.constant 4 : i32
      %add3A_139 = arith.addi %add3A_110, %add3A_138 : i32
      %lt3A_140 = arith.constant 200 : i32
      %lt3A_141 = arith.cmpi slt, %add3A_139, %lt3A_140 : i32
      %convert_element_type3A_142 = arith.extui %lt3A_141 : i1 to i32
      %cond3A_143 = arith.constant 0 : i32
      %cond3A_144 = arith.cmpi ne, %convert_element_type3A_142, %cond3A_143 : i32
      scf.if %cond3A_144 {
        %add3A_362 = arith.constant 4 : i32
        %add3A_363 = arith.addi %add3A_110, %add3A_362 : i32
        %dma_start3A_364 = arith.constant 0 : i32
        %dma_start3A_365 = tpu.memref_slice %arg5[%add3A_363, %dma_start3A_364] : memref<200x128xi32, #tpu.memory_space<vmem>> -> memref<1x128xi32, #tpu.memory_space<vmem>>
        %dma_start3A_366 = tpu.memref_squeeze %dma_start3A_365 : memref<1x128xi32, #tpu.memory_space<vmem>> -> memref<128xi32, #tpu.memory_space<vmem>>
        %dma_start3A_367 = arith.constant 0 : i32
        %dma_start3A_368 = arith.constant 0 : i32
        %dma_start3A_369 = tpu.memref_slice %arg3[%dma_start3A_367, %dma_start3A_368] : memref<1000000x64xf32, #tpu.memory_space<hbm>> -> memref<1000000x64xf32, #tpu.memory_space<hbm>>
        tpu.enqueue_indirect_dma source(%dma_start3A_369 : memref<1000000x64xf32, #tpu.memory_space<hbm>>) target(%arg11 : memref<128x64xf32, #tpu.memory_space<vmem>>) offsets(%dma_start3A_366 : memref<128xi32, #tpu.memory_space<vmem>>) semaphore(%arg19 : memref<!tpu.dma_semaphore, #tpu.memory_space<semaphore_mem>>)
      } else {
      }
      %add3A_145 = arith.constant 2 : i32
      %add3A_146 = arith.addi %mul3A_76, %add3A_145 : i32
      %dma_wait3A_147 = arith.constant 0 : i32
      %dma_wait3A_148 = tpu.memref_slice %arg5[%add3A_146, %dma_wait3A_147] : memref<200x128xi32, #tpu.memory_space<vmem>> -> memref<1x128xi32, #tpu.memory_space<vmem>>
      %dma_wait3A_149 = tpu.memref_squeeze %dma_wait3A_148 : memref<1x128xi32, #tpu.memory_space<vmem>> -> memref<128xi32, #tpu.memory_space<vmem>>
      %dma_wait3A_150 = arith.constant 0 : i32
      %dma_wait3A_151 = arith.constant 0 : i32
      %dma_wait3A_152 = tpu.memref_slice %arg3[%dma_wait3A_150, %dma_wait3A_151] : memref<1000000x64xf32, #tpu.memory_space<hbm>> -> memref<1000000x64xf32, #tpu.memory_space<hbm>>
      tpu.wait_indirect_dma semaphore(%arg16 : memref<!tpu.dma_semaphore, #tpu.memory_space<semaphore_mem>>) src(%dma_wait3A_152 : memref<1000000x64xf32, #tpu.memory_space<hbm>>) dst(%arg8 : memref<128x64xf32, #tpu.memory_space<vmem>>)
      %scan3A_153 = arith.constant 0 : i32
      %scan3A_154 = arith.constant 0 : i32
      %scan3A_155 = arith.constant 16 : i32
      %scan3A_156 = arith.addi %scan3A_154, %scan3A_155 : i32
      %scan3A_157 = arith.constant 1 : i32
      %scan3A_158 = scf.for %scan3A_362 = %scan3A_154 to %scan3A_156 step %scan3A_157 iter_args(%scan3A_363 = %scan3A_153) -> (i32)  : i32 {
        %mul3A_364 = arith.constant 8 : i32
        %mul3A_365 = arith.muli %scan3A_362, %mul3A_364 : i32
        %add3A_366 = arith.constant 0 : i32
        %add3A_367 = arith.addi %mul3A_365, %add3A_366 : i32
        %get3A = arith.index_cast %add3A_367 : i32 to index
        %get3A_368 = arith.constant 0 : index
        %get3A_369 = tpu.vector_load %arg8[%get3A, %get3A_368] {strides = array<i32>} : memref<128x64xf32, #tpu.memory_space<vmem>>, vector<16xf32>,
        %mul3A_370 = arith.constant 8.000000e+00 : f32
        %mul3A_371 = vector.broadcast %mul3A_370 : f32 to vector<16xf32>
        %mul3A_372 = arith.mulf %get3A_369, %mul3A_371 : vector<16xf32>
        %swap3A = arith.index_cast %add3A_367 : i32 to index
        %swap3A_373 = arith.constant 0 : index
        %swap3A_374 = tpu.vector_load %arg8[%swap3A, %swap3A_373] {strides = array<i32>} : memref<128x64xf32, #tpu.memory_space<vmem>>, vector<16xf32>,
        tpu.vector_store %arg8[%swap3A, %swap3A_373], %mul3A_372 {strides = array<i32>} : memref<128x64xf32, #tpu.memory_space<vmem>>, vector<16xf32>,
        %mul3A_375 = arith.constant 8 : i32
        %mul3A_376 = arith.muli %scan3A_362, %mul3A_375 : i32
        %add3A_377 = arith.constant 0 : i32
        %add3A_378 = arith.addi %mul3A_376, %add3A_377 : i32
        %get3A_379 = arith.index_cast %add3A_378 : i32 to index
        %get3A_380 = arith.constant 16 : index
        %get3A_381 = tpu.vector_load %arg8[%get3A_379, %get3A_380] {strides = array<i32>} : memref<128x64xf32, #tpu.memory_space<vmem>>, vector<16xf32>,
        %mul3A_382 = arith.constant 8.000000e+00 : f32
        %mul3A_383 = vector.broadcast %mul3A_382 : f32 to vector<16xf32>
        %mul3A_384 = arith.mulf %get3A_381, %mul3A_383 : vector<16xf32>
        %swap3A_385 = arith.index_cast %add3A_378 : i32 to index
        %swap3A_386 = arith.constant 16 : index
        %swap3A_387 = tpu.vector_load %arg8[%swap3A_385, %swap3A_386] {strides = array<i32>} : memref<128x64xf32, #tpu.memory_space<vmem>>, vector<16xf32>,
        tpu.vector_store %arg8[%swap3A_385, %swap3A_386], %mul3A_384 {strides = array<i32>} : memref<128x64xf32, #tpu.memory_space<vmem>>, vector<16xf32>,
        %mul3A_388 = arith.constant 8 : i32
        %mul3A_389 = arith.muli %scan3A_362, %mul3A_388 : i32
        %add3A_390 = arith.constant 0 : i32
        %add3A_391 = arith.addi %mul3A_389, %add3A_390 : i32
        %get3A_392 = arith.index_cast %add3A_391 : i32 to index
        %get3A_393 = arith.constant 32 : index
        %get3A_394 = tpu.vector_load %arg8[%get3A_392, %get3A_393] {strides = array<i32>} : memref<128x64xf32, #tpu.memory_space<vmem>>, vector<16xf32>,
        %mul3A_395 = arith.constant 8.000000e+00 : f32
        %mul3A_396 = vector.broadcast %mul3A_395 : f32 to vector<16xf32>
        %mul3A_397 = arith.mulf %get3A_394, %mul3A_396 : vector<16xf32>
        %swap3A_398 = arith.index_cast %add3A_391 : i32 to index
        %swap3A_399 = arith.constant 32 : index
        %swap3A_400 = tpu.vector_load %arg8[%swap3A_398, %swap3A_399] {strides = array<i32>} : memref<128x64xf32, #tpu.memory_space<vmem>>, vector<16xf32>,
        tpu.vector_store %arg8[%swap3A_398, %swap3A_399], %mul3A_397 {strides = array<i32>} : memref<128x64xf32, #tpu.memory_space<vmem>>, vector<16xf32>,
        %mul3A_401 = arith.constant 8 : i32
        %mul3A_402 = arith.muli %scan3A_362, %mul3A_401 : i32
        %add3A_403 = arith.constant 0 : i32
        %add3A_404 = arith.addi %mul3A_402, %add3A_403 : i32
        %get3A_405 = arith.index_cast %add3A_404 : i32 to index
        %get3A_406 = arith.constant 48 : index
        %get3A_407 = tpu.vector_load %arg8[%get3A_405, %get3A_406] {strides = array<i32>} : memref<128x64xf32, #tpu.memory_space<vmem>>, vector<16xf32>,
        %mul3A_408 = arith.constant 8.000000e+00 : f32
        %mul3A_409 = vector.broadcast %mul3A_408 : f32 to vector<16xf32>
        %mul3A_410 = arith.mulf %get3A_407, %mul3A_409 : vector<16xf32>
        %swap3A_411 = arith.index_cast %add3A_404 : i32 to index
        %swap3A_412 = arith.constant 48 : index
        %swap3A_413 = tpu.vector_load %arg8[%swap3A_411, %swap3A_412] {strides = array<i32>} : memref<128x64xf32, #tpu.memory_space<vmem>>, vector<16xf32>,
        tpu.vector_store %arg8[%swap3A_411, %swap3A_412], %mul3A_410 {strides = array<i32>} : memref<128x64xf32, #tpu.memory_space<vmem>>, vector<16xf32>,
        %mul3A_414 = arith.constant 8 : i32
        %mul3A_415 = arith.muli %scan3A_362, %mul3A_414 : i32
        %add3A_416 = arith.constant 1 : i32
        %add3A_417 = arith.addi %mul3A_415, %add3A_416 : i32
        %get3A_418 = arith.index_cast %add3A_417 : i32 to index
        %get3A_419 = arith.constant 0 : index
        %get3A_420 = tpu.vector_load %arg8[%get3A_418, %get3A_419] {strides = array<i32>} : memref<128x64xf32, #tpu.memory_space<vmem>>, vector<16xf32>,
        %mul3A_421 = arith.constant 8.000000e+00 : f32
        %mul3A_422 = vector.broadcast %mul3A_421 : f32 to vector<16xf32>
        %mul3A_423 = arith.mulf %get3A_420, %mul3A_422 : vector<16xf32>
        %swap3A_424 = arith.index_cast %add3A_417 : i32 to index
        %swap3A_425 = arith.constant 0 : index
        %swap3A_426 = tpu.vector_load %arg8[%swap3A_424, %swap3A_425] {strides = array<i32>} : memref<128x64xf32, #tpu.memory_space<vmem>>, vector<16xf32>,
        tpu.vector_store %arg8[%swap3A_424, %swap3A_425], %mul3A_423 {strides = array<i32>} : memref<128x64xf32, #tpu.memory_space<vmem>>, vector<16xf32>,
        %mul3A_427 = arith.constant 8 : i32
        %mul3A_428 = arith.muli %scan3A_362, %mul3A_427 : i32
        %add3A_429 = arith.constant 1 : i32
        %add3A_430 = arith.addi %mul3A_428, %add3A_429 : i32
        %get3A_431 = arith.index_cast %add3A_430 : i32 to index
        %get3A_432 = arith.constant 16 : index
        %get3A_433 = tpu.vector_load %arg8[%get3A_431, %get3A_432] {strides = array<i32>} : memref<128x64xf32, #tpu.memory_space<vmem>>, vector<16xf32>,
        %mul3A_434 = arith.constant 8.000000e+00 : f32
        %mul3A_435 = vector.broadcast %mul3A_434 : f32 to vector<16xf32>
        %mul3A_436 = arith.mulf %get3A_433, %mul3A_435 : vector<16xf32>
        %swap3A_437 = arith.index_cast %add3A_430 : i32 to index
        %swap3A_438 = arith.constant 16 : index
        %swap3A_439 = tpu.vector_load %arg8[%swap3A_437, %swap3A_438] {strides = array<i32>} : memref<128x64xf32, #tpu.memory_space<vmem>>, vector<16xf32>,
        tpu.vector_store %arg8[%swap3A_437, %swap3A_438], %mul3A_436 {strides = array<i32>} : memref<128x64xf32, #tpu.memory_space<vmem>>, vector<16xf32>,
        %mul3A_440 = arith.constant 8 : i32
        %mul3A_441 = arith.muli %scan3A_362, %mul3A_440 : i32
        %add3A_442 = arith.constant 1 : i32
        %add3A_443 = arith.addi %mul3A_441, %add3A_442 : i32
        %get3A_444 = arith.index_cast %add3A_443 : i32 to index
        %get3A_445 = arith.constant 32 : index
        %get3A_446 = tpu.vector_load %arg8[%get3A_444, %get3A_445] {strides = array<i32>} : memref<128x64xf32, #tpu.memory_space<vmem>>, vector<16xf32>,
        %mul3A_447 = arith.constant 8.000000e+00 : f32
        %mul3A_448 = vector.broadcast %mul3A_447 : f32 to vector<16xf32>
        %mul3A_449 = arith.mulf %get3A_446, %mul3A_448 : vector<16xf32>
        %swap3A_450 = arith.index_cast %add3A_443 : i32 to index
        %swap3A_451 = arith.constant 32 : index
        %swap3A_452 = tpu.vector_load %arg8[%swap3A_450, %swap3A_451] {strides = array<i32>} : memref<128x64xf32, #tpu.memory_space<vmem>>, vector<16xf32>,
        tpu.vector_store %arg8[%swap3A_450, %swap3A_451], %mul3A_449 {strides = array<i32>} : memref<128x64xf32, #tpu.memory_space<vmem>>, vector<16xf32>,
        %mul3A_453 = arith.constant 8 : i32
        %mul3A_454 = arith.muli %scan3A_362, %mul3A_453 : i32
        %add3A_455 = arith.constant 1 : i32
        %add3A_456 = arith.addi %mul3A_454, %add3A_455 : i32
        %get3A_457 = arith.index_cast %add3A_456 : i32 to index
        %get3A_458 = arith.constant 48 : index
        %get3A_459 = tpu.vector_load %arg8[%get3A_457, %get3A_458] {strides = array<i32>} : memref<128x64xf32, #tpu.memory_space<vmem>>, vector<16xf32>,
        %mul3A_460 = arith.constant 8.000000e+00 : f32
        %mul3A_461 = vector.broadcast %mul3A_460 : f32 to vector<16xf32>
        %mul3A_462 = arith.mulf %get3A_459, %mul3A_461 : vector<16xf32>
        %swap3A_463 = arith.index_cast %add3A_456 : i32 to index
        %swap3A_464 = arith.constant 48 : index
        %swap3A_465 = tpu.vector_load %arg8[%swap3A_463, %swap3A_464] {strides = array<i32>} : memref<128x64xf32, #tpu.memory_space<vmem>>, vector<16xf32>,
        tpu.vector_store %arg8[%swap3A_463, %swap3A_464], %mul3A_462 {strides = array<i32>} : memref<128x64xf32, #tpu.memory_space<vmem>>, vector<16xf32>,
        %mul3A_466 = arith.constant 8 : i32
        %mul3A_467 = arith.muli %scan3A_362, %mul3A_466 : i32
        %add3A_468 = arith.constant 2 : i32
        %add3A_469 = arith.addi %mul3A_467, %add3A_468 : i32
        %get3A_470 = arith.index_cast %add3A_469 : i32 to index
        %get3A_471 = arith.constant 0 : index
        %get3A_472 = tpu.vector_load %arg8[%get3A_470, %get3A_471] {strides = array<i32>} : memref<128x64xf32, #tpu.memory_space<vmem>>, vector<16xf32>,
        %mul3A_473 = arith.constant 8.000000e+00 : f32
        %mul3A_474 = vector.broadcast %mul3A_473 : f32 to vector<16xf32>
        %mul3A_475 = arith.mulf %get3A_472, %mul3A_474 : vector<16xf32>
        %swap3A_476 = arith.index_cast %add3A_469 : i32 to index
        %swap3A_477 = arith.constant 0 : index
        %swap3A_478 = tpu.vector_load %arg8[%swap3A_476, %swap3A_477] {strides = array<i32>} : memref<128x64xf32, #tpu.memory_space<vmem>>, vector<16xf32>,
        tpu.vector_store %arg8[%swap3A_476, %swap3A_477], %mul3A_475 {strides = array<i32>} : memref<128x64xf32, #tpu.memory_space<vmem>>, vector<16xf32>,
        %mul3A_479 = arith.constant 8 : i32
        %mul3A_480 = arith.muli %scan3A_362, %mul3A_479 : i32
        %add3A_481 = arith.constant 2 : i32
        %add3A_482 = arith.addi %mul3A_480, %add3A_481 : i32
        %get3A_483 = arith.index_cast %add3A_482 : i32 to index
        %get3A_484 = arith.constant 16 : index
        %get3A_485 = tpu.vector_load %arg8[%get3A_483, %get3A_484] {strides = array<i32>} : memref<128x64xf32, #tpu.memory_space<vmem>>, vector<16xf32>,
        %mul3A_486 = arith.constant 8.000000e+00 : f32
        %mul3A_487 = vector.broadcast %mul3A_486 : f32 to vector<16xf32>
        %mul3A_488 = arith.mulf %get3A_485, %mul3A_487 : vector<16xf32>
        %swap3A_489 = arith.index_cast %add3A_482 : i32 to index
        %swap3A_490 = arith.constant 16 : index
        %swap3A_491 = tpu.vector_load %arg8[%swap3A_489, %swap3A_490] {strides = array<i32>} : memref<128x64xf32, #tpu.memory_space<vmem>>, vector<16xf32>,
        tpu.vector_store %arg8[%swap3A_489, %swap3A_490], %mul3A_488 {strides = array<i32>} : memref<128x64xf32, #tpu.memory_space<vmem>>, vector<16xf32>,
        %mul3A_492 = arith.constant 8 : i32
        %mul3A_493 = arith.muli %scan3A_362, %mul3A_492 : i32
        %add3A_494 = arith.constant 2 : i32
        %add3A_495 = arith.addi %mul3A_493, %add3A_494 : i32
        %get3A_496 = arith.index_cast %add3A_495 : i32 to index
        %get3A_497 = arith.constant 32 : index
        %get3A_498 = tpu.vector_load %arg8[%get3A_496, %get3A_497] {strides = array<i32>} : memref<128x64xf32, #tpu.memory_space<vmem>>, vector<16xf32>,
        %mul3A_499 = arith.constant 8.000000e+00 : f32
        %mul3A_500 = vector.broadcast %mul3A_499 : f32 to vector<16xf32>
        %mul3A_501 = arith.mulf %get3A_498, %mul3A_500 : vector<16xf32>
        %swap3A_502 = arith.index_cast %add3A_495 : i32 to index
        %swap3A_503 = arith.constant 32 : index
        %swap3A_504 = tpu.vector_load %arg8[%swap3A_502, %swap3A_503] {strides = array<i32>} : memref<128x64xf32, #tpu.memory_space<vmem>>, vector<16xf32>,
        tpu.vector_store %arg8[%swap3A_502, %swap3A_503], %mul3A_501 {strides = array<i32>} : memref<128x64xf32, #tpu.memory_space<vmem>>, vector<16xf32>,
        %mul3A_505 = arith.constant 8 : i32
        %mul3A_506 = arith.muli %scan3A_362, %mul3A_505 : i32
        %add3A_507 = arith.constant 2 : i32
        %add3A_508 = arith.addi %mul3A_506, %add3A_507 : i32
        %get3A_509 = arith.index_cast %add3A_508 : i32 to index
        %get3A_510 = arith.constant 48 : index
        %get3A_511 = tpu.vector_load %arg8[%get3A_509, %get3A_510] {strides = array<i32>} : memref<128x64xf32, #tpu.memory_space<vmem>>, vector<16xf32>,
        %mul3A_512 = arith.constant 8.000000e+00 : f32
        %mul3A_513 = vector.broadcast %mul3A_512 : f32 to vector<16xf32>
        %mul3A_514 = arith.mulf %get3A_511, %mul3A_513 : vector<16xf32>
        %swap3A_515 = arith.index_cast %add3A_508 : i32 to index
        %swap3A_516 = arith.constant 48 : index
        %swap3A_517 = tpu.vector_load %arg8[%swap3A_515, %swap3A_516] {strides = array<i32>} : memref<128x64xf32, #tpu.memory_space<vmem>>, vector<16xf32>,
        tpu.vector_store %arg8[%swap3A_515, %swap3A_516], %mul3A_514 {strides = array<i32>} : memref<128x64xf32, #tpu.memory_space<vmem>>, vector<16xf32>,
        %mul3A_518 = arith.constant 8 : i32
        %mul3A_519 = arith.muli %scan3A_362, %mul3A_518 : i32
        %add3A_520 = arith.constant 3 : i32
        %add3A_521 = arith.addi %mul3A_519, %add3A_520 : i32
        %get3A_522 = arith.index_cast %add3A_521 : i32 to index
        %get3A_523 = arith.constant 0 : index
        %get3A_524 = tpu.vector_load %arg8[%get3A_522, %get3A_523] {strides = array<i32>} : memref<128x64xf32, #tpu.memory_space<vmem>>, vector<16xf32>,
        %mul3A_525 = arith.constant 8.000000e+00 : f32
        %mul3A_526 = vector.broadcast %mul3A_525 : f32 to vector<16xf32>
        %mul3A_527 = arith.mulf %get3A_524, %mul3A_526 : vector<16xf32>
        %swap3A_528 = arith.index_cast %add3A_521 : i32 to index
        %swap3A_529 = arith.constant 0 : index
        %swap3A_530 = tpu.vector_load %arg8[%swap3A_528, %swap3A_529] {strides = array<i32>} : memref<128x64xf32, #tpu.memory_space<vmem>>, vector<16xf32>,
        tpu.vector_store %arg8[%swap3A_528, %swap3A_529], %mul3A_527 {strides = array<i32>} : memref<128x64xf32, #tpu.memory_space<vmem>>, vector<16xf32>,
        %mul3A_531 = arith.constant 8 : i32
        %mul3A_532 = arith.muli %scan3A_362, %mul3A_531 : i32
        %add3A_533 = arith.constant 3 : i32
        %add3A_534 = arith.addi %mul3A_532, %add3A_533 : i32
        %get3A_535 = arith.index_cast %add3A_534 : i32 to index
        %get3A_536 = arith.constant 16 : index
        %get3A_537 = tpu.vector_load %arg8[%get3A_535, %get3A_536] {strides = array<i32>} : memref<128x64xf32, #tpu.memory_space<vmem>>, vector<16xf32>,
        %mul3A_538 = arith.constant 8.000000e+00 : f32
        %mul3A_539 = vector.broadcast %mul3A_538 : f32 to vector<16xf32>
        %mul3A_540 = arith.mulf %get3A_537, %mul3A_539 : vector<16xf32>
        %swap3A_541 = arith.index_cast %add3A_534 : i32 to index
        %swap3A_542 = arith.constant 16 : index
        %swap3A_543 = tpu.vector_load %arg8[%swap3A_541, %swap3A_542] {strides = array<i32>} : memref<128x64xf32, #tpu.memory_space<vmem>>, vector<16xf32>,
        tpu.vector_store %arg8[%swap3A_541, %swap3A_542], %mul3A_540 {strides = array<i32>} : memref<128x64xf32, #tpu.memory_space<vmem>>, vector<16xf32>,
        %mul3A_544 = arith.constant 8 : i32
        %mul3A_545 = arith.muli %scan3A_362, %mul3A_544 : i32
        %add3A_546 = arith.constant 3 : i32
        %add3A_547 = arith.addi %mul3A_545, %add3A_546 : i32
        %get3A_548 = arith.index_cast %add3A_547 : i32 to index
        %get3A_549 = arith.constant 32 : index
        %get3A_550 = tpu.vector_load %arg8[%get3A_548, %get3A_549] {strides = array<i32>} : memref<128x64xf32, #tpu.memory_space<vmem>>, vector<16xf32>,
        %mul3A_551 = arith.constant 8.000000e+00 : f32
        %mul3A_552 = vector.broadcast %mul3A_551 : f32 to vector<16xf32>
        %mul3A_553 = arith.mulf %get3A_550, %mul3A_552 : vector<16xf32>
        %swap3A_554 = arith.index_cast %add3A_547 : i32 to index
        %swap3A_555 = arith.constant 32 : index
        %swap3A_556 = tpu.vector_load %arg8[%swap3A_554, %swap3A_555] {strides = array<i32>} : memref<128x64xf32, #tpu.memory_space<vmem>>, vector<16xf32>,
        tpu.vector_store %arg8[%swap3A_554, %swap3A_555], %mul3A_553 {strides = array<i32>} : memref<128x64xf32, #tpu.memory_space<vmem>>, vector<16xf32>,
        %mul3A_557 = arith.constant 8 : i32
        %mul3A_558 = arith.muli %scan3A_362, %mul3A_557 : i32
        %add3A_559 = arith.constant 3 : i32
        %add3A_560 = arith.addi %mul3A_558, %add3A_559 : i32
        %get3A_561 = arith.index_cast %add3A_560 : i32 to index
        %get3A_562 = arith.constant 48 : index
        %get3A_563 = tpu.vector_load %arg8[%get3A_561, %get3A_562] {strides = array<i32>} : memref<128x64xf32, #tpu.memory_space<vmem>>, vector<16xf32>,
        %mul3A_564 = arith.constant 8.000000e+00 : f32
        %mul3A_565 = vector.broadcast %mul3A_564 : f32 to vector<16xf32>
        %mul3A_566 = arith.mulf %get3A_563, %mul3A_565 : vector<16xf32>
        %swap3A_567 = arith.index_cast %add3A_560 : i32 to index
        %swap3A_568 = arith.constant 48 : index
        %swap3A_569 = tpu.vector_load %arg8[%swap3A_567, %swap3A_568] {strides = array<i32>} : memref<128x64xf32, #tpu.memory_space<vmem>>, vector<16xf32>,
        tpu.vector_store %arg8[%swap3A_567, %swap3A_568], %mul3A_566 {strides = array<i32>} : memref<128x64xf32, #tpu.memory_space<vmem>>, vector<16xf32>,
        %mul3A_570 = arith.constant 8 : i32
        %mul3A_571 = arith.muli %scan3A_362, %mul3A_570 : i32
        %add3A_572 = arith.constant 4 : i32
        %add3A_573 = arith.addi %mul3A_571, %add3A_572 : i32
        %get3A_574 = arith.index_cast %add3A_573 : i32 to index
        %get3A_575 = arith.constant 0 : index
        %get3A_576 = tpu.vector_load %arg8[%get3A_574, %get3A_575] {strides = array<i32>} : memref<128x64xf32, #tpu.memory_space<vmem>>, vector<16xf32>,
        %mul3A_577 = arith.constant 8.000000e+00 : f32
        %mul3A_578 = vector.broadcast %mul3A_577 : f32 to vector<16xf32>
        %mul3A_579 = arith.mulf %get3A_576, %mul3A_578 : vector<16xf32>
        %swap3A_580 = arith.index_cast %add3A_573 : i32 to index
        %swap3A_581 = arith.constant 0 : index
        %swap3A_582 = tpu.vector_load %arg8[%swap3A_580, %swap3A_581] {strides = array<i32>} : memref<128x64xf32, #tpu.memory_space<vmem>>, vector<16xf32>,
        tpu.vector_store %arg8[%swap3A_580, %swap3A_581], %mul3A_579 {strides = array<i32>} : memref<128x64xf32, #tpu.memory_space<vmem>>, vector<16xf32>,
        %mul3A_583 = arith.constant 8 : i32
        %mul3A_584 = arith.muli %scan3A_362, %mul3A_583 : i32
        %add3A_585 = arith.constant 4 : i32
        %add3A_586 = arith.addi %mul3A_584, %add3A_585 : i32
        %get3A_587 = arith.index_cast %add3A_586 : i32 to index
        %get3A_588 = arith.constant 16 : index
        %get3A_589 = tpu.vector_load %arg8[%get3A_587, %get3A_588] {strides = array<i32>} : memref<128x64xf32, #tpu.memory_space<vmem>>, vector<16xf32>,
        %mul3A_590 = arith.constant 8.000000e+00 : f32
        %mul3A_591 = vector.broadcast %mul3A_590 : f32 to vector<16xf32>
        %mul3A_592 = arith.mulf %get3A_589, %mul3A_591 : vector<16xf32>
        %swap3A_593 = arith.index_cast %add3A_586 : i32 to index
        %swap3A_594 = arith.constant 16 : index
        %swap3A_595 = tpu.vector_load %arg8[%swap3A_593, %swap3A_594] {strides = array<i32>} : memref<128x64xf32, #tpu.memory_space<vmem>>, vector<16xf32>,
        tpu.vector_store %arg8[%swap3A_593, %swap3A_594], %mul3A_592 {strides = array<i32>} : memref<128x64xf32, #tpu.memory_space<vmem>>, vector<16xf32>,
        %mul3A_596 = arith.constant 8 : i32
        %mul3A_597 = arith.muli %scan3A_362, %mul3A_596 : i32
        %add3A_598 = arith.constant 4 : i32
        %add3A_599 = arith.addi %mul3A_597, %add3A_598 : i32
        %get3A_600 = arith.index_cast %add3A_599 : i32 to index
        %get3A_601 = arith.constant 32 : index
        %get3A_602 = tpu.vector_load %arg8[%get3A_600, %get3A_601] {strides = array<i32>} : memref<128x64xf32, #tpu.memory_space<vmem>>, vector<16xf32>,
        %mul3A_603 = arith.constant 8.000000e+00 : f32
        %mul3A_604 = vector.broadcast %mul3A_603 : f32 to vector<16xf32>
        %mul3A_605 = arith.mulf %get3A_602, %mul3A_604 : vector<16xf32>
        %swap3A_606 = arith.index_cast %add3A_599 : i32 to index
        %swap3A_607 = arith.constant 32 : index
        %swap3A_608 = tpu.vector_load %arg8[%swap3A_606, %swap3A_607] {strides = array<i32>} : memref<128x64xf32, #tpu.memory_space<vmem>>, vector<16xf32>,
        tpu.vector_store %arg8[%swap3A_606, %swap3A_607], %mul3A_605 {strides = array<i32>} : memref<128x64xf32, #tpu.memory_space<vmem>>, vector<16xf32>,
        %mul3A_609 = arith.constant 8 : i32
        %mul3A_610 = arith.muli %scan3A_362, %mul3A_609 : i32
        %add3A_611 = arith.constant 4 : i32
        %add3A_612 = arith.addi %mul3A_610, %add3A_611 : i32
        %get3A_613 = arith.index_cast %add3A_612 : i32 to index
        %get3A_614 = arith.constant 48 : index
        %get3A_615 = tpu.vector_load %arg8[%get3A_613, %get3A_614] {strides = array<i32>} : memref<128x64xf32, #tpu.memory_space<vmem>>, vector<16xf32>,
        %mul3A_616 = arith.constant 8.000000e+00 : f32
        %mul3A_617 = vector.broadcast %mul3A_616 : f32 to vector<16xf32>
        %mul3A_618 = arith.mulf %get3A_615, %mul3A_617 : vector<16xf32>
        %swap3A_619 = arith.index_cast %add3A_612 : i32 to index
        %swap3A_620 = arith.constant 48 : index
        %swap3A_621 = tpu.vector_load %arg8[%swap3A_619, %swap3A_620] {strides = array<i32>} : memref<128x64xf32, #tpu.memory_space<vmem>>, vector<16xf32>,
        tpu.vector_store %arg8[%swap3A_619, %swap3A_620], %mul3A_618 {strides = array<i32>} : memref<128x64xf32, #tpu.memory_space<vmem>>, vector<16xf32>,
        %mul3A_622 = arith.constant 8 : i32
        %mul3A_623 = arith.muli %scan3A_362, %mul3A_622 : i32
        %add3A_624 = arith.constant 5 : i32
        %add3A_625 = arith.addi %mul3A_623, %add3A_624 : i32
        %get3A_626 = arith.index_cast %add3A_625 : i32 to index
        %get3A_627 = arith.constant 0 : index
        %get3A_628 = tpu.vector_load %arg8[%get3A_626, %get3A_627] {strides = array<i32>} : memref<128x64xf32, #tpu.memory_space<vmem>>, vector<16xf32>,
        %mul3A_629 = arith.constant 8.000000e+00 : f32
        %mul3A_630 = vector.broadcast %mul3A_629 : f32 to vector<16xf32>
        %mul3A_631 = arith.mulf %get3A_628, %mul3A_630 : vector<16xf32>
        %swap3A_632 = arith.index_cast %add3A_625 : i32 to index
        %swap3A_633 = arith.constant 0 : index
        %swap3A_634 = tpu.vector_load %arg8[%swap3A_632, %swap3A_633] {strides = array<i32>} : memref<128x64xf32, #tpu.memory_space<vmem>>, vector<16xf32>,
        tpu.vector_store %arg8[%swap3A_632, %swap3A_633], %mul3A_631 {strides = array<i32>} : memref<128x64xf32, #tpu.memory_space<vmem>>, vector<16xf32>,
        %mul3A_635 = arith.constant 8 : i32
        %mul3A_636 = arith.muli %scan3A_362, %mul3A_635 : i32
        %add3A_637 = arith.constant 5 : i32
        %add3A_638 = arith.addi %mul3A_636, %add3A_637 : i32
        %get3A_639 = arith.index_cast %add3A_638 : i32 to index
        %get3A_640 = arith.constant 16 : index
        %get3A_641 = tpu.vector_load %arg8[%get3A_639, %get3A_640] {strides = array<i32>} : memref<128x64xf32, #tpu.memory_space<vmem>>, vector<16xf32>,
        %mul3A_642 = arith.constant 8.000000e+00 : f32
        %mul3A_643 = vector.broadcast %mul3A_642 : f32 to vector<16xf32>
        %mul3A_644 = arith.mulf %get3A_641, %mul3A_643 : vector<16xf32>
        %swap3A_645 = arith.index_cast %add3A_638 : i32 to index
        %swap3A_646 = arith.constant 16 : index
        %swap3A_647 = tpu.vector_load %arg8[%swap3A_645, %swap3A_646] {strides = array<i32>} : memref<128x64xf32, #tpu.memory_space<vmem>>, vector<16xf32>,
        tpu.vector_store %arg8[%swap3A_645, %swap3A_646], %mul3A_644 {strides = array<i32>} : memref<128x64xf32, #tpu.memory_space<vmem>>, vector<16xf32>,
        %mul3A_648 = arith.constant 8 : i32
        %mul3A_649 = arith.muli %scan3A_362, %mul3A_648 : i32
        %add3A_650 = arith.constant 5 : i32
        %add3A_651 = arith.addi %mul3A_649, %add3A_650 : i32
        %get3A_652 = arith.index_cast %add3A_651 : i32 to index
        %get3A_653 = arith.constant 32 : index
        %get3A_654 = tpu.vector_load %arg8[%get3A_652, %get3A_653] {strides = array<i32>} : memref<128x64xf32, #tpu.memory_space<vmem>>, vector<16xf32>,
        %mul3A_655 = arith.constant 8.000000e+00 : f32
        %mul3A_656 = vector.broadcast %mul3A_655 : f32 to vector<16xf32>
        %mul3A_657 = arith.mulf %get3A_654, %mul3A_656 : vector<16xf32>
        %swap3A_658 = arith.index_cast %add3A_651 : i32 to index
        %swap3A_659 = arith.constant 32 : index
        %swap3A_660 = tpu.vector_load %arg8[%swap3A_658, %swap3A_659] {strides = array<i32>} : memref<128x64xf32, #tpu.memory_space<vmem>>, vector<16xf32>,
        tpu.vector_store %arg8[%swap3A_658, %swap3A_659], %mul3A_657 {strides = array<i32>} : memref<128x64xf32, #tpu.memory_space<vmem>>, vector<16xf32>,
        %mul3A_661 = arith.constant 8 : i32
        %mul3A_662 = arith.muli %scan3A_362, %mul3A_661 : i32
        %add3A_663 = arith.constant 5 : i32
        %add3A_664 = arith.addi %mul3A_662, %add3A_663 : i32
        %get3A_665 = arith.index_cast %add3A_664 : i32 to index
        %get3A_666 = arith.constant 48 : index
        %get3A_667 = tpu.vector_load %arg8[%get3A_665, %get3A_666] {strides = array<i32>} : memref<128x64xf32, #tpu.memory_space<vmem>>, vector<16xf32>,
        %mul3A_668 = arith.constant 8.000000e+00 : f32
        %mul3A_669 = vector.broadcast %mul3A_668 : f32 to vector<16xf32>
        %mul3A_670 = arith.mulf %get3A_667, %mul3A_669 : vector<16xf32>
        %swap3A_671 = arith.index_cast %add3A_664 : i32 to index
        %swap3A_672 = arith.constant 48 : index
        %swap3A_673 = tpu.vector_load %arg8[%swap3A_671, %swap3A_672] {strides = array<i32>} : memref<128x64xf32, #tpu.memory_space<vmem>>, vector<16xf32>,
        tpu.vector_store %arg8[%swap3A_671, %swap3A_672], %mul3A_670 {strides = array<i32>} : memref<128x64xf32, #tpu.memory_space<vmem>>, vector<16xf32>,
        %mul3A_674 = arith.constant 8 : i32
        %mul3A_675 = arith.muli %scan3A_362, %mul3A_674 : i32
        %add3A_676 = arith.constant 6 : i32
        %add3A_677 = arith.addi %mul3A_675, %add3A_676 : i32
        %get3A_678 = arith.index_cast %add3A_677 : i32 to index
        %get3A_679 = arith.constant 0 : index
        %get3A_680 = tpu.vector_load %arg8[%get3A_678, %get3A_679] {strides = array<i32>} : memref<128x64xf32, #tpu.memory_space<vmem>>, vector<16xf32>,
        %mul3A_681 = arith.constant 8.000000e+00 : f32
        %mul3A_682 = vector.broadcast %mul3A_681 : f32 to vector<16xf32>
        %mul3A_683 = arith.mulf %get3A_680, %mul3A_682 : vector<16xf32>
        %swap3A_684 = arith.index_cast %add3A_677 : i32 to index
        %swap3A_685 = arith.constant 0 : index
        %swap3A_686 = tpu.vector_load %arg8[%swap3A_684, %swap3A_685] {strides = array<i32>} : memref<128x64xf32, #tpu.memory_space<vmem>>, vector<16xf32>,
        tpu.vector_store %arg8[%swap3A_684, %swap3A_685], %mul3A_683 {strides = array<i32>} : memref<128x64xf32, #tpu.memory_space<vmem>>, vector<16xf32>,
        %mul3A_687 = arith.constant 8 : i32
        %mul3A_688 = arith.muli %scan3A_362, %mul3A_687 : i32
        %add3A_689 = arith.constant 6 : i32
        %add3A_690 = arith.addi %mul3A_688, %add3A_689 : i32
        %get3A_691 = arith.index_cast %add3A_690 : i32 to index
        %get3A_692 = arith.constant 16 : index
        %get3A_693 = tpu.vector_load %arg8[%get3A_691, %get3A_692] {strides = array<i32>} : memref<128x64xf32, #tpu.memory_space<vmem>>, vector<16xf32>,
        %mul3A_694 = arith.constant 8.000000e+00 : f32
        %mul3A_695 = vector.broadcast %mul3A_694 : f32 to vector<16xf32>
        %mul3A_696 = arith.mulf %get3A_693, %mul3A_695 : vector<16xf32>
        %swap3A_697 = arith.index_cast %add3A_690 : i32 to index
        %swap3A_698 = arith.constant 16 : index
        %swap3A_699 = tpu.vector_load %arg8[%swap3A_697, %swap3A_698] {strides = array<i32>} : memref<128x64xf32, #tpu.memory_space<vmem>>, vector<16xf32>,
        tpu.vector_store %arg8[%swap3A_697, %swap3A_698], %mul3A_696 {strides = array<i32>} : memref<128x64xf32, #tpu.memory_space<vmem>>, vector<16xf32>,
        %mul3A_700 = arith.constant 8 : i32
        %mul3A_701 = arith.muli %scan3A_362, %mul3A_700 : i32
        %add3A_702 = arith.constant 6 : i32
        %add3A_703 = arith.addi %mul3A_701, %add3A_702 : i32
        %get3A_704 = arith.index_cast %add3A_703 : i32 to index
        %get3A_705 = arith.constant 32 : index
        %get3A_706 = tpu.vector_load %arg8[%get3A_704, %get3A_705] {strides = array<i32>} : memref<128x64xf32, #tpu.memory_space<vmem>>, vector<16xf32>,
        %mul3A_707 = arith.constant 8.000000e+00 : f32
        %mul3A_708 = vector.broadcast %mul3A_707 : f32 to vector<16xf32>
        %mul3A_709 = arith.mulf %get3A_706, %mul3A_708 : vector<16xf32>
        %swap3A_710 = arith.index_cast %add3A_703 : i32 to index
        %swap3A_711 = arith.constant 32 : index
        %swap3A_712 = tpu.vector_load %arg8[%swap3A_710, %swap3A_711] {strides = array<i32>} : memref<128x64xf32, #tpu.memory_space<vmem>>, vector<16xf32>,
        tpu.vector_store %arg8[%swap3A_710, %swap3A_711], %mul3A_709 {strides = array<i32>} : memref<128x64xf32, #tpu.memory_space<vmem>>, vector<16xf32>,
        %mul3A_713 = arith.constant 8 : i32
        %mul3A_714 = arith.muli %scan3A_362, %mul3A_713 : i32
        %add3A_715 = arith.constant 6 : i32
        %add3A_716 = arith.addi %mul3A_714, %add3A_715 : i32
        %get3A_717 = arith.index_cast %add3A_716 : i32 to index
        %get3A_718 = arith.constant 48 : index
        %get3A_719 = tpu.vector_load %arg8[%get3A_717, %get3A_718] {strides = array<i32>} : memref<128x64xf32, #tpu.memory_space<vmem>>, vector<16xf32>,
        %mul3A_720 = arith.constant 8.000000e+00 : f32
        %mul3A_721 = vector.broadcast %mul3A_720 : f32 to vector<16xf32>
        %mul3A_722 = arith.mulf %get3A_719, %mul3A_721 : vector<16xf32>
        %swap3A_723 = arith.index_cast %add3A_716 : i32 to index
        %swap3A_724 = arith.constant 48 : index
        %swap3A_725 = tpu.vector_load %arg8[%swap3A_723, %swap3A_724] {strides = array<i32>} : memref<128x64xf32, #tpu.memory_space<vmem>>, vector<16xf32>,
        tpu.vector_store %arg8[%swap3A_723, %swap3A_724], %mul3A_722 {strides = array<i32>} : memref<128x64xf32, #tpu.memory_space<vmem>>, vector<16xf32>,
        %mul3A_726 = arith.constant 8 : i32
        %mul3A_727 = arith.muli %scan3A_362, %mul3A_726 : i32
        %add3A_728 = arith.constant 7 : i32
        %add3A_729 = arith.addi %mul3A_727, %add3A_728 : i32
        %get3A_730 = arith.index_cast %add3A_729 : i32 to index
        %get3A_731 = arith.constant 0 : index
        %get3A_732 = tpu.vector_load %arg8[%get3A_730, %get3A_731] {strides = array<i32>} : memref<128x64xf32, #tpu.memory_space<vmem>>, vector<16xf32>,
        %mul3A_733 = arith.constant 8.000000e+00 : f32
        %mul3A_734 = vector.broadcast %mul3A_733 : f32 to vector<16xf32>
        %mul3A_735 = arith.mulf %get3A_732, %mul3A_734 : vector<16xf32>
        %swap3A_736 = arith.index_cast %add3A_729 : i32 to index
        %swap3A_737 = arith.constant 0 : index
        %swap3A_738 = tpu.vector_load %arg8[%swap3A_736, %swap3A_737] {strides = array<i32>} : memref<128x64xf32, #tpu.memory_space<vmem>>, vector<16xf32>,
        tpu.vector_store %arg8[%swap3A_736, %swap3A_737], %mul3A_735 {strides = array<i32>} : memref<128x64xf32, #tpu.memory_space<vmem>>, vector<16xf32>,
        %mul3A_739 = arith.constant 8 : i32
        %mul3A_740 = arith.muli %scan3A_362, %mul3A_739 : i32
        %add3A_741 = arith.constant 7 : i32
        %add3A_742 = arith.addi %mul3A_740, %add3A_741 : i32
        %get3A_743 = arith.index_cast %add3A_742 : i32 to index
        %get3A_744 = arith.constant 16 : index
        %get3A_745 = tpu.vector_load %arg8[%get3A_743, %get3A_744] {strides = array<i32>} : memref<128x64xf32, #tpu.memory_space<vmem>>, vector<16xf32>,
        %mul3A_746 = arith.constant 8.000000e+00 : f32
        %mul3A_747 = vector.broadcast %mul3A_746 : f32 to vector<16xf32>
        %mul3A_748 = arith.mulf %get3A_745, %mul3A_747 : vector<16xf32>
        %swap3A_749 = arith.index_cast %add3A_742 : i32 to index
        %swap3A_750 = arith.constant 16 : index
        %swap3A_751 = tpu.vector_load %arg8[%swap3A_749, %swap3A_750] {strides = array<i32>} : memref<128x64xf32, #tpu.memory_space<vmem>>, vector<16xf32>,
        tpu.vector_store %arg8[%swap3A_749, %swap3A_750], %mul3A_748 {strides = array<i32>} : memref<128x64xf32, #tpu.memory_space<vmem>>, vector<16xf32>,
        %mul3A_752 = arith.constant 8 : i32
        %mul3A_753 = arith.muli %scan3A_362, %mul3A_752 : i32
        %add3A_754 = arith.constant 7 : i32
        %add3A_755 = arith.addi %mul3A_753, %add3A_754 : i32
        %get3A_756 = arith.index_cast %add3A_755 : i32 to index
        %get3A_757 = arith.constant 32 : index
        %get3A_758 = tpu.vector_load %arg8[%get3A_756, %get3A_757] {strides = array<i32>} : memref<128x64xf32, #tpu.memory_space<vmem>>, vector<16xf32>,
        %mul3A_759 = arith.constant 8.000000e+00 : f32
        %mul3A_760 = vector.broadcast %mul3A_759 : f32 to vector<16xf32>
        %mul3A_761 = arith.mulf %get3A_758, %mul3A_760 : vector<16xf32>
        %swap3A_762 = arith.index_cast %add3A_755 : i32 to index
        %swap3A_763 = arith.constant 32 : index
        %swap3A_764 = tpu.vector_load %arg8[%swap3A_762, %swap3A_763] {strides = array<i32>} : memref<128x64xf32, #tpu.memory_space<vmem>>, vector<16xf32>,
        tpu.vector_store %arg8[%swap3A_762, %swap3A_763], %mul3A_761 {strides = array<i32>} : memref<128x64xf32, #tpu.memory_space<vmem>>, vector<16xf32>,
        %mul3A_765 = arith.constant 8 : i32
        %mul3A_766 = arith.muli %scan3A_362, %mul3A_765 : i32
        %add3A_767 = arith.constant 7 : i32
        %add3A_768 = arith.addi %mul3A_766, %add3A_767 : i32
        %get3A_769 = arith.index_cast %add3A_768 : i32 to index
        %get3A_770 = arith.constant 48 : index
        %get3A_771 = tpu.vector_load %arg8[%get3A_769, %get3A_770] {strides = array<i32>} : memref<128x64xf32, #tpu.memory_space<vmem>>, vector<16xf32>,
        %mul3A_772 = arith.constant 8.000000e+00 : f32
        %mul3A_773 = vector.broadcast %mul3A_772 : f32 to vector<16xf32>
        %mul3A_774 = arith.mulf %get3A_771, %mul3A_773 : vector<16xf32>
        %swap3A_775 = arith.index_cast %add3A_768 : i32 to index
        %swap3A_776 = arith.constant 48 : index
        %swap3A_777 = tpu.vector_load %arg8[%swap3A_775, %swap3A_776] {strides = array<i32>} : memref<128x64xf32, #tpu.memory_space<vmem>>, vector<16xf32>,
        tpu.vector_store %arg8[%swap3A_775, %swap3A_776], %mul3A_774 {strides = array<i32>} : memref<128x64xf32, #tpu.memory_space<vmem>>, vector<16xf32>,
        %scan3A_778 = arith.constant 0 : i32
        scf.yield %scan3A_778 : i32
      }
      %scan3A_159 = arith.constant 16 : i32
      %mul3A_160 = arith.constant 25600 : i32
      %mul3A_161 = arith.muli %add3A, %mul3A_160 : i32
      %mul3A_162 = arith.constant 128 : i32
      %mul3A_163 = arith.muli %add3A_146, %mul3A_162 : i32
      %add3A_164 = arith.addi %mul3A_161, %mul3A_163 : i32
      %dma_start3A_165 = arith.constant 0 : i32
      %dma_start3A_166 = tpu.memref_slice %arg4[%add3A_164, %dma_start3A_165] : memref<819200x128xf32, #tpu.memory_space<hbm>> -> memref<128x64xf32, #tpu.memory_space<hbm>>
      %dma_start3A_167 = arith.constant 0 : i32
      %dma_start3A_168 = tpu.memref_slice %arg4[%add3A_164, %dma_start3A_167] : memref<819200x128xf32, #tpu.memory_space<hbm>> -> memref<128x64xf32, #tpu.memory_space<hbm>>
      tpu.enqueue_dma source(%arg8 : memref<128x64xf32, #tpu.memory_space<vmem>>) target(%dma_start3A_168 : memref<128x64xf32, #tpu.memory_space<hbm>>) target_semaphore(%arg24 : memref<!tpu.dma_semaphore, #tpu.memory_space<semaphore_mem>>)
      %ge3A_169 = arith.constant 4 : i32
      %ge3A_170 = arith.cmpi sge, %add3A_146, %ge3A_169 : i32
      %convert_element_type3A_171 = arith.extui %ge3A_170 : i1 to i32
      %cond3A_172 = arith.constant 0 : i32
      %cond3A_173 = arith.cmpi ne, %convert_element_type3A_171, %cond3A_172 : i32
      scf.if %cond3A_173 {
        %dma_wait3A_362 = arith.constant 0 : i32
        %dma_wait3A_363 = arith.constant 0 : i32
        %dma_wait3A_364 = tpu.memref_slice %arg4[%dma_wait3A_362, %dma_wait3A_363] : memref<819200x128xf32, #tpu.memory_space<hbm>> -> memref<128x64xf32, #tpu.memory_space<hbm>>
        %dma_wait3A_365 = arith.constant 0 : i32
        %dma_wait3A_366 = arith.constant 0 : i32
        %dma_wait3A_367 = tpu.memref_slice %arg4[%dma_wait3A_365, %dma_wait3A_366] : memref<819200x128xf32, #tpu.memory_space<hbm>> -> memref<128x64xf32, #tpu.memory_space<hbm>>
        tpu.wait_dma2 semaphore(%arg28 : memref<!tpu.dma_semaphore, #tpu.memory_space<semaphore_mem>>) src(%arg12 : memref<128x64xf32, #tpu.memory_space<vmem>>) dst(%dma_wait3A_367 : memref<128x64xf32, #tpu.memory_space<hbm>>)
      } else {
      }
      %add3A_174 = arith.constant 4 : i32
      %add3A_175 = arith.addi %add3A_146, %add3A_174 : i32
      %lt3A_176 = arith.constant 200 : i32
      %lt3A_177 = arith.cmpi slt, %add3A_175, %lt3A_176 : i32
      %convert_element_type3A_178 = arith.extui %lt3A_177 : i1 to i32
      %cond3A_179 = arith.constant 0 : i32
      %cond3A_180 = arith.cmpi ne, %convert_element_type3A_178, %cond3A_179 : i32
      scf.if %cond3A_180 {
        %add3A_362 = arith.constant 4 : i32
        %add3A_363 = arith.addi %add3A_146, %add3A_362 : i32
        %dma_start3A_364 = arith.constant 0 : i32
        %dma_start3A_365 = tpu.memref_slice %arg5[%add3A_363, %dma_start3A_364] : memref<200x128xi32, #tpu.memory_space<vmem>> -> memref<1x128xi32, #tpu.memory_space<vmem>>
        %dma_start3A_366 = tpu.memref_squeeze %dma_start3A_365 : memref<1x128xi32, #tpu.memory_space<vmem>> -> memref<128xi32, #tpu.memory_space<vmem>>
        %dma_start3A_367 = arith.constant 0 : i32
        %dma_start3A_368 = arith.constant 0 : i32
        %dma_start3A_369 = tpu.memref_slice %arg3[%dma_start3A_367, %dma_start3A_368] : memref<1000000x64xf32, #tpu.memory_space<hbm>> -> memref<1000000x64xf32, #tpu.memory_space<hbm>>
        tpu.enqueue_indirect_dma source(%dma_start3A_369 : memref<1000000x64xf32, #tpu.memory_space<hbm>>) target(%arg12 : memref<128x64xf32, #tpu.memory_space<vmem>>) offsets(%dma_start3A_366 : memref<128xi32, #tpu.memory_space<vmem>>) semaphore(%arg20 : memref<!tpu.dma_semaphore, #tpu.memory_space<semaphore_mem>>)
      } else {
      }
      %add3A_181 = arith.constant 3 : i32
      %add3A_182 = arith.addi %mul3A_76, %add3A_181 : i32
      %dma_wait3A_183 = arith.constant 0 : i32
      %dma_wait3A_184 = tpu.memref_slice %arg5[%add3A_182, %dma_wait3A_183] : memref<200x128xi32, #tpu.memory_space<vmem>> -> memref<1x128xi32, #tpu.memory_space<vmem>>
      %dma_wait3A_185 = tpu.memref_squeeze %dma_wait3A_184 : memref<1x128xi32, #tpu.memory_space<vmem>> -> memref<128xi32, #tpu.memory_space<vmem>>
      %dma_wait3A_186 = arith.constant 0 : i32
      %dma_wait3A_187 = arith.constant 0 : i32
      %dma_wait3A_188 = tpu.memref_slice %arg3[%dma_wait3A_186, %dma_wait3A_187] : memref<1000000x64xf32, #tpu.memory_space<hbm>> -> memref<1000000x64xf32, #tpu.memory_space<hbm>>
      tpu.wait_indirect_dma semaphore(%arg17 : memref<!tpu.dma_semaphore, #tpu.memory_space<semaphore_mem>>) src(%dma_wait3A_188 : memref<1000000x64xf32, #tpu.memory_space<hbm>>) dst(%arg9 : memref<128x64xf32, #tpu.memory_space<vmem>>)
      %scan3A_189 = arith.constant 0 : i32
      %scan3A_190 = arith.constant 0 : i32
      %scan3A_191 = arith.constant 16 : i32
      %scan3A_192 = arith.addi %scan3A_190, %scan3A_191 : i32
      %scan3A_193 = arith.constant 1 : i32
      %scan3A_194 = scf.for %scan3A_362 = %scan3A_190 to %scan3A_192 step %scan3A_193 iter_args(%scan3A_363 = %scan3A_189) -> (i32)  : i32 {
        %mul3A_364 = arith.constant 8 : i32
        %mul3A_365 = arith.muli %scan3A_362, %mul3A_364 : i32
        %add3A_366 = arith.constant 0 : i32
        %add3A_367 = arith.addi %mul3A_365, %add3A_366 : i32
        %get3A = arith.index_cast %add3A_367 : i32 to index
        %get3A_368 = arith.constant 0 : index
        %get3A_369 = tpu.vector_load %arg9[%get3A, %get3A_368] {strides = array<i32>} : memref<128x64xf32, #tpu.memory_space<vmem>>, vector<16xf32>,
        %mul3A_370 = arith.constant 8.000000e+00 : f32
        %mul3A_371 = vector.broadcast %mul3A_370 : f32 to vector<16xf32>
        %mul3A_372 = arith.mulf %get3A_369, %mul3A_371 : vector<16xf32>
        %swap3A = arith.index_cast %add3A_367 : i32 to index
        %swap3A_373 = arith.constant 0 : index
        %swap3A_374 = tpu.vector_load %arg9[%swap3A, %swap3A_373] {strides = array<i32>} : memref<128x64xf32, #tpu.memory_space<vmem>>, vector<16xf32>,
        tpu.vector_store %arg9[%swap3A, %swap3A_373], %mul3A_372 {strides = array<i32>} : memref<128x64xf32, #tpu.memory_space<vmem>>, vector<16xf32>,
        %mul3A_375 = arith.constant 8 : i32
        %mul3A_376 = arith.muli %scan3A_362, %mul3A_375 : i32
        %add3A_377 = arith.constant 0 : i32
        %add3A_378 = arith.addi %mul3A_376, %add3A_377 : i32
        %get3A_379 = arith.index_cast %add3A_378 : i32 to index
        %get3A_380 = arith.constant 16 : index
        %get3A_381 = tpu.vector_load %arg9[%get3A_379, %get3A_380] {strides = array<i32>} : memref<128x64xf32, #tpu.memory_space<vmem>>, vector<16xf32>,
        %mul3A_382 = arith.constant 8.000000e+00 : f32
        %mul3A_383 = vector.broadcast %mul3A_382 : f32 to vector<16xf32>
        %mul3A_384 = arith.mulf %get3A_381, %mul3A_383 : vector<16xf32>
        %swap3A_385 = arith.index_cast %add3A_378 : i32 to index
        %swap3A_386 = arith.constant 16 : index
        %swap3A_387 = tpu.vector_load %arg9[%swap3A_385, %swap3A_386] {strides = array<i32>} : memref<128x64xf32, #tpu.memory_space<vmem>>, vector<16xf32>,
        tpu.vector_store %arg9[%swap3A_385, %swap3A_386], %mul3A_384 {strides = array<i32>} : memref<128x64xf32, #tpu.memory_space<vmem>>, vector<16xf32>,
        %mul3A_388 = arith.constant 8 : i32
        %mul3A_389 = arith.muli %scan3A_362, %mul3A_388 : i32
        %add3A_390 = arith.constant 0 : i32
        %add3A_391 = arith.addi %mul3A_389, %add3A_390 : i32
        %get3A_392 = arith.index_cast %add3A_391 : i32 to index
        %get3A_393 = arith.constant 32 : index
        %get3A_394 = tpu.vector_load %arg9[%get3A_392, %get3A_393] {strides = array<i32>} : memref<128x64xf32, #tpu.memory_space<vmem>>, vector<16xf32>,
        %mul3A_395 = arith.constant 8.000000e+00 : f32
        %mul3A_396 = vector.broadcast %mul3A_395 : f32 to vector<16xf32>
        %mul3A_397 = arith.mulf %get3A_394, %mul3A_396 : vector<16xf32>
        %swap3A_398 = arith.index_cast %add3A_391 : i32 to index
        %swap3A_399 = arith.constant 32 : index
        %swap3A_400 = tpu.vector_load %arg9[%swap3A_398, %swap3A_399] {strides = array<i32>} : memref<128x64xf32, #tpu.memory_space<vmem>>, vector<16xf32>,
        tpu.vector_store %arg9[%swap3A_398, %swap3A_399], %mul3A_397 {strides = array<i32>} : memref<128x64xf32, #tpu.memory_space<vmem>>, vector<16xf32>,
        %mul3A_401 = arith.constant 8 : i32
        %mul3A_402 = arith.muli %scan3A_362, %mul3A_401 : i32
        %add3A_403 = arith.constant 0 : i32
        %add3A_404 = arith.addi %mul3A_402, %add3A_403 : i32
        %get3A_405 = arith.index_cast %add3A_404 : i32 to index
        %get3A_406 = arith.constant 48 : index
        %get3A_407 = tpu.vector_load %arg9[%get3A_405, %get3A_406] {strides = array<i32>} : memref<128x64xf32, #tpu.memory_space<vmem>>, vector<16xf32>,
        %mul3A_408 = arith.constant 8.000000e+00 : f32
        %mul3A_409 = vector.broadcast %mul3A_408 : f32 to vector<16xf32>
        %mul3A_410 = arith.mulf %get3A_407, %mul3A_409 : vector<16xf32>
        %swap3A_411 = arith.index_cast %add3A_404 : i32 to index
        %swap3A_412 = arith.constant 48 : index
        %swap3A_413 = tpu.vector_load %arg9[%swap3A_411, %swap3A_412] {strides = array<i32>} : memref<128x64xf32, #tpu.memory_space<vmem>>, vector<16xf32>,
        tpu.vector_store %arg9[%swap3A_411, %swap3A_412], %mul3A_410 {strides = array<i32>} : memref<128x64xf32, #tpu.memory_space<vmem>>, vector<16xf32>,
        %mul3A_414 = arith.constant 8 : i32
        %mul3A_415 = arith.muli %scan3A_362, %mul3A_414 : i32
        %add3A_416 = arith.constant 1 : i32
        %add3A_417 = arith.addi %mul3A_415, %add3A_416 : i32
        %get3A_418 = arith.index_cast %add3A_417 : i32 to index
        %get3A_419 = arith.constant 0 : index
        %get3A_420 = tpu.vector_load %arg9[%get3A_418, %get3A_419] {strides = array<i32>} : memref<128x64xf32, #tpu.memory_space<vmem>>, vector<16xf32>,
        %mul3A_421 = arith.constant 8.000000e+00 : f32
        %mul3A_422 = vector.broadcast %mul3A_421 : f32 to vector<16xf32>
        %mul3A_423 = arith.mulf %get3A_420, %mul3A_422 : vector<16xf32>
        %swap3A_424 = arith.index_cast %add3A_417 : i32 to index
        %swap3A_425 = arith.constant 0 : index
        %swap3A_426 = tpu.vector_load %arg9[%swap3A_424, %swap3A_425] {strides = array<i32>} : memref<128x64xf32, #tpu.memory_space<vmem>>, vector<16xf32>,
        tpu.vector_store %arg9[%swap3A_424, %swap3A_425], %mul3A_423 {strides = array<i32>} : memref<128x64xf32, #tpu.memory_space<vmem>>, vector<16xf32>,
        %mul3A_427 = arith.constant 8 : i32
        %mul3A_428 = arith.muli %scan3A_362, %mul3A_427 : i32
        %add3A_429 = arith.constant 1 : i32
        %add3A_430 = arith.addi %mul3A_428, %add3A_429 : i32
        %get3A_431 = arith.index_cast %add3A_430 : i32 to index
        %get3A_432 = arith.constant 16 : index
        %get3A_433 = tpu.vector_load %arg9[%get3A_431, %get3A_432] {strides = array<i32>} : memref<128x64xf32, #tpu.memory_space<vmem>>, vector<16xf32>,
        %mul3A_434 = arith.constant 8.000000e+00 : f32
        %mul3A_435 = vector.broadcast %mul3A_434 : f32 to vector<16xf32>
        %mul3A_436 = arith.mulf %get3A_433, %mul3A_435 : vector<16xf32>
        %swap3A_437 = arith.index_cast %add3A_430 : i32 to index
        %swap3A_438 = arith.constant 16 : index
        %swap3A_439 = tpu.vector_load %arg9[%swap3A_437, %swap3A_438] {strides = array<i32>} : memref<128x64xf32, #tpu.memory_space<vmem>>, vector<16xf32>,
        tpu.vector_store %arg9[%swap3A_437, %swap3A_438], %mul3A_436 {strides = array<i32>} : memref<128x64xf32, #tpu.memory_space<vmem>>, vector<16xf32>,
        %mul3A_440 = arith.constant 8 : i32
        %mul3A_441 = arith.muli %scan3A_362, %mul3A_440 : i32
        %add3A_442 = arith.constant 1 : i32
        %add3A_443 = arith.addi %mul3A_441, %add3A_442 : i32
        %get3A_444 = arith.index_cast %add3A_443 : i32 to index
        %get3A_445 = arith.constant 32 : index
        %get3A_446 = tpu.vector_load %arg9[%get3A_444, %get3A_445] {strides = array<i32>} : memref<128x64xf32, #tpu.memory_space<vmem>>, vector<16xf32>,
        %mul3A_447 = arith.constant 8.000000e+00 : f32
        %mul3A_448 = vector.broadcast %mul3A_447 : f32 to vector<16xf32>
        %mul3A_449 = arith.mulf %get3A_446, %mul3A_448 : vector<16xf32>
        %swap3A_450 = arith.index_cast %add3A_443 : i32 to index
        %swap3A_451 = arith.constant 32 : index
        %swap3A_452 = tpu.vector_load %arg9[%swap3A_450, %swap3A_451] {strides = array<i32>} : memref<128x64xf32, #tpu.memory_space<vmem>>, vector<16xf32>,
        tpu.vector_store %arg9[%swap3A_450, %swap3A_451], %mul3A_449 {strides = array<i32>} : memref<128x64xf32, #tpu.memory_space<vmem>>, vector<16xf32>,
        %mul3A_453 = arith.constant 8 : i32
        %mul3A_454 = arith.muli %scan3A_362, %mul3A_453 : i32
        %add3A_455 = arith.constant 1 : i32
        %add3A_456 = arith.addi %mul3A_454, %add3A_455 : i32
        %get3A_457 = arith.index_cast %add3A_456 : i32 to index
        %get3A_458 = arith.constant 48 : index
        %get3A_459 = tpu.vector_load %arg9[%get3A_457, %get3A_458] {strides = array<i32>} : memref<128x64xf32, #tpu.memory_space<vmem>>, vector<16xf32>,
        %mul3A_460 = arith.constant 8.000000e+00 : f32
        %mul3A_461 = vector.broadcast %mul3A_460 : f32 to vector<16xf32>
        %mul3A_462 = arith.mulf %get3A_459, %mul3A_461 : vector<16xf32>
        %swap3A_463 = arith.index_cast %add3A_456 : i32 to index
        %swap3A_464 = arith.constant 48 : index
        %swap3A_465 = tpu.vector_load %arg9[%swap3A_463, %swap3A_464] {strides = array<i32>} : memref<128x64xf32, #tpu.memory_space<vmem>>, vector<16xf32>,
        tpu.vector_store %arg9[%swap3A_463, %swap3A_464], %mul3A_462 {strides = array<i32>} : memref<128x64xf32, #tpu.memory_space<vmem>>, vector<16xf32>,
        %mul3A_466 = arith.constant 8 : i32
        %mul3A_467 = arith.muli %scan3A_362, %mul3A_466 : i32
        %add3A_468 = arith.constant 2 : i32
        %add3A_469 = arith.addi %mul3A_467, %add3A_468 : i32
        %get3A_470 = arith.index_cast %add3A_469 : i32 to index
        %get3A_471 = arith.constant 0 : index
        %get3A_472 = tpu.vector_load %arg9[%get3A_470, %get3A_471] {strides = array<i32>} : memref<128x64xf32, #tpu.memory_space<vmem>>, vector<16xf32>,
        %mul3A_473 = arith.constant 8.000000e+00 : f32
        %mul3A_474 = vector.broadcast %mul3A_473 : f32 to vector<16xf32>
        %mul3A_475 = arith.mulf %get3A_472, %mul3A_474 : vector<16xf32>
        %swap3A_476 = arith.index_cast %add3A_469 : i32 to index
        %swap3A_477 = arith.constant 0 : index
        %swap3A_478 = tpu.vector_load %arg9[%swap3A_476, %swap3A_477] {strides = array<i32>} : memref<128x64xf32, #tpu.memory_space<vmem>>, vector<16xf32>,
        tpu.vector_store %arg9[%swap3A_476, %swap3A_477], %mul3A_475 {strides = array<i32>} : memref<128x64xf32, #tpu.memory_space<vmem>>, vector<16xf32>,
        %mul3A_479 = arith.constant 8 : i32
        %mul3A_480 = arith.muli %scan3A_362, %mul3A_479 : i32
        %add3A_481 = arith.constant 2 : i32
        %add3A_482 = arith.addi %mul3A_480, %add3A_481 : i32
        %get3A_483 = arith.index_cast %add3A_482 : i32 to index
        %get3A_484 = arith.constant 16 : index
        %get3A_485 = tpu.vector_load %arg9[%get3A_483, %get3A_484] {strides = array<i32>} : memref<128x64xf32, #tpu.memory_space<vmem>>, vector<16xf32>,
        %mul3A_486 = arith.constant 8.000000e+00 : f32
        %mul3A_487 = vector.broadcast %mul3A_486 : f32 to vector<16xf32>
        %mul3A_488 = arith.mulf %get3A_485, %mul3A_487 : vector<16xf32>
        %swap3A_489 = arith.index_cast %add3A_482 : i32 to index
        %swap3A_490 = arith.constant 16 : index
        %swap3A_491 = tpu.vector_load %arg9[%swap3A_489, %swap3A_490] {strides = array<i32>} : memref<128x64xf32, #tpu.memory_space<vmem>>, vector<16xf32>,
        tpu.vector_store %arg9[%swap3A_489, %swap3A_490], %mul3A_488 {strides = array<i32>} : memref<128x64xf32, #tpu.memory_space<vmem>>, vector<16xf32>,
        %mul3A_492 = arith.constant 8 : i32
        %mul3A_493 = arith.muli %scan3A_362, %mul3A_492 : i32
        %add3A_494 = arith.constant 2 : i32
        %add3A_495 = arith.addi %mul3A_493, %add3A_494 : i32
        %get3A_496 = arith.index_cast %add3A_495 : i32 to index
        %get3A_497 = arith.constant 32 : index
        %get3A_498 = tpu.vector_load %arg9[%get3A_496, %get3A_497] {strides = array<i32>} : memref<128x64xf32, #tpu.memory_space<vmem>>, vector<16xf32>,
        %mul3A_499 = arith.constant 8.000000e+00 : f32
        %mul3A_500 = vector.broadcast %mul3A_499 : f32 to vector<16xf32>
        %mul3A_501 = arith.mulf %get3A_498, %mul3A_500 : vector<16xf32>
        %swap3A_502 = arith.index_cast %add3A_495 : i32 to index
        %swap3A_503 = arith.constant 32 : index
        %swap3A_504 = tpu.vector_load %arg9[%swap3A_502, %swap3A_503] {strides = array<i32>} : memref<128x64xf32, #tpu.memory_space<vmem>>, vector<16xf32>,
        tpu.vector_store %arg9[%swap3A_502, %swap3A_503], %mul3A_501 {strides = array<i32>} : memref<128x64xf32, #tpu.memory_space<vmem>>, vector<16xf32>,
        %mul3A_505 = arith.constant 8 : i32
        %mul3A_506 = arith.muli %scan3A_362, %mul3A_505 : i32
        %add3A_507 = arith.constant 2 : i32
        %add3A_508 = arith.addi %mul3A_506, %add3A_507 : i32
        %get3A_509 = arith.index_cast %add3A_508 : i32 to index
        %get3A_510 = arith.constant 48 : index
        %get3A_511 = tpu.vector_load %arg9[%get3A_509, %get3A_510] {strides = array<i32>} : memref<128x64xf32, #tpu.memory_space<vmem>>, vector<16xf32>,
        %mul3A_512 = arith.constant 8.000000e+00 : f32
        %mul3A_513 = vector.broadcast %mul3A_512 : f32 to vector<16xf32>
        %mul3A_514 = arith.mulf %get3A_511, %mul3A_513 : vector<16xf32>
        %swap3A_515 = arith.index_cast %add3A_508 : i32 to index
        %swap3A_516 = arith.constant 48 : index
        %swap3A_517 = tpu.vector_load %arg9[%swap3A_515, %swap3A_516] {strides = array<i32>} : memref<128x64xf32, #tpu.memory_space<vmem>>, vector<16xf32>,
        tpu.vector_store %arg9[%swap3A_515, %swap3A_516], %mul3A_514 {strides = array<i32>} : memref<128x64xf32, #tpu.memory_space<vmem>>, vector<16xf32>,
        %mul3A_518 = arith.constant 8 : i32
        %mul3A_519 = arith.muli %scan3A_362, %mul3A_518 : i32
        %add3A_520 = arith.constant 3 : i32
        %add3A_521 = arith.addi %mul3A_519, %add3A_520 : i32
        %get3A_522 = arith.index_cast %add3A_521 : i32 to index
        %get3A_523 = arith.constant 0 : index
        %get3A_524 = tpu.vector_load %arg9[%get3A_522, %get3A_523] {strides = array<i32>} : memref<128x64xf32, #tpu.memory_space<vmem>>, vector<16xf32>,
        %mul3A_525 = arith.constant 8.000000e+00 : f32
        %mul3A_526 = vector.broadcast %mul3A_525 : f32 to vector<16xf32>
        %mul3A_527 = arith.mulf %get3A_524, %mul3A_526 : vector<16xf32>
        %swap3A_528 = arith.index_cast %add3A_521 : i32 to index
        %swap3A_529 = arith.constant 0 : index
        %swap3A_530 = tpu.vector_load %arg9[%swap3A_528, %swap3A_529] {strides = array<i32>} : memref<128x64xf32, #tpu.memory_space<vmem>>, vector<16xf32>,
        tpu.vector_store %arg9[%swap3A_528, %swap3A_529], %mul3A_527 {strides = array<i32>} : memref<128x64xf32, #tpu.memory_space<vmem>>, vector<16xf32>,
        %mul3A_531 = arith.constant 8 : i32
        %mul3A_532 = arith.muli %scan3A_362, %mul3A_531 : i32
        %add3A_533 = arith.constant 3 : i32
        %add3A_534 = arith.addi %mul3A_532, %add3A_533 : i32
        %get3A_535 = arith.index_cast %add3A_534 : i32 to index
        %get3A_536 = arith.constant 16 : index
        %get3A_537 = tpu.vector_load %arg9[%get3A_535, %get3A_536] {strides = array<i32>} : memref<128x64xf32, #tpu.memory_space<vmem>>, vector<16xf32>,
        %mul3A_538 = arith.constant 8.000000e+00 : f32
        %mul3A_539 = vector.broadcast %mul3A_538 : f32 to vector<16xf32>
        %mul3A_540 = arith.mulf %get3A_537, %mul3A_539 : vector<16xf32>
        %swap3A_541 = arith.index_cast %add3A_534 : i32 to index
        %swap3A_542 = arith.constant 16 : index
        %swap3A_543 = tpu.vector_load %arg9[%swap3A_541, %swap3A_542] {strides = array<i32>} : memref<128x64xf32, #tpu.memory_space<vmem>>, vector<16xf32>,
        tpu.vector_store %arg9[%swap3A_541, %swap3A_542], %mul3A_540 {strides = array<i32>} : memref<128x64xf32, #tpu.memory_space<vmem>>, vector<16xf32>,
        %mul3A_544 = arith.constant 8 : i32
        %mul3A_545 = arith.muli %scan3A_362, %mul3A_544 : i32
        %add3A_546 = arith.constant 3 : i32
        %add3A_547 = arith.addi %mul3A_545, %add3A_546 : i32
        %get3A_548 = arith.index_cast %add3A_547 : i32 to index
        %get3A_549 = arith.constant 32 : index
        %get3A_550 = tpu.vector_load %arg9[%get3A_548, %get3A_549] {strides = array<i32>} : memref<128x64xf32, #tpu.memory_space<vmem>>, vector<16xf32>,
        %mul3A_551 = arith.constant 8.000000e+00 : f32
        %mul3A_552 = vector.broadcast %mul3A_551 : f32 to vector<16xf32>
        %mul3A_553 = arith.mulf %get3A_550, %mul3A_552 : vector<16xf32>
        %swap3A_554 = arith.index_cast %add3A_547 : i32 to index
        %swap3A_555 = arith.constant 32 : index
        %swap3A_556 = tpu.vector_load %arg9[%swap3A_554, %swap3A_555] {strides = array<i32>} : memref<128x64xf32, #tpu.memory_space<vmem>>, vector<16xf32>,
        tpu.vector_store %arg9[%swap3A_554, %swap3A_555], %mul3A_553 {strides = array<i32>} : memref<128x64xf32, #tpu.memory_space<vmem>>, vector<16xf32>,
        %mul3A_557 = arith.constant 8 : i32
        %mul3A_558 = arith.muli %scan3A_362, %mul3A_557 : i32
        %add3A_559 = arith.constant 3 : i32
        %add3A_560 = arith.addi %mul3A_558, %add3A_559 : i32
        %get3A_561 = arith.index_cast %add3A_560 : i32 to index
        %get3A_562 = arith.constant 48 : index
        %get3A_563 = tpu.vector_load %arg9[%get3A_561, %get3A_562] {strides = array<i32>} : memref<128x64xf32, #tpu.memory_space<vmem>>, vector<16xf32>,
        %mul3A_564 = arith.constant 8.000000e+00 : f32
        %mul3A_565 = vector.broadcast %mul3A_564 : f32 to vector<16xf32>
        %mul3A_566 = arith.mulf %get3A_563, %mul3A_565 : vector<16xf32>
        %swap3A_567 = arith.index_cast %add3A_560 : i32 to index
        %swap3A_568 = arith.constant 48 : index
        %swap3A_569 = tpu.vector_load %arg9[%swap3A_567, %swap3A_568] {strides = array<i32>} : memref<128x64xf32, #tpu.memory_space<vmem>>, vector<16xf32>,
        tpu.vector_store %arg9[%swap3A_567, %swap3A_568], %mul3A_566 {strides = array<i32>} : memref<128x64xf32, #tpu.memory_space<vmem>>, vector<16xf32>,
        %mul3A_570 = arith.constant 8 : i32
        %mul3A_571 = arith.muli %scan3A_362, %mul3A_570 : i32
        %add3A_572 = arith.constant 4 : i32
        %add3A_573 = arith.addi %mul3A_571, %add3A_572 : i32
        %get3A_574 = arith.index_cast %add3A_573 : i32 to index
        %get3A_575 = arith.constant 0 : index
        %get3A_576 = tpu.vector_load %arg9[%get3A_574, %get3A_575] {strides = array<i32>} : memref<128x64xf32, #tpu.memory_space<vmem>>, vector<16xf32>,
        %mul3A_577 = arith.constant 8.000000e+00 : f32
        %mul3A_578 = vector.broadcast %mul3A_577 : f32 to vector<16xf32>
        %mul3A_579 = arith.mulf %get3A_576, %mul3A_578 : vector<16xf32>
        %swap3A_580 = arith.index_cast %add3A_573 : i32 to index
        %swap3A_581 = arith.constant 0 : index
        %swap3A_582 = tpu.vector_load %arg9[%swap3A_580, %swap3A_581] {strides = array<i32>} : memref<128x64xf32, #tpu.memory_space<vmem>>, vector<16xf32>,
        tpu.vector_store %arg9[%swap3A_580, %swap3A_581], %mul3A_579 {strides = array<i32>} : memref<128x64xf32, #tpu.memory_space<vmem>>, vector<16xf32>,
        %mul3A_583 = arith.constant 8 : i32
        %mul3A_584 = arith.muli %scan3A_362, %mul3A_583 : i32
        %add3A_585 = arith.constant 4 : i32
        %add3A_586 = arith.addi %mul3A_584, %add3A_585 : i32
        %get3A_587 = arith.index_cast %add3A_586 : i32 to index
        %get3A_588 = arith.constant 16 : index
        %get3A_589 = tpu.vector_load %arg9[%get3A_587, %get3A_588] {strides = array<i32>} : memref<128x64xf32, #tpu.memory_space<vmem>>, vector<16xf32>,
        %mul3A_590 = arith.constant 8.000000e+00 : f32
        %mul3A_591 = vector.broadcast %mul3A_590 : f32 to vector<16xf32>
        %mul3A_592 = arith.mulf %get3A_589, %mul3A_591 : vector<16xf32>
        %swap3A_593 = arith.index_cast %add3A_586 : i32 to index
        %swap3A_594 = arith.constant 16 : index
        %swap3A_595 = tpu.vector_load %arg9[%swap3A_593, %swap3A_594] {strides = array<i32>} : memref<128x64xf32, #tpu.memory_space<vmem>>, vector<16xf32>,
        tpu.vector_store %arg9[%swap3A_593, %swap3A_594], %mul3A_592 {strides = array<i32>} : memref<128x64xf32, #tpu.memory_space<vmem>>, vector<16xf32>,
        %mul3A_596 = arith.constant 8 : i32
        %mul3A_597 = arith.muli %scan3A_362, %mul3A_596 : i32
        %add3A_598 = arith.constant 4 : i32
        %add3A_599 = arith.addi %mul3A_597, %add3A_598 : i32
        %get3A_600 = arith.index_cast %add3A_599 : i32 to index
        %get3A_601 = arith.constant 32 : index
        %get3A_602 = tpu.vector_load %arg9[%get3A_600, %get3A_601] {strides = array<i32>} : memref<128x64xf32, #tpu.memory_space<vmem>>, vector<16xf32>,
        %mul3A_603 = arith.constant 8.000000e+00 : f32
        %mul3A_604 = vector.broadcast %mul3A_603 : f32 to vector<16xf32>
        %mul3A_605 = arith.mulf %get3A_602, %mul3A_604 : vector<16xf32>
        %swap3A_606 = arith.index_cast %add3A_599 : i32 to index
        %swap3A_607 = arith.constant 32 : index
        %swap3A_608 = tpu.vector_load %arg9[%swap3A_606, %swap3A_607] {strides = array<i32>} : memref<128x64xf32, #tpu.memory_space<vmem>>, vector<16xf32>,
        tpu.vector_store %arg9[%swap3A_606, %swap3A_607], %mul3A_605 {strides = array<i32>} : memref<128x64xf32, #tpu.memory_space<vmem>>, vector<16xf32>,
        %mul3A_609 = arith.constant 8 : i32
        %mul3A_610 = arith.muli %scan3A_362, %mul3A_609 : i32
        %add3A_611 = arith.constant 4 : i32
        %add3A_612 = arith.addi %mul3A_610, %add3A_611 : i32
        %get3A_613 = arith.index_cast %add3A_612 : i32 to index
        %get3A_614 = arith.constant 48 : index
        %get3A_615 = tpu.vector_load %arg9[%get3A_613, %get3A_614] {strides = array<i32>} : memref<128x64xf32, #tpu.memory_space<vmem>>, vector<16xf32>,
        %mul3A_616 = arith.constant 8.000000e+00 : f32
        %mul3A_617 = vector.broadcast %mul3A_616 : f32 to vector<16xf32>
        %mul3A_618 = arith.mulf %get3A_615, %mul3A_617 : vector<16xf32>
        %swap3A_619 = arith.index_cast %add3A_612 : i32 to index
        %swap3A_620 = arith.constant 48 : index
        %swap3A_621 = tpu.vector_load %arg9[%swap3A_619, %swap3A_620] {strides = array<i32>} : memref<128x64xf32, #tpu.memory_space<vmem>>, vector<16xf32>,
        tpu.vector_store %arg9[%swap3A_619, %swap3A_620], %mul3A_618 {strides = array<i32>} : memref<128x64xf32, #tpu.memory_space<vmem>>, vector<16xf32>,
        %mul3A_622 = arith.constant 8 : i32
        %mul3A_623 = arith.muli %scan3A_362, %mul3A_622 : i32
        %add3A_624 = arith.constant 5 : i32
        %add3A_625 = arith.addi %mul3A_623, %add3A_624 : i32
        %get3A_626 = arith.index_cast %add3A_625 : i32 to index
        %get3A_627 = arith.constant 0 : index
        %get3A_628 = tpu.vector_load %arg9[%get3A_626, %get3A_627] {strides = array<i32>} : memref<128x64xf32, #tpu.memory_space<vmem>>, vector<16xf32>,
        %mul3A_629 = arith.constant 8.000000e+00 : f32
        %mul3A_630 = vector.broadcast %mul3A_629 : f32 to vector<16xf32>
        %mul3A_631 = arith.mulf %get3A_628, %mul3A_630 : vector<16xf32>
        %swap3A_632 = arith.index_cast %add3A_625 : i32 to index
        %swap3A_633 = arith.constant 0 : index
        %swap3A_634 = tpu.vector_load %arg9[%swap3A_632, %swap3A_633] {strides = array<i32>} : memref<128x64xf32, #tpu.memory_space<vmem>>, vector<16xf32>,
        tpu.vector_store %arg9[%swap3A_632, %swap3A_633], %mul3A_631 {strides = array<i32>} : memref<128x64xf32, #tpu.memory_space<vmem>>, vector<16xf32>,
        %mul3A_635 = arith.constant 8 : i32
        %mul3A_636 = arith.muli %scan3A_362, %mul3A_635 : i32
        %add3A_637 = arith.constant 5 : i32
        %add3A_638 = arith.addi %mul3A_636, %add3A_637 : i32
        %get3A_639 = arith.index_cast %add3A_638 : i32 to index
        %get3A_640 = arith.constant 16 : index
        %get3A_641 = tpu.vector_load %arg9[%get3A_639, %get3A_640] {strides = array<i32>} : memref<128x64xf32, #tpu.memory_space<vmem>>, vector<16xf32>,
        %mul3A_642 = arith.constant 8.000000e+00 : f32
        %mul3A_643 = vector.broadcast %mul3A_642 : f32 to vector<16xf32>
        %mul3A_644 = arith.mulf %get3A_641, %mul3A_643 : vector<16xf32>
        %swap3A_645 = arith.index_cast %add3A_638 : i32 to index
        %swap3A_646 = arith.constant 16 : index
        %swap3A_647 = tpu.vector_load %arg9[%swap3A_645, %swap3A_646] {strides = array<i32>} : memref<128x64xf32, #tpu.memory_space<vmem>>, vector<16xf32>,
        tpu.vector_store %arg9[%swap3A_645, %swap3A_646], %mul3A_644 {strides = array<i32>} : memref<128x64xf32, #tpu.memory_space<vmem>>, vector<16xf32>,
        %mul3A_648 = arith.constant 8 : i32
        %mul3A_649 = arith.muli %scan3A_362, %mul3A_648 : i32
        %add3A_650 = arith.constant 5 : i32
        %add3A_651 = arith.addi %mul3A_649, %add3A_650 : i32
        %get3A_652 = arith.index_cast %add3A_651 : i32 to index
        %get3A_653 = arith.constant 32 : index
        %get3A_654 = tpu.vector_load %arg9[%get3A_652, %get3A_653] {strides = array<i32>} : memref<128x64xf32, #tpu.memory_space<vmem>>, vector<16xf32>,
        %mul3A_655 = arith.constant 8.000000e+00 : f32
        %mul3A_656 = vector.broadcast %mul3A_655 : f32 to vector<16xf32>
        %mul3A_657 = arith.mulf %get3A_654, %mul3A_656 : vector<16xf32>
        %swap3A_658 = arith.index_cast %add3A_651 : i32 to index
        %swap3A_659 = arith.constant 32 : index
        %swap3A_660 = tpu.vector_load %arg9[%swap3A_658, %swap3A_659] {strides = array<i32>} : memref<128x64xf32, #tpu.memory_space<vmem>>, vector<16xf32>,
        tpu.vector_store %arg9[%swap3A_658, %swap3A_659], %mul3A_657 {strides = array<i32>} : memref<128x64xf32, #tpu.memory_space<vmem>>, vector<16xf32>,
        %mul3A_661 = arith.constant 8 : i32
        %mul3A_662 = arith.muli %scan3A_362, %mul3A_661 : i32
        %add3A_663 = arith.constant 5 : i32
        %add3A_664 = arith.addi %mul3A_662, %add3A_663 : i32
        %get3A_665 = arith.index_cast %add3A_664 : i32 to index
        %get3A_666 = arith.constant 48 : index
        %get3A_667 = tpu.vector_load %arg9[%get3A_665, %get3A_666] {strides = array<i32>} : memref<128x64xf32, #tpu.memory_space<vmem>>, vector<16xf32>,
        %mul3A_668 = arith.constant 8.000000e+00 : f32
        %mul3A_669 = vector.broadcast %mul3A_668 : f32 to vector<16xf32>
        %mul3A_670 = arith.mulf %get3A_667, %mul3A_669 : vector<16xf32>
        %swap3A_671 = arith.index_cast %add3A_664 : i32 to index
        %swap3A_672 = arith.constant 48 : index
        %swap3A_673 = tpu.vector_load %arg9[%swap3A_671, %swap3A_672] {strides = array<i32>} : memref<128x64xf32, #tpu.memory_space<vmem>>, vector<16xf32>,
        tpu.vector_store %arg9[%swap3A_671, %swap3A_672], %mul3A_670 {strides = array<i32>} : memref<128x64xf32, #tpu.memory_space<vmem>>, vector<16xf32>,
        %mul3A_674 = arith.constant 8 : i32
        %mul3A_675 = arith.muli %scan3A_362, %mul3A_674 : i32
        %add3A_676 = arith.constant 6 : i32
        %add3A_677 = arith.addi %mul3A_675, %add3A_676 : i32
        %get3A_678 = arith.index_cast %add3A_677 : i32 to index
        %get3A_679 = arith.constant 0 : index
        %get3A_680 = tpu.vector_load %arg9[%get3A_678, %get3A_679] {strides = array<i32>} : memref<128x64xf32, #tpu.memory_space<vmem>>, vector<16xf32>,
        %mul3A_681 = arith.constant 8.000000e+00 : f32
        %mul3A_682 = vector.broadcast %mul3A_681 : f32 to vector<16xf32>
        %mul3A_683 = arith.mulf %get3A_680, %mul3A_682 : vector<16xf32>
        %swap3A_684 = arith.index_cast %add3A_677 : i32 to index
        %swap3A_685 = arith.constant 0 : index
        %swap3A_686 = tpu.vector_load %arg9[%swap3A_684, %swap3A_685] {strides = array<i32>} : memref<128x64xf32, #tpu.memory_space<vmem>>, vector<16xf32>,
        tpu.vector_store %arg9[%swap3A_684, %swap3A_685], %mul3A_683 {strides = array<i32>} : memref<128x64xf32, #tpu.memory_space<vmem>>, vector<16xf32>,
        %mul3A_687 = arith.constant 8 : i32
        %mul3A_688 = arith.muli %scan3A_362, %mul3A_687 : i32
        %add3A_689 = arith.constant 6 : i32
        %add3A_690 = arith.addi %mul3A_688, %add3A_689 : i32
        %get3A_691 = arith.index_cast %add3A_690 : i32 to index
        %get3A_692 = arith.constant 16 : index
        %get3A_693 = tpu.vector_load %arg9[%get3A_691, %get3A_692] {strides = array<i32>} : memref<128x64xf32, #tpu.memory_space<vmem>>, vector<16xf32>,
        %mul3A_694 = arith.constant 8.000000e+00 : f32
        %mul3A_695 = vector.broadcast %mul3A_694 : f32 to vector<16xf32>
        %mul3A_696 = arith.mulf %get3A_693, %mul3A_695 : vector<16xf32>
        %swap3A_697 = arith.index_cast %add3A_690 : i32 to index
        %swap3A_698 = arith.constant 16 : index
        %swap3A_699 = tpu.vector_load %arg9[%swap3A_697, %swap3A_698] {strides = array<i32>} : memref<128x64xf32, #tpu.memory_space<vmem>>, vector<16xf32>,
        tpu.vector_store %arg9[%swap3A_697, %swap3A_698], %mul3A_696 {strides = array<i32>} : memref<128x64xf32, #tpu.memory_space<vmem>>, vector<16xf32>,
        %mul3A_700 = arith.constant 8 : i32
        %mul3A_701 = arith.muli %scan3A_362, %mul3A_700 : i32
        %add3A_702 = arith.constant 6 : i32
        %add3A_703 = arith.addi %mul3A_701, %add3A_702 : i32
        %get3A_704 = arith.index_cast %add3A_703 : i32 to index
        %get3A_705 = arith.constant 32 : index
        %get3A_706 = tpu.vector_load %arg9[%get3A_704, %get3A_705] {strides = array<i32>} : memref<128x64xf32, #tpu.memory_space<vmem>>, vector<16xf32>,
        %mul3A_707 = arith.constant 8.000000e+00 : f32
        %mul3A_708 = vector.broadcast %mul3A_707 : f32 to vector<16xf32>
        %mul3A_709 = arith.mulf %get3A_706, %mul3A_708 : vector<16xf32>
        %swap3A_710 = arith.index_cast %add3A_703 : i32 to index
        %swap3A_711 = arith.constant 32 : index
        %swap3A_712 = tpu.vector_load %arg9[%swap3A_710, %swap3A_711] {strides = array<i32>} : memref<128x64xf32, #tpu.memory_space<vmem>>, vector<16xf32>,
        tpu.vector_store %arg9[%swap3A_710, %swap3A_711], %mul3A_709 {strides = array<i32>} : memref<128x64xf32, #tpu.memory_space<vmem>>, vector<16xf32>,
        %mul3A_713 = arith.constant 8 : i32
        %mul3A_714 = arith.muli %scan3A_362, %mul3A_713 : i32
        %add3A_715 = arith.constant 6 : i32
        %add3A_716 = arith.addi %mul3A_714, %add3A_715 : i32
        %get3A_717 = arith.index_cast %add3A_716 : i32 to index
        %get3A_718 = arith.constant 48 : index
        %get3A_719 = tpu.vector_load %arg9[%get3A_717, %get3A_718] {strides = array<i32>} : memref<128x64xf32, #tpu.memory_space<vmem>>, vector<16xf32>,
        %mul3A_720 = arith.constant 8.000000e+00 : f32
        %mul3A_721 = vector.broadcast %mul3A_720 : f32 to vector<16xf32>
        %mul3A_722 = arith.mulf %get3A_719, %mul3A_721 : vector<16xf32>
        %swap3A_723 = arith.index_cast %add3A_716 : i32 to index
        %swap3A_724 = arith.constant 48 : index
        %swap3A_725 = tpu.vector_load %arg9[%swap3A_723, %swap3A_724] {strides = array<i32>} : memref<128x64xf32, #tpu.memory_space<vmem>>, vector<16xf32>,
        tpu.vector_store %arg9[%swap3A_723, %swap3A_724], %mul3A_722 {strides = array<i32>} : memref<128x64xf32, #tpu.memory_space<vmem>>, vector<16xf32>,
        %mul3A_726 = arith.constant 8 : i32
        %mul3A_727 = arith.muli %scan3A_362, %mul3A_726 : i32
        %add3A_728 = arith.constant 7 : i32
        %add3A_729 = arith.addi %mul3A_727, %add3A_728 : i32
        %get3A_730 = arith.index_cast %add3A_729 : i32 to index
        %get3A_731 = arith.constant 0 : index
        %get3A_732 = tpu.vector_load %arg9[%get3A_730, %get3A_731] {strides = array<i32>} : memref<128x64xf32, #tpu.memory_space<vmem>>, vector<16xf32>,
        %mul3A_733 = arith.constant 8.000000e+00 : f32
        %mul3A_734 = vector.broadcast %mul3A_733 : f32 to vector<16xf32>
        %mul3A_735 = arith.mulf %get3A_732, %mul3A_734 : vector<16xf32>
        %swap3A_736 = arith.index_cast %add3A_729 : i32 to index
        %swap3A_737 = arith.constant 0 : index
        %swap3A_738 = tpu.vector_load %arg9[%swap3A_736, %swap3A_737] {strides = array<i32>} : memref<128x64xf32, #tpu.memory_space<vmem>>, vector<16xf32>,
        tpu.vector_store %arg9[%swap3A_736, %swap3A_737], %mul3A_735 {strides = array<i32>} : memref<128x64xf32, #tpu.memory_space<vmem>>, vector<16xf32>,
        %mul3A_739 = arith.constant 8 : i32
        %mul3A_740 = arith.muli %scan3A_362, %mul3A_739 : i32
        %add3A_741 = arith.constant 7 : i32
        %add3A_742 = arith.addi %mul3A_740, %add3A_741 : i32
        %get3A_743 = arith.index_cast %add3A_742 : i32 to index
        %get3A_744 = arith.constant 16 : index
        %get3A_745 = tpu.vector_load %arg9[%get3A_743, %get3A_744] {strides = array<i32>} : memref<128x64xf32, #tpu.memory_space<vmem>>, vector<16xf32>,
        %mul3A_746 = arith.constant 8.000000e+00 : f32
        %mul3A_747 = vector.broadcast %mul3A_746 : f32 to vector<16xf32>
        %mul3A_748 = arith.mulf %get3A_745, %mul3A_747 : vector<16xf32>
        %swap3A_749 = arith.index_cast %add3A_742 : i32 to index
        %swap3A_750 = arith.constant 16 : index
        %swap3A_751 = tpu.vector_load %arg9[%swap3A_749, %swap3A_750] {strides = array<i32>} : memref<128x64xf32, #tpu.memory_space<vmem>>, vector<16xf32>,
        tpu.vector_store %arg9[%swap3A_749, %swap3A_750], %mul3A_748 {strides = array<i32>} : memref<128x64xf32, #tpu.memory_space<vmem>>, vector<16xf32>,
        %mul3A_752 = arith.constant 8 : i32
        %mul3A_753 = arith.muli %scan3A_362, %mul3A_752 : i32
        %add3A_754 = arith.constant 7 : i32
        %add3A_755 = arith.addi %mul3A_753, %add3A_754 : i32
        %get3A_756 = arith.index_cast %add3A_755 : i32 to index
        %get3A_757 = arith.constant 32 : index
        %get3A_758 = tpu.vector_load %arg9[%get3A_756, %get3A_757] {strides = array<i32>} : memref<128x64xf32, #tpu.memory_space<vmem>>, vector<16xf32>,
        %mul3A_759 = arith.constant 8.000000e+00 : f32
        %mul3A_760 = vector.broadcast %mul3A_759 : f32 to vector<16xf32>
        %mul3A_761 = arith.mulf %get3A_758, %mul3A_760 : vector<16xf32>
        %swap3A_762 = arith.index_cast %add3A_755 : i32 to index
        %swap3A_763 = arith.constant 32 : index
        %swap3A_764 = tpu.vector_load %arg9[%swap3A_762, %swap3A_763] {strides = array<i32>} : memref<128x64xf32, #tpu.memory_space<vmem>>, vector<16xf32>,
        tpu.vector_store %arg9[%swap3A_762, %swap3A_763], %mul3A_761 {strides = array<i32>} : memref<128x64xf32, #tpu.memory_space<vmem>>, vector<16xf32>,
        %mul3A_765 = arith.constant 8 : i32
        %mul3A_766 = arith.muli %scan3A_362, %mul3A_765 : i32
        %add3A_767 = arith.constant 7 : i32
        %add3A_768 = arith.addi %mul3A_766, %add3A_767 : i32
        %get3A_769 = arith.index_cast %add3A_768 : i32 to index
        %get3A_770 = arith.constant 48 : index
        %get3A_771 = tpu.vector_load %arg9[%get3A_769, %get3A_770] {strides = array<i32>} : memref<128x64xf32, #tpu.memory_space<vmem>>, vector<16xf32>,
        %mul3A_772 = arith.constant 8.000000e+00 : f32
        %mul3A_773 = vector.broadcast %mul3A_772 : f32 to vector<16xf32>
        %mul3A_774 = arith.mulf %get3A_771, %mul3A_773 : vector<16xf32>
        %swap3A_775 = arith.index_cast %add3A_768 : i32 to index
        %swap3A_776 = arith.constant 48 : index
        %swap3A_777 = tpu.vector_load %arg9[%swap3A_775, %swap3A_776] {strides = array<i32>} : memref<128x64xf32, #tpu.memory_space<vmem>>, vector<16xf32>,
        tpu.vector_store %arg9[%swap3A_775, %swap3A_776], %mul3A_774 {strides = array<i32>} : memref<128x64xf32, #tpu.memory_space<vmem>>, vector<16xf32>,
        %scan3A_778 = arith.constant 0 : i32
        scf.yield %scan3A_778 : i32
      }
      %scan3A_195 = arith.constant 16 : i32
      %mul3A_196 = arith.constant 25600 : i32
      %mul3A_197 = arith.muli %add3A, %mul3A_196 : i32
      %mul3A_198 = arith.constant 128 : i32
      %mul3A_199 = arith.muli %add3A_182, %mul3A_198 : i32
      %add3A_200 = arith.addi %mul3A_197, %mul3A_199 : i32
      %dma_start3A_201 = arith.constant 0 : i32
      %dma_start3A_202 = tpu.memref_slice %arg4[%add3A_200, %dma_start3A_201] : memref<819200x128xf32, #tpu.memory_space<hbm>> -> memref<128x64xf32, #tpu.memory_space<hbm>>
      %dma_start3A_203 = arith.constant 0 : i32
      %dma_start3A_204 = tpu.memref_slice %arg4[%add3A_200, %dma_start3A_203] : memref<819200x128xf32, #tpu.memory_space<hbm>> -> memref<128x64xf32, #tpu.memory_space<hbm>>
      tpu.enqueue_dma source(%arg9 : memref<128x64xf32, #tpu.memory_space<vmem>>) target(%dma_start3A_204 : memref<128x64xf32, #tpu.memory_space<hbm>>) target_semaphore(%arg25 : memref<!tpu.dma_semaphore, #tpu.memory_space<semaphore_mem>>)
      %ge3A_205 = arith.constant 4 : i32
      %ge3A_206 = arith.cmpi sge, %add3A_182, %ge3A_205 : i32
      %convert_element_type3A_207 = arith.extui %ge3A_206 : i1 to i32
      %cond3A_208 = arith.constant 0 : i32
      %cond3A_209 = arith.cmpi ne, %convert_element_type3A_207, %cond3A_208 : i32
      scf.if %cond3A_209 {
        %dma_wait3A_362 = arith.constant 0 : i32
        %dma_wait3A_363 = arith.constant 0 : i32
        %dma_wait3A_364 = tpu.memref_slice %arg4[%dma_wait3A_362, %dma_wait3A_363] : memref<819200x128xf32, #tpu.memory_space<hbm>> -> memref<128x64xf32, #tpu.memory_space<hbm>>
        %dma_wait3A_365 = arith.constant 0 : i32
        %dma_wait3A_366 = arith.constant 0 : i32
        %dma_wait3A_367 = tpu.memref_slice %arg4[%dma_wait3A_365, %dma_wait3A_366] : memref<819200x128xf32, #tpu.memory_space<hbm>> -> memref<128x64xf32, #tpu.memory_space<hbm>>
        tpu.wait_dma2 semaphore(%arg29 : memref<!tpu.dma_semaphore, #tpu.memory_space<semaphore_mem>>) src(%arg13 : memref<128x64xf32, #tpu.memory_space<vmem>>) dst(%dma_wait3A_367 : memref<128x64xf32, #tpu.memory_space<hbm>>)
      } else {
      }
      %add3A_210 = arith.constant 4 : i32
      %add3A_211 = arith.addi %add3A_182, %add3A_210 : i32
      %lt3A_212 = arith.constant 200 : i32
      %lt3A_213 = arith.cmpi slt, %add3A_211, %lt3A_212 : i32
      %convert_element_type3A_214 = arith.extui %lt3A_213 : i1 to i32
      %cond3A_215 = arith.constant 0 : i32
      %cond3A_216 = arith.cmpi ne, %convert_element_type3A_214, %cond3A_215 : i32
      scf.if %cond3A_216 {
        %add3A_362 = arith.constant 4 : i32
        %add3A_363 = arith.addi %add3A_182, %add3A_362 : i32
        %dma_start3A_364 = arith.constant 0 : i32
        %dma_start3A_365 = tpu.memref_slice %arg5[%add3A_363, %dma_start3A_364] : memref<200x128xi32, #tpu.memory_space<vmem>> -> memref<1x128xi32, #tpu.memory_space<vmem>>
        %dma_start3A_366 = tpu.memref_squeeze %dma_start3A_365 : memref<1x128xi32, #tpu.memory_space<vmem>> -> memref<128xi32, #tpu.memory_space<vmem>>
        %dma_start3A_367 = arith.constant 0 : i32
        %dma_start3A_368 = arith.constant 0 : i32
        %dma_start3A_369 = tpu.memref_slice %arg3[%dma_start3A_367, %dma_start3A_368] : memref<1000000x64xf32, #tpu.memory_space<hbm>> -> memref<1000000x64xf32, #tpu.memory_space<hbm>>
        tpu.enqueue_indirect_dma source(%dma_start3A_369 : memref<1000000x64xf32, #tpu.memory_space<hbm>>) target(%arg13 : memref<128x64xf32, #tpu.memory_space<vmem>>) offsets(%dma_start3A_366 : memref<128xi32, #tpu.memory_space<vmem>>) semaphore(%arg21 : memref<!tpu.dma_semaphore, #tpu.memory_space<semaphore_mem>>)
      } else {
      }
      %add3A_217 = arith.constant 4 : i32
      %add3A_218 = arith.addi %mul3A_76, %add3A_217 : i32
      %dma_wait3A_219 = arith.constant 0 : i32
      %dma_wait3A_220 = tpu.memref_slice %arg5[%add3A_218, %dma_wait3A_219] : memref<200x128xi32, #tpu.memory_space<vmem>> -> memref<1x128xi32, #tpu.memory_space<vmem>>
      %dma_wait3A_221 = tpu.memref_squeeze %dma_wait3A_220 : memref<1x128xi32, #tpu.memory_space<vmem>> -> memref<128xi32, #tpu.memory_space<vmem>>
      %dma_wait3A_222 = arith.constant 0 : i32
      %dma_wait3A_223 = arith.constant 0 : i32
      %dma_wait3A_224 = tpu.memref_slice %arg3[%dma_wait3A_222, %dma_wait3A_223] : memref<1000000x64xf32, #tpu.memory_space<hbm>> -> memref<1000000x64xf32, #tpu.memory_space<hbm>>
      tpu.wait_indirect_dma semaphore(%arg18 : memref<!tpu.dma_semaphore, #tpu.memory_space<semaphore_mem>>) src(%dma_wait3A_224 : memref<1000000x64xf32, #tpu.memory_space<hbm>>) dst(%arg10 : memref<128x64xf32, #tpu.memory_space<vmem>>)
      %scan3A_225 = arith.constant 0 : i32
      %scan3A_226 = arith.constant 0 : i32
      %scan3A_227 = arith.constant 16 : i32
      %scan3A_228 = arith.addi %scan3A_226, %scan3A_227 : i32
      %scan3A_229 = arith.constant 1 : i32
      %scan3A_230 = scf.for %scan3A_362 = %scan3A_226 to %scan3A_228 step %scan3A_229 iter_args(%scan3A_363 = %scan3A_225) -> (i32)  : i32 {
        %mul3A_364 = arith.constant 8 : i32
        %mul3A_365 = arith.muli %scan3A_362, %mul3A_364 : i32
        %add3A_366 = arith.constant 0 : i32
        %add3A_367 = arith.addi %mul3A_365, %add3A_366 : i32
        %get3A = arith.index_cast %add3A_367 : i32 to index
        %get3A_368 = arith.constant 0 : index
        %get3A_369 = tpu.vector_load %arg10[%get3A, %get3A_368] {strides = array<i32>} : memref<128x64xf32, #tpu.memory_space<vmem>>, vector<16xf32>,
        %mul3A_370 = arith.constant 8.000000e+00 : f32
        %mul3A_371 = vector.broadcast %mul3A_370 : f32 to vector<16xf32>
        %mul3A_372 = arith.mulf %get3A_369, %mul3A_371 : vector<16xf32>
        %swap3A = arith.index_cast %add3A_367 : i32 to index
        %swap3A_373 = arith.constant 0 : index
        %swap3A_374 = tpu.vector_load %arg10[%swap3A, %swap3A_373] {strides = array<i32>} : memref<128x64xf32, #tpu.memory_space<vmem>>, vector<16xf32>,
        tpu.vector_store %arg10[%swap3A, %swap3A_373], %mul3A_372 {strides = array<i32>} : memref<128x64xf32, #tpu.memory_space<vmem>>, vector<16xf32>,
        %mul3A_375 = arith.constant 8 : i32
        %mul3A_376 = arith.muli %scan3A_362, %mul3A_375 : i32
        %add3A_377 = arith.constant 0 : i32
        %add3A_378 = arith.addi %mul3A_376, %add3A_377 : i32
        %get3A_379 = arith.index_cast %add3A_378 : i32 to index
        %get3A_380 = arith.constant 16 : index
        %get3A_381 = tpu.vector_load %arg10[%get3A_379, %get3A_380] {strides = array<i32>} : memref<128x64xf32, #tpu.memory_space<vmem>>, vector<16xf32>,
        %mul3A_382 = arith.constant 8.000000e+00 : f32
        %mul3A_383 = vector.broadcast %mul3A_382 : f32 to vector<16xf32>
        %mul3A_384 = arith.mulf %get3A_381, %mul3A_383 : vector<16xf32>
        %swap3A_385 = arith.index_cast %add3A_378 : i32 to index
        %swap3A_386 = arith.constant 16 : index
        %swap3A_387 = tpu.vector_load %arg10[%swap3A_385, %swap3A_386] {strides = array<i32>} : memref<128x64xf32, #tpu.memory_space<vmem>>, vector<16xf32>,
        tpu.vector_store %arg10[%swap3A_385, %swap3A_386], %mul3A_384 {strides = array<i32>} : memref<128x64xf32, #tpu.memory_space<vmem>>, vector<16xf32>,
        %mul3A_388 = arith.constant 8 : i32
        %mul3A_389 = arith.muli %scan3A_362, %mul3A_388 : i32
        %add3A_390 = arith.constant 0 : i32
        %add3A_391 = arith.addi %mul3A_389, %add3A_390 : i32
        %get3A_392 = arith.index_cast %add3A_391 : i32 to index
        %get3A_393 = arith.constant 32 : index
        %get3A_394 = tpu.vector_load %arg10[%get3A_392, %get3A_393] {strides = array<i32>} : memref<128x64xf32, #tpu.memory_space<vmem>>, vector<16xf32>,
        %mul3A_395 = arith.constant 8.000000e+00 : f32
        %mul3A_396 = vector.broadcast %mul3A_395 : f32 to vector<16xf32>
        %mul3A_397 = arith.mulf %get3A_394, %mul3A_396 : vector<16xf32>
        %swap3A_398 = arith.index_cast %add3A_391 : i32 to index
        %swap3A_399 = arith.constant 32 : index
        %swap3A_400 = tpu.vector_load %arg10[%swap3A_398, %swap3A_399] {strides = array<i32>} : memref<128x64xf32, #tpu.memory_space<vmem>>, vector<16xf32>,
        tpu.vector_store %arg10[%swap3A_398, %swap3A_399], %mul3A_397 {strides = array<i32>} : memref<128x64xf32, #tpu.memory_space<vmem>>, vector<16xf32>,
        %mul3A_401 = arith.constant 8 : i32
        %mul3A_402 = arith.muli %scan3A_362, %mul3A_401 : i32
        %add3A_403 = arith.constant 0 : i32
        %add3A_404 = arith.addi %mul3A_402, %add3A_403 : i32
        %get3A_405 = arith.index_cast %add3A_404 : i32 to index
        %get3A_406 = arith.constant 48 : index
        %get3A_407 = tpu.vector_load %arg10[%get3A_405, %get3A_406] {strides = array<i32>} : memref<128x64xf32, #tpu.memory_space<vmem>>, vector<16xf32>,
        %mul3A_408 = arith.constant 8.000000e+00 : f32
        %mul3A_409 = vector.broadcast %mul3A_408 : f32 to vector<16xf32>
        %mul3A_410 = arith.mulf %get3A_407, %mul3A_409 : vector<16xf32>
        %swap3A_411 = arith.index_cast %add3A_404 : i32 to index
        %swap3A_412 = arith.constant 48 : index
        %swap3A_413 = tpu.vector_load %arg10[%swap3A_411, %swap3A_412] {strides = array<i32>} : memref<128x64xf32, #tpu.memory_space<vmem>>, vector<16xf32>,
        tpu.vector_store %arg10[%swap3A_411, %swap3A_412], %mul3A_410 {strides = array<i32>} : memref<128x64xf32, #tpu.memory_space<vmem>>, vector<16xf32>,
        %mul3A_414 = arith.constant 8 : i32
        %mul3A_415 = arith.muli %scan3A_362, %mul3A_414 : i32
        %add3A_416 = arith.constant 1 : i32
        %add3A_417 = arith.addi %mul3A_415, %add3A_416 : i32
        %get3A_418 = arith.index_cast %add3A_417 : i32 to index
        %get3A_419 = arith.constant 0 : index
        %get3A_420 = tpu.vector_load %arg10[%get3A_418, %get3A_419] {strides = array<i32>} : memref<128x64xf32, #tpu.memory_space<vmem>>, vector<16xf32>,
        %mul3A_421 = arith.constant 8.000000e+00 : f32
        %mul3A_422 = vector.broadcast %mul3A_421 : f32 to vector<16xf32>
        %mul3A_423 = arith.mulf %get3A_420, %mul3A_422 : vector<16xf32>
        %swap3A_424 = arith.index_cast %add3A_417 : i32 to index
        %swap3A_425 = arith.constant 0 : index
        %swap3A_426 = tpu.vector_load %arg10[%swap3A_424, %swap3A_425] {strides = array<i32>} : memref<128x64xf32, #tpu.memory_space<vmem>>, vector<16xf32>,
        tpu.vector_store %arg10[%swap3A_424, %swap3A_425], %mul3A_423 {strides = array<i32>} : memref<128x64xf32, #tpu.memory_space<vmem>>, vector<16xf32>,
        %mul3A_427 = arith.constant 8 : i32
        %mul3A_428 = arith.muli %scan3A_362, %mul3A_427 : i32
        %add3A_429 = arith.constant 1 : i32
        %add3A_430 = arith.addi %mul3A_428, %add3A_429 : i32
        %get3A_431 = arith.index_cast %add3A_430 : i32 to index
        %get3A_432 = arith.constant 16 : index
        %get3A_433 = tpu.vector_load %arg10[%get3A_431, %get3A_432] {strides = array<i32>} : memref<128x64xf32, #tpu.memory_space<vmem>>, vector<16xf32>,
        %mul3A_434 = arith.constant 8.000000e+00 : f32
        %mul3A_435 = vector.broadcast %mul3A_434 : f32 to vector<16xf32>
        %mul3A_436 = arith.mulf %get3A_433, %mul3A_435 : vector<16xf32>
        %swap3A_437 = arith.index_cast %add3A_430 : i32 to index
        %swap3A_438 = arith.constant 16 : index
        %swap3A_439 = tpu.vector_load %arg10[%swap3A_437, %swap3A_438] {strides = array<i32>} : memref<128x64xf32, #tpu.memory_space<vmem>>, vector<16xf32>,
        tpu.vector_store %arg10[%swap3A_437, %swap3A_438], %mul3A_436 {strides = array<i32>} : memref<128x64xf32, #tpu.memory_space<vmem>>, vector<16xf32>,
        %mul3A_440 = arith.constant 8 : i32
        %mul3A_441 = arith.muli %scan3A_362, %mul3A_440 : i32
        %add3A_442 = arith.constant 1 : i32
        %add3A_443 = arith.addi %mul3A_441, %add3A_442 : i32
        %get3A_444 = arith.index_cast %add3A_443 : i32 to index
        %get3A_445 = arith.constant 32 : index
        %get3A_446 = tpu.vector_load %arg10[%get3A_444, %get3A_445] {strides = array<i32>} : memref<128x64xf32, #tpu.memory_space<vmem>>, vector<16xf32>,
        %mul3A_447 = arith.constant 8.000000e+00 : f32
        %mul3A_448 = vector.broadcast %mul3A_447 : f32 to vector<16xf32>
        %mul3A_449 = arith.mulf %get3A_446, %mul3A_448 : vector<16xf32>
        %swap3A_450 = arith.index_cast %add3A_443 : i32 to index
        %swap3A_451 = arith.constant 32 : index
        %swap3A_452 = tpu.vector_load %arg10[%swap3A_450, %swap3A_451] {strides = array<i32>} : memref<128x64xf32, #tpu.memory_space<vmem>>, vector<16xf32>,
        tpu.vector_store %arg10[%swap3A_450, %swap3A_451], %mul3A_449 {strides = array<i32>} : memref<128x64xf32, #tpu.memory_space<vmem>>, vector<16xf32>,
        %mul3A_453 = arith.constant 8 : i32
        %mul3A_454 = arith.muli %scan3A_362, %mul3A_453 : i32
        %add3A_455 = arith.constant 1 : i32
        %add3A_456 = arith.addi %mul3A_454, %add3A_455 : i32
        %get3A_457 = arith.index_cast %add3A_456 : i32 to index
        %get3A_458 = arith.constant 48 : index
        %get3A_459 = tpu.vector_load %arg10[%get3A_457, %get3A_458] {strides = array<i32>} : memref<128x64xf32, #tpu.memory_space<vmem>>, vector<16xf32>,
        %mul3A_460 = arith.constant 8.000000e+00 : f32
        %mul3A_461 = vector.broadcast %mul3A_460 : f32 to vector<16xf32>
        %mul3A_462 = arith.mulf %get3A_459, %mul3A_461 : vector<16xf32>
        %swap3A_463 = arith.index_cast %add3A_456 : i32 to index
        %swap3A_464 = arith.constant 48 : index
        %swap3A_465 = tpu.vector_load %arg10[%swap3A_463, %swap3A_464] {strides = array<i32>} : memref<128x64xf32, #tpu.memory_space<vmem>>, vector<16xf32>,
        tpu.vector_store %arg10[%swap3A_463, %swap3A_464], %mul3A_462 {strides = array<i32>} : memref<128x64xf32, #tpu.memory_space<vmem>>, vector<16xf32>,
        %mul3A_466 = arith.constant 8 : i32
        %mul3A_467 = arith.muli %scan3A_362, %mul3A_466 : i32
        %add3A_468 = arith.constant 2 : i32
        %add3A_469 = arith.addi %mul3A_467, %add3A_468 : i32
        %get3A_470 = arith.index_cast %add3A_469 : i32 to index
        %get3A_471 = arith.constant 0 : index
        %get3A_472 = tpu.vector_load %arg10[%get3A_470, %get3A_471] {strides = array<i32>} : memref<128x64xf32, #tpu.memory_space<vmem>>, vector<16xf32>,
        %mul3A_473 = arith.constant 8.000000e+00 : f32
        %mul3A_474 = vector.broadcast %mul3A_473 : f32 to vector<16xf32>
        %mul3A_475 = arith.mulf %get3A_472, %mul3A_474 : vector<16xf32>
        %swap3A_476 = arith.index_cast %add3A_469 : i32 to index
        %swap3A_477 = arith.constant 0 : index
        %swap3A_478 = tpu.vector_load %arg10[%swap3A_476, %swap3A_477] {strides = array<i32>} : memref<128x64xf32, #tpu.memory_space<vmem>>, vector<16xf32>,
        tpu.vector_store %arg10[%swap3A_476, %swap3A_477], %mul3A_475 {strides = array<i32>} : memref<128x64xf32, #tpu.memory_space<vmem>>, vector<16xf32>,
        %mul3A_479 = arith.constant 8 : i32
        %mul3A_480 = arith.muli %scan3A_362, %mul3A_479 : i32
        %add3A_481 = arith.constant 2 : i32
        %add3A_482 = arith.addi %mul3A_480, %add3A_481 : i32
        %get3A_483 = arith.index_cast %add3A_482 : i32 to index
        %get3A_484 = arith.constant 16 : index
        %get3A_485 = tpu.vector_load %arg10[%get3A_483, %get3A_484] {strides = array<i32>} : memref<128x64xf32, #tpu.memory_space<vmem>>, vector<16xf32>,
        %mul3A_486 = arith.constant 8.000000e+00 : f32
        %mul3A_487 = vector.broadcast %mul3A_486 : f32 to vector<16xf32>
        %mul3A_488 = arith.mulf %get3A_485, %mul3A_487 : vector<16xf32>
        %swap3A_489 = arith.index_cast %add3A_482 : i32 to index
        %swap3A_490 = arith.constant 16 : index
        %swap3A_491 = tpu.vector_load %arg10[%swap3A_489, %swap3A_490] {strides = array<i32>} : memref<128x64xf32, #tpu.memory_space<vmem>>, vector<16xf32>,
        tpu.vector_store %arg10[%swap3A_489, %swap3A_490], %mul3A_488 {strides = array<i32>} : memref<128x64xf32, #tpu.memory_space<vmem>>, vector<16xf32>,
        %mul3A_492 = arith.constant 8 : i32
        %mul3A_493 = arith.muli %scan3A_362, %mul3A_492 : i32
        %add3A_494 = arith.constant 2 : i32
        %add3A_495 = arith.addi %mul3A_493, %add3A_494 : i32
        %get3A_496 = arith.index_cast %add3A_495 : i32 to index
        %get3A_497 = arith.constant 32 : index
        %get3A_498 = tpu.vector_load %arg10[%get3A_496, %get3A_497] {strides = array<i32>} : memref<128x64xf32, #tpu.memory_space<vmem>>, vector<16xf32>,
        %mul3A_499 = arith.constant 8.000000e+00 : f32
        %mul3A_500 = vector.broadcast %mul3A_499 : f32 to vector<16xf32>
        %mul3A_501 = arith.mulf %get3A_498, %mul3A_500 : vector<16xf32>
        %swap3A_502 = arith.index_cast %add3A_495 : i32 to index
        %swap3A_503 = arith.constant 32 : index
        %swap3A_504 = tpu.vector_load %arg10[%swap3A_502, %swap3A_503] {strides = array<i32>} : memref<128x64xf32, #tpu.memory_space<vmem>>, vector<16xf32>,
        tpu.vector_store %arg10[%swap3A_502, %swap3A_503], %mul3A_501 {strides = array<i32>} : memref<128x64xf32, #tpu.memory_space<vmem>>, vector<16xf32>,
        %mul3A_505 = arith.constant 8 : i32
        %mul3A_506 = arith.muli %scan3A_362, %mul3A_505 : i32
        %add3A_507 = arith.constant 2 : i32
        %add3A_508 = arith.addi %mul3A_506, %add3A_507 : i32
        %get3A_509 = arith.index_cast %add3A_508 : i32 to index
        %get3A_510 = arith.constant 48 : index
        %get3A_511 = tpu.vector_load %arg10[%get3A_509, %get3A_510] {strides = array<i32>} : memref<128x64xf32, #tpu.memory_space<vmem>>, vector<16xf32>,
        %mul3A_512 = arith.constant 8.000000e+00 : f32
        %mul3A_513 = vector.broadcast %mul3A_512 : f32 to vector<16xf32>
        %mul3A_514 = arith.mulf %get3A_511, %mul3A_513 : vector<16xf32>
        %swap3A_515 = arith.index_cast %add3A_508 : i32 to index
        %swap3A_516 = arith.constant 48 : index
        %swap3A_517 = tpu.vector_load %arg10[%swap3A_515, %swap3A_516] {strides = array<i32>} : memref<128x64xf32, #tpu.memory_space<vmem>>, vector<16xf32>,
        tpu.vector_store %arg10[%swap3A_515, %swap3A_516], %mul3A_514 {strides = array<i32>} : memref<128x64xf32, #tpu.memory_space<vmem>>, vector<16xf32>,
        %mul3A_518 = arith.constant 8 : i32
        %mul3A_519 = arith.muli %scan3A_362, %mul3A_518 : i32
        %add3A_520 = arith.constant 3 : i32
        %add3A_521 = arith.addi %mul3A_519, %add3A_520 : i32
        %get3A_522 = arith.index_cast %add3A_521 : i32 to index
        %get3A_523 = arith.constant 0 : index
        %get3A_524 = tpu.vector_load %arg10[%get3A_522, %get3A_523] {strides = array<i32>} : memref<128x64xf32, #tpu.memory_space<vmem>>, vector<16xf32>,
        %mul3A_525 = arith.constant 8.000000e+00 : f32
        %mul3A_526 = vector.broadcast %mul3A_525 : f32 to vector<16xf32>
        %mul3A_527 = arith.mulf %get3A_524, %mul3A_526 : vector<16xf32>
        %swap3A_528 = arith.index_cast %add3A_521 : i32 to index
        %swap3A_529 = arith.constant 0 : index
        %swap3A_530 = tpu.vector_load %arg10[%swap3A_528, %swap3A_529] {strides = array<i32>} : memref<128x64xf32, #tpu.memory_space<vmem>>, vector<16xf32>,
        tpu.vector_store %arg10[%swap3A_528, %swap3A_529], %mul3A_527 {strides = array<i32>} : memref<128x64xf32, #tpu.memory_space<vmem>>, vector<16xf32>,
        %mul3A_531 = arith.constant 8 : i32
        %mul3A_532 = arith.muli %scan3A_362, %mul3A_531 : i32
        %add3A_533 = arith.constant 3 : i32
        %add3A_534 = arith.addi %mul3A_532, %add3A_533 : i32
        %get3A_535 = arith.index_cast %add3A_534 : i32 to index
        %get3A_536 = arith.constant 16 : index
        %get3A_537 = tpu.vector_load %arg10[%get3A_535, %get3A_536] {strides = array<i32>} : memref<128x64xf32, #tpu.memory_space<vmem>>, vector<16xf32>,
        %mul3A_538 = arith.constant 8.000000e+00 : f32
        %mul3A_539 = vector.broadcast %mul3A_538 : f32 to vector<16xf32>
        %mul3A_540 = arith.mulf %get3A_537, %mul3A_539 : vector<16xf32>
        %swap3A_541 = arith.index_cast %add3A_534 : i32 to index
        %swap3A_542 = arith.constant 16 : index
        %swap3A_543 = tpu.vector_load %arg10[%swap3A_541, %swap3A_542] {strides = array<i32>} : memref<128x64xf32, #tpu.memory_space<vmem>>, vector<16xf32>,
        tpu.vector_store %arg10[%swap3A_541, %swap3A_542], %mul3A_540 {strides = array<i32>} : memref<128x64xf32, #tpu.memory_space<vmem>>, vector<16xf32>,
        %mul3A_544 = arith.constant 8 : i32
        %mul3A_545 = arith.muli %scan3A_362, %mul3A_544 : i32
        %add3A_546 = arith.constant 3 : i32
        %add3A_547 = arith.addi %mul3A_545, %add3A_546 : i32
        %get3A_548 = arith.index_cast %add3A_547 : i32 to index
        %get3A_549 = arith.constant 32 : index
        %get3A_550 = tpu.vector_load %arg10[%get3A_548, %get3A_549] {strides = array<i32>} : memref<128x64xf32, #tpu.memory_space<vmem>>, vector<16xf32>,
        %mul3A_551 = arith.constant 8.000000e+00 : f32
        %mul3A_552 = vector.broadcast %mul3A_551 : f32 to vector<16xf32>
        %mul3A_553 = arith.mulf %get3A_550, %mul3A_552 : vector<16xf32>
        %swap3A_554 = arith.index_cast %add3A_547 : i32 to index
        %swap3A_555 = arith.constant 32 : index
        %swap3A_556 = tpu.vector_load %arg10[%swap3A_554, %swap3A_555] {strides = array<i32>} : memref<128x64xf32, #tpu.memory_space<vmem>>, vector<16xf32>,
        tpu.vector_store %arg10[%swap3A_554, %swap3A_555], %mul3A_553 {strides = array<i32>} : memref<128x64xf32, #tpu.memory_space<vmem>>, vector<16xf32>,
        %mul3A_557 = arith.constant 8 : i32
        %mul3A_558 = arith.muli %scan3A_362, %mul3A_557 : i32
        %add3A_559 = arith.constant 3 : i32
        %add3A_560 = arith.addi %mul3A_558, %add3A_559 : i32
        %get3A_561 = arith.index_cast %add3A_560 : i32 to index
        %get3A_562 = arith.constant 48 : index
        %get3A_563 = tpu.vector_load %arg10[%get3A_561, %get3A_562] {strides = array<i32>} : memref<128x64xf32, #tpu.memory_space<vmem>>, vector<16xf32>,
        %mul3A_564 = arith.constant 8.000000e+00 : f32
        %mul3A_565 = vector.broadcast %mul3A_564 : f32 to vector<16xf32>
        %mul3A_566 = arith.mulf %get3A_563, %mul3A_565 : vector<16xf32>
        %swap3A_567 = arith.index_cast %add3A_560 : i32 to index
        %swap3A_568 = arith.constant 48 : index
        %swap3A_569 = tpu.vector_load %arg10[%swap3A_567, %swap3A_568] {strides = array<i32>} : memref<128x64xf32, #tpu.memory_space<vmem>>, vector<16xf32>,
        tpu.vector_store %arg10[%swap3A_567, %swap3A_568], %mul3A_566 {strides = array<i32>} : memref<128x64xf32, #tpu.memory_space<vmem>>, vector<16xf32>,
        %mul3A_570 = arith.constant 8 : i32
        %mul3A_571 = arith.muli %scan3A_362, %mul3A_570 : i32
        %add3A_572 = arith.constant 4 : i32
        %add3A_573 = arith.addi %mul3A_571, %add3A_572 : i32
        %get3A_574 = arith.index_cast %add3A_573 : i32 to index
        %get3A_575 = arith.constant 0 : index
        %get3A_576 = tpu.vector_load %arg10[%get3A_574, %get3A_575] {strides = array<i32>} : memref<128x64xf32, #tpu.memory_space<vmem>>, vector<16xf32>,
        %mul3A_577 = arith.constant 8.000000e+00 : f32
        %mul3A_578 = vector.broadcast %mul3A_577 : f32 to vector<16xf32>
        %mul3A_579 = arith.mulf %get3A_576, %mul3A_578 : vector<16xf32>
        %swap3A_580 = arith.index_cast %add3A_573 : i32 to index
        %swap3A_581 = arith.constant 0 : index
        %swap3A_582 = tpu.vector_load %arg10[%swap3A_580, %swap3A_581] {strides = array<i32>} : memref<128x64xf32, #tpu.memory_space<vmem>>, vector<16xf32>,
        tpu.vector_store %arg10[%swap3A_580, %swap3A_581], %mul3A_579 {strides = array<i32>} : memref<128x64xf32, #tpu.memory_space<vmem>>, vector<16xf32>,
        %mul3A_583 = arith.constant 8 : i32
        %mul3A_584 = arith.muli %scan3A_362, %mul3A_583 : i32
        %add3A_585 = arith.constant 4 : i32
        %add3A_586 = arith.addi %mul3A_584, %add3A_585 : i32
        %get3A_587 = arith.index_cast %add3A_586 : i32 to index
        %get3A_588 = arith.constant 16 : index
        %get3A_589 = tpu.vector_load %arg10[%get3A_587, %get3A_588] {strides = array<i32>} : memref<128x64xf32, #tpu.memory_space<vmem>>, vector<16xf32>,
        %mul3A_590 = arith.constant 8.000000e+00 : f32
        %mul3A_591 = vector.broadcast %mul3A_590 : f32 to vector<16xf32>
        %mul3A_592 = arith.mulf %get3A_589, %mul3A_591 : vector<16xf32>
        %swap3A_593 = arith.index_cast %add3A_586 : i32 to index
        %swap3A_594 = arith.constant 16 : index
        %swap3A_595 = tpu.vector_load %arg10[%swap3A_593, %swap3A_594] {strides = array<i32>} : memref<128x64xf32, #tpu.memory_space<vmem>>, vector<16xf32>,
        tpu.vector_store %arg10[%swap3A_593, %swap3A_594], %mul3A_592 {strides = array<i32>} : memref<128x64xf32, #tpu.memory_space<vmem>>, vector<16xf32>,
        %mul3A_596 = arith.constant 8 : i32
        %mul3A_597 = arith.muli %scan3A_362, %mul3A_596 : i32
        %add3A_598 = arith.constant 4 : i32
        %add3A_599 = arith.addi %mul3A_597, %add3A_598 : i32
        %get3A_600 = arith.index_cast %add3A_599 : i32 to index
        %get3A_601 = arith.constant 32 : index
        %get3A_602 = tpu.vector_load %arg10[%get3A_600, %get3A_601] {strides = array<i32>} : memref<128x64xf32, #tpu.memory_space<vmem>>, vector<16xf32>,
        %mul3A_603 = arith.constant 8.000000e+00 : f32
        %mul3A_604 = vector.broadcast %mul3A_603 : f32 to vector<16xf32>
        %mul3A_605 = arith.mulf %get3A_602, %mul3A_604 : vector<16xf32>
        %swap3A_606 = arith.index_cast %add3A_599 : i32 to index
        %swap3A_607 = arith.constant 32 : index
        %swap3A_608 = tpu.vector_load %arg10[%swap3A_606, %swap3A_607] {strides = array<i32>} : memref<128x64xf32, #tpu.memory_space<vmem>>, vector<16xf32>,
        tpu.vector_store %arg10[%swap3A_606, %swap3A_607], %mul3A_605 {strides = array<i32>} : memref<128x64xf32, #tpu.memory_space<vmem>>, vector<16xf32>,
        %mul3A_609 = arith.constant 8 : i32
        %mul3A_610 = arith.muli %scan3A_362, %mul3A_609 : i32
        %add3A_611 = arith.constant 4 : i32
        %add3A_612 = arith.addi %mul3A_610, %add3A_611 : i32
        %get3A_613 = arith.index_cast %add3A_612 : i32 to index
        %get3A_614 = arith.constant 48 : index
        %get3A_615 = tpu.vector_load %arg10[%get3A_613, %get3A_614] {strides = array<i32>} : memref<128x64xf32, #tpu.memory_space<vmem>>, vector<16xf32>,
        %mul3A_616 = arith.constant 8.000000e+00 : f32
        %mul3A_617 = vector.broadcast %mul3A_616 : f32 to vector<16xf32>
        %mul3A_618 = arith.mulf %get3A_615, %mul3A_617 : vector<16xf32>
        %swap3A_619 = arith.index_cast %add3A_612 : i32 to index
        %swap3A_620 = arith.constant 48 : index
        %swap3A_621 = tpu.vector_load %arg10[%swap3A_619, %swap3A_620] {strides = array<i32>} : memref<128x64xf32, #tpu.memory_space<vmem>>, vector<16xf32>,
        tpu.vector_store %arg10[%swap3A_619, %swap3A_620], %mul3A_618 {strides = array<i32>} : memref<128x64xf32, #tpu.memory_space<vmem>>, vector<16xf32>,
        %mul3A_622 = arith.constant 8 : i32
        %mul3A_623 = arith.muli %scan3A_362, %mul3A_622 : i32
        %add3A_624 = arith.constant 5 : i32
        %add3A_625 = arith.addi %mul3A_623, %add3A_624 : i32
        %get3A_626 = arith.index_cast %add3A_625 : i32 to index
        %get3A_627 = arith.constant 0 : index
        %get3A_628 = tpu.vector_load %arg10[%get3A_626, %get3A_627] {strides = array<i32>} : memref<128x64xf32, #tpu.memory_space<vmem>>, vector<16xf32>,
        %mul3A_629 = arith.constant 8.000000e+00 : f32
        %mul3A_630 = vector.broadcast %mul3A_629 : f32 to vector<16xf32>
        %mul3A_631 = arith.mulf %get3A_628, %mul3A_630 : vector<16xf32>
        %swap3A_632 = arith.index_cast %add3A_625 : i32 to index
        %swap3A_633 = arith.constant 0 : index
        %swap3A_634 = tpu.vector_load %arg10[%swap3A_632, %swap3A_633] {strides = array<i32>} : memref<128x64xf32, #tpu.memory_space<vmem>>, vector<16xf32>,
        tpu.vector_store %arg10[%swap3A_632, %swap3A_633], %mul3A_631 {strides = array<i32>} : memref<128x64xf32, #tpu.memory_space<vmem>>, vector<16xf32>,
        %mul3A_635 = arith.constant 8 : i32
        %mul3A_636 = arith.muli %scan3A_362, %mul3A_635 : i32
        %add3A_637 = arith.constant 5 : i32
        %add3A_638 = arith.addi %mul3A_636, %add3A_637 : i32
        %get3A_639 = arith.index_cast %add3A_638 : i32 to index
        %get3A_640 = arith.constant 16 : index
        %get3A_641 = tpu.vector_load %arg10[%get3A_639, %get3A_640] {strides = array<i32>} : memref<128x64xf32, #tpu.memory_space<vmem>>, vector<16xf32>,
        %mul3A_642 = arith.constant 8.000000e+00 : f32
        %mul3A_643 = vector.broadcast %mul3A_642 : f32 to vector<16xf32>
        %mul3A_644 = arith.mulf %get3A_641, %mul3A_643 : vector<16xf32>
        %swap3A_645 = arith.index_cast %add3A_638 : i32 to index
        %swap3A_646 = arith.constant 16 : index
        %swap3A_647 = tpu.vector_load %arg10[%swap3A_645, %swap3A_646] {strides = array<i32>} : memref<128x64xf32, #tpu.memory_space<vmem>>, vector<16xf32>,
        tpu.vector_store %arg10[%swap3A_645, %swap3A_646], %mul3A_644 {strides = array<i32>} : memref<128x64xf32, #tpu.memory_space<vmem>>, vector<16xf32>,
        %mul3A_648 = arith.constant 8 : i32
        %mul3A_649 = arith.muli %scan3A_362, %mul3A_648 : i32
        %add3A_650 = arith.constant 5 : i32
        %add3A_651 = arith.addi %mul3A_649, %add3A_650 : i32
        %get3A_652 = arith.index_cast %add3A_651 : i32 to index
        %get3A_653 = arith.constant 32 : index
        %get3A_654 = tpu.vector_load %arg10[%get3A_652, %get3A_653] {strides = array<i32>} : memref<128x64xf32, #tpu.memory_space<vmem>>, vector<16xf32>,
        %mul3A_655 = arith.constant 8.000000e+00 : f32
        %mul3A_656 = vector.broadcast %mul3A_655 : f32 to vector<16xf32>
        %mul3A_657 = arith.mulf %get3A_654, %mul3A_656 : vector<16xf32>
        %swap3A_658 = arith.index_cast %add3A_651 : i32 to index
        %swap3A_659 = arith.constant 32 : index
        %swap3A_660 = tpu.vector_load %arg10[%swap3A_658, %swap3A_659] {strides = array<i32>} : memref<128x64xf32, #tpu.memory_space<vmem>>, vector<16xf32>,
        tpu.vector_store %arg10[%swap3A_658, %swap3A_659], %mul3A_657 {strides = array<i32>} : memref<128x64xf32, #tpu.memory_space<vmem>>, vector<16xf32>,
        %mul3A_661 = arith.constant 8 : i32
        %mul3A_662 = arith.muli %scan3A_362, %mul3A_661 : i32
        %add3A_663 = arith.constant 5 : i32
        %add3A_664 = arith.addi %mul3A_662, %add3A_663 : i32
        %get3A_665 = arith.index_cast %add3A_664 : i32 to index
        %get3A_666 = arith.constant 48 : index
        %get3A_667 = tpu.vector_load %arg10[%get3A_665, %get3A_666] {strides = array<i32>} : memref<128x64xf32, #tpu.memory_space<vmem>>, vector<16xf32>,
        %mul3A_668 = arith.constant 8.000000e+00 : f32
        %mul3A_669 = vector.broadcast %mul3A_668 : f32 to vector<16xf32>
        %mul3A_670 = arith.mulf %get3A_667, %mul3A_669 : vector<16xf32>
        %swap3A_671 = arith.index_cast %add3A_664 : i32 to index
        %swap3A_672 = arith.constant 48 : index
        %swap3A_673 = tpu.vector_load %arg10[%swap3A_671, %swap3A_672] {strides = array<i32>} : memref<128x64xf32, #tpu.memory_space<vmem>>, vector<16xf32>,
        tpu.vector_store %arg10[%swap3A_671, %swap3A_672], %mul3A_670 {strides = array<i32>} : memref<128x64xf32, #tpu.memory_space<vmem>>, vector<16xf32>,
        %mul3A_674 = arith.constant 8 : i32
        %mul3A_675 = arith.muli %scan3A_362, %mul3A_674 : i32
        %add3A_676 = arith.constant 6 : i32
        %add3A_677 = arith.addi %mul3A_675, %add3A_676 : i32
        %get3A_678 = arith.index_cast %add3A_677 : i32 to index
        %get3A_679 = arith.constant 0 : index
        %get3A_680 = tpu.vector_load %arg10[%get3A_678, %get3A_679] {strides = array<i32>} : memref<128x64xf32, #tpu.memory_space<vmem>>, vector<16xf32>,
        %mul3A_681 = arith.constant 8.000000e+00 : f32
        %mul3A_682 = vector.broadcast %mul3A_681 : f32 to vector<16xf32>
        %mul3A_683 = arith.mulf %get3A_680, %mul3A_682 : vector<16xf32>
        %swap3A_684 = arith.index_cast %add3A_677 : i32 to index
        %swap3A_685 = arith.constant 0 : index
        %swap3A_686 = tpu.vector_load %arg10[%swap3A_684, %swap3A_685] {strides = array<i32>} : memref<128x64xf32, #tpu.memory_space<vmem>>, vector<16xf32>,
        tpu.vector_store %arg10[%swap3A_684, %swap3A_685], %mul3A_683 {strides = array<i32>} : memref<128x64xf32, #tpu.memory_space<vmem>>, vector<16xf32>,
        %mul3A_687 = arith.constant 8 : i32
        %mul3A_688 = arith.muli %scan3A_362, %mul3A_687 : i32
        %add3A_689 = arith.constant 6 : i32
        %add3A_690 = arith.addi %mul3A_688, %add3A_689 : i32
        %get3A_691 = arith.index_cast %add3A_690 : i32 to index
        %get3A_692 = arith.constant 16 : index
        %get3A_693 = tpu.vector_load %arg10[%get3A_691, %get3A_692] {strides = array<i32>} : memref<128x64xf32, #tpu.memory_space<vmem>>, vector<16xf32>,
        %mul3A_694 = arith.constant 8.000000e+00 : f32
        %mul3A_695 = vector.broadcast %mul3A_694 : f32 to vector<16xf32>
        %mul3A_696 = arith.mulf %get3A_693, %mul3A_695 : vector<16xf32>
        %swap3A_697 = arith.index_cast %add3A_690 : i32 to index
        %swap3A_698 = arith.constant 16 : index
        %swap3A_699 = tpu.vector_load %arg10[%swap3A_697, %swap3A_698] {strides = array<i32>} : memref<128x64xf32, #tpu.memory_space<vmem>>, vector<16xf32>,
        tpu.vector_store %arg10[%swap3A_697, %swap3A_698], %mul3A_696 {strides = array<i32>} : memref<128x64xf32, #tpu.memory_space<vmem>>, vector<16xf32>,
        %mul3A_700 = arith.constant 8 : i32
        %mul3A_701 = arith.muli %scan3A_362, %mul3A_700 : i32
        %add3A_702 = arith.constant 6 : i32
        %add3A_703 = arith.addi %mul3A_701, %add3A_702 : i32
        %get3A_704 = arith.index_cast %add3A_703 : i32 to index
        %get3A_705 = arith.constant 32 : index
        %get3A_706 = tpu.vector_load %arg10[%get3A_704, %get3A_705] {strides = array<i32>} : memref<128x64xf32, #tpu.memory_space<vmem>>, vector<16xf32>,
        %mul3A_707 = arith.constant 8.000000e+00 : f32
        %mul3A_708 = vector.broadcast %mul3A_707 : f32 to vector<16xf32>
        %mul3A_709 = arith.mulf %get3A_706, %mul3A_708 : vector<16xf32>
        %swap3A_710 = arith.index_cast %add3A_703 : i32 to index
        %swap3A_711 = arith.constant 32 : index
        %swap3A_712 = tpu.vector_load %arg10[%swap3A_710, %swap3A_711] {strides = array<i32>} : memref<128x64xf32, #tpu.memory_space<vmem>>, vector<16xf32>,
        tpu.vector_store %arg10[%swap3A_710, %swap3A_711], %mul3A_709 {strides = array<i32>} : memref<128x64xf32, #tpu.memory_space<vmem>>, vector<16xf32>,
        %mul3A_713 = arith.constant 8 : i32
        %mul3A_714 = arith.muli %scan3A_362, %mul3A_713 : i32
        %add3A_715 = arith.constant 6 : i32
        %add3A_716 = arith.addi %mul3A_714, %add3A_715 : i32
        %get3A_717 = arith.index_cast %add3A_716 : i32 to index
        %get3A_718 = arith.constant 48 : index
        %get3A_719 = tpu.vector_load %arg10[%get3A_717, %get3A_718] {strides = array<i32>} : memref<128x64xf32, #tpu.memory_space<vmem>>, vector<16xf32>,
        %mul3A_720 = arith.constant 8.000000e+00 : f32
        %mul3A_721 = vector.broadcast %mul3A_720 : f32 to vector<16xf32>
        %mul3A_722 = arith.mulf %get3A_719, %mul3A_721 : vector<16xf32>
        %swap3A_723 = arith.index_cast %add3A_716 : i32 to index
        %swap3A_724 = arith.constant 48 : index
        %swap3A_725 = tpu.vector_load %arg10[%swap3A_723, %swap3A_724] {strides = array<i32>} : memref<128x64xf32, #tpu.memory_space<vmem>>, vector<16xf32>,
        tpu.vector_store %arg10[%swap3A_723, %swap3A_724], %mul3A_722 {strides = array<i32>} : memref<128x64xf32, #tpu.memory_space<vmem>>, vector<16xf32>,
        %mul3A_726 = arith.constant 8 : i32
        %mul3A_727 = arith.muli %scan3A_362, %mul3A_726 : i32
        %add3A_728 = arith.constant 7 : i32
        %add3A_729 = arith.addi %mul3A_727, %add3A_728 : i32
        %get3A_730 = arith.index_cast %add3A_729 : i32 to index
        %get3A_731 = arith.constant 0 : index
        %get3A_732 = tpu.vector_load %arg10[%get3A_730, %get3A_731] {strides = array<i32>} : memref<128x64xf32, #tpu.memory_space<vmem>>, vector<16xf32>,
        %mul3A_733 = arith.constant 8.000000e+00 : f32
        %mul3A_734 = vector.broadcast %mul3A_733 : f32 to vector<16xf32>
        %mul3A_735 = arith.mulf %get3A_732, %mul3A_734 : vector<16xf32>
        %swap3A_736 = arith.index_cast %add3A_729 : i32 to index
        %swap3A_737 = arith.constant 0 : index
        %swap3A_738 = tpu.vector_load %arg10[%swap3A_736, %swap3A_737] {strides = array<i32>} : memref<128x64xf32, #tpu.memory_space<vmem>>, vector<16xf32>,
        tpu.vector_store %arg10[%swap3A_736, %swap3A_737], %mul3A_735 {strides = array<i32>} : memref<128x64xf32, #tpu.memory_space<vmem>>, vector<16xf32>,
        %mul3A_739 = arith.constant 8 : i32
        %mul3A_740 = arith.muli %scan3A_362, %mul3A_739 : i32
        %add3A_741 = arith.constant 7 : i32
        %add3A_742 = arith.addi %mul3A_740, %add3A_741 : i32
        %get3A_743 = arith.index_cast %add3A_742 : i32 to index
        %get3A_744 = arith.constant 16 : index
        %get3A_745 = tpu.vector_load %arg10[%get3A_743, %get3A_744] {strides = array<i32>} : memref<128x64xf32, #tpu.memory_space<vmem>>, vector<16xf32>,
        %mul3A_746 = arith.constant 8.000000e+00 : f32
        %mul3A_747 = vector.broadcast %mul3A_746 : f32 to vector<16xf32>
        %mul3A_748 = arith.mulf %get3A_745, %mul3A_747 : vector<16xf32>
        %swap3A_749 = arith.index_cast %add3A_742 : i32 to index
        %swap3A_750 = arith.constant 16 : index
        %swap3A_751 = tpu.vector_load %arg10[%swap3A_749, %swap3A_750] {strides = array<i32>} : memref<128x64xf32, #tpu.memory_space<vmem>>, vector<16xf32>,
        tpu.vector_store %arg10[%swap3A_749, %swap3A_750], %mul3A_748 {strides = array<i32>} : memref<128x64xf32, #tpu.memory_space<vmem>>, vector<16xf32>,
        %mul3A_752 = arith.constant 8 : i32
        %mul3A_753 = arith.muli %scan3A_362, %mul3A_752 : i32
        %add3A_754 = arith.constant 7 : i32
        %add3A_755 = arith.addi %mul3A_753, %add3A_754 : i32
        %get3A_756 = arith.index_cast %add3A_755 : i32 to index
        %get3A_757 = arith.constant 32 : index
        %get3A_758 = tpu.vector_load %arg10[%get3A_756, %get3A_757] {strides = array<i32>} : memref<128x64xf32, #tpu.memory_space<vmem>>, vector<16xf32>,
        %mul3A_759 = arith.constant 8.000000e+00 : f32
        %mul3A_760 = vector.broadcast %mul3A_759 : f32 to vector<16xf32>
        %mul3A_761 = arith.mulf %get3A_758, %mul3A_760 : vector<16xf32>
        %swap3A_762 = arith.index_cast %add3A_755 : i32 to index
        %swap3A_763 = arith.constant 32 : index
        %swap3A_764 = tpu.vector_load %arg10[%swap3A_762, %swap3A_763] {strides = array<i32>} : memref<128x64xf32, #tpu.memory_space<vmem>>, vector<16xf32>,
        tpu.vector_store %arg10[%swap3A_762, %swap3A_763], %mul3A_761 {strides = array<i32>} : memref<128x64xf32, #tpu.memory_space<vmem>>, vector<16xf32>,
        %mul3A_765 = arith.constant 8 : i32
        %mul3A_766 = arith.muli %scan3A_362, %mul3A_765 : i32
        %add3A_767 = arith.constant 7 : i32
        %add3A_768 = arith.addi %mul3A_766, %add3A_767 : i32
        %get3A_769 = arith.index_cast %add3A_768 : i32 to index
        %get3A_770 = arith.constant 48 : index
        %get3A_771 = tpu.vector_load %arg10[%get3A_769, %get3A_770] {strides = array<i32>} : memref<128x64xf32, #tpu.memory_space<vmem>>, vector<16xf32>,
        %mul3A_772 = arith.constant 8.000000e+00 : f32
        %mul3A_773 = vector.broadcast %mul3A_772 : f32 to vector<16xf32>
        %mul3A_774 = arith.mulf %get3A_771, %mul3A_773 : vector<16xf32>
        %swap3A_775 = arith.index_cast %add3A_768 : i32 to index
        %swap3A_776 = arith.constant 48 : index
        %swap3A_777 = tpu.vector_load %arg10[%swap3A_775, %swap3A_776] {strides = array<i32>} : memref<128x64xf32, #tpu.memory_space<vmem>>, vector<16xf32>,
        tpu.vector_store %arg10[%swap3A_775, %swap3A_776], %mul3A_774 {strides = array<i32>} : memref<128x64xf32, #tpu.memory_space<vmem>>, vector<16xf32>,
        %scan3A_778 = arith.constant 0 : i32
        scf.yield %scan3A_778 : i32
      }
      %scan3A_231 = arith.constant 16 : i32
      %mul3A_232 = arith.constant 25600 : i32
      %mul3A_233 = arith.muli %add3A, %mul3A_232 : i32
      %mul3A_234 = arith.constant 128 : i32
      %mul3A_235 = arith.muli %add3A_218, %mul3A_234 : i32
      %add3A_236 = arith.addi %mul3A_233, %mul3A_235 : i32
      %dma_start3A_237 = arith.constant 0 : i32
      %dma_start3A_238 = tpu.memref_slice %arg4[%add3A_236, %dma_start3A_237] : memref<819200x128xf32, #tpu.memory_space<hbm>> -> memref<128x64xf32, #tpu.memory_space<hbm>>
      %dma_start3A_239 = arith.constant 0 : i32
      %dma_start3A_240 = tpu.memref_slice %arg4[%add3A_236, %dma_start3A_239] : memref<819200x128xf32, #tpu.memory_space<hbm>> -> memref<128x64xf32, #tpu.memory_space<hbm>>
      tpu.enqueue_dma source(%arg10 : memref<128x64xf32, #tpu.memory_space<vmem>>) target(%dma_start3A_240 : memref<128x64xf32, #tpu.memory_space<hbm>>) target_semaphore(%arg26 : memref<!tpu.dma_semaphore, #tpu.memory_space<semaphore_mem>>)
      %ge3A_241 = arith.constant 4 : i32
      %ge3A_242 = arith.cmpi sge, %add3A_218, %ge3A_241 : i32
      %convert_element_type3A_243 = arith.extui %ge3A_242 : i1 to i32
      %cond3A_244 = arith.constant 0 : i32
      %cond3A_245 = arith.cmpi ne, %convert_element_type3A_243, %cond3A_244 : i32
      scf.if %cond3A_245 {
        %dma_wait3A_362 = arith.constant 0 : i32
        %dma_wait3A_363 = arith.constant 0 : i32
        %dma_wait3A_364 = tpu.memref_slice %arg4[%dma_wait3A_362, %dma_wait3A_363] : memref<819200x128xf32, #tpu.memory_space<hbm>> -> memref<128x64xf32, #tpu.memory_space<hbm>>
        %dma_wait3A_365 = arith.constant 0 : i32
        %dma_wait3A_366 = arith.constant 0 : i32
        %dma_wait3A_367 = tpu.memref_slice %arg4[%dma_wait3A_365, %dma_wait3A_366] : memref<819200x128xf32, #tpu.memory_space<hbm>> -> memref<128x64xf32, #tpu.memory_space<hbm>>
        tpu.wait_dma2 semaphore(%arg22 : memref<!tpu.dma_semaphore, #tpu.memory_space<semaphore_mem>>) src(%arg6 : memref<128x64xf32, #tpu.memory_space<vmem>>) dst(%dma_wait3A_367 : memref<128x64xf32, #tpu.memory_space<hbm>>)
      } else {
      }
      %add3A_246 = arith.constant 4 : i32
      %add3A_247 = arith.addi %add3A_218, %add3A_246 : i32
      %lt3A_248 = arith.constant 200 : i32
      %lt3A_249 = arith.cmpi slt, %add3A_247, %lt3A_248 : i32
      %convert_element_type3A_250 = arith.extui %lt3A_249 : i1 to i32
      %cond3A_251 = arith.constant 0 : i32
      %cond3A_252 = arith.cmpi ne, %convert_element_type3A_250, %cond3A_251 : i32
      scf.if %cond3A_252 {
        %add3A_362 = arith.constant 4 : i32
        %add3A_363 = arith.addi %add3A_218, %add3A_362 : i32
        %dma_start3A_364 = arith.constant 0 : i32
        %dma_start3A_365 = tpu.memref_slice %arg5[%add3A_363, %dma_start3A_364] : memref<200x128xi32, #tpu.memory_space<vmem>> -> memref<1x128xi32, #tpu.memory_space<vmem>>
        %dma_start3A_366 = tpu.memref_squeeze %dma_start3A_365 : memref<1x128xi32, #tpu.memory_space<vmem>> -> memref<128xi32, #tpu.memory_space<vmem>>
        %dma_start3A_367 = arith.constant 0 : i32
        %dma_start3A_368 = arith.constant 0 : i32
        %dma_start3A_369 = tpu.memref_slice %arg3[%dma_start3A_367, %dma_start3A_368] : memref<1000000x64xf32, #tpu.memory_space<hbm>> -> memref<1000000x64xf32, #tpu.memory_space<hbm>>
        tpu.enqueue_indirect_dma source(%dma_start3A_369 : memref<1000000x64xf32, #tpu.memory_space<hbm>>) target(%arg6 : memref<128x64xf32, #tpu.memory_space<vmem>>) offsets(%dma_start3A_366 : memref<128xi32, #tpu.memory_space<vmem>>) semaphore(%arg14 : memref<!tpu.dma_semaphore, #tpu.memory_space<semaphore_mem>>)
      } else {
      }
      %add3A_253 = arith.constant 5 : i32
      %add3A_254 = arith.addi %mul3A_76, %add3A_253 : i32
      %dma_wait3A_255 = arith.constant 0 : i32
      %dma_wait3A_256 = tpu.memref_slice %arg5[%add3A_254, %dma_wait3A_255] : memref<200x128xi32, #tpu.memory_space<vmem>> -> memref<1x128xi32, #tpu.memory_space<vmem>>
      %dma_wait3A_257 = tpu.memref_squeeze %dma_wait3A_256 : memref<1x128xi32, #tpu.memory_space<vmem>> -> memref<128xi32, #tpu.memory_space<vmem>>
      %dma_wait3A_258 = arith.constant 0 : i32
      %dma_wait3A_259 = arith.constant 0 : i32
      %dma_wait3A_260 = tpu.memref_slice %arg3[%dma_wait3A_258, %dma_wait3A_259] : memref<1000000x64xf32, #tpu.memory_space<hbm>> -> memref<1000000x64xf32, #tpu.memory_space<hbm>>
      tpu.wait_indirect_dma semaphore(%arg19 : memref<!tpu.dma_semaphore, #tpu.memory_space<semaphore_mem>>) src(%dma_wait3A_260 : memref<1000000x64xf32, #tpu.memory_space<hbm>>) dst(%arg11 : memref<128x64xf32, #tpu.memory_space<vmem>>)
      %scan3A_261 = arith.constant 0 : i32
      %scan3A_262 = arith.constant 0 : i32
      %scan3A_263 = arith.constant 16 : i32
      %scan3A_264 = arith.addi %scan3A_262, %scan3A_263 : i32
      %scan3A_265 = arith.constant 1 : i32
      %scan3A_266 = scf.for %scan3A_362 = %scan3A_262 to %scan3A_264 step %scan3A_265 iter_args(%scan3A_363 = %scan3A_261) -> (i32)  : i32 {
        %mul3A_364 = arith.constant 8 : i32
        %mul3A_365 = arith.muli %scan3A_362, %mul3A_364 : i32
        %add3A_366 = arith.constant 0 : i32
        %add3A_367 = arith.addi %mul3A_365, %add3A_366 : i32
        %get3A = arith.index_cast %add3A_367 : i32 to index
        %get3A_368 = arith.constant 0 : index
        %get3A_369 = tpu.vector_load %arg11[%get3A, %get3A_368] {strides = array<i32>} : memref<128x64xf32, #tpu.memory_space<vmem>>, vector<16xf32>,
        %mul3A_370 = arith.constant 8.000000e+00 : f32
        %mul3A_371 = vector.broadcast %mul3A_370 : f32 to vector<16xf32>
        %mul3A_372 = arith.mulf %get3A_369, %mul3A_371 : vector<16xf32>
        %swap3A = arith.index_cast %add3A_367 : i32 to index
        %swap3A_373 = arith.constant 0 : index
        %swap3A_374 = tpu.vector_load %arg11[%swap3A, %swap3A_373] {strides = array<i32>} : memref<128x64xf32, #tpu.memory_space<vmem>>, vector<16xf32>,
        tpu.vector_store %arg11[%swap3A, %swap3A_373], %mul3A_372 {strides = array<i32>} : memref<128x64xf32, #tpu.memory_space<vmem>>, vector<16xf32>,
        %mul3A_375 = arith.constant 8 : i32
        %mul3A_376 = arith.muli %scan3A_362, %mul3A_375 : i32
        %add3A_377 = arith.constant 0 : i32
        %add3A_378 = arith.addi %mul3A_376, %add3A_377 : i32
        %get3A_379 = arith.index_cast %add3A_378 : i32 to index
        %get3A_380 = arith.constant 16 : index
        %get3A_381 = tpu.vector_load %arg11[%get3A_379, %get3A_380] {strides = array<i32>} : memref<128x64xf32, #tpu.memory_space<vmem>>, vector<16xf32>,
        %mul3A_382 = arith.constant 8.000000e+00 : f32
        %mul3A_383 = vector.broadcast %mul3A_382 : f32 to vector<16xf32>
        %mul3A_384 = arith.mulf %get3A_381, %mul3A_383 : vector<16xf32>
        %swap3A_385 = arith.index_cast %add3A_378 : i32 to index
        %swap3A_386 = arith.constant 16 : index
        %swap3A_387 = tpu.vector_load %arg11[%swap3A_385, %swap3A_386] {strides = array<i32>} : memref<128x64xf32, #tpu.memory_space<vmem>>, vector<16xf32>,
        tpu.vector_store %arg11[%swap3A_385, %swap3A_386], %mul3A_384 {strides = array<i32>} : memref<128x64xf32, #tpu.memory_space<vmem>>, vector<16xf32>,
        %mul3A_388 = arith.constant 8 : i32
        %mul3A_389 = arith.muli %scan3A_362, %mul3A_388 : i32
        %add3A_390 = arith.constant 0 : i32
        %add3A_391 = arith.addi %mul3A_389, %add3A_390 : i32
        %get3A_392 = arith.index_cast %add3A_391 : i32 to index
        %get3A_393 = arith.constant 32 : index
        %get3A_394 = tpu.vector_load %arg11[%get3A_392, %get3A_393] {strides = array<i32>} : memref<128x64xf32, #tpu.memory_space<vmem>>, vector<16xf32>,
        %mul3A_395 = arith.constant 8.000000e+00 : f32
        %mul3A_396 = vector.broadcast %mul3A_395 : f32 to vector<16xf32>
        %mul3A_397 = arith.mulf %get3A_394, %mul3A_396 : vector<16xf32>
        %swap3A_398 = arith.index_cast %add3A_391 : i32 to index
        %swap3A_399 = arith.constant 32 : index
        %swap3A_400 = tpu.vector_load %arg11[%swap3A_398, %swap3A_399] {strides = array<i32>} : memref<128x64xf32, #tpu.memory_space<vmem>>, vector<16xf32>,
        tpu.vector_store %arg11[%swap3A_398, %swap3A_399], %mul3A_397 {strides = array<i32>} : memref<128x64xf32, #tpu.memory_space<vmem>>, vector<16xf32>,
        %mul3A_401 = arith.constant 8 : i32
        %mul3A_402 = arith.muli %scan3A_362, %mul3A_401 : i32
        %add3A_403 = arith.constant 0 : i32
        %add3A_404 = arith.addi %mul3A_402, %add3A_403 : i32
        %get3A_405 = arith.index_cast %add3A_404 : i32 to index
        %get3A_406 = arith.constant 48 : index
        %get3A_407 = tpu.vector_load %arg11[%get3A_405, %get3A_406] {strides = array<i32>} : memref<128x64xf32, #tpu.memory_space<vmem>>, vector<16xf32>,
        %mul3A_408 = arith.constant 8.000000e+00 : f32
        %mul3A_409 = vector.broadcast %mul3A_408 : f32 to vector<16xf32>
        %mul3A_410 = arith.mulf %get3A_407, %mul3A_409 : vector<16xf32>
        %swap3A_411 = arith.index_cast %add3A_404 : i32 to index
        %swap3A_412 = arith.constant 48 : index
        %swap3A_413 = tpu.vector_load %arg11[%swap3A_411, %swap3A_412] {strides = array<i32>} : memref<128x64xf32, #tpu.memory_space<vmem>>, vector<16xf32>,
        tpu.vector_store %arg11[%swap3A_411, %swap3A_412], %mul3A_410 {strides = array<i32>} : memref<128x64xf32, #tpu.memory_space<vmem>>, vector<16xf32>,
        %mul3A_414 = arith.constant 8 : i32
        %mul3A_415 = arith.muli %scan3A_362, %mul3A_414 : i32
        %add3A_416 = arith.constant 1 : i32
        %add3A_417 = arith.addi %mul3A_415, %add3A_416 : i32
        %get3A_418 = arith.index_cast %add3A_417 : i32 to index
        %get3A_419 = arith.constant 0 : index
        %get3A_420 = tpu.vector_load %arg11[%get3A_418, %get3A_419] {strides = array<i32>} : memref<128x64xf32, #tpu.memory_space<vmem>>, vector<16xf32>,
        %mul3A_421 = arith.constant 8.000000e+00 : f32
        %mul3A_422 = vector.broadcast %mul3A_421 : f32 to vector<16xf32>
        %mul3A_423 = arith.mulf %get3A_420, %mul3A_422 : vector<16xf32>
        %swap3A_424 = arith.index_cast %add3A_417 : i32 to index
        %swap3A_425 = arith.constant 0 : index
        %swap3A_426 = tpu.vector_load %arg11[%swap3A_424, %swap3A_425] {strides = array<i32>} : memref<128x64xf32, #tpu.memory_space<vmem>>, vector<16xf32>,
        tpu.vector_store %arg11[%swap3A_424, %swap3A_425], %mul3A_423 {strides = array<i32>} : memref<128x64xf32, #tpu.memory_space<vmem>>, vector<16xf32>,
        %mul3A_427 = arith.constant 8 : i32
        %mul3A_428 = arith.muli %scan3A_362, %mul3A_427 : i32
        %add3A_429 = arith.constant 1 : i32
        %add3A_430 = arith.addi %mul3A_428, %add3A_429 : i32
        %get3A_431 = arith.index_cast %add3A_430 : i32 to index
        %get3A_432 = arith.constant 16 : index
        %get3A_433 = tpu.vector_load %arg11[%get3A_431, %get3A_432] {strides = array<i32>} : memref<128x64xf32, #tpu.memory_space<vmem>>, vector<16xf32>,
        %mul3A_434 = arith.constant 8.000000e+00 : f32
        %mul3A_435 = vector.broadcast %mul3A_434 : f32 to vector<16xf32>
        %mul3A_436 = arith.mulf %get3A_433, %mul3A_435 : vector<16xf32>
        %swap3A_437 = arith.index_cast %add3A_430 : i32 to index
        %swap3A_438 = arith.constant 16 : index
        %swap3A_439 = tpu.vector_load %arg11[%swap3A_437, %swap3A_438] {strides = array<i32>} : memref<128x64xf32, #tpu.memory_space<vmem>>, vector<16xf32>,
        tpu.vector_store %arg11[%swap3A_437, %swap3A_438], %mul3A_436 {strides = array<i32>} : memref<128x64xf32, #tpu.memory_space<vmem>>, vector<16xf32>,
        %mul3A_440 = arith.constant 8 : i32
        %mul3A_441 = arith.muli %scan3A_362, %mul3A_440 : i32
        %add3A_442 = arith.constant 1 : i32
        %add3A_443 = arith.addi %mul3A_441, %add3A_442 : i32
        %get3A_444 = arith.index_cast %add3A_443 : i32 to index
        %get3A_445 = arith.constant 32 : index
        %get3A_446 = tpu.vector_load %arg11[%get3A_444, %get3A_445] {strides = array<i32>} : memref<128x64xf32, #tpu.memory_space<vmem>>, vector<16xf32>,
        %mul3A_447 = arith.constant 8.000000e+00 : f32
        %mul3A_448 = vector.broadcast %mul3A_447 : f32 to vector<16xf32>
        %mul3A_449 = arith.mulf %get3A_446, %mul3A_448 : vector<16xf32>
        %swap3A_450 = arith.index_cast %add3A_443 : i32 to index
        %swap3A_451 = arith.constant 32 : index
        %swap3A_452 = tpu.vector_load %arg11[%swap3A_450, %swap3A_451] {strides = array<i32>} : memref<128x64xf32, #tpu.memory_space<vmem>>, vector<16xf32>,
        tpu.vector_store %arg11[%swap3A_450, %swap3A_451], %mul3A_449 {strides = array<i32>} : memref<128x64xf32, #tpu.memory_space<vmem>>, vector<16xf32>,
        %mul3A_453 = arith.constant 8 : i32
        %mul3A_454 = arith.muli %scan3A_362, %mul3A_453 : i32
        %add3A_455 = arith.constant 1 : i32
        %add3A_456 = arith.addi %mul3A_454, %add3A_455 : i32
        %get3A_457 = arith.index_cast %add3A_456 : i32 to index
        %get3A_458 = arith.constant 48 : index
        %get3A_459 = tpu.vector_load %arg11[%get3A_457, %get3A_458] {strides = array<i32>} : memref<128x64xf32, #tpu.memory_space<vmem>>, vector<16xf32>,
        %mul3A_460 = arith.constant 8.000000e+00 : f32
        %mul3A_461 = vector.broadcast %mul3A_460 : f32 to vector<16xf32>
        %mul3A_462 = arith.mulf %get3A_459, %mul3A_461 : vector<16xf32>
        %swap3A_463 = arith.index_cast %add3A_456 : i32 to index
        %swap3A_464 = arith.constant 48 : index
        %swap3A_465 = tpu.vector_load %arg11[%swap3A_463, %swap3A_464] {strides = array<i32>} : memref<128x64xf32, #tpu.memory_space<vmem>>, vector<16xf32>,
        tpu.vector_store %arg11[%swap3A_463, %swap3A_464], %mul3A_462 {strides = array<i32>} : memref<128x64xf32, #tpu.memory_space<vmem>>, vector<16xf32>,
        %mul3A_466 = arith.constant 8 : i32
        %mul3A_467 = arith.muli %scan3A_362, %mul3A_466 : i32
        %add3A_468 = arith.constant 2 : i32
        %add3A_469 = arith.addi %mul3A_467, %add3A_468 : i32
        %get3A_470 = arith.index_cast %add3A_469 : i32 to index
        %get3A_471 = arith.constant 0 : index
        %get3A_472 = tpu.vector_load %arg11[%get3A_470, %get3A_471] {strides = array<i32>} : memref<128x64xf32, #tpu.memory_space<vmem>>, vector<16xf32>,
        %mul3A_473 = arith.constant 8.000000e+00 : f32
        %mul3A_474 = vector.broadcast %mul3A_473 : f32 to vector<16xf32>
        %mul3A_475 = arith.mulf %get3A_472, %mul3A_474 : vector<16xf32>
        %swap3A_476 = arith.index_cast %add3A_469 : i32 to index
        %swap3A_477 = arith.constant 0 : index
        %swap3A_478 = tpu.vector_load %arg11[%swap3A_476, %swap3A_477] {strides = array<i32>} : memref<128x64xf32, #tpu.memory_space<vmem>>, vector<16xf32>,
        tpu.vector_store %arg11[%swap3A_476, %swap3A_477], %mul3A_475 {strides = array<i32>} : memref<128x64xf32, #tpu.memory_space<vmem>>, vector<16xf32>,
        %mul3A_479 = arith.constant 8 : i32
        %mul3A_480 = arith.muli %scan3A_362, %mul3A_479 : i32
        %add3A_481 = arith.constant 2 : i32
        %add3A_482 = arith.addi %mul3A_480, %add3A_481 : i32
        %get3A_483 = arith.index_cast %add3A_482 : i32 to index
        %get3A_484 = arith.constant 16 : index
        %get3A_485 = tpu.vector_load %arg11[%get3A_483, %get3A_484] {strides = array<i32>} : memref<128x64xf32, #tpu.memory_space<vmem>>, vector<16xf32>,
        %mul3A_486 = arith.constant 8.000000e+00 : f32
        %mul3A_487 = vector.broadcast %mul3A_486 : f32 to vector<16xf32>
        %mul3A_488 = arith.mulf %get3A_485, %mul3A_487 : vector<16xf32>
        %swap3A_489 = arith.index_cast %add3A_482 : i32 to index
        %swap3A_490 = arith.constant 16 : index
        %swap3A_491 = tpu.vector_load %arg11[%swap3A_489, %swap3A_490] {strides = array<i32>} : memref<128x64xf32, #tpu.memory_space<vmem>>, vector<16xf32>,
        tpu.vector_store %arg11[%swap3A_489, %swap3A_490], %mul3A_488 {strides = array<i32>} : memref<128x64xf32, #tpu.memory_space<vmem>>, vector<16xf32>,
        %mul3A_492 = arith.constant 8 : i32
        %mul3A_493 = arith.muli %scan3A_362, %mul3A_492 : i32
        %add3A_494 = arith.constant 2 : i32
        %add3A_495 = arith.addi %mul3A_493, %add3A_494 : i32
        %get3A_496 = arith.index_cast %add3A_495 : i32 to index
        %get3A_497 = arith.constant 32 : index
        %get3A_498 = tpu.vector_load %arg11[%get3A_496, %get3A_497] {strides = array<i32>} : memref<128x64xf32, #tpu.memory_space<vmem>>, vector<16xf32>,
        %mul3A_499 = arith.constant 8.000000e+00 : f32
        %mul3A_500 = vector.broadcast %mul3A_499 : f32 to vector<16xf32>
        %mul3A_501 = arith.mulf %get3A_498, %mul3A_500 : vector<16xf32>
        %swap3A_502 = arith.index_cast %add3A_495 : i32 to index
        %swap3A_503 = arith.constant 32 : index
        %swap3A_504 = tpu.vector_load %arg11[%swap3A_502, %swap3A_503] {strides = array<i32>} : memref<128x64xf32, #tpu.memory_space<vmem>>, vector<16xf32>,
        tpu.vector_store %arg11[%swap3A_502, %swap3A_503], %mul3A_501 {strides = array<i32>} : memref<128x64xf32, #tpu.memory_space<vmem>>, vector<16xf32>,
        %mul3A_505 = arith.constant 8 : i32
        %mul3A_506 = arith.muli %scan3A_362, %mul3A_505 : i32
        %add3A_507 = arith.constant 2 : i32
        %add3A_508 = arith.addi %mul3A_506, %add3A_507 : i32
        %get3A_509 = arith.index_cast %add3A_508 : i32 to index
        %get3A_510 = arith.constant 48 : index
        %get3A_511 = tpu.vector_load %arg11[%get3A_509, %get3A_510] {strides = array<i32>} : memref<128x64xf32, #tpu.memory_space<vmem>>, vector<16xf32>,
        %mul3A_512 = arith.constant 8.000000e+00 : f32
        %mul3A_513 = vector.broadcast %mul3A_512 : f32 to vector<16xf32>
        %mul3A_514 = arith.mulf %get3A_511, %mul3A_513 : vector<16xf32>
        %swap3A_515 = arith.index_cast %add3A_508 : i32 to index
        %swap3A_516 = arith.constant 48 : index
        %swap3A_517 = tpu.vector_load %arg11[%swap3A_515, %swap3A_516] {strides = array<i32>} : memref<128x64xf32, #tpu.memory_space<vmem>>, vector<16xf32>,
        tpu.vector_store %arg11[%swap3A_515, %swap3A_516], %mul3A_514 {strides = array<i32>} : memref<128x64xf32, #tpu.memory_space<vmem>>, vector<16xf32>,
        %mul3A_518 = arith.constant 8 : i32
        %mul3A_519 = arith.muli %scan3A_362, %mul3A_518 : i32
        %add3A_520 = arith.constant 3 : i32
        %add3A_521 = arith.addi %mul3A_519, %add3A_520 : i32
        %get3A_522 = arith.index_cast %add3A_521 : i32 to index
        %get3A_523 = arith.constant 0 : index
        %get3A_524 = tpu.vector_load %arg11[%get3A_522, %get3A_523] {strides = array<i32>} : memref<128x64xf32, #tpu.memory_space<vmem>>, vector<16xf32>,
        %mul3A_525 = arith.constant 8.000000e+00 : f32
        %mul3A_526 = vector.broadcast %mul3A_525 : f32 to vector<16xf32>
        %mul3A_527 = arith.mulf %get3A_524, %mul3A_526 : vector<16xf32>
        %swap3A_528 = arith.index_cast %add3A_521 : i32 to index
        %swap3A_529 = arith.constant 0 : index
        %swap3A_530 = tpu.vector_load %arg11[%swap3A_528, %swap3A_529] {strides = array<i32>} : memref<128x64xf32, #tpu.memory_space<vmem>>, vector<16xf32>,
        tpu.vector_store %arg11[%swap3A_528, %swap3A_529], %mul3A_527 {strides = array<i32>} : memref<128x64xf32, #tpu.memory_space<vmem>>, vector<16xf32>,
        %mul3A_531 = arith.constant 8 : i32
        %mul3A_532 = arith.muli %scan3A_362, %mul3A_531 : i32
        %add3A_533 = arith.constant 3 : i32
        %add3A_534 = arith.addi %mul3A_532, %add3A_533 : i32
        %get3A_535 = arith.index_cast %add3A_534 : i32 to index
        %get3A_536 = arith.constant 16 : index
        %get3A_537 = tpu.vector_load %arg11[%get3A_535, %get3A_536] {strides = array<i32>} : memref<128x64xf32, #tpu.memory_space<vmem>>, vector<16xf32>,
        %mul3A_538 = arith.constant 8.000000e+00 : f32
        %mul3A_539 = vector.broadcast %mul3A_538 : f32 to vector<16xf32>
        %mul3A_540 = arith.mulf %get3A_537, %mul3A_539 : vector<16xf32>
        %swap3A_541 = arith.index_cast %add3A_534 : i32 to index
        %swap3A_542 = arith.constant 16 : index
        %swap3A_543 = tpu.vector_load %arg11[%swap3A_541, %swap3A_542] {strides = array<i32>} : memref<128x64xf32, #tpu.memory_space<vmem>>, vector<16xf32>,
        tpu.vector_store %arg11[%swap3A_541, %swap3A_542], %mul3A_540 {strides = array<i32>} : memref<128x64xf32, #tpu.memory_space<vmem>>, vector<16xf32>,
        %mul3A_544 = arith.constant 8 : i32
        %mul3A_545 = arith.muli %scan3A_362, %mul3A_544 : i32
        %add3A_546 = arith.constant 3 : i32
        %add3A_547 = arith.addi %mul3A_545, %add3A_546 : i32
        %get3A_548 = arith.index_cast %add3A_547 : i32 to index
        %get3A_549 = arith.constant 32 : index
        %get3A_550 = tpu.vector_load %arg11[%get3A_548, %get3A_549] {strides = array<i32>} : memref<128x64xf32, #tpu.memory_space<vmem>>, vector<16xf32>,
        %mul3A_551 = arith.constant 8.000000e+00 : f32
        %mul3A_552 = vector.broadcast %mul3A_551 : f32 to vector<16xf32>
        %mul3A_553 = arith.mulf %get3A_550, %mul3A_552 : vector<16xf32>
        %swap3A_554 = arith.index_cast %add3A_547 : i32 to index
        %swap3A_555 = arith.constant 32 : index
        %swap3A_556 = tpu.vector_load %arg11[%swap3A_554, %swap3A_555] {strides = array<i32>} : memref<128x64xf32, #tpu.memory_space<vmem>>, vector<16xf32>,
        tpu.vector_store %arg11[%swap3A_554, %swap3A_555], %mul3A_553 {strides = array<i32>} : memref<128x64xf32, #tpu.memory_space<vmem>>, vector<16xf32>,
        %mul3A_557 = arith.constant 8 : i32
        %mul3A_558 = arith.muli %scan3A_362, %mul3A_557 : i32
        %add3A_559 = arith.constant 3 : i32
        %add3A_560 = arith.addi %mul3A_558, %add3A_559 : i32
        %get3A_561 = arith.index_cast %add3A_560 : i32 to index
        %get3A_562 = arith.constant 48 : index
        %get3A_563 = tpu.vector_load %arg11[%get3A_561, %get3A_562] {strides = array<i32>} : memref<128x64xf32, #tpu.memory_space<vmem>>, vector<16xf32>,
        %mul3A_564 = arith.constant 8.000000e+00 : f32
        %mul3A_565 = vector.broadcast %mul3A_564 : f32 to vector<16xf32>
        %mul3A_566 = arith.mulf %get3A_563, %mul3A_565 : vector<16xf32>
        %swap3A_567 = arith.index_cast %add3A_560 : i32 to index
        %swap3A_568 = arith.constant 48 : index
        %swap3A_569 = tpu.vector_load %arg11[%swap3A_567, %swap3A_568] {strides = array<i32>} : memref<128x64xf32, #tpu.memory_space<vmem>>, vector<16xf32>,
        tpu.vector_store %arg11[%swap3A_567, %swap3A_568], %mul3A_566 {strides = array<i32>} : memref<128x64xf32, #tpu.memory_space<vmem>>, vector<16xf32>,
        %mul3A_570 = arith.constant 8 : i32
        %mul3A_571 = arith.muli %scan3A_362, %mul3A_570 : i32
        %add3A_572 = arith.constant 4 : i32
        %add3A_573 = arith.addi %mul3A_571, %add3A_572 : i32
        %get3A_574 = arith.index_cast %add3A_573 : i32 to index
        %get3A_575 = arith.constant 0 : index
        %get3A_576 = tpu.vector_load %arg11[%get3A_574, %get3A_575] {strides = array<i32>} : memref<128x64xf32, #tpu.memory_space<vmem>>, vector<16xf32>,
        %mul3A_577 = arith.constant 8.000000e+00 : f32
        %mul3A_578 = vector.broadcast %mul3A_577 : f32 to vector<16xf32>
        %mul3A_579 = arith.mulf %get3A_576, %mul3A_578 : vector<16xf32>
        %swap3A_580 = arith.index_cast %add3A_573 : i32 to index
        %swap3A_581 = arith.constant 0 : index
        %swap3A_582 = tpu.vector_load %arg11[%swap3A_580, %swap3A_581] {strides = array<i32>} : memref<128x64xf32, #tpu.memory_space<vmem>>, vector<16xf32>,
        tpu.vector_store %arg11[%swap3A_580, %swap3A_581], %mul3A_579 {strides = array<i32>} : memref<128x64xf32, #tpu.memory_space<vmem>>, vector<16xf32>,
        %mul3A_583 = arith.constant 8 : i32
        %mul3A_584 = arith.muli %scan3A_362, %mul3A_583 : i32
        %add3A_585 = arith.constant 4 : i32
        %add3A_586 = arith.addi %mul3A_584, %add3A_585 : i32
        %get3A_587 = arith.index_cast %add3A_586 : i32 to index
        %get3A_588 = arith.constant 16 : index
        %get3A_589 = tpu.vector_load %arg11[%get3A_587, %get3A_588] {strides = array<i32>} : memref<128x64xf32, #tpu.memory_space<vmem>>, vector<16xf32>,
        %mul3A_590 = arith.constant 8.000000e+00 : f32
        %mul3A_591 = vector.broadcast %mul3A_590 : f32 to vector<16xf32>
        %mul3A_592 = arith.mulf %get3A_589, %mul3A_591 : vector<16xf32>
        %swap3A_593 = arith.index_cast %add3A_586 : i32 to index
        %swap3A_594 = arith.constant 16 : index
        %swap3A_595 = tpu.vector_load %arg11[%swap3A_593, %swap3A_594] {strides = array<i32>} : memref<128x64xf32, #tpu.memory_space<vmem>>, vector<16xf32>,
        tpu.vector_store %arg11[%swap3A_593, %swap3A_594], %mul3A_592 {strides = array<i32>} : memref<128x64xf32, #tpu.memory_space<vmem>>, vector<16xf32>,
        %mul3A_596 = arith.constant 8 : i32
        %mul3A_597 = arith.muli %scan3A_362, %mul3A_596 : i32
        %add3A_598 = arith.constant 4 : i32
        %add3A_599 = arith.addi %mul3A_597, %add3A_598 : i32
        %get3A_600 = arith.index_cast %add3A_599 : i32 to index
        %get3A_601 = arith.constant 32 : index
        %get3A_602 = tpu.vector_load %arg11[%get3A_600, %get3A_601] {strides = array<i32>} : memref<128x64xf32, #tpu.memory_space<vmem>>, vector<16xf32>,
        %mul3A_603 = arith.constant 8.000000e+00 : f32
        %mul3A_604 = vector.broadcast %mul3A_603 : f32 to vector<16xf32>
        %mul3A_605 = arith.mulf %get3A_602, %mul3A_604 : vector<16xf32>
        %swap3A_606 = arith.index_cast %add3A_599 : i32 to index
        %swap3A_607 = arith.constant 32 : index
        %swap3A_608 = tpu.vector_load %arg11[%swap3A_606, %swap3A_607] {strides = array<i32>} : memref<128x64xf32, #tpu.memory_space<vmem>>, vector<16xf32>,
        tpu.vector_store %arg11[%swap3A_606, %swap3A_607], %mul3A_605 {strides = array<i32>} : memref<128x64xf32, #tpu.memory_space<vmem>>, vector<16xf32>,
        %mul3A_609 = arith.constant 8 : i32
        %mul3A_610 = arith.muli %scan3A_362, %mul3A_609 : i32
        %add3A_611 = arith.constant 4 : i32
        %add3A_612 = arith.addi %mul3A_610, %add3A_611 : i32
        %get3A_613 = arith.index_cast %add3A_612 : i32 to index
        %get3A_614 = arith.constant 48 : index
        %get3A_615 = tpu.vector_load %arg11[%get3A_613, %get3A_614] {strides = array<i32>} : memref<128x64xf32, #tpu.memory_space<vmem>>, vector<16xf32>,
        %mul3A_616 = arith.constant 8.000000e+00 : f32
        %mul3A_617 = vector.broadcast %mul3A_616 : f32 to vector<16xf32>
        %mul3A_618 = arith.mulf %get3A_615, %mul3A_617 : vector<16xf32>
        %swap3A_619 = arith.index_cast %add3A_612 : i32 to index
        %swap3A_620 = arith.constant 48 : index
        %swap3A_621 = tpu.vector_load %arg11[%swap3A_619, %swap3A_620] {strides = array<i32>} : memref<128x64xf32, #tpu.memory_space<vmem>>, vector<16xf32>,
        tpu.vector_store %arg11[%swap3A_619, %swap3A_620], %mul3A_618 {strides = array<i32>} : memref<128x64xf32, #tpu.memory_space<vmem>>, vector<16xf32>,
        %mul3A_622 = arith.constant 8 : i32
        %mul3A_623 = arith.muli %scan3A_362, %mul3A_622 : i32
        %add3A_624 = arith.constant 5 : i32
        %add3A_625 = arith.addi %mul3A_623, %add3A_624 : i32
        %get3A_626 = arith.index_cast %add3A_625 : i32 to index
        %get3A_627 = arith.constant 0 : index
        %get3A_628 = tpu.vector_load %arg11[%get3A_626, %get3A_627] {strides = array<i32>} : memref<128x64xf32, #tpu.memory_space<vmem>>, vector<16xf32>,
        %mul3A_629 = arith.constant 8.000000e+00 : f32
        %mul3A_630 = vector.broadcast %mul3A_629 : f32 to vector<16xf32>
        %mul3A_631 = arith.mulf %get3A_628, %mul3A_630 : vector<16xf32>
        %swap3A_632 = arith.index_cast %add3A_625 : i32 to index
        %swap3A_633 = arith.constant 0 : index
        %swap3A_634 = tpu.vector_load %arg11[%swap3A_632, %swap3A_633] {strides = array<i32>} : memref<128x64xf32, #tpu.memory_space<vmem>>, vector<16xf32>,
        tpu.vector_store %arg11[%swap3A_632, %swap3A_633], %mul3A_631 {strides = array<i32>} : memref<128x64xf32, #tpu.memory_space<vmem>>, vector<16xf32>,
        %mul3A_635 = arith.constant 8 : i32
        %mul3A_636 = arith.muli %scan3A_362, %mul3A_635 : i32
        %add3A_637 = arith.constant 5 : i32
        %add3A_638 = arith.addi %mul3A_636, %add3A_637 : i32
        %get3A_639 = arith.index_cast %add3A_638 : i32 to index
        %get3A_640 = arith.constant 16 : index
        %get3A_641 = tpu.vector_load %arg11[%get3A_639, %get3A_640] {strides = array<i32>} : memref<128x64xf32, #tpu.memory_space<vmem>>, vector<16xf32>,
        %mul3A_642 = arith.constant 8.000000e+00 : f32
        %mul3A_643 = vector.broadcast %mul3A_642 : f32 to vector<16xf32>
        %mul3A_644 = arith.mulf %get3A_641, %mul3A_643 : vector<16xf32>
        %swap3A_645 = arith.index_cast %add3A_638 : i32 to index
        %swap3A_646 = arith.constant 16 : index
        %swap3A_647 = tpu.vector_load %arg11[%swap3A_645, %swap3A_646] {strides = array<i32>} : memref<128x64xf32, #tpu.memory_space<vmem>>, vector<16xf32>,
        tpu.vector_store %arg11[%swap3A_645, %swap3A_646], %mul3A_644 {strides = array<i32>} : memref<128x64xf32, #tpu.memory_space<vmem>>, vector<16xf32>,
        %mul3A_648 = arith.constant 8 : i32
        %mul3A_649 = arith.muli %scan3A_362, %mul3A_648 : i32
        %add3A_650 = arith.constant 5 : i32
        %add3A_651 = arith.addi %mul3A_649, %add3A_650 : i32
        %get3A_652 = arith.index_cast %add3A_651 : i32 to index
        %get3A_653 = arith.constant 32 : index
        %get3A_654 = tpu.vector_load %arg11[%get3A_652, %get3A_653] {strides = array<i32>} : memref<128x64xf32, #tpu.memory_space<vmem>>, vector<16xf32>,
        %mul3A_655 = arith.constant 8.000000e+00 : f32
        %mul3A_656 = vector.broadcast %mul3A_655 : f32 to vector<16xf32>
        %mul3A_657 = arith.mulf %get3A_654, %mul3A_656 : vector<16xf32>
        %swap3A_658 = arith.index_cast %add3A_651 : i32 to index
        %swap3A_659 = arith.constant 32 : index
        %swap3A_660 = tpu.vector_load %arg11[%swap3A_658, %swap3A_659] {strides = array<i32>} : memref<128x64xf32, #tpu.memory_space<vmem>>, vector<16xf32>,
        tpu.vector_store %arg11[%swap3A_658, %swap3A_659], %mul3A_657 {strides = array<i32>} : memref<128x64xf32, #tpu.memory_space<vmem>>, vector<16xf32>,
        %mul3A_661 = arith.constant 8 : i32
        %mul3A_662 = arith.muli %scan3A_362, %mul3A_661 : i32
        %add3A_663 = arith.constant 5 : i32
        %add3A_664 = arith.addi %mul3A_662, %add3A_663 : i32
        %get3A_665 = arith.index_cast %add3A_664 : i32 to index
        %get3A_666 = arith.constant 48 : index
        %get3A_667 = tpu.vector_load %arg11[%get3A_665, %get3A_666] {strides = array<i32>} : memref<128x64xf32, #tpu.memory_space<vmem>>, vector<16xf32>,
        %mul3A_668 = arith.constant 8.000000e+00 : f32
        %mul3A_669 = vector.broadcast %mul3A_668 : f32 to vector<16xf32>
        %mul3A_670 = arith.mulf %get3A_667, %mul3A_669 : vector<16xf32>
        %swap3A_671 = arith.index_cast %add3A_664 : i32 to index
        %swap3A_672 = arith.constant 48 : index
        %swap3A_673 = tpu.vector_load %arg11[%swap3A_671, %swap3A_672] {strides = array<i32>} : memref<128x64xf32, #tpu.memory_space<vmem>>, vector<16xf32>,
        tpu.vector_store %arg11[%swap3A_671, %swap3A_672], %mul3A_670 {strides = array<i32>} : memref<128x64xf32, #tpu.memory_space<vmem>>, vector<16xf32>,
        %mul3A_674 = arith.constant 8 : i32
        %mul3A_675 = arith.muli %scan3A_362, %mul3A_674 : i32
        %add3A_676 = arith.constant 6 : i32
        %add3A_677 = arith.addi %mul3A_675, %add3A_676 : i32
        %get3A_678 = arith.index_cast %add3A_677 : i32 to index
        %get3A_679 = arith.constant 0 : index
        %get3A_680 = tpu.vector_load %arg11[%get3A_678, %get3A_679] {strides = array<i32>} : memref<128x64xf32, #tpu.memory_space<vmem>>, vector<16xf32>,
        %mul3A_681 = arith.constant 8.000000e+00 : f32
        %mul3A_682 = vector.broadcast %mul3A_681 : f32 to vector<16xf32>
        %mul3A_683 = arith.mulf %get3A_680, %mul3A_682 : vector<16xf32>
        %swap3A_684 = arith.index_cast %add3A_677 : i32 to index
        %swap3A_685 = arith.constant 0 : index
        %swap3A_686 = tpu.vector_load %arg11[%swap3A_684, %swap3A_685] {strides = array<i32>} : memref<128x64xf32, #tpu.memory_space<vmem>>, vector<16xf32>,
        tpu.vector_store %arg11[%swap3A_684, %swap3A_685], %mul3A_683 {strides = array<i32>} : memref<128x64xf32, #tpu.memory_space<vmem>>, vector<16xf32>,
        %mul3A_687 = arith.constant 8 : i32
        %mul3A_688 = arith.muli %scan3A_362, %mul3A_687 : i32
        %add3A_689 = arith.constant 6 : i32
        %add3A_690 = arith.addi %mul3A_688, %add3A_689 : i32
        %get3A_691 = arith.index_cast %add3A_690 : i32 to index
        %get3A_692 = arith.constant 16 : index
        %get3A_693 = tpu.vector_load %arg11[%get3A_691, %get3A_692] {strides = array<i32>} : memref<128x64xf32, #tpu.memory_space<vmem>>, vector<16xf32>,
        %mul3A_694 = arith.constant 8.000000e+00 : f32
        %mul3A_695 = vector.broadcast %mul3A_694 : f32 to vector<16xf32>
        %mul3A_696 = arith.mulf %get3A_693, %mul3A_695 : vector<16xf32>
        %swap3A_697 = arith.index_cast %add3A_690 : i32 to index
        %swap3A_698 = arith.constant 16 : index
        %swap3A_699 = tpu.vector_load %arg11[%swap3A_697, %swap3A_698] {strides = array<i32>} : memref<128x64xf32, #tpu.memory_space<vmem>>, vector<16xf32>,
        tpu.vector_store %arg11[%swap3A_697, %swap3A_698], %mul3A_696 {strides = array<i32>} : memref<128x64xf32, #tpu.memory_space<vmem>>, vector<16xf32>,
        %mul3A_700 = arith.constant 8 : i32
        %mul3A_701 = arith.muli %scan3A_362, %mul3A_700 : i32
        %add3A_702 = arith.constant 6 : i32
        %add3A_703 = arith.addi %mul3A_701, %add3A_702 : i32
        %get3A_704 = arith.index_cast %add3A_703 : i32 to index
        %get3A_705 = arith.constant 32 : index
        %get3A_706 = tpu.vector_load %arg11[%get3A_704, %get3A_705] {strides = array<i32>} : memref<128x64xf32, #tpu.memory_space<vmem>>, vector<16xf32>,
        %mul3A_707 = arith.constant 8.000000e+00 : f32
        %mul3A_708 = vector.broadcast %mul3A_707 : f32 to vector<16xf32>
        %mul3A_709 = arith.mulf %get3A_706, %mul3A_708 : vector<16xf32>
        %swap3A_710 = arith.index_cast %add3A_703 : i32 to index
        %swap3A_711 = arith.constant 32 : index
        %swap3A_712 = tpu.vector_load %arg11[%swap3A_710, %swap3A_711] {strides = array<i32>} : memref<128x64xf32, #tpu.memory_space<vmem>>, vector<16xf32>,
        tpu.vector_store %arg11[%swap3A_710, %swap3A_711], %mul3A_709 {strides = array<i32>} : memref<128x64xf32, #tpu.memory_space<vmem>>, vector<16xf32>,
        %mul3A_713 = arith.constant 8 : i32
        %mul3A_714 = arith.muli %scan3A_362, %mul3A_713 : i32
        %add3A_715 = arith.constant 6 : i32
        %add3A_716 = arith.addi %mul3A_714, %add3A_715 : i32
        %get3A_717 = arith.index_cast %add3A_716 : i32 to index
        %get3A_718 = arith.constant 48 : index
        %get3A_719 = tpu.vector_load %arg11[%get3A_717, %get3A_718] {strides = array<i32>} : memref<128x64xf32, #tpu.memory_space<vmem>>, vector<16xf32>,
        %mul3A_720 = arith.constant 8.000000e+00 : f32
        %mul3A_721 = vector.broadcast %mul3A_720 : f32 to vector<16xf32>
        %mul3A_722 = arith.mulf %get3A_719, %mul3A_721 : vector<16xf32>
        %swap3A_723 = arith.index_cast %add3A_716 : i32 to index
        %swap3A_724 = arith.constant 48 : index
        %swap3A_725 = tpu.vector_load %arg11[%swap3A_723, %swap3A_724] {strides = array<i32>} : memref<128x64xf32, #tpu.memory_space<vmem>>, vector<16xf32>,
        tpu.vector_store %arg11[%swap3A_723, %swap3A_724], %mul3A_722 {strides = array<i32>} : memref<128x64xf32, #tpu.memory_space<vmem>>, vector<16xf32>,
        %mul3A_726 = arith.constant 8 : i32
        %mul3A_727 = arith.muli %scan3A_362, %mul3A_726 : i32
        %add3A_728 = arith.constant 7 : i32
        %add3A_729 = arith.addi %mul3A_727, %add3A_728 : i32
        %get3A_730 = arith.index_cast %add3A_729 : i32 to index
        %get3A_731 = arith.constant 0 : index
        %get3A_732 = tpu.vector_load %arg11[%get3A_730, %get3A_731] {strides = array<i32>} : memref<128x64xf32, #tpu.memory_space<vmem>>, vector<16xf32>,
        %mul3A_733 = arith.constant 8.000000e+00 : f32
        %mul3A_734 = vector.broadcast %mul3A_733 : f32 to vector<16xf32>
        %mul3A_735 = arith.mulf %get3A_732, %mul3A_734 : vector<16xf32>
        %swap3A_736 = arith.index_cast %add3A_729 : i32 to index
        %swap3A_737 = arith.constant 0 : index
        %swap3A_738 = tpu.vector_load %arg11[%swap3A_736, %swap3A_737] {strides = array<i32>} : memref<128x64xf32, #tpu.memory_space<vmem>>, vector<16xf32>,
        tpu.vector_store %arg11[%swap3A_736, %swap3A_737], %mul3A_735 {strides = array<i32>} : memref<128x64xf32, #tpu.memory_space<vmem>>, vector<16xf32>,
        %mul3A_739 = arith.constant 8 : i32
        %mul3A_740 = arith.muli %scan3A_362, %mul3A_739 : i32
        %add3A_741 = arith.constant 7 : i32
        %add3A_742 = arith.addi %mul3A_740, %add3A_741 : i32
        %get3A_743 = arith.index_cast %add3A_742 : i32 to index
        %get3A_744 = arith.constant 16 : index
        %get3A_745 = tpu.vector_load %arg11[%get3A_743, %get3A_744] {strides = array<i32>} : memref<128x64xf32, #tpu.memory_space<vmem>>, vector<16xf32>,
        %mul3A_746 = arith.constant 8.000000e+00 : f32
        %mul3A_747 = vector.broadcast %mul3A_746 : f32 to vector<16xf32>
        %mul3A_748 = arith.mulf %get3A_745, %mul3A_747 : vector<16xf32>
        %swap3A_749 = arith.index_cast %add3A_742 : i32 to index
        %swap3A_750 = arith.constant 16 : index
        %swap3A_751 = tpu.vector_load %arg11[%swap3A_749, %swap3A_750] {strides = array<i32>} : memref<128x64xf32, #tpu.memory_space<vmem>>, vector<16xf32>,
        tpu.vector_store %arg11[%swap3A_749, %swap3A_750], %mul3A_748 {strides = array<i32>} : memref<128x64xf32, #tpu.memory_space<vmem>>, vector<16xf32>,
        %mul3A_752 = arith.constant 8 : i32
        %mul3A_753 = arith.muli %scan3A_362, %mul3A_752 : i32
        %add3A_754 = arith.constant 7 : i32
        %add3A_755 = arith.addi %mul3A_753, %add3A_754 : i32
        %get3A_756 = arith.index_cast %add3A_755 : i32 to index
        %get3A_757 = arith.constant 32 : index
        %get3A_758 = tpu.vector_load %arg11[%get3A_756, %get3A_757] {strides = array<i32>} : memref<128x64xf32, #tpu.memory_space<vmem>>, vector<16xf32>,
        %mul3A_759 = arith.constant 8.000000e+00 : f32
        %mul3A_760 = vector.broadcast %mul3A_759 : f32 to vector<16xf32>
        %mul3A_761 = arith.mulf %get3A_758, %mul3A_760 : vector<16xf32>
        %swap3A_762 = arith.index_cast %add3A_755 : i32 to index
        %swap3A_763 = arith.constant 32 : index
        %swap3A_764 = tpu.vector_load %arg11[%swap3A_762, %swap3A_763] {strides = array<i32>} : memref<128x64xf32, #tpu.memory_space<vmem>>, vector<16xf32>,
        tpu.vector_store %arg11[%swap3A_762, %swap3A_763], %mul3A_761 {strides = array<i32>} : memref<128x64xf32, #tpu.memory_space<vmem>>, vector<16xf32>,
        %mul3A_765 = arith.constant 8 : i32
        %mul3A_766 = arith.muli %scan3A_362, %mul3A_765 : i32
        %add3A_767 = arith.constant 7 : i32
        %add3A_768 = arith.addi %mul3A_766, %add3A_767 : i32
        %get3A_769 = arith.index_cast %add3A_768 : i32 to index
        %get3A_770 = arith.constant 48 : index
        %get3A_771 = tpu.vector_load %arg11[%get3A_769, %get3A_770] {strides = array<i32>} : memref<128x64xf32, #tpu.memory_space<vmem>>, vector<16xf32>,
        %mul3A_772 = arith.constant 8.000000e+00 : f32
        %mul3A_773 = vector.broadcast %mul3A_772 : f32 to vector<16xf32>
        %mul3A_774 = arith.mulf %get3A_771, %mul3A_773 : vector<16xf32>
        %swap3A_775 = arith.index_cast %add3A_768 : i32 to index
        %swap3A_776 = arith.constant 48 : index
        %swap3A_777 = tpu.vector_load %arg11[%swap3A_775, %swap3A_776] {strides = array<i32>} : memref<128x64xf32, #tpu.memory_space<vmem>>, vector<16xf32>,
        tpu.vector_store %arg11[%swap3A_775, %swap3A_776], %mul3A_774 {strides = array<i32>} : memref<128x64xf32, #tpu.memory_space<vmem>>, vector<16xf32>,
        %scan3A_778 = arith.constant 0 : i32
        scf.yield %scan3A_778 : i32
      }
      %scan3A_267 = arith.constant 16 : i32
      %mul3A_268 = arith.constant 25600 : i32
      %mul3A_269 = arith.muli %add3A, %mul3A_268 : i32
      %mul3A_270 = arith.constant 128 : i32
      %mul3A_271 = arith.muli %add3A_254, %mul3A_270 : i32
      %add3A_272 = arith.addi %mul3A_269, %mul3A_271 : i32
      %dma_start3A_273 = arith.constant 0 : i32
      %dma_start3A_274 = tpu.memref_slice %arg4[%add3A_272, %dma_start3A_273] : memref<819200x128xf32, #tpu.memory_space<hbm>> -> memref<128x64xf32, #tpu.memory_space<hbm>>
      %dma_start3A_275 = arith.constant 0 : i32
      %dma_start3A_276 = tpu.memref_slice %arg4[%add3A_272, %dma_start3A_275] : memref<819200x128xf32, #tpu.memory_space<hbm>> -> memref<128x64xf32, #tpu.memory_space<hbm>>
      tpu.enqueue_dma source(%arg11 : memref<128x64xf32, #tpu.memory_space<vmem>>) target(%dma_start3A_276 : memref<128x64xf32, #tpu.memory_space<hbm>>) target_semaphore(%arg27 : memref<!tpu.dma_semaphore, #tpu.memory_space<semaphore_mem>>)
      %ge3A_277 = arith.constant 4 : i32
      %ge3A_278 = arith.cmpi sge, %add3A_254, %ge3A_277 : i32
      %convert_element_type3A_279 = arith.extui %ge3A_278 : i1 to i32
      %cond3A_280 = arith.constant 0 : i32
      %cond3A_281 = arith.cmpi ne, %convert_element_type3A_279, %cond3A_280 : i32
      scf.if %cond3A_281 {
        %dma_wait3A_362 = arith.constant 0 : i32
        %dma_wait3A_363 = arith.constant 0 : i32
        %dma_wait3A_364 = tpu.memref_slice %arg4[%dma_wait3A_362, %dma_wait3A_363] : memref<819200x128xf32, #tpu.memory_space<hbm>> -> memref<128x64xf32, #tpu.memory_space<hbm>>
        %dma_wait3A_365 = arith.constant 0 : i32
        %dma_wait3A_366 = arith.constant 0 : i32
        %dma_wait3A_367 = tpu.memref_slice %arg4[%dma_wait3A_365, %dma_wait3A_366] : memref<819200x128xf32, #tpu.memory_space<hbm>> -> memref<128x64xf32, #tpu.memory_space<hbm>>
        tpu.wait_dma2 semaphore(%arg23 : memref<!tpu.dma_semaphore, #tpu.memory_space<semaphore_mem>>) src(%arg7 : memref<128x64xf32, #tpu.memory_space<vmem>>) dst(%dma_wait3A_367 : memref<128x64xf32, #tpu.memory_space<hbm>>)
      } else {
      }
      %add3A_282 = arith.constant 4 : i32
      %add3A_283 = arith.addi %add3A_254, %add3A_282 : i32
      %lt3A_284 = arith.constant 200 : i32
      %lt3A_285 = arith.cmpi slt, %add3A_283, %lt3A_284 : i32
      %convert_element_type3A_286 = arith.extui %lt3A_285 : i1 to i32
      %cond3A_287 = arith.constant 0 : i32
      %cond3A_288 = arith.cmpi ne, %convert_element_type3A_286, %cond3A_287 : i32
      scf.if %cond3A_288 {
        %add3A_362 = arith.constant 4 : i32
        %add3A_363 = arith.addi %add3A_254, %add3A_362 : i32
        %dma_start3A_364 = arith.constant 0 : i32
        %dma_start3A_365 = tpu.memref_slice %arg5[%add3A_363, %dma_start3A_364] : memref<200x128xi32, #tpu.memory_space<vmem>> -> memref<1x128xi32, #tpu.memory_space<vmem>>
        %dma_start3A_366 = tpu.memref_squeeze %dma_start3A_365 : memref<1x128xi32, #tpu.memory_space<vmem>> -> memref<128xi32, #tpu.memory_space<vmem>>
        %dma_start3A_367 = arith.constant 0 : i32
        %dma_start3A_368 = arith.constant 0 : i32
        %dma_start3A_369 = tpu.memref_slice %arg3[%dma_start3A_367, %dma_start3A_368] : memref<1000000x64xf32, #tpu.memory_space<hbm>> -> memref<1000000x64xf32, #tpu.memory_space<hbm>>
        tpu.enqueue_indirect_dma source(%dma_start3A_369 : memref<1000000x64xf32, #tpu.memory_space<hbm>>) target(%arg7 : memref<128x64xf32, #tpu.memory_space<vmem>>) offsets(%dma_start3A_366 : memref<128xi32, #tpu.memory_space<vmem>>) semaphore(%arg15 : memref<!tpu.dma_semaphore, #tpu.memory_space<semaphore_mem>>)
      } else {
      }
      %add3A_289 = arith.constant 6 : i32
      %add3A_290 = arith.addi %mul3A_76, %add3A_289 : i32
      %dma_wait3A_291 = arith.constant 0 : i32
      %dma_wait3A_292 = tpu.memref_slice %arg5[%add3A_290, %dma_wait3A_291] : memref<200x128xi32, #tpu.memory_space<vmem>> -> memref<1x128xi32, #tpu.memory_space<vmem>>
      %dma_wait3A_293 = tpu.memref_squeeze %dma_wait3A_292 : memref<1x128xi32, #tpu.memory_space<vmem>> -> memref<128xi32, #tpu.memory_space<vmem>>
      %dma_wait3A_294 = arith.constant 0 : i32
      %dma_wait3A_295 = arith.constant 0 : i32
      %dma_wait3A_296 = tpu.memref_slice %arg3[%dma_wait3A_294, %dma_wait3A_295] : memref<1000000x64xf32, #tpu.memory_space<hbm>> -> memref<1000000x64xf32, #tpu.memory_space<hbm>>
      tpu.wait_indirect_dma semaphore(%arg20 : memref<!tpu.dma_semaphore, #tpu.memory_space<semaphore_mem>>) src(%dma_wait3A_296 : memref<1000000x64xf32, #tpu.memory_space<hbm>>) dst(%arg12 : memref<128x64xf32, #tpu.memory_space<vmem>>)
      %scan3A_297 = arith.constant 0 : i32
      %scan3A_298 = arith.constant 0 : i32
      %scan3A_299 = arith.constant 16 : i32
      %scan3A_300 = arith.addi %scan3A_298, %scan3A_299 : i32
      %scan3A_301 = arith.constant 1 : i32
      %scan3A_302 = scf.for %scan3A_362 = %scan3A_298 to %scan3A_300 step %scan3A_301 iter_args(%scan3A_363 = %scan3A_297) -> (i32)  : i32 {
        %mul3A_364 = arith.constant 8 : i32
        %mul3A_365 = arith.muli %scan3A_362, %mul3A_364 : i32
        %add3A_366 = arith.constant 0 : i32
        %add3A_367 = arith.addi %mul3A_365, %add3A_366 : i32
        %get3A = arith.index_cast %add3A_367 : i32 to index
        %get3A_368 = arith.constant 0 : index
        %get3A_369 = tpu.vector_load %arg12[%get3A, %get3A_368] {strides = array<i32>} : memref<128x64xf32, #tpu.memory_space<vmem>>, vector<16xf32>,
        %mul3A_370 = arith.constant 8.000000e+00 : f32
        %mul3A_371 = vector.broadcast %mul3A_370 : f32 to vector<16xf32>
        %mul3A_372 = arith.mulf %get3A_369, %mul3A_371 : vector<16xf32>
        %swap3A = arith.index_cast %add3A_367 : i32 to index
        %swap3A_373 = arith.constant 0 : index
        %swap3A_374 = tpu.vector_load %arg12[%swap3A, %swap3A_373] {strides = array<i32>} : memref<128x64xf32, #tpu.memory_space<vmem>>, vector<16xf32>,
        tpu.vector_store %arg12[%swap3A, %swap3A_373], %mul3A_372 {strides = array<i32>} : memref<128x64xf32, #tpu.memory_space<vmem>>, vector<16xf32>,
        %mul3A_375 = arith.constant 8 : i32
        %mul3A_376 = arith.muli %scan3A_362, %mul3A_375 : i32
        %add3A_377 = arith.constant 0 : i32
        %add3A_378 = arith.addi %mul3A_376, %add3A_377 : i32
        %get3A_379 = arith.index_cast %add3A_378 : i32 to index
        %get3A_380 = arith.constant 16 : index
        %get3A_381 = tpu.vector_load %arg12[%get3A_379, %get3A_380] {strides = array<i32>} : memref<128x64xf32, #tpu.memory_space<vmem>>, vector<16xf32>,
        %mul3A_382 = arith.constant 8.000000e+00 : f32
        %mul3A_383 = vector.broadcast %mul3A_382 : f32 to vector<16xf32>
        %mul3A_384 = arith.mulf %get3A_381, %mul3A_383 : vector<16xf32>
        %swap3A_385 = arith.index_cast %add3A_378 : i32 to index
        %swap3A_386 = arith.constant 16 : index
        %swap3A_387 = tpu.vector_load %arg12[%swap3A_385, %swap3A_386] {strides = array<i32>} : memref<128x64xf32, #tpu.memory_space<vmem>>, vector<16xf32>,
        tpu.vector_store %arg12[%swap3A_385, %swap3A_386], %mul3A_384 {strides = array<i32>} : memref<128x64xf32, #tpu.memory_space<vmem>>, vector<16xf32>,
        %mul3A_388 = arith.constant 8 : i32
        %mul3A_389 = arith.muli %scan3A_362, %mul3A_388 : i32
        %add3A_390 = arith.constant 0 : i32
        %add3A_391 = arith.addi %mul3A_389, %add3A_390 : i32
        %get3A_392 = arith.index_cast %add3A_391 : i32 to index
        %get3A_393 = arith.constant 32 : index
        %get3A_394 = tpu.vector_load %arg12[%get3A_392, %get3A_393] {strides = array<i32>} : memref<128x64xf32, #tpu.memory_space<vmem>>, vector<16xf32>,
        %mul3A_395 = arith.constant 8.000000e+00 : f32
        %mul3A_396 = vector.broadcast %mul3A_395 : f32 to vector<16xf32>
        %mul3A_397 = arith.mulf %get3A_394, %mul3A_396 : vector<16xf32>
        %swap3A_398 = arith.index_cast %add3A_391 : i32 to index
        %swap3A_399 = arith.constant 32 : index
        %swap3A_400 = tpu.vector_load %arg12[%swap3A_398, %swap3A_399] {strides = array<i32>} : memref<128x64xf32, #tpu.memory_space<vmem>>, vector<16xf32>,
        tpu.vector_store %arg12[%swap3A_398, %swap3A_399], %mul3A_397 {strides = array<i32>} : memref<128x64xf32, #tpu.memory_space<vmem>>, vector<16xf32>,
        %mul3A_401 = arith.constant 8 : i32
        %mul3A_402 = arith.muli %scan3A_362, %mul3A_401 : i32
        %add3A_403 = arith.constant 0 : i32
        %add3A_404 = arith.addi %mul3A_402, %add3A_403 : i32
        %get3A_405 = arith.index_cast %add3A_404 : i32 to index
        %get3A_406 = arith.constant 48 : index
        %get3A_407 = tpu.vector_load %arg12[%get3A_405, %get3A_406] {strides = array<i32>} : memref<128x64xf32, #tpu.memory_space<vmem>>, vector<16xf32>,
        %mul3A_408 = arith.constant 8.000000e+00 : f32
        %mul3A_409 = vector.broadcast %mul3A_408 : f32 to vector<16xf32>
        %mul3A_410 = arith.mulf %get3A_407, %mul3A_409 : vector<16xf32>
        %swap3A_411 = arith.index_cast %add3A_404 : i32 to index
        %swap3A_412 = arith.constant 48 : index
        %swap3A_413 = tpu.vector_load %arg12[%swap3A_411, %swap3A_412] {strides = array<i32>} : memref<128x64xf32, #tpu.memory_space<vmem>>, vector<16xf32>,
        tpu.vector_store %arg12[%swap3A_411, %swap3A_412], %mul3A_410 {strides = array<i32>} : memref<128x64xf32, #tpu.memory_space<vmem>>, vector<16xf32>,
        %mul3A_414 = arith.constant 8 : i32
        %mul3A_415 = arith.muli %scan3A_362, %mul3A_414 : i32
        %add3A_416 = arith.constant 1 : i32
        %add3A_417 = arith.addi %mul3A_415, %add3A_416 : i32
        %get3A_418 = arith.index_cast %add3A_417 : i32 to index
        %get3A_419 = arith.constant 0 : index
        %get3A_420 = tpu.vector_load %arg12[%get3A_418, %get3A_419] {strides = array<i32>} : memref<128x64xf32, #tpu.memory_space<vmem>>, vector<16xf32>,
        %mul3A_421 = arith.constant 8.000000e+00 : f32
        %mul3A_422 = vector.broadcast %mul3A_421 : f32 to vector<16xf32>
        %mul3A_423 = arith.mulf %get3A_420, %mul3A_422 : vector<16xf32>
        %swap3A_424 = arith.index_cast %add3A_417 : i32 to index
        %swap3A_425 = arith.constant 0 : index
        %swap3A_426 = tpu.vector_load %arg12[%swap3A_424, %swap3A_425] {strides = array<i32>} : memref<128x64xf32, #tpu.memory_space<vmem>>, vector<16xf32>,
        tpu.vector_store %arg12[%swap3A_424, %swap3A_425], %mul3A_423 {strides = array<i32>} : memref<128x64xf32, #tpu.memory_space<vmem>>, vector<16xf32>,
        %mul3A_427 = arith.constant 8 : i32
        %mul3A_428 = arith.muli %scan3A_362, %mul3A_427 : i32
        %add3A_429 = arith.constant 1 : i32
        %add3A_430 = arith.addi %mul3A_428, %add3A_429 : i32
        %get3A_431 = arith.index_cast %add3A_430 : i32 to index
        %get3A_432 = arith.constant 16 : index
        %get3A_433 = tpu.vector_load %arg12[%get3A_431, %get3A_432] {strides = array<i32>} : memref<128x64xf32, #tpu.memory_space<vmem>>, vector<16xf32>,
        %mul3A_434 = arith.constant 8.000000e+00 : f32
        %mul3A_435 = vector.broadcast %mul3A_434 : f32 to vector<16xf32>
        %mul3A_436 = arith.mulf %get3A_433, %mul3A_435 : vector<16xf32>
        %swap3A_437 = arith.index_cast %add3A_430 : i32 to index
        %swap3A_438 = arith.constant 16 : index
        %swap3A_439 = tpu.vector_load %arg12[%swap3A_437, %swap3A_438] {strides = array<i32>} : memref<128x64xf32, #tpu.memory_space<vmem>>, vector<16xf32>,
        tpu.vector_store %arg12[%swap3A_437, %swap3A_438], %mul3A_436 {strides = array<i32>} : memref<128x64xf32, #tpu.memory_space<vmem>>, vector<16xf32>,
        %mul3A_440 = arith.constant 8 : i32
        %mul3A_441 = arith.muli %scan3A_362, %mul3A_440 : i32
        %add3A_442 = arith.constant 1 : i32
        %add3A_443 = arith.addi %mul3A_441, %add3A_442 : i32
        %get3A_444 = arith.index_cast %add3A_443 : i32 to index
        %get3A_445 = arith.constant 32 : index
        %get3A_446 = tpu.vector_load %arg12[%get3A_444, %get3A_445] {strides = array<i32>} : memref<128x64xf32, #tpu.memory_space<vmem>>, vector<16xf32>,
        %mul3A_447 = arith.constant 8.000000e+00 : f32
        %mul3A_448 = vector.broadcast %mul3A_447 : f32 to vector<16xf32>
        %mul3A_449 = arith.mulf %get3A_446, %mul3A_448 : vector<16xf32>
        %swap3A_450 = arith.index_cast %add3A_443 : i32 to index
        %swap3A_451 = arith.constant 32 : index
        %swap3A_452 = tpu.vector_load %arg12[%swap3A_450, %swap3A_451] {strides = array<i32>} : memref<128x64xf32, #tpu.memory_space<vmem>>, vector<16xf32>,
        tpu.vector_store %arg12[%swap3A_450, %swap3A_451], %mul3A_449 {strides = array<i32>} : memref<128x64xf32, #tpu.memory_space<vmem>>, vector<16xf32>,
        %mul3A_453 = arith.constant 8 : i32
        %mul3A_454 = arith.muli %scan3A_362, %mul3A_453 : i32
        %add3A_455 = arith.constant 1 : i32
        %add3A_456 = arith.addi %mul3A_454, %add3A_455 : i32
        %get3A_457 = arith.index_cast %add3A_456 : i32 to index
        %get3A_458 = arith.constant 48 : index
        %get3A_459 = tpu.vector_load %arg12[%get3A_457, %get3A_458] {strides = array<i32>} : memref<128x64xf32, #tpu.memory_space<vmem>>, vector<16xf32>,
        %mul3A_460 = arith.constant 8.000000e+00 : f32
        %mul3A_461 = vector.broadcast %mul3A_460 : f32 to vector<16xf32>
        %mul3A_462 = arith.mulf %get3A_459, %mul3A_461 : vector<16xf32>
        %swap3A_463 = arith.index_cast %add3A_456 : i32 to index
        %swap3A_464 = arith.constant 48 : index
        %swap3A_465 = tpu.vector_load %arg12[%swap3A_463, %swap3A_464] {strides = array<i32>} : memref<128x64xf32, #tpu.memory_space<vmem>>, vector<16xf32>,
        tpu.vector_store %arg12[%swap3A_463, %swap3A_464], %mul3A_462 {strides = array<i32>} : memref<128x64xf32, #tpu.memory_space<vmem>>, vector<16xf32>,
        %mul3A_466 = arith.constant 8 : i32
        %mul3A_467 = arith.muli %scan3A_362, %mul3A_466 : i32
        %add3A_468 = arith.constant 2 : i32
        %add3A_469 = arith.addi %mul3A_467, %add3A_468 : i32
        %get3A_470 = arith.index_cast %add3A_469 : i32 to index
        %get3A_471 = arith.constant 0 : index
        %get3A_472 = tpu.vector_load %arg12[%get3A_470, %get3A_471] {strides = array<i32>} : memref<128x64xf32, #tpu.memory_space<vmem>>, vector<16xf32>,
        %mul3A_473 = arith.constant 8.000000e+00 : f32
        %mul3A_474 = vector.broadcast %mul3A_473 : f32 to vector<16xf32>
        %mul3A_475 = arith.mulf %get3A_472, %mul3A_474 : vector<16xf32>
        %swap3A_476 = arith.index_cast %add3A_469 : i32 to index
        %swap3A_477 = arith.constant 0 : index
        %swap3A_478 = tpu.vector_load %arg12[%swap3A_476, %swap3A_477] {strides = array<i32>} : memref<128x64xf32, #tpu.memory_space<vmem>>, vector<16xf32>,
        tpu.vector_store %arg12[%swap3A_476, %swap3A_477], %mul3A_475 {strides = array<i32>} : memref<128x64xf32, #tpu.memory_space<vmem>>, vector<16xf32>,
        %mul3A_479 = arith.constant 8 : i32
        %mul3A_480 = arith.muli %scan3A_362, %mul3A_479 : i32
        %add3A_481 = arith.constant 2 : i32
        %add3A_482 = arith.addi %mul3A_480, %add3A_481 : i32
        %get3A_483 = arith.index_cast %add3A_482 : i32 to index
        %get3A_484 = arith.constant 16 : index
        %get3A_485 = tpu.vector_load %arg12[%get3A_483, %get3A_484] {strides = array<i32>} : memref<128x64xf32, #tpu.memory_space<vmem>>, vector<16xf32>,
        %mul3A_486 = arith.constant 8.000000e+00 : f32
        %mul3A_487 = vector.broadcast %mul3A_486 : f32 to vector<16xf32>
        %mul3A_488 = arith.mulf %get3A_485, %mul3A_487 : vector<16xf32>
        %swap3A_489 = arith.index_cast %add3A_482 : i32 to index
        %swap3A_490 = arith.constant 16 : index
        %swap3A_491 = tpu.vector_load %arg12[%swap3A_489, %swap3A_490] {strides = array<i32>} : memref<128x64xf32, #tpu.memory_space<vmem>>, vector<16xf32>,
        tpu.vector_store %arg12[%swap3A_489, %swap3A_490], %mul3A_488 {strides = array<i32>} : memref<128x64xf32, #tpu.memory_space<vmem>>, vector<16xf32>,
        %mul3A_492 = arith.constant 8 : i32
        %mul3A_493 = arith.muli %scan3A_362, %mul3A_492 : i32
        %add3A_494 = arith.constant 2 : i32
        %add3A_495 = arith.addi %mul3A_493, %add3A_494 : i32
        %get3A_496 = arith.index_cast %add3A_495 : i32 to index
        %get3A_497 = arith.constant 32 : index
        %get3A_498 = tpu.vector_load %arg12[%get3A_496, %get3A_497] {strides = array<i32>} : memref<128x64xf32, #tpu.memory_space<vmem>>, vector<16xf32>,
        %mul3A_499 = arith.constant 8.000000e+00 : f32
        %mul3A_500 = vector.broadcast %mul3A_499 : f32 to vector<16xf32>
        %mul3A_501 = arith.mulf %get3A_498, %mul3A_500 : vector<16xf32>
        %swap3A_502 = arith.index_cast %add3A_495 : i32 to index
        %swap3A_503 = arith.constant 32 : index
        %swap3A_504 = tpu.vector_load %arg12[%swap3A_502, %swap3A_503] {strides = array<i32>} : memref<128x64xf32, #tpu.memory_space<vmem>>, vector<16xf32>,
        tpu.vector_store %arg12[%swap3A_502, %swap3A_503], %mul3A_501 {strides = array<i32>} : memref<128x64xf32, #tpu.memory_space<vmem>>, vector<16xf32>,
        %mul3A_505 = arith.constant 8 : i32
        %mul3A_506 = arith.muli %scan3A_362, %mul3A_505 : i32
        %add3A_507 = arith.constant 2 : i32
        %add3A_508 = arith.addi %mul3A_506, %add3A_507 : i32
        %get3A_509 = arith.index_cast %add3A_508 : i32 to index
        %get3A_510 = arith.constant 48 : index
        %get3A_511 = tpu.vector_load %arg12[%get3A_509, %get3A_510] {strides = array<i32>} : memref<128x64xf32, #tpu.memory_space<vmem>>, vector<16xf32>,
        %mul3A_512 = arith.constant 8.000000e+00 : f32
        %mul3A_513 = vector.broadcast %mul3A_512 : f32 to vector<16xf32>
        %mul3A_514 = arith.mulf %get3A_511, %mul3A_513 : vector<16xf32>
        %swap3A_515 = arith.index_cast %add3A_508 : i32 to index
        %swap3A_516 = arith.constant 48 : index
        %swap3A_517 = tpu.vector_load %arg12[%swap3A_515, %swap3A_516] {strides = array<i32>} : memref<128x64xf32, #tpu.memory_space<vmem>>, vector<16xf32>,
        tpu.vector_store %arg12[%swap3A_515, %swap3A_516], %mul3A_514 {strides = array<i32>} : memref<128x64xf32, #tpu.memory_space<vmem>>, vector<16xf32>,
        %mul3A_518 = arith.constant 8 : i32
        %mul3A_519 = arith.muli %scan3A_362, %mul3A_518 : i32
        %add3A_520 = arith.constant 3 : i32
        %add3A_521 = arith.addi %mul3A_519, %add3A_520 : i32
        %get3A_522 = arith.index_cast %add3A_521 : i32 to index
        %get3A_523 = arith.constant 0 : index
        %get3A_524 = tpu.vector_load %arg12[%get3A_522, %get3A_523] {strides = array<i32>} : memref<128x64xf32, #tpu.memory_space<vmem>>, vector<16xf32>,
        %mul3A_525 = arith.constant 8.000000e+00 : f32
        %mul3A_526 = vector.broadcast %mul3A_525 : f32 to vector<16xf32>
        %mul3A_527 = arith.mulf %get3A_524, %mul3A_526 : vector<16xf32>
        %swap3A_528 = arith.index_cast %add3A_521 : i32 to index
        %swap3A_529 = arith.constant 0 : index
        %swap3A_530 = tpu.vector_load %arg12[%swap3A_528, %swap3A_529] {strides = array<i32>} : memref<128x64xf32, #tpu.memory_space<vmem>>, vector<16xf32>,
        tpu.vector_store %arg12[%swap3A_528, %swap3A_529], %mul3A_527 {strides = array<i32>} : memref<128x64xf32, #tpu.memory_space<vmem>>, vector<16xf32>,
        %mul3A_531 = arith.constant 8 : i32
        %mul3A_532 = arith.muli %scan3A_362, %mul3A_531 : i32
        %add3A_533 = arith.constant 3 : i32
        %add3A_534 = arith.addi %mul3A_532, %add3A_533 : i32
        %get3A_535 = arith.index_cast %add3A_534 : i32 to index
        %get3A_536 = arith.constant 16 : index
        %get3A_537 = tpu.vector_load %arg12[%get3A_535, %get3A_536] {strides = array<i32>} : memref<128x64xf32, #tpu.memory_space<vmem>>, vector<16xf32>,
        %mul3A_538 = arith.constant 8.000000e+00 : f32
        %mul3A_539 = vector.broadcast %mul3A_538 : f32 to vector<16xf32>
        %mul3A_540 = arith.mulf %get3A_537, %mul3A_539 : vector<16xf32>
        %swap3A_541 = arith.index_cast %add3A_534 : i32 to index
        %swap3A_542 = arith.constant 16 : index
        %swap3A_543 = tpu.vector_load %arg12[%swap3A_541, %swap3A_542] {strides = array<i32>} : memref<128x64xf32, #tpu.memory_space<vmem>>, vector<16xf32>,
        tpu.vector_store %arg12[%swap3A_541, %swap3A_542], %mul3A_540 {strides = array<i32>} : memref<128x64xf32, #tpu.memory_space<vmem>>, vector<16xf32>,
        %mul3A_544 = arith.constant 8 : i32
        %mul3A_545 = arith.muli %scan3A_362, %mul3A_544 : i32
        %add3A_546 = arith.constant 3 : i32
        %add3A_547 = arith.addi %mul3A_545, %add3A_546 : i32
        %get3A_548 = arith.index_cast %add3A_547 : i32 to index
        %get3A_549 = arith.constant 32 : index
        %get3A_550 = tpu.vector_load %arg12[%get3A_548, %get3A_549] {strides = array<i32>} : memref<128x64xf32, #tpu.memory_space<vmem>>, vector<16xf32>,
        %mul3A_551 = arith.constant 8.000000e+00 : f32
        %mul3A_552 = vector.broadcast %mul3A_551 : f32 to vector<16xf32>
        %mul3A_553 = arith.mulf %get3A_550, %mul3A_552 : vector<16xf32>
        %swap3A_554 = arith.index_cast %add3A_547 : i32 to index
        %swap3A_555 = arith.constant 32 : index
        %swap3A_556 = tpu.vector_load %arg12[%swap3A_554, %swap3A_555] {strides = array<i32>} : memref<128x64xf32, #tpu.memory_space<vmem>>, vector<16xf32>,
        tpu.vector_store %arg12[%swap3A_554, %swap3A_555], %mul3A_553 {strides = array<i32>} : memref<128x64xf32, #tpu.memory_space<vmem>>, vector<16xf32>,
        %mul3A_557 = arith.constant 8 : i32
        %mul3A_558 = arith.muli %scan3A_362, %mul3A_557 : i32
        %add3A_559 = arith.constant 3 : i32
        %add3A_560 = arith.addi %mul3A_558, %add3A_559 : i32
        %get3A_561 = arith.index_cast %add3A_560 : i32 to index
        %get3A_562 = arith.constant 48 : index
        %get3A_563 = tpu.vector_load %arg12[%get3A_561, %get3A_562] {strides = array<i32>} : memref<128x64xf32, #tpu.memory_space<vmem>>, vector<16xf32>,
        %mul3A_564 = arith.constant 8.000000e+00 : f32
        %mul3A_565 = vector.broadcast %mul3A_564 : f32 to vector<16xf32>
        %mul3A_566 = arith.mulf %get3A_563, %mul3A_565 : vector<16xf32>
        %swap3A_567 = arith.index_cast %add3A_560 : i32 to index
        %swap3A_568 = arith.constant 48 : index
        %swap3A_569 = tpu.vector_load %arg12[%swap3A_567, %swap3A_568] {strides = array<i32>} : memref<128x64xf32, #tpu.memory_space<vmem>>, vector<16xf32>,
        tpu.vector_store %arg12[%swap3A_567, %swap3A_568], %mul3A_566 {strides = array<i32>} : memref<128x64xf32, #tpu.memory_space<vmem>>, vector<16xf32>,
        %mul3A_570 = arith.constant 8 : i32
        %mul3A_571 = arith.muli %scan3A_362, %mul3A_570 : i32
        %add3A_572 = arith.constant 4 : i32
        %add3A_573 = arith.addi %mul3A_571, %add3A_572 : i32
        %get3A_574 = arith.index_cast %add3A_573 : i32 to index
        %get3A_575 = arith.constant 0 : index
        %get3A_576 = tpu.vector_load %arg12[%get3A_574, %get3A_575] {strides = array<i32>} : memref<128x64xf32, #tpu.memory_space<vmem>>, vector<16xf32>,
        %mul3A_577 = arith.constant 8.000000e+00 : f32
        %mul3A_578 = vector.broadcast %mul3A_577 : f32 to vector<16xf32>
        %mul3A_579 = arith.mulf %get3A_576, %mul3A_578 : vector<16xf32>
        %swap3A_580 = arith.index_cast %add3A_573 : i32 to index
        %swap3A_581 = arith.constant 0 : index
        %swap3A_582 = tpu.vector_load %arg12[%swap3A_580, %swap3A_581] {strides = array<i32>} : memref<128x64xf32, #tpu.memory_space<vmem>>, vector<16xf32>,
        tpu.vector_store %arg12[%swap3A_580, %swap3A_581], %mul3A_579 {strides = array<i32>} : memref<128x64xf32, #tpu.memory_space<vmem>>, vector<16xf32>,
        %mul3A_583 = arith.constant 8 : i32
        %mul3A_584 = arith.muli %scan3A_362, %mul3A_583 : i32
        %add3A_585 = arith.constant 4 : i32
        %add3A_586 = arith.addi %mul3A_584, %add3A_585 : i32
        %get3A_587 = arith.index_cast %add3A_586 : i32 to index
        %get3A_588 = arith.constant 16 : index
        %get3A_589 = tpu.vector_load %arg12[%get3A_587, %get3A_588] {strides = array<i32>} : memref<128x64xf32, #tpu.memory_space<vmem>>, vector<16xf32>,
        %mul3A_590 = arith.constant 8.000000e+00 : f32
        %mul3A_591 = vector.broadcast %mul3A_590 : f32 to vector<16xf32>
        %mul3A_592 = arith.mulf %get3A_589, %mul3A_591 : vector<16xf32>
        %swap3A_593 = arith.index_cast %add3A_586 : i32 to index
        %swap3A_594 = arith.constant 16 : index
        %swap3A_595 = tpu.vector_load %arg12[%swap3A_593, %swap3A_594] {strides = array<i32>} : memref<128x64xf32, #tpu.memory_space<vmem>>, vector<16xf32>,
        tpu.vector_store %arg12[%swap3A_593, %swap3A_594], %mul3A_592 {strides = array<i32>} : memref<128x64xf32, #tpu.memory_space<vmem>>, vector<16xf32>,
        %mul3A_596 = arith.constant 8 : i32
        %mul3A_597 = arith.muli %scan3A_362, %mul3A_596 : i32
        %add3A_598 = arith.constant 4 : i32
        %add3A_599 = arith.addi %mul3A_597, %add3A_598 : i32
        %get3A_600 = arith.index_cast %add3A_599 : i32 to index
        %get3A_601 = arith.constant 32 : index
        %get3A_602 = tpu.vector_load %arg12[%get3A_600, %get3A_601] {strides = array<i32>} : memref<128x64xf32, #tpu.memory_space<vmem>>, vector<16xf32>,
        %mul3A_603 = arith.constant 8.000000e+00 : f32
        %mul3A_604 = vector.broadcast %mul3A_603 : f32 to vector<16xf32>
        %mul3A_605 = arith.mulf %get3A_602, %mul3A_604 : vector<16xf32>
        %swap3A_606 = arith.index_cast %add3A_599 : i32 to index
        %swap3A_607 = arith.constant 32 : index
        %swap3A_608 = tpu.vector_load %arg12[%swap3A_606, %swap3A_607] {strides = array<i32>} : memref<128x64xf32, #tpu.memory_space<vmem>>, vector<16xf32>,
        tpu.vector_store %arg12[%swap3A_606, %swap3A_607], %mul3A_605 {strides = array<i32>} : memref<128x64xf32, #tpu.memory_space<vmem>>, vector<16xf32>,
        %mul3A_609 = arith.constant 8 : i32
        %mul3A_610 = arith.muli %scan3A_362, %mul3A_609 : i32
        %add3A_611 = arith.constant 4 : i32
        %add3A_612 = arith.addi %mul3A_610, %add3A_611 : i32
        %get3A_613 = arith.index_cast %add3A_612 : i32 to index
        %get3A_614 = arith.constant 48 : index
        %get3A_615 = tpu.vector_load %arg12[%get3A_613, %get3A_614] {strides = array<i32>} : memref<128x64xf32, #tpu.memory_space<vmem>>, vector<16xf32>,
        %mul3A_616 = arith.constant 8.000000e+00 : f32
        %mul3A_617 = vector.broadcast %mul3A_616 : f32 to vector<16xf32>
        %mul3A_618 = arith.mulf %get3A_615, %mul3A_617 : vector<16xf32>
        %swap3A_619 = arith.index_cast %add3A_612 : i32 to index
        %swap3A_620 = arith.constant 48 : index
        %swap3A_621 = tpu.vector_load %arg12[%swap3A_619, %swap3A_620] {strides = array<i32>} : memref<128x64xf32, #tpu.memory_space<vmem>>, vector<16xf32>,
        tpu.vector_store %arg12[%swap3A_619, %swap3A_620], %mul3A_618 {strides = array<i32>} : memref<128x64xf32, #tpu.memory_space<vmem>>, vector<16xf32>,
        %mul3A_622 = arith.constant 8 : i32
        %mul3A_623 = arith.muli %scan3A_362, %mul3A_622 : i32
        %add3A_624 = arith.constant 5 : i32
        %add3A_625 = arith.addi %mul3A_623, %add3A_624 : i32
        %get3A_626 = arith.index_cast %add3A_625 : i32 to index
        %get3A_627 = arith.constant 0 : index
        %get3A_628 = tpu.vector_load %arg12[%get3A_626, %get3A_627] {strides = array<i32>} : memref<128x64xf32, #tpu.memory_space<vmem>>, vector<16xf32>,
        %mul3A_629 = arith.constant 8.000000e+00 : f32
        %mul3A_630 = vector.broadcast %mul3A_629 : f32 to vector<16xf32>
        %mul3A_631 = arith.mulf %get3A_628, %mul3A_630 : vector<16xf32>
        %swap3A_632 = arith.index_cast %add3A_625 : i32 to index
        %swap3A_633 = arith.constant 0 : index
        %swap3A_634 = tpu.vector_load %arg12[%swap3A_632, %swap3A_633] {strides = array<i32>} : memref<128x64xf32, #tpu.memory_space<vmem>>, vector<16xf32>,
        tpu.vector_store %arg12[%swap3A_632, %swap3A_633], %mul3A_631 {strides = array<i32>} : memref<128x64xf32, #tpu.memory_space<vmem>>, vector<16xf32>,
        %mul3A_635 = arith.constant 8 : i32
        %mul3A_636 = arith.muli %scan3A_362, %mul3A_635 : i32
        %add3A_637 = arith.constant 5 : i32
        %add3A_638 = arith.addi %mul3A_636, %add3A_637 : i32
        %get3A_639 = arith.index_cast %add3A_638 : i32 to index
        %get3A_640 = arith.constant 16 : index
        %get3A_641 = tpu.vector_load %arg12[%get3A_639, %get3A_640] {strides = array<i32>} : memref<128x64xf32, #tpu.memory_space<vmem>>, vector<16xf32>,
        %mul3A_642 = arith.constant 8.000000e+00 : f32
        %mul3A_643 = vector.broadcast %mul3A_642 : f32 to vector<16xf32>
        %mul3A_644 = arith.mulf %get3A_641, %mul3A_643 : vector<16xf32>
        %swap3A_645 = arith.index_cast %add3A_638 : i32 to index
        %swap3A_646 = arith.constant 16 : index
        %swap3A_647 = tpu.vector_load %arg12[%swap3A_645, %swap3A_646] {strides = array<i32>} : memref<128x64xf32, #tpu.memory_space<vmem>>, vector<16xf32>,
        tpu.vector_store %arg12[%swap3A_645, %swap3A_646], %mul3A_644 {strides = array<i32>} : memref<128x64xf32, #tpu.memory_space<vmem>>, vector<16xf32>,
        %mul3A_648 = arith.constant 8 : i32
        %mul3A_649 = arith.muli %scan3A_362, %mul3A_648 : i32
        %add3A_650 = arith.constant 5 : i32
        %add3A_651 = arith.addi %mul3A_649, %add3A_650 : i32
        %get3A_652 = arith.index_cast %add3A_651 : i32 to index
        %get3A_653 = arith.constant 32 : index
        %get3A_654 = tpu.vector_load %arg12[%get3A_652, %get3A_653] {strides = array<i32>} : memref<128x64xf32, #tpu.memory_space<vmem>>, vector<16xf32>,
        %mul3A_655 = arith.constant 8.000000e+00 : f32
        %mul3A_656 = vector.broadcast %mul3A_655 : f32 to vector<16xf32>
        %mul3A_657 = arith.mulf %get3A_654, %mul3A_656 : vector<16xf32>
        %swap3A_658 = arith.index_cast %add3A_651 : i32 to index
        %swap3A_659 = arith.constant 32 : index
        %swap3A_660 = tpu.vector_load %arg12[%swap3A_658, %swap3A_659] {strides = array<i32>} : memref<128x64xf32, #tpu.memory_space<vmem>>, vector<16xf32>,
        tpu.vector_store %arg12[%swap3A_658, %swap3A_659], %mul3A_657 {strides = array<i32>} : memref<128x64xf32, #tpu.memory_space<vmem>>, vector<16xf32>,
        %mul3A_661 = arith.constant 8 : i32
        %mul3A_662 = arith.muli %scan3A_362, %mul3A_661 : i32
        %add3A_663 = arith.constant 5 : i32
        %add3A_664 = arith.addi %mul3A_662, %add3A_663 : i32
        %get3A_665 = arith.index_cast %add3A_664 : i32 to index
        %get3A_666 = arith.constant 48 : index
        %get3A_667 = tpu.vector_load %arg12[%get3A_665, %get3A_666] {strides = array<i32>} : memref<128x64xf32, #tpu.memory_space<vmem>>, vector<16xf32>,
        %mul3A_668 = arith.constant 8.000000e+00 : f32
        %mul3A_669 = vector.broadcast %mul3A_668 : f32 to vector<16xf32>
        %mul3A_670 = arith.mulf %get3A_667, %mul3A_669 : vector<16xf32>
        %swap3A_671 = arith.index_cast %add3A_664 : i32 to index
        %swap3A_672 = arith.constant 48 : index
        %swap3A_673 = tpu.vector_load %arg12[%swap3A_671, %swap3A_672] {strides = array<i32>} : memref<128x64xf32, #tpu.memory_space<vmem>>, vector<16xf32>,
        tpu.vector_store %arg12[%swap3A_671, %swap3A_672], %mul3A_670 {strides = array<i32>} : memref<128x64xf32, #tpu.memory_space<vmem>>, vector<16xf32>,
        %mul3A_674 = arith.constant 8 : i32
        %mul3A_675 = arith.muli %scan3A_362, %mul3A_674 : i32
        %add3A_676 = arith.constant 6 : i32
        %add3A_677 = arith.addi %mul3A_675, %add3A_676 : i32
        %get3A_678 = arith.index_cast %add3A_677 : i32 to index
        %get3A_679 = arith.constant 0 : index
        %get3A_680 = tpu.vector_load %arg12[%get3A_678, %get3A_679] {strides = array<i32>} : memref<128x64xf32, #tpu.memory_space<vmem>>, vector<16xf32>,
        %mul3A_681 = arith.constant 8.000000e+00 : f32
        %mul3A_682 = vector.broadcast %mul3A_681 : f32 to vector<16xf32>
        %mul3A_683 = arith.mulf %get3A_680, %mul3A_682 : vector<16xf32>
        %swap3A_684 = arith.index_cast %add3A_677 : i32 to index
        %swap3A_685 = arith.constant 0 : index
        %swap3A_686 = tpu.vector_load %arg12[%swap3A_684, %swap3A_685] {strides = array<i32>} : memref<128x64xf32, #tpu.memory_space<vmem>>, vector<16xf32>,
        tpu.vector_store %arg12[%swap3A_684, %swap3A_685], %mul3A_683 {strides = array<i32>} : memref<128x64xf32, #tpu.memory_space<vmem>>, vector<16xf32>,
        %mul3A_687 = arith.constant 8 : i32
        %mul3A_688 = arith.muli %scan3A_362, %mul3A_687 : i32
        %add3A_689 = arith.constant 6 : i32
        %add3A_690 = arith.addi %mul3A_688, %add3A_689 : i32
        %get3A_691 = arith.index_cast %add3A_690 : i32 to index
        %get3A_692 = arith.constant 16 : index
        %get3A_693 = tpu.vector_load %arg12[%get3A_691, %get3A_692] {strides = array<i32>} : memref<128x64xf32, #tpu.memory_space<vmem>>, vector<16xf32>,
        %mul3A_694 = arith.constant 8.000000e+00 : f32
        %mul3A_695 = vector.broadcast %mul3A_694 : f32 to vector<16xf32>
        %mul3A_696 = arith.mulf %get3A_693, %mul3A_695 : vector<16xf32>
        %swap3A_697 = arith.index_cast %add3A_690 : i32 to index
        %swap3A_698 = arith.constant 16 : index
        %swap3A_699 = tpu.vector_load %arg12[%swap3A_697, %swap3A_698] {strides = array<i32>} : memref<128x64xf32, #tpu.memory_space<vmem>>, vector<16xf32>,
        tpu.vector_store %arg12[%swap3A_697, %swap3A_698], %mul3A_696 {strides = array<i32>} : memref<128x64xf32, #tpu.memory_space<vmem>>, vector<16xf32>,
        %mul3A_700 = arith.constant 8 : i32
        %mul3A_701 = arith.muli %scan3A_362, %mul3A_700 : i32
        %add3A_702 = arith.constant 6 : i32
        %add3A_703 = arith.addi %mul3A_701, %add3A_702 : i32
        %get3A_704 = arith.index_cast %add3A_703 : i32 to index
        %get3A_705 = arith.constant 32 : index
        %get3A_706 = tpu.vector_load %arg12[%get3A_704, %get3A_705] {strides = array<i32>} : memref<128x64xf32, #tpu.memory_space<vmem>>, vector<16xf32>,
        %mul3A_707 = arith.constant 8.000000e+00 : f32
        %mul3A_708 = vector.broadcast %mul3A_707 : f32 to vector<16xf32>
        %mul3A_709 = arith.mulf %get3A_706, %mul3A_708 : vector<16xf32>
        %swap3A_710 = arith.index_cast %add3A_703 : i32 to index
        %swap3A_711 = arith.constant 32 : index
        %swap3A_712 = tpu.vector_load %arg12[%swap3A_710, %swap3A_711] {strides = array<i32>} : memref<128x64xf32, #tpu.memory_space<vmem>>, vector<16xf32>,
        tpu.vector_store %arg12[%swap3A_710, %swap3A_711], %mul3A_709 {strides = array<i32>} : memref<128x64xf32, #tpu.memory_space<vmem>>, vector<16xf32>,
        %mul3A_713 = arith.constant 8 : i32
        %mul3A_714 = arith.muli %scan3A_362, %mul3A_713 : i32
        %add3A_715 = arith.constant 6 : i32
        %add3A_716 = arith.addi %mul3A_714, %add3A_715 : i32
        %get3A_717 = arith.index_cast %add3A_716 : i32 to index
        %get3A_718 = arith.constant 48 : index
        %get3A_719 = tpu.vector_load %arg12[%get3A_717, %get3A_718] {strides = array<i32>} : memref<128x64xf32, #tpu.memory_space<vmem>>, vector<16xf32>,
        %mul3A_720 = arith.constant 8.000000e+00 : f32
        %mul3A_721 = vector.broadcast %mul3A_720 : f32 to vector<16xf32>
        %mul3A_722 = arith.mulf %get3A_719, %mul3A_721 : vector<16xf32>
        %swap3A_723 = arith.index_cast %add3A_716 : i32 to index
        %swap3A_724 = arith.constant 48 : index
        %swap3A_725 = tpu.vector_load %arg12[%swap3A_723, %swap3A_724] {strides = array<i32>} : memref<128x64xf32, #tpu.memory_space<vmem>>, vector<16xf32>,
        tpu.vector_store %arg12[%swap3A_723, %swap3A_724], %mul3A_722 {strides = array<i32>} : memref<128x64xf32, #tpu.memory_space<vmem>>, vector<16xf32>,
        %mul3A_726 = arith.constant 8 : i32
        %mul3A_727 = arith.muli %scan3A_362, %mul3A_726 : i32
        %add3A_728 = arith.constant 7 : i32
        %add3A_729 = arith.addi %mul3A_727, %add3A_728 : i32
        %get3A_730 = arith.index_cast %add3A_729 : i32 to index
        %get3A_731 = arith.constant 0 : index
        %get3A_732 = tpu.vector_load %arg12[%get3A_730, %get3A_731] {strides = array<i32>} : memref<128x64xf32, #tpu.memory_space<vmem>>, vector<16xf32>,
        %mul3A_733 = arith.constant 8.000000e+00 : f32
        %mul3A_734 = vector.broadcast %mul3A_733 : f32 to vector<16xf32>
        %mul3A_735 = arith.mulf %get3A_732, %mul3A_734 : vector<16xf32>
        %swap3A_736 = arith.index_cast %add3A_729 : i32 to index
        %swap3A_737 = arith.constant 0 : index
        %swap3A_738 = tpu.vector_load %arg12[%swap3A_736, %swap3A_737] {strides = array<i32>} : memref<128x64xf32, #tpu.memory_space<vmem>>, vector<16xf32>,
        tpu.vector_store %arg12[%swap3A_736, %swap3A_737], %mul3A_735 {strides = array<i32>} : memref<128x64xf32, #tpu.memory_space<vmem>>, vector<16xf32>,
        %mul3A_739 = arith.constant 8 : i32
        %mul3A_740 = arith.muli %scan3A_362, %mul3A_739 : i32
        %add3A_741 = arith.constant 7 : i32
        %add3A_742 = arith.addi %mul3A_740, %add3A_741 : i32
        %get3A_743 = arith.index_cast %add3A_742 : i32 to index
        %get3A_744 = arith.constant 16 : index
        %get3A_745 = tpu.vector_load %arg12[%get3A_743, %get3A_744] {strides = array<i32>} : memref<128x64xf32, #tpu.memory_space<vmem>>, vector<16xf32>,
        %mul3A_746 = arith.constant 8.000000e+00 : f32
        %mul3A_747 = vector.broadcast %mul3A_746 : f32 to vector<16xf32>
        %mul3A_748 = arith.mulf %get3A_745, %mul3A_747 : vector<16xf32>
        %swap3A_749 = arith.index_cast %add3A_742 : i32 to index
        %swap3A_750 = arith.constant 16 : index
        %swap3A_751 = tpu.vector_load %arg12[%swap3A_749, %swap3A_750] {strides = array<i32>} : memref<128x64xf32, #tpu.memory_space<vmem>>, vector<16xf32>,
        tpu.vector_store %arg12[%swap3A_749, %swap3A_750], %mul3A_748 {strides = array<i32>} : memref<128x64xf32, #tpu.memory_space<vmem>>, vector<16xf32>,
        %mul3A_752 = arith.constant 8 : i32
        %mul3A_753 = arith.muli %scan3A_362, %mul3A_752 : i32
        %add3A_754 = arith.constant 7 : i32
        %add3A_755 = arith.addi %mul3A_753, %add3A_754 : i32
        %get3A_756 = arith.index_cast %add3A_755 : i32 to index
        %get3A_757 = arith.constant 32 : index
        %get3A_758 = tpu.vector_load %arg12[%get3A_756, %get3A_757] {strides = array<i32>} : memref<128x64xf32, #tpu.memory_space<vmem>>, vector<16xf32>,
        %mul3A_759 = arith.constant 8.000000e+00 : f32
        %mul3A_760 = vector.broadcast %mul3A_759 : f32 to vector<16xf32>
        %mul3A_761 = arith.mulf %get3A_758, %mul3A_760 : vector<16xf32>
        %swap3A_762 = arith.index_cast %add3A_755 : i32 to index
        %swap3A_763 = arith.constant 32 : index
        %swap3A_764 = tpu.vector_load %arg12[%swap3A_762, %swap3A_763] {strides = array<i32>} : memref<128x64xf32, #tpu.memory_space<vmem>>, vector<16xf32>,
        tpu.vector_store %arg12[%swap3A_762, %swap3A_763], %mul3A_761 {strides = array<i32>} : memref<128x64xf32, #tpu.memory_space<vmem>>, vector<16xf32>,
        %mul3A_765 = arith.constant 8 : i32
        %mul3A_766 = arith.muli %scan3A_362, %mul3A_765 : i32
        %add3A_767 = arith.constant 7 : i32
        %add3A_768 = arith.addi %mul3A_766, %add3A_767 : i32
        %get3A_769 = arith.index_cast %add3A_768 : i32 to index
        %get3A_770 = arith.constant 48 : index
        %get3A_771 = tpu.vector_load %arg12[%get3A_769, %get3A_770] {strides = array<i32>} : memref<128x64xf32, #tpu.memory_space<vmem>>, vector<16xf32>,
        %mul3A_772 = arith.constant 8.000000e+00 : f32
        %mul3A_773 = vector.broadcast %mul3A_772 : f32 to vector<16xf32>
        %mul3A_774 = arith.mulf %get3A_771, %mul3A_773 : vector<16xf32>
        %swap3A_775 = arith.index_cast %add3A_768 : i32 to index
        %swap3A_776 = arith.constant 48 : index
        %swap3A_777 = tpu.vector_load %arg12[%swap3A_775, %swap3A_776] {strides = array<i32>} : memref<128x64xf32, #tpu.memory_space<vmem>>, vector<16xf32>,
        tpu.vector_store %arg12[%swap3A_775, %swap3A_776], %mul3A_774 {strides = array<i32>} : memref<128x64xf32, #tpu.memory_space<vmem>>, vector<16xf32>,
        %scan3A_778 = arith.constant 0 : i32
        scf.yield %scan3A_778 : i32
      }
      %scan3A_303 = arith.constant 16 : i32
      %mul3A_304 = arith.constant 25600 : i32
      %mul3A_305 = arith.muli %add3A, %mul3A_304 : i32
      %mul3A_306 = arith.constant 128 : i32
      %mul3A_307 = arith.muli %add3A_290, %mul3A_306 : i32
      %add3A_308 = arith.addi %mul3A_305, %mul3A_307 : i32
      %dma_start3A_309 = arith.constant 0 : i32
      %dma_start3A_310 = tpu.memref_slice %arg4[%add3A_308, %dma_start3A_309] : memref<819200x128xf32, #tpu.memory_space<hbm>> -> memref<128x64xf32, #tpu.memory_space<hbm>>
      %dma_start3A_311 = arith.constant 0 : i32
      %dma_start3A_312 = tpu.memref_slice %arg4[%add3A_308, %dma_start3A_311] : memref<819200x128xf32, #tpu.memory_space<hbm>> -> memref<128x64xf32, #tpu.memory_space<hbm>>
      tpu.enqueue_dma source(%arg12 : memref<128x64xf32, #tpu.memory_space<vmem>>) target(%dma_start3A_312 : memref<128x64xf32, #tpu.memory_space<hbm>>) target_semaphore(%arg28 : memref<!tpu.dma_semaphore, #tpu.memory_space<semaphore_mem>>)
      %ge3A_313 = arith.constant 4 : i32
      %ge3A_314 = arith.cmpi sge, %add3A_290, %ge3A_313 : i32
      %convert_element_type3A_315 = arith.extui %ge3A_314 : i1 to i32
      %cond3A_316 = arith.constant 0 : i32
      %cond3A_317 = arith.cmpi ne, %convert_element_type3A_315, %cond3A_316 : i32
      scf.if %cond3A_317 {
        %dma_wait3A_362 = arith.constant 0 : i32
        %dma_wait3A_363 = arith.constant 0 : i32
        %dma_wait3A_364 = tpu.memref_slice %arg4[%dma_wait3A_362, %dma_wait3A_363] : memref<819200x128xf32, #tpu.memory_space<hbm>> -> memref<128x64xf32, #tpu.memory_space<hbm>>
        %dma_wait3A_365 = arith.constant 0 : i32
        %dma_wait3A_366 = arith.constant 0 : i32
        %dma_wait3A_367 = tpu.memref_slice %arg4[%dma_wait3A_365, %dma_wait3A_366] : memref<819200x128xf32, #tpu.memory_space<hbm>> -> memref<128x64xf32, #tpu.memory_space<hbm>>
        tpu.wait_dma2 semaphore(%arg24 : memref<!tpu.dma_semaphore, #tpu.memory_space<semaphore_mem>>) src(%arg8 : memref<128x64xf32, #tpu.memory_space<vmem>>) dst(%dma_wait3A_367 : memref<128x64xf32, #tpu.memory_space<hbm>>)
      } else {
      }
      %add3A_318 = arith.constant 4 : i32
      %add3A_319 = arith.addi %add3A_290, %add3A_318 : i32
      %lt3A_320 = arith.constant 200 : i32
      %lt3A_321 = arith.cmpi slt, %add3A_319, %lt3A_320 : i32
      %convert_element_type3A_322 = arith.extui %lt3A_321 : i1 to i32
      %cond3A_323 = arith.constant 0 : i32
      %cond3A_324 = arith.cmpi ne, %convert_element_type3A_322, %cond3A_323 : i32
      scf.if %cond3A_324 {
        %add3A_362 = arith.constant 4 : i32
        %add3A_363 = arith.addi %add3A_290, %add3A_362 : i32
        %dma_start3A_364 = arith.constant 0 : i32
        %dma_start3A_365 = tpu.memref_slice %arg5[%add3A_363, %dma_start3A_364] : memref<200x128xi32, #tpu.memory_space<vmem>> -> memref<1x128xi32, #tpu.memory_space<vmem>>
        %dma_start3A_366 = tpu.memref_squeeze %dma_start3A_365 : memref<1x128xi32, #tpu.memory_space<vmem>> -> memref<128xi32, #tpu.memory_space<vmem>>
        %dma_start3A_367 = arith.constant 0 : i32
        %dma_start3A_368 = arith.constant 0 : i32
        %dma_start3A_369 = tpu.memref_slice %arg3[%dma_start3A_367, %dma_start3A_368] : memref<1000000x64xf32, #tpu.memory_space<hbm>> -> memref<1000000x64xf32, #tpu.memory_space<hbm>>
        tpu.enqueue_indirect_dma source(%dma_start3A_369 : memref<1000000x64xf32, #tpu.memory_space<hbm>>) target(%arg8 : memref<128x64xf32, #tpu.memory_space<vmem>>) offsets(%dma_start3A_366 : memref<128xi32, #tpu.memory_space<vmem>>) semaphore(%arg16 : memref<!tpu.dma_semaphore, #tpu.memory_space<semaphore_mem>>)
      } else {
      }
      %add3A_325 = arith.constant 7 : i32
      %add3A_326 = arith.addi %mul3A_76, %add3A_325 : i32
      %dma_wait3A_327 = arith.constant 0 : i32
      %dma_wait3A_328 = tpu.memref_slice %arg5[%add3A_326, %dma_wait3A_327] : memref<200x128xi32, #tpu.memory_space<vmem>> -> memref<1x128xi32, #tpu.memory_space<vmem>>
      %dma_wait3A_329 = tpu.memref_squeeze %dma_wait3A_328 : memref<1x128xi32, #tpu.memory_space<vmem>> -> memref<128xi32, #tpu.memory_space<vmem>>
      %dma_wait3A_330 = arith.constant 0 : i32
      %dma_wait3A_331 = arith.constant 0 : i32
      %dma_wait3A_332 = tpu.memref_slice %arg3[%dma_wait3A_330, %dma_wait3A_331] : memref<1000000x64xf32, #tpu.memory_space<hbm>> -> memref<1000000x64xf32, #tpu.memory_space<hbm>>
      tpu.wait_indirect_dma semaphore(%arg21 : memref<!tpu.dma_semaphore, #tpu.memory_space<semaphore_mem>>) src(%dma_wait3A_332 : memref<1000000x64xf32, #tpu.memory_space<hbm>>) dst(%arg13 : memref<128x64xf32, #tpu.memory_space<vmem>>)
      %scan3A_333 = arith.constant 0 : i32
      %scan3A_334 = arith.constant 0 : i32
      %scan3A_335 = arith.constant 16 : i32
      %scan3A_336 = arith.addi %scan3A_334, %scan3A_335 : i32
      %scan3A_337 = arith.constant 1 : i32
      %scan3A_338 = scf.for %scan3A_362 = %scan3A_334 to %scan3A_336 step %scan3A_337 iter_args(%scan3A_363 = %scan3A_333) -> (i32)  : i32 {
        %mul3A_364 = arith.constant 8 : i32
        %mul3A_365 = arith.muli %scan3A_362, %mul3A_364 : i32
        %add3A_366 = arith.constant 0 : i32
        %add3A_367 = arith.addi %mul3A_365, %add3A_366 : i32
        %get3A = arith.index_cast %add3A_367 : i32 to index
        %get3A_368 = arith.constant 0 : index
        %get3A_369 = tpu.vector_load %arg13[%get3A, %get3A_368] {strides = array<i32>} : memref<128x64xf32, #tpu.memory_space<vmem>>, vector<16xf32>,
        %mul3A_370 = arith.constant 8.000000e+00 : f32
        %mul3A_371 = vector.broadcast %mul3A_370 : f32 to vector<16xf32>
        %mul3A_372 = arith.mulf %get3A_369, %mul3A_371 : vector<16xf32>
        %swap3A = arith.index_cast %add3A_367 : i32 to index
        %swap3A_373 = arith.constant 0 : index
        %swap3A_374 = tpu.vector_load %arg13[%swap3A, %swap3A_373] {strides = array<i32>} : memref<128x64xf32, #tpu.memory_space<vmem>>, vector<16xf32>,
        tpu.vector_store %arg13[%swap3A, %swap3A_373], %mul3A_372 {strides = array<i32>} : memref<128x64xf32, #tpu.memory_space<vmem>>, vector<16xf32>,
        %mul3A_375 = arith.constant 8 : i32
        %mul3A_376 = arith.muli %scan3A_362, %mul3A_375 : i32
        %add3A_377 = arith.constant 0 : i32
        %add3A_378 = arith.addi %mul3A_376, %add3A_377 : i32
        %get3A_379 = arith.index_cast %add3A_378 : i32 to index
        %get3A_380 = arith.constant 16 : index
        %get3A_381 = tpu.vector_load %arg13[%get3A_379, %get3A_380] {strides = array<i32>} : memref<128x64xf32, #tpu.memory_space<vmem>>, vector<16xf32>,
        %mul3A_382 = arith.constant 8.000000e+00 : f32
        %mul3A_383 = vector.broadcast %mul3A_382 : f32 to vector<16xf32>
        %mul3A_384 = arith.mulf %get3A_381, %mul3A_383 : vector<16xf32>
        %swap3A_385 = arith.index_cast %add3A_378 : i32 to index
        %swap3A_386 = arith.constant 16 : index
        %swap3A_387 = tpu.vector_load %arg13[%swap3A_385, %swap3A_386] {strides = array<i32>} : memref<128x64xf32, #tpu.memory_space<vmem>>, vector<16xf32>,
        tpu.vector_store %arg13[%swap3A_385, %swap3A_386], %mul3A_384 {strides = array<i32>} : memref<128x64xf32, #tpu.memory_space<vmem>>, vector<16xf32>,
        %mul3A_388 = arith.constant 8 : i32
        %mul3A_389 = arith.muli %scan3A_362, %mul3A_388 : i32
        %add3A_390 = arith.constant 0 : i32
        %add3A_391 = arith.addi %mul3A_389, %add3A_390 : i32
        %get3A_392 = arith.index_cast %add3A_391 : i32 to index
        %get3A_393 = arith.constant 32 : index
        %get3A_394 = tpu.vector_load %arg13[%get3A_392, %get3A_393] {strides = array<i32>} : memref<128x64xf32, #tpu.memory_space<vmem>>, vector<16xf32>,
        %mul3A_395 = arith.constant 8.000000e+00 : f32
        %mul3A_396 = vector.broadcast %mul3A_395 : f32 to vector<16xf32>
        %mul3A_397 = arith.mulf %get3A_394, %mul3A_396 : vector<16xf32>
        %swap3A_398 = arith.index_cast %add3A_391 : i32 to index
        %swap3A_399 = arith.constant 32 : index
        %swap3A_400 = tpu.vector_load %arg13[%swap3A_398, %swap3A_399] {strides = array<i32>} : memref<128x64xf32, #tpu.memory_space<vmem>>, vector<16xf32>,
        tpu.vector_store %arg13[%swap3A_398, %swap3A_399], %mul3A_397 {strides = array<i32>} : memref<128x64xf32, #tpu.memory_space<vmem>>, vector<16xf32>,
        %mul3A_401 = arith.constant 8 : i32
        %mul3A_402 = arith.muli %scan3A_362, %mul3A_401 : i32
        %add3A_403 = arith.constant 0 : i32
        %add3A_404 = arith.addi %mul3A_402, %add3A_403 : i32
        %get3A_405 = arith.index_cast %add3A_404 : i32 to index
        %get3A_406 = arith.constant 48 : index
        %get3A_407 = tpu.vector_load %arg13[%get3A_405, %get3A_406] {strides = array<i32>} : memref<128x64xf32, #tpu.memory_space<vmem>>, vector<16xf32>,
        %mul3A_408 = arith.constant 8.000000e+00 : f32
        %mul3A_409 = vector.broadcast %mul3A_408 : f32 to vector<16xf32>
        %mul3A_410 = arith.mulf %get3A_407, %mul3A_409 : vector<16xf32>
        %swap3A_411 = arith.index_cast %add3A_404 : i32 to index
        %swap3A_412 = arith.constant 48 : index
        %swap3A_413 = tpu.vector_load %arg13[%swap3A_411, %swap3A_412] {strides = array<i32>} : memref<128x64xf32, #tpu.memory_space<vmem>>, vector<16xf32>,
        tpu.vector_store %arg13[%swap3A_411, %swap3A_412], %mul3A_410 {strides = array<i32>} : memref<128x64xf32, #tpu.memory_space<vmem>>, vector<16xf32>,
        %mul3A_414 = arith.constant 8 : i32
        %mul3A_415 = arith.muli %scan3A_362, %mul3A_414 : i32
        %add3A_416 = arith.constant 1 : i32
        %add3A_417 = arith.addi %mul3A_415, %add3A_416 : i32
        %get3A_418 = arith.index_cast %add3A_417 : i32 to index
        %get3A_419 = arith.constant 0 : index
        %get3A_420 = tpu.vector_load %arg13[%get3A_418, %get3A_419] {strides = array<i32>} : memref<128x64xf32, #tpu.memory_space<vmem>>, vector<16xf32>,
        %mul3A_421 = arith.constant 8.000000e+00 : f32
        %mul3A_422 = vector.broadcast %mul3A_421 : f32 to vector<16xf32>
        %mul3A_423 = arith.mulf %get3A_420, %mul3A_422 : vector<16xf32>
        %swap3A_424 = arith.index_cast %add3A_417 : i32 to index
        %swap3A_425 = arith.constant 0 : index
        %swap3A_426 = tpu.vector_load %arg13[%swap3A_424, %swap3A_425] {strides = array<i32>} : memref<128x64xf32, #tpu.memory_space<vmem>>, vector<16xf32>,
        tpu.vector_store %arg13[%swap3A_424, %swap3A_425], %mul3A_423 {strides = array<i32>} : memref<128x64xf32, #tpu.memory_space<vmem>>, vector<16xf32>,
        %mul3A_427 = arith.constant 8 : i32
        %mul3A_428 = arith.muli %scan3A_362, %mul3A_427 : i32
        %add3A_429 = arith.constant 1 : i32
        %add3A_430 = arith.addi %mul3A_428, %add3A_429 : i32
        %get3A_431 = arith.index_cast %add3A_430 : i32 to index
        %get3A_432 = arith.constant 16 : index
        %get3A_433 = tpu.vector_load %arg13[%get3A_431, %get3A_432] {strides = array<i32>} : memref<128x64xf32, #tpu.memory_space<vmem>>, vector<16xf32>,
        %mul3A_434 = arith.constant 8.000000e+00 : f32
        %mul3A_435 = vector.broadcast %mul3A_434 : f32 to vector<16xf32>
        %mul3A_436 = arith.mulf %get3A_433, %mul3A_435 : vector<16xf32>
        %swap3A_437 = arith.index_cast %add3A_430 : i32 to index
        %swap3A_438 = arith.constant 16 : index
        %swap3A_439 = tpu.vector_load %arg13[%swap3A_437, %swap3A_438] {strides = array<i32>} : memref<128x64xf32, #tpu.memory_space<vmem>>, vector<16xf32>,
        tpu.vector_store %arg13[%swap3A_437, %swap3A_438], %mul3A_436 {strides = array<i32>} : memref<128x64xf32, #tpu.memory_space<vmem>>, vector<16xf32>,
        %mul3A_440 = arith.constant 8 : i32
        %mul3A_441 = arith.muli %scan3A_362, %mul3A_440 : i32
        %add3A_442 = arith.constant 1 : i32
        %add3A_443 = arith.addi %mul3A_441, %add3A_442 : i32
        %get3A_444 = arith.index_cast %add3A_443 : i32 to index
        %get3A_445 = arith.constant 32 : index
        %get3A_446 = tpu.vector_load %arg13[%get3A_444, %get3A_445] {strides = array<i32>} : memref<128x64xf32, #tpu.memory_space<vmem>>, vector<16xf32>,
        %mul3A_447 = arith.constant 8.000000e+00 : f32
        %mul3A_448 = vector.broadcast %mul3A_447 : f32 to vector<16xf32>
        %mul3A_449 = arith.mulf %get3A_446, %mul3A_448 : vector<16xf32>
        %swap3A_450 = arith.index_cast %add3A_443 : i32 to index
        %swap3A_451 = arith.constant 32 : index
        %swap3A_452 = tpu.vector_load %arg13[%swap3A_450, %swap3A_451] {strides = array<i32>} : memref<128x64xf32, #tpu.memory_space<vmem>>, vector<16xf32>,
        tpu.vector_store %arg13[%swap3A_450, %swap3A_451], %mul3A_449 {strides = array<i32>} : memref<128x64xf32, #tpu.memory_space<vmem>>, vector<16xf32>,
        %mul3A_453 = arith.constant 8 : i32
        %mul3A_454 = arith.muli %scan3A_362, %mul3A_453 : i32
        %add3A_455 = arith.constant 1 : i32
        %add3A_456 = arith.addi %mul3A_454, %add3A_455 : i32
        %get3A_457 = arith.index_cast %add3A_456 : i32 to index
        %get3A_458 = arith.constant 48 : index
        %get3A_459 = tpu.vector_load %arg13[%get3A_457, %get3A_458] {strides = array<i32>} : memref<128x64xf32, #tpu.memory_space<vmem>>, vector<16xf32>,
        %mul3A_460 = arith.constant 8.000000e+00 : f32
        %mul3A_461 = vector.broadcast %mul3A_460 : f32 to vector<16xf32>
        %mul3A_462 = arith.mulf %get3A_459, %mul3A_461 : vector<16xf32>
        %swap3A_463 = arith.index_cast %add3A_456 : i32 to index
        %swap3A_464 = arith.constant 48 : index
        %swap3A_465 = tpu.vector_load %arg13[%swap3A_463, %swap3A_464] {strides = array<i32>} : memref<128x64xf32, #tpu.memory_space<vmem>>, vector<16xf32>,
        tpu.vector_store %arg13[%swap3A_463, %swap3A_464], %mul3A_462 {strides = array<i32>} : memref<128x64xf32, #tpu.memory_space<vmem>>, vector<16xf32>,
        %mul3A_466 = arith.constant 8 : i32
        %mul3A_467 = arith.muli %scan3A_362, %mul3A_466 : i32
        %add3A_468 = arith.constant 2 : i32
        %add3A_469 = arith.addi %mul3A_467, %add3A_468 : i32
        %get3A_470 = arith.index_cast %add3A_469 : i32 to index
        %get3A_471 = arith.constant 0 : index
        %get3A_472 = tpu.vector_load %arg13[%get3A_470, %get3A_471] {strides = array<i32>} : memref<128x64xf32, #tpu.memory_space<vmem>>, vector<16xf32>,
        %mul3A_473 = arith.constant 8.000000e+00 : f32
        %mul3A_474 = vector.broadcast %mul3A_473 : f32 to vector<16xf32>
        %mul3A_475 = arith.mulf %get3A_472, %mul3A_474 : vector<16xf32>
        %swap3A_476 = arith.index_cast %add3A_469 : i32 to index
        %swap3A_477 = arith.constant 0 : index
        %swap3A_478 = tpu.vector_load %arg13[%swap3A_476, %swap3A_477] {strides = array<i32>} : memref<128x64xf32, #tpu.memory_space<vmem>>, vector<16xf32>,
        tpu.vector_store %arg13[%swap3A_476, %swap3A_477], %mul3A_475 {strides = array<i32>} : memref<128x64xf32, #tpu.memory_space<vmem>>, vector<16xf32>,
        %mul3A_479 = arith.constant 8 : i32
        %mul3A_480 = arith.muli %scan3A_362, %mul3A_479 : i32
        %add3A_481 = arith.constant 2 : i32
        %add3A_482 = arith.addi %mul3A_480, %add3A_481 : i32
        %get3A_483 = arith.index_cast %add3A_482 : i32 to index
        %get3A_484 = arith.constant 16 : index
        %get3A_485 = tpu.vector_load %arg13[%get3A_483, %get3A_484] {strides = array<i32>} : memref<128x64xf32, #tpu.memory_space<vmem>>, vector<16xf32>,
        %mul3A_486 = arith.constant 8.000000e+00 : f32
        %mul3A_487 = vector.broadcast %mul3A_486 : f32 to vector<16xf32>
        %mul3A_488 = arith.mulf %get3A_485, %mul3A_487 : vector<16xf32>
        %swap3A_489 = arith.index_cast %add3A_482 : i32 to index
        %swap3A_490 = arith.constant 16 : index
        %swap3A_491 = tpu.vector_load %arg13[%swap3A_489, %swap3A_490] {strides = array<i32>} : memref<128x64xf32, #tpu.memory_space<vmem>>, vector<16xf32>,
        tpu.vector_store %arg13[%swap3A_489, %swap3A_490], %mul3A_488 {strides = array<i32>} : memref<128x64xf32, #tpu.memory_space<vmem>>, vector<16xf32>,
        %mul3A_492 = arith.constant 8 : i32
        %mul3A_493 = arith.muli %scan3A_362, %mul3A_492 : i32
        %add3A_494 = arith.constant 2 : i32
        %add3A_495 = arith.addi %mul3A_493, %add3A_494 : i32
        %get3A_496 = arith.index_cast %add3A_495 : i32 to index
        %get3A_497 = arith.constant 32 : index
        %get3A_498 = tpu.vector_load %arg13[%get3A_496, %get3A_497] {strides = array<i32>} : memref<128x64xf32, #tpu.memory_space<vmem>>, vector<16xf32>,
        %mul3A_499 = arith.constant 8.000000e+00 : f32
        %mul3A_500 = vector.broadcast %mul3A_499 : f32 to vector<16xf32>
        %mul3A_501 = arith.mulf %get3A_498, %mul3A_500 : vector<16xf32>
        %swap3A_502 = arith.index_cast %add3A_495 : i32 to index
        %swap3A_503 = arith.constant 32 : index
        %swap3A_504 = tpu.vector_load %arg13[%swap3A_502, %swap3A_503] {strides = array<i32>} : memref<128x64xf32, #tpu.memory_space<vmem>>, vector<16xf32>,
        tpu.vector_store %arg13[%swap3A_502, %swap3A_503], %mul3A_501 {strides = array<i32>} : memref<128x64xf32, #tpu.memory_space<vmem>>, vector<16xf32>,
        %mul3A_505 = arith.constant 8 : i32
        %mul3A_506 = arith.muli %scan3A_362, %mul3A_505 : i32
        %add3A_507 = arith.constant 2 : i32
        %add3A_508 = arith.addi %mul3A_506, %add3A_507 : i32
        %get3A_509 = arith.index_cast %add3A_508 : i32 to index
        %get3A_510 = arith.constant 48 : index
        %get3A_511 = tpu.vector_load %arg13[%get3A_509, %get3A_510] {strides = array<i32>} : memref<128x64xf32, #tpu.memory_space<vmem>>, vector<16xf32>,
        %mul3A_512 = arith.constant 8.000000e+00 : f32
        %mul3A_513 = vector.broadcast %mul3A_512 : f32 to vector<16xf32>
        %mul3A_514 = arith.mulf %get3A_511, %mul3A_513 : vector<16xf32>
        %swap3A_515 = arith.index_cast %add3A_508 : i32 to index
        %swap3A_516 = arith.constant 48 : index
        %swap3A_517 = tpu.vector_load %arg13[%swap3A_515, %swap3A_516] {strides = array<i32>} : memref<128x64xf32, #tpu.memory_space<vmem>>, vector<16xf32>,
        tpu.vector_store %arg13[%swap3A_515, %swap3A_516], %mul3A_514 {strides = array<i32>} : memref<128x64xf32, #tpu.memory_space<vmem>>, vector<16xf32>,
        %mul3A_518 = arith.constant 8 : i32
        %mul3A_519 = arith.muli %scan3A_362, %mul3A_518 : i32
        %add3A_520 = arith.constant 3 : i32
        %add3A_521 = arith.addi %mul3A_519, %add3A_520 : i32
        %get3A_522 = arith.index_cast %add3A_521 : i32 to index
        %get3A_523 = arith.constant 0 : index
        %get3A_524 = tpu.vector_load %arg13[%get3A_522, %get3A_523] {strides = array<i32>} : memref<128x64xf32, #tpu.memory_space<vmem>>, vector<16xf32>,
        %mul3A_525 = arith.constant 8.000000e+00 : f32
        %mul3A_526 = vector.broadcast %mul3A_525 : f32 to vector<16xf32>
        %mul3A_527 = arith.mulf %get3A_524, %mul3A_526 : vector<16xf32>
        %swap3A_528 = arith.index_cast %add3A_521 : i32 to index
        %swap3A_529 = arith.constant 0 : index
        %swap3A_530 = tpu.vector_load %arg13[%swap3A_528, %swap3A_529] {strides = array<i32>} : memref<128x64xf32, #tpu.memory_space<vmem>>, vector<16xf32>,
        tpu.vector_store %arg13[%swap3A_528, %swap3A_529], %mul3A_527 {strides = array<i32>} : memref<128x64xf32, #tpu.memory_space<vmem>>, vector<16xf32>,
        %mul3A_531 = arith.constant 8 : i32
        %mul3A_532 = arith.muli %scan3A_362, %mul3A_531 : i32
        %add3A_533 = arith.constant 3 : i32
        %add3A_534 = arith.addi %mul3A_532, %add3A_533 : i32
        %get3A_535 = arith.index_cast %add3A_534 : i32 to index
        %get3A_536 = arith.constant 16 : index
        %get3A_537 = tpu.vector_load %arg13[%get3A_535, %get3A_536] {strides = array<i32>} : memref<128x64xf32, #tpu.memory_space<vmem>>, vector<16xf32>,
        %mul3A_538 = arith.constant 8.000000e+00 : f32
        %mul3A_539 = vector.broadcast %mul3A_538 : f32 to vector<16xf32>
        %mul3A_540 = arith.mulf %get3A_537, %mul3A_539 : vector<16xf32>
        %swap3A_541 = arith.index_cast %add3A_534 : i32 to index
        %swap3A_542 = arith.constant 16 : index
        %swap3A_543 = tpu.vector_load %arg13[%swap3A_541, %swap3A_542] {strides = array<i32>} : memref<128x64xf32, #tpu.memory_space<vmem>>, vector<16xf32>,
        tpu.vector_store %arg13[%swap3A_541, %swap3A_542], %mul3A_540 {strides = array<i32>} : memref<128x64xf32, #tpu.memory_space<vmem>>, vector<16xf32>,
        %mul3A_544 = arith.constant 8 : i32
        %mul3A_545 = arith.muli %scan3A_362, %mul3A_544 : i32
        %add3A_546 = arith.constant 3 : i32
        %add3A_547 = arith.addi %mul3A_545, %add3A_546 : i32
        %get3A_548 = arith.index_cast %add3A_547 : i32 to index
        %get3A_549 = arith.constant 32 : index
        %get3A_550 = tpu.vector_load %arg13[%get3A_548, %get3A_549] {strides = array<i32>} : memref<128x64xf32, #tpu.memory_space<vmem>>, vector<16xf32>,
        %mul3A_551 = arith.constant 8.000000e+00 : f32
        %mul3A_552 = vector.broadcast %mul3A_551 : f32 to vector<16xf32>
        %mul3A_553 = arith.mulf %get3A_550, %mul3A_552 : vector<16xf32>
        %swap3A_554 = arith.index_cast %add3A_547 : i32 to index
        %swap3A_555 = arith.constant 32 : index
        %swap3A_556 = tpu.vector_load %arg13[%swap3A_554, %swap3A_555] {strides = array<i32>} : memref<128x64xf32, #tpu.memory_space<vmem>>, vector<16xf32>,
        tpu.vector_store %arg13[%swap3A_554, %swap3A_555], %mul3A_553 {strides = array<i32>} : memref<128x64xf32, #tpu.memory_space<vmem>>, vector<16xf32>,
        %mul3A_557 = arith.constant 8 : i32
        %mul3A_558 = arith.muli %scan3A_362, %mul3A_557 : i32
        %add3A_559 = arith.constant 3 : i32
        %add3A_560 = arith.addi %mul3A_558, %add3A_559 : i32
        %get3A_561 = arith.index_cast %add3A_560 : i32 to index
        %get3A_562 = arith.constant 48 : index
        %get3A_563 = tpu.vector_load %arg13[%get3A_561, %get3A_562] {strides = array<i32>} : memref<128x64xf32, #tpu.memory_space<vmem>>, vector<16xf32>,
        %mul3A_564 = arith.constant 8.000000e+00 : f32
        %mul3A_565 = vector.broadcast %mul3A_564 : f32 to vector<16xf32>
        %mul3A_566 = arith.mulf %get3A_563, %mul3A_565 : vector<16xf32>
        %swap3A_567 = arith.index_cast %add3A_560 : i32 to index
        %swap3A_568 = arith.constant 48 : index
        %swap3A_569 = tpu.vector_load %arg13[%swap3A_567, %swap3A_568] {strides = array<i32>} : memref<128x64xf32, #tpu.memory_space<vmem>>, vector<16xf32>,
        tpu.vector_store %arg13[%swap3A_567, %swap3A_568], %mul3A_566 {strides = array<i32>} : memref<128x64xf32, #tpu.memory_space<vmem>>, vector<16xf32>,
        %mul3A_570 = arith.constant 8 : i32
        %mul3A_571 = arith.muli %scan3A_362, %mul3A_570 : i32
        %add3A_572 = arith.constant 4 : i32
        %add3A_573 = arith.addi %mul3A_571, %add3A_572 : i32
        %get3A_574 = arith.index_cast %add3A_573 : i32 to index
        %get3A_575 = arith.constant 0 : index
        %get3A_576 = tpu.vector_load %arg13[%get3A_574, %get3A_575] {strides = array<i32>} : memref<128x64xf32, #tpu.memory_space<vmem>>, vector<16xf32>,
        %mul3A_577 = arith.constant 8.000000e+00 : f32
        %mul3A_578 = vector.broadcast %mul3A_577 : f32 to vector<16xf32>
        %mul3A_579 = arith.mulf %get3A_576, %mul3A_578 : vector<16xf32>
        %swap3A_580 = arith.index_cast %add3A_573 : i32 to index
        %swap3A_581 = arith.constant 0 : index
        %swap3A_582 = tpu.vector_load %arg13[%swap3A_580, %swap3A_581] {strides = array<i32>} : memref<128x64xf32, #tpu.memory_space<vmem>>, vector<16xf32>,
        tpu.vector_store %arg13[%swap3A_580, %swap3A_581], %mul3A_579 {strides = array<i32>} : memref<128x64xf32, #tpu.memory_space<vmem>>, vector<16xf32>,
        %mul3A_583 = arith.constant 8 : i32
        %mul3A_584 = arith.muli %scan3A_362, %mul3A_583 : i32
        %add3A_585 = arith.constant 4 : i32
        %add3A_586 = arith.addi %mul3A_584, %add3A_585 : i32
        %get3A_587 = arith.index_cast %add3A_586 : i32 to index
        %get3A_588 = arith.constant 16 : index
        %get3A_589 = tpu.vector_load %arg13[%get3A_587, %get3A_588] {strides = array<i32>} : memref<128x64xf32, #tpu.memory_space<vmem>>, vector<16xf32>,
        %mul3A_590 = arith.constant 8.000000e+00 : f32
        %mul3A_591 = vector.broadcast %mul3A_590 : f32 to vector<16xf32>
        %mul3A_592 = arith.mulf %get3A_589, %mul3A_591 : vector<16xf32>
        %swap3A_593 = arith.index_cast %add3A_586 : i32 to index
        %swap3A_594 = arith.constant 16 : index
        %swap3A_595 = tpu.vector_load %arg13[%swap3A_593, %swap3A_594] {strides = array<i32>} : memref<128x64xf32, #tpu.memory_space<vmem>>, vector<16xf32>,
        tpu.vector_store %arg13[%swap3A_593, %swap3A_594], %mul3A_592 {strides = array<i32>} : memref<128x64xf32, #tpu.memory_space<vmem>>, vector<16xf32>,
        %mul3A_596 = arith.constant 8 : i32
        %mul3A_597 = arith.muli %scan3A_362, %mul3A_596 : i32
        %add3A_598 = arith.constant 4 : i32
        %add3A_599 = arith.addi %mul3A_597, %add3A_598 : i32
        %get3A_600 = arith.index_cast %add3A_599 : i32 to index
        %get3A_601 = arith.constant 32 : index
        %get3A_602 = tpu.vector_load %arg13[%get3A_600, %get3A_601] {strides = array<i32>} : memref<128x64xf32, #tpu.memory_space<vmem>>, vector<16xf32>,
        %mul3A_603 = arith.constant 8.000000e+00 : f32
        %mul3A_604 = vector.broadcast %mul3A_603 : f32 to vector<16xf32>
        %mul3A_605 = arith.mulf %get3A_602, %mul3A_604 : vector<16xf32>
        %swap3A_606 = arith.index_cast %add3A_599 : i32 to index
        %swap3A_607 = arith.constant 32 : index
        %swap3A_608 = tpu.vector_load %arg13[%swap3A_606, %swap3A_607] {strides = array<i32>} : memref<128x64xf32, #tpu.memory_space<vmem>>, vector<16xf32>,
        tpu.vector_store %arg13[%swap3A_606, %swap3A_607], %mul3A_605 {strides = array<i32>} : memref<128x64xf32, #tpu.memory_space<vmem>>, vector<16xf32>,
        %mul3A_609 = arith.constant 8 : i32
        %mul3A_610 = arith.muli %scan3A_362, %mul3A_609 : i32
        %add3A_611 = arith.constant 4 : i32
        %add3A_612 = arith.addi %mul3A_610, %add3A_611 : i32
        %get3A_613 = arith.index_cast %add3A_612 : i32 to index
        %get3A_614 = arith.constant 48 : index
        %get3A_615 = tpu.vector_load %arg13[%get3A_613, %get3A_614] {strides = array<i32>} : memref<128x64xf32, #tpu.memory_space<vmem>>, vector<16xf32>,
        %mul3A_616 = arith.constant 8.000000e+00 : f32
        %mul3A_617 = vector.broadcast %mul3A_616 : f32 to vector<16xf32>
        %mul3A_618 = arith.mulf %get3A_615, %mul3A_617 : vector<16xf32>
        %swap3A_619 = arith.index_cast %add3A_612 : i32 to index
        %swap3A_620 = arith.constant 48 : index
        %swap3A_621 = tpu.vector_load %arg13[%swap3A_619, %swap3A_620] {strides = array<i32>} : memref<128x64xf32, #tpu.memory_space<vmem>>, vector<16xf32>,
        tpu.vector_store %arg13[%swap3A_619, %swap3A_620], %mul3A_618 {strides = array<i32>} : memref<128x64xf32, #tpu.memory_space<vmem>>, vector<16xf32>,
        %mul3A_622 = arith.constant 8 : i32
        %mul3A_623 = arith.muli %scan3A_362, %mul3A_622 : i32
        %add3A_624 = arith.constant 5 : i32
        %add3A_625 = arith.addi %mul3A_623, %add3A_624 : i32
        %get3A_626 = arith.index_cast %add3A_625 : i32 to index
        %get3A_627 = arith.constant 0 : index
        %get3A_628 = tpu.vector_load %arg13[%get3A_626, %get3A_627] {strides = array<i32>} : memref<128x64xf32, #tpu.memory_space<vmem>>, vector<16xf32>,
        %mul3A_629 = arith.constant 8.000000e+00 : f32
        %mul3A_630 = vector.broadcast %mul3A_629 : f32 to vector<16xf32>
        %mul3A_631 = arith.mulf %get3A_628, %mul3A_630 : vector<16xf32>
        %swap3A_632 = arith.index_cast %add3A_625 : i32 to index
        %swap3A_633 = arith.constant 0 : index
        %swap3A_634 = tpu.vector_load %arg13[%swap3A_632, %swap3A_633] {strides = array<i32>} : memref<128x64xf32, #tpu.memory_space<vmem>>, vector<16xf32>,
        tpu.vector_store %arg13[%swap3A_632, %swap3A_633], %mul3A_631 {strides = array<i32>} : memref<128x64xf32, #tpu.memory_space<vmem>>, vector<16xf32>,
        %mul3A_635 = arith.constant 8 : i32
        %mul3A_636 = arith.muli %scan3A_362, %mul3A_635 : i32
        %add3A_637 = arith.constant 5 : i32
        %add3A_638 = arith.addi %mul3A_636, %add3A_637 : i32
        %get3A_639 = arith.index_cast %add3A_638 : i32 to index
        %get3A_640 = arith.constant 16 : index
        %get3A_641 = tpu.vector_load %arg13[%get3A_639, %get3A_640] {strides = array<i32>} : memref<128x64xf32, #tpu.memory_space<vmem>>, vector<16xf32>,
        %mul3A_642 = arith.constant 8.000000e+00 : f32
        %mul3A_643 = vector.broadcast %mul3A_642 : f32 to vector<16xf32>
        %mul3A_644 = arith.mulf %get3A_641, %mul3A_643 : vector<16xf32>
        %swap3A_645 = arith.index_cast %add3A_638 : i32 to index
        %swap3A_646 = arith.constant 16 : index
        %swap3A_647 = tpu.vector_load %arg13[%swap3A_645, %swap3A_646] {strides = array<i32>} : memref<128x64xf32, #tpu.memory_space<vmem>>, vector<16xf32>,
        tpu.vector_store %arg13[%swap3A_645, %swap3A_646], %mul3A_644 {strides = array<i32>} : memref<128x64xf32, #tpu.memory_space<vmem>>, vector<16xf32>,
        %mul3A_648 = arith.constant 8 : i32
        %mul3A_649 = arith.muli %scan3A_362, %mul3A_648 : i32
        %add3A_650 = arith.constant 5 : i32
        %add3A_651 = arith.addi %mul3A_649, %add3A_650 : i32
        %get3A_652 = arith.index_cast %add3A_651 : i32 to index
        %get3A_653 = arith.constant 32 : index
        %get3A_654 = tpu.vector_load %arg13[%get3A_652, %get3A_653] {strides = array<i32>} : memref<128x64xf32, #tpu.memory_space<vmem>>, vector<16xf32>,
        %mul3A_655 = arith.constant 8.000000e+00 : f32
        %mul3A_656 = vector.broadcast %mul3A_655 : f32 to vector<16xf32>
        %mul3A_657 = arith.mulf %get3A_654, %mul3A_656 : vector<16xf32>
        %swap3A_658 = arith.index_cast %add3A_651 : i32 to index
        %swap3A_659 = arith.constant 32 : index
        %swap3A_660 = tpu.vector_load %arg13[%swap3A_658, %swap3A_659] {strides = array<i32>} : memref<128x64xf32, #tpu.memory_space<vmem>>, vector<16xf32>,
        tpu.vector_store %arg13[%swap3A_658, %swap3A_659], %mul3A_657 {strides = array<i32>} : memref<128x64xf32, #tpu.memory_space<vmem>>, vector<16xf32>,
        %mul3A_661 = arith.constant 8 : i32
        %mul3A_662 = arith.muli %scan3A_362, %mul3A_661 : i32
        %add3A_663 = arith.constant 5 : i32
        %add3A_664 = arith.addi %mul3A_662, %add3A_663 : i32
        %get3A_665 = arith.index_cast %add3A_664 : i32 to index
        %get3A_666 = arith.constant 48 : index
        %get3A_667 = tpu.vector_load %arg13[%get3A_665, %get3A_666] {strides = array<i32>} : memref<128x64xf32, #tpu.memory_space<vmem>>, vector<16xf32>,
        %mul3A_668 = arith.constant 8.000000e+00 : f32
        %mul3A_669 = vector.broadcast %mul3A_668 : f32 to vector<16xf32>
        %mul3A_670 = arith.mulf %get3A_667, %mul3A_669 : vector<16xf32>
        %swap3A_671 = arith.index_cast %add3A_664 : i32 to index
        %swap3A_672 = arith.constant 48 : index
        %swap3A_673 = tpu.vector_load %arg13[%swap3A_671, %swap3A_672] {strides = array<i32>} : memref<128x64xf32, #tpu.memory_space<vmem>>, vector<16xf32>,
        tpu.vector_store %arg13[%swap3A_671, %swap3A_672], %mul3A_670 {strides = array<i32>} : memref<128x64xf32, #tpu.memory_space<vmem>>, vector<16xf32>,
        %mul3A_674 = arith.constant 8 : i32
        %mul3A_675 = arith.muli %scan3A_362, %mul3A_674 : i32
        %add3A_676 = arith.constant 6 : i32
        %add3A_677 = arith.addi %mul3A_675, %add3A_676 : i32
        %get3A_678 = arith.index_cast %add3A_677 : i32 to index
        %get3A_679 = arith.constant 0 : index
        %get3A_680 = tpu.vector_load %arg13[%get3A_678, %get3A_679] {strides = array<i32>} : memref<128x64xf32, #tpu.memory_space<vmem>>, vector<16xf32>,
        %mul3A_681 = arith.constant 8.000000e+00 : f32
        %mul3A_682 = vector.broadcast %mul3A_681 : f32 to vector<16xf32>
        %mul3A_683 = arith.mulf %get3A_680, %mul3A_682 : vector<16xf32>
        %swap3A_684 = arith.index_cast %add3A_677 : i32 to index
        %swap3A_685 = arith.constant 0 : index
        %swap3A_686 = tpu.vector_load %arg13[%swap3A_684, %swap3A_685] {strides = array<i32>} : memref<128x64xf32, #tpu.memory_space<vmem>>, vector<16xf32>,
        tpu.vector_store %arg13[%swap3A_684, %swap3A_685], %mul3A_683 {strides = array<i32>} : memref<128x64xf32, #tpu.memory_space<vmem>>, vector<16xf32>,
        %mul3A_687 = arith.constant 8 : i32
        %mul3A_688 = arith.muli %scan3A_362, %mul3A_687 : i32
        %add3A_689 = arith.constant 6 : i32
        %add3A_690 = arith.addi %mul3A_688, %add3A_689 : i32
        %get3A_691 = arith.index_cast %add3A_690 : i32 to index
        %get3A_692 = arith.constant 16 : index
        %get3A_693 = tpu.vector_load %arg13[%get3A_691, %get3A_692] {strides = array<i32>} : memref<128x64xf32, #tpu.memory_space<vmem>>, vector<16xf32>,
        %mul3A_694 = arith.constant 8.000000e+00 : f32
        %mul3A_695 = vector.broadcast %mul3A_694 : f32 to vector<16xf32>
        %mul3A_696 = arith.mulf %get3A_693, %mul3A_695 : vector<16xf32>
        %swap3A_697 = arith.index_cast %add3A_690 : i32 to index
        %swap3A_698 = arith.constant 16 : index
        %swap3A_699 = tpu.vector_load %arg13[%swap3A_697, %swap3A_698] {strides = array<i32>} : memref<128x64xf32, #tpu.memory_space<vmem>>, vector<16xf32>,
        tpu.vector_store %arg13[%swap3A_697, %swap3A_698], %mul3A_696 {strides = array<i32>} : memref<128x64xf32, #tpu.memory_space<vmem>>, vector<16xf32>,
        %mul3A_700 = arith.constant 8 : i32
        %mul3A_701 = arith.muli %scan3A_362, %mul3A_700 : i32
        %add3A_702 = arith.constant 6 : i32
        %add3A_703 = arith.addi %mul3A_701, %add3A_702 : i32
        %get3A_704 = arith.index_cast %add3A_703 : i32 to index
        %get3A_705 = arith.constant 32 : index
        %get3A_706 = tpu.vector_load %arg13[%get3A_704, %get3A_705] {strides = array<i32>} : memref<128x64xf32, #tpu.memory_space<vmem>>, vector<16xf32>,
        %mul3A_707 = arith.constant 8.000000e+00 : f32
        %mul3A_708 = vector.broadcast %mul3A_707 : f32 to vector<16xf32>
        %mul3A_709 = arith.mulf %get3A_706, %mul3A_708 : vector<16xf32>
        %swap3A_710 = arith.index_cast %add3A_703 : i32 to index
        %swap3A_711 = arith.constant 32 : index
        %swap3A_712 = tpu.vector_load %arg13[%swap3A_710, %swap3A_711] {strides = array<i32>} : memref<128x64xf32, #tpu.memory_space<vmem>>, vector<16xf32>,
        tpu.vector_store %arg13[%swap3A_710, %swap3A_711], %mul3A_709 {strides = array<i32>} : memref<128x64xf32, #tpu.memory_space<vmem>>, vector<16xf32>,
        %mul3A_713 = arith.constant 8 : i32
        %mul3A_714 = arith.muli %scan3A_362, %mul3A_713 : i32
        %add3A_715 = arith.constant 6 : i32
        %add3A_716 = arith.addi %mul3A_714, %add3A_715 : i32
        %get3A_717 = arith.index_cast %add3A_716 : i32 to index
        %get3A_718 = arith.constant 48 : index
        %get3A_719 = tpu.vector_load %arg13[%get3A_717, %get3A_718] {strides = array<i32>} : memref<128x64xf32, #tpu.memory_space<vmem>>, vector<16xf32>,
        %mul3A_720 = arith.constant 8.000000e+00 : f32
        %mul3A_721 = vector.broadcast %mul3A_720 : f32 to vector<16xf32>
        %mul3A_722 = arith.mulf %get3A_719, %mul3A_721 : vector<16xf32>
        %swap3A_723 = arith.index_cast %add3A_716 : i32 to index
        %swap3A_724 = arith.constant 48 : index
        %swap3A_725 = tpu.vector_load %arg13[%swap3A_723, %swap3A_724] {strides = array<i32>} : memref<128x64xf32, #tpu.memory_space<vmem>>, vector<16xf32>,
        tpu.vector_store %arg13[%swap3A_723, %swap3A_724], %mul3A_722 {strides = array<i32>} : memref<128x64xf32, #tpu.memory_space<vmem>>, vector<16xf32>,
        %mul3A_726 = arith.constant 8 : i32
        %mul3A_727 = arith.muli %scan3A_362, %mul3A_726 : i32
        %add3A_728 = arith.constant 7 : i32
        %add3A_729 = arith.addi %mul3A_727, %add3A_728 : i32
        %get3A_730 = arith.index_cast %add3A_729 : i32 to index
        %get3A_731 = arith.constant 0 : index
        %get3A_732 = tpu.vector_load %arg13[%get3A_730, %get3A_731] {strides = array<i32>} : memref<128x64xf32, #tpu.memory_space<vmem>>, vector<16xf32>,
        %mul3A_733 = arith.constant 8.000000e+00 : f32
        %mul3A_734 = vector.broadcast %mul3A_733 : f32 to vector<16xf32>
        %mul3A_735 = arith.mulf %get3A_732, %mul3A_734 : vector<16xf32>
        %swap3A_736 = arith.index_cast %add3A_729 : i32 to index
        %swap3A_737 = arith.constant 0 : index
        %swap3A_738 = tpu.vector_load %arg13[%swap3A_736, %swap3A_737] {strides = array<i32>} : memref<128x64xf32, #tpu.memory_space<vmem>>, vector<16xf32>,
        tpu.vector_store %arg13[%swap3A_736, %swap3A_737], %mul3A_735 {strides = array<i32>} : memref<128x64xf32, #tpu.memory_space<vmem>>, vector<16xf32>,
        %mul3A_739 = arith.constant 8 : i32
        %mul3A_740 = arith.muli %scan3A_362, %mul3A_739 : i32
        %add3A_741 = arith.constant 7 : i32
        %add3A_742 = arith.addi %mul3A_740, %add3A_741 : i32
        %get3A_743 = arith.index_cast %add3A_742 : i32 to index
        %get3A_744 = arith.constant 16 : index
        %get3A_745 = tpu.vector_load %arg13[%get3A_743, %get3A_744] {strides = array<i32>} : memref<128x64xf32, #tpu.memory_space<vmem>>, vector<16xf32>,
        %mul3A_746 = arith.constant 8.000000e+00 : f32
        %mul3A_747 = vector.broadcast %mul3A_746 : f32 to vector<16xf32>
        %mul3A_748 = arith.mulf %get3A_745, %mul3A_747 : vector<16xf32>
        %swap3A_749 = arith.index_cast %add3A_742 : i32 to index
        %swap3A_750 = arith.constant 16 : index
        %swap3A_751 = tpu.vector_load %arg13[%swap3A_749, %swap3A_750] {strides = array<i32>} : memref<128x64xf32, #tpu.memory_space<vmem>>, vector<16xf32>,
        tpu.vector_store %arg13[%swap3A_749, %swap3A_750], %mul3A_748 {strides = array<i32>} : memref<128x64xf32, #tpu.memory_space<vmem>>, vector<16xf32>,
        %mul3A_752 = arith.constant 8 : i32
        %mul3A_753 = arith.muli %scan3A_362, %mul3A_752 : i32
        %add3A_754 = arith.constant 7 : i32
        %add3A_755 = arith.addi %mul3A_753, %add3A_754 : i32
        %get3A_756 = arith.index_cast %add3A_755 : i32 to index
        %get3A_757 = arith.constant 32 : index
        %get3A_758 = tpu.vector_load %arg13[%get3A_756, %get3A_757] {strides = array<i32>} : memref<128x64xf32, #tpu.memory_space<vmem>>, vector<16xf32>,
        %mul3A_759 = arith.constant 8.000000e+00 : f32
        %mul3A_760 = vector.broadcast %mul3A_759 : f32 to vector<16xf32>
        %mul3A_761 = arith.mulf %get3A_758, %mul3A_760 : vector<16xf32>
        %swap3A_762 = arith.index_cast %add3A_755 : i32 to index
        %swap3A_763 = arith.constant 32 : index
        %swap3A_764 = tpu.vector_load %arg13[%swap3A_762, %swap3A_763] {strides = array<i32>} : memref<128x64xf32, #tpu.memory_space<vmem>>, vector<16xf32>,
        tpu.vector_store %arg13[%swap3A_762, %swap3A_763], %mul3A_761 {strides = array<i32>} : memref<128x64xf32, #tpu.memory_space<vmem>>, vector<16xf32>,
        %mul3A_765 = arith.constant 8 : i32
        %mul3A_766 = arith.muli %scan3A_362, %mul3A_765 : i32
        %add3A_767 = arith.constant 7 : i32
        %add3A_768 = arith.addi %mul3A_766, %add3A_767 : i32
        %get3A_769 = arith.index_cast %add3A_768 : i32 to index
        %get3A_770 = arith.constant 48 : index
        %get3A_771 = tpu.vector_load %arg13[%get3A_769, %get3A_770] {strides = array<i32>} : memref<128x64xf32, #tpu.memory_space<vmem>>, vector<16xf32>,
        %mul3A_772 = arith.constant 8.000000e+00 : f32
        %mul3A_773 = vector.broadcast %mul3A_772 : f32 to vector<16xf32>
        %mul3A_774 = arith.mulf %get3A_771, %mul3A_773 : vector<16xf32>
        %swap3A_775 = arith.index_cast %add3A_768 : i32 to index
        %swap3A_776 = arith.constant 48 : index
        %swap3A_777 = tpu.vector_load %arg13[%swap3A_775, %swap3A_776] {strides = array<i32>} : memref<128x64xf32, #tpu.memory_space<vmem>>, vector<16xf32>,
        tpu.vector_store %arg13[%swap3A_775, %swap3A_776], %mul3A_774 {strides = array<i32>} : memref<128x64xf32, #tpu.memory_space<vmem>>, vector<16xf32>,
        %scan3A_778 = arith.constant 0 : i32
        scf.yield %scan3A_778 : i32
      }
      %scan3A_339 = arith.constant 16 : i32
      %mul3A_340 = arith.constant 25600 : i32
      %mul3A_341 = arith.muli %add3A, %mul3A_340 : i32
      %mul3A_342 = arith.constant 128 : i32
      %mul3A_343 = arith.muli %add3A_326, %mul3A_342 : i32
      %add3A_344 = arith.addi %mul3A_341, %mul3A_343 : i32
      %dma_start3A_345 = arith.constant 0 : i32
      %dma_start3A_346 = tpu.memref_slice %arg4[%add3A_344, %dma_start3A_345] : memref<819200x128xf32, #tpu.memory_space<hbm>> -> memref<128x64xf32, #tpu.memory_space<hbm>>
      %dma_start3A_347 = arith.constant 0 : i32
      %dma_start3A_348 = tpu.memref_slice %arg4[%add3A_344, %dma_start3A_347] : memref<819200x128xf32, #tpu.memory_space<hbm>> -> memref<128x64xf32, #tpu.memory_space<hbm>>
      tpu.enqueue_dma source(%arg13 : memref<128x64xf32, #tpu.memory_space<vmem>>) target(%dma_start3A_348 : memref<128x64xf32, #tpu.memory_space<hbm>>) target_semaphore(%arg29 : memref<!tpu.dma_semaphore, #tpu.memory_space<semaphore_mem>>)
      %ge3A_349 = arith.constant 4 : i32
      %ge3A_350 = arith.cmpi sge, %add3A_326, %ge3A_349 : i32
      %convert_element_type3A_351 = arith.extui %ge3A_350 : i1 to i32
      %cond3A_352 = arith.constant 0 : i32
      %cond3A_353 = arith.cmpi ne, %convert_element_type3A_351, %cond3A_352 : i32
      scf.if %cond3A_353 {
        %dma_wait3A_362 = arith.constant 0 : i32
        %dma_wait3A_363 = arith.constant 0 : i32
        %dma_wait3A_364 = tpu.memref_slice %arg4[%dma_wait3A_362, %dma_wait3A_363] : memref<819200x128xf32, #tpu.memory_space<hbm>> -> memref<128x64xf32, #tpu.memory_space<hbm>>
        %dma_wait3A_365 = arith.constant 0 : i32
        %dma_wait3A_366 = arith.constant 0 : i32
        %dma_wait3A_367 = tpu.memref_slice %arg4[%dma_wait3A_365, %dma_wait3A_366] : memref<819200x128xf32, #tpu.memory_space<hbm>> -> memref<128x64xf32, #tpu.memory_space<hbm>>
        tpu.wait_dma2 semaphore(%arg25 : memref<!tpu.dma_semaphore, #tpu.memory_space<semaphore_mem>>) src(%arg9 : memref<128x64xf32, #tpu.memory_space<vmem>>) dst(%dma_wait3A_367 : memref<128x64xf32, #tpu.memory_space<hbm>>)
      } else {
      }
      %add3A_354 = arith.constant 4 : i32
      %add3A_355 = arith.addi %add3A_326, %add3A_354 : i32
      %lt3A_356 = arith.constant 200 : i32
      %lt3A_357 = arith.cmpi slt, %add3A_355, %lt3A_356 : i32
      %convert_element_type3A_358 = arith.extui %lt3A_357 : i1 to i32
      %cond3A_359 = arith.constant 0 : i32
      %cond3A_360 = arith.cmpi ne, %convert_element_type3A_358, %cond3A_359 : i32
      scf.if %cond3A_360 {
        %add3A_362 = arith.constant 4 : i32
        %add3A_363 = arith.addi %add3A_326, %add3A_362 : i32
        %dma_start3A_364 = arith.constant 0 : i32
        %dma_start3A_365 = tpu.memref_slice %arg5[%add3A_363, %dma_start3A_364] : memref<200x128xi32, #tpu.memory_space<vmem>> -> memref<1x128xi32, #tpu.memory_space<vmem>>
        %dma_start3A_366 = tpu.memref_squeeze %dma_start3A_365 : memref<1x128xi32, #tpu.memory_space<vmem>> -> memref<128xi32, #tpu.memory_space<vmem>>
        %dma_start3A_367 = arith.constant 0 : i32
        %dma_start3A_368 = arith.constant 0 : i32
        %dma_start3A_369 = tpu.memref_slice %arg3[%dma_start3A_367, %dma_start3A_368] : memref<1000000x64xf32, #tpu.memory_space<hbm>> -> memref<1000000x64xf32, #tpu.memory_space<hbm>>
        tpu.enqueue_indirect_dma source(%dma_start3A_369 : memref<1000000x64xf32, #tpu.memory_space<hbm>>) target(%arg9 : memref<128x64xf32, #tpu.memory_space<vmem>>) offsets(%dma_start3A_366 : memref<128xi32, #tpu.memory_space<vmem>>) semaphore(%arg17 : memref<!tpu.dma_semaphore, #tpu.memory_space<semaphore_mem>>)
      } else {
      }
      %scan3A_361 = arith.constant 0 : i32
      scf.yield %scan3A_361 : i32
    }
    %scan3A_48 = arith.constant 25 : i32
    %dma_wait3A_49 = arith.constant 0 : i32
    %dma_wait3A_50 = arith.constant 0 : i32
    %dma_wait3A_51 = tpu.memref_slice %arg4[%dma_wait3A_49, %dma_wait3A_50] : memref<819200x128xf32, #tpu.memory_space<hbm>> -> memref<128x64xf32, #tpu.memory_space<hbm>>
    %dma_wait3A_52 = arith.constant 0 : i32
    %dma_wait3A_53 = arith.constant 0 : i32
    %dma_wait3A_54 = tpu.memref_slice %arg4[%dma_wait3A_52, %dma_wait3A_53] : memref<819200x128xf32, #tpu.memory_space<hbm>> -> memref<128x64xf32, #tpu.memory_space<hbm>>
    tpu.wait_dma2 semaphore(%arg26 : memref<!tpu.dma_semaphore, #tpu.memory_space<semaphore_mem>>) src(%arg10 : memref<128x64xf32, #tpu.memory_space<vmem>>) dst(%dma_wait3A_54 : memref<128x64xf32, #tpu.memory_space<hbm>>)
    %dma_wait3A_55 = arith.constant 0 : i32
    %dma_wait3A_56 = arith.constant 0 : i32
    %dma_wait3A_57 = tpu.memref_slice %arg4[%dma_wait3A_55, %dma_wait3A_56] : memref<819200x128xf32, #tpu.memory_space<hbm>> -> memref<128x64xf32, #tpu.memory_space<hbm>>
    %dma_wait3A_58 = arith.constant 0 : i32
    %dma_wait3A_59 = arith.constant 0 : i32
    %dma_wait3A_60 = tpu.memref_slice %arg4[%dma_wait3A_58, %dma_wait3A_59] : memref<819200x128xf32, #tpu.memory_space<hbm>> -> memref<128x64xf32, #tpu.memory_space<hbm>>
    tpu.wait_dma2 semaphore(%arg27 : memref<!tpu.dma_semaphore, #tpu.memory_space<semaphore_mem>>) src(%arg11 : memref<128x64xf32, #tpu.memory_space<vmem>>) dst(%dma_wait3A_60 : memref<128x64xf32, #tpu.memory_space<hbm>>)
    %dma_wait3A_61 = arith.constant 0 : i32
    %dma_wait3A_62 = arith.constant 0 : i32
    %dma_wait3A_63 = tpu.memref_slice %arg4[%dma_wait3A_61, %dma_wait3A_62] : memref<819200x128xf32, #tpu.memory_space<hbm>> -> memref<128x64xf32, #tpu.memory_space<hbm>>
    %dma_wait3A_64 = arith.constant 0 : i32
    %dma_wait3A_65 = arith.constant 0 : i32
    %dma_wait3A_66 = tpu.memref_slice %arg4[%dma_wait3A_64, %dma_wait3A_65] : memref<819200x128xf32, #tpu.memory_space<hbm>> -> memref<128x64xf32, #tpu.memory_space<hbm>>
    tpu.wait_dma2 semaphore(%arg28 : memref<!tpu.dma_semaphore, #tpu.memory_space<semaphore_mem>>) src(%arg12 : memref<128x64xf32, #tpu.memory_space<vmem>>) dst(%dma_wait3A_66 : memref<128x64xf32, #tpu.memory_space<hbm>>)
    %dma_wait3A_67 = arith.constant 0 : i32
    %dma_wait3A_68 = arith.constant 0 : i32
    %dma_wait3A_69 = tpu.memref_slice %arg4[%dma_wait3A_67, %dma_wait3A_68] : memref<819200x128xf32, #tpu.memory_space<hbm>> -> memref<128x64xf32, #tpu.memory_space<hbm>>
    %dma_wait3A_70 = arith.constant 0 : i32
    %dma_wait3A_71 = arith.constant 0 : i32
    %dma_wait3A_72 = tpu.memref_slice %arg4[%dma_wait3A_70, %dma_wait3A_71] : memref<819200x128xf32, #tpu.memory_space<hbm>> -> memref<128x64xf32, #tpu.memory_space<hbm>>
    tpu.wait_dma2 semaphore(%arg29 : memref<!tpu.dma_semaphore, #tpu.memory_space<semaphore_mem>>) src(%arg13 : memref<128x64xf32, #tpu.memory_space<vmem>>) dst(%dma_wait3A_72 : memref<128x64xf32, #tpu.memory_space<hbm>>)
    return
  }
}

</mosaic_0001>

<sc_bundles>
// kernel: kernel.3.cloned.1.call-start
scs
__scs_entry_jumppad:
0x0: {  	(pc) =	sbr.rel $0x88, $3  }
0x1: {  	(tag) =	ssettag $0x0;
	lr =	simm.s32 $0x1  }
0x2: {  	[smem:$0x3F9F] =	sst lr;
	_ =	strace $0xD0000000  }
0x3: {  	_ = 	snop  }
0x4: {  	_ = 	snop  }
0x5: {  	_ = 	snop  }
0x6: {  	_ = 	snop  }
0x7: {  	_ = 	snop  }
__scs_overlays_trampoline_lowered:
0x8: {  	[smem:$0x3FAE] =	sst s0  }
0x9: {  	[smem:$0x3FAF] =	sst s1  }
0xa: {  	[smem:$0x3FB0] =	sst s2  }
0xb: {  	[smem:$0x3FB1] =	sst s3  }
0xc: {  	[smem:$0x3FB2] =	sst s4  }
0xd: {  	[smem:$0x3FB3] =	sst s5  }
0xe: {  	[smem:$0x3FB4] =	sst s6  }
0xf: {  	[smem:$0x3FB5] =	sst s7  }
0x10: {  	[smem:$0x3FB6] =	sst s8  }
0x11: {  	[smem:$0x3FB7] =	sst s9;
	s0 =	simm.s32 @!p0 $0x0  }
0x12: {  	s1 =	sld [smem:$0x3F9D];
	s0 =	simm.s32 @p0 $0x1  }
0x13: {  	[smem:$0x3FB8] =	sst s0;
	s0 =	simm.s32 @!p1 $0x0  }
0x14: {  	s2 =	sld [smem:$0x3F9C];
	s0 =	simm.s32 @p1 $0x1  }
0x15: {  	[smem:$0x3FB9] =	sst s0;
	s0 =	simm.s32 @!p2 $0x0  }
0x16: {  	s3 =	sld [smem:$0x3FDB];
	s0 =	simm.s32 @p2 $0x1  }
0x17: {  	s4 =	simm.s32 $0x1BF5;
	[smem:$0x3FBB] =	sst s0  }
0x18: {  	s0 =	sld [smem:$0x3F9E];
	_ =	swait.ge [sflag:s4], $0x0  }
0x19: {  	s7 =	sld [smem:$0x3F9F]  }
0x1a: {  	s8 =	sadd.s32 $0xFFFFE003, lr  }
0x1b: {  	s9 =	sadd.s32 $0xFFFFFEF7, lr;
	s5 =	simm.s32 $0xFFFFFFFF;
	p2 =	slt.u32 s8, $0xFFFFF086  }
0x1c: {  	p1 =	slt.u32 s9, $0xF7A;
	s5 =	simm.s32 @!p2 $0x0  }
0x1d: {  	s5 =	simm.s32 @p1 $0x1;
	p0 =	seq.s32 s7, s2  }
0x1e: {  	s7 =	smul.u32 @!p0 $0xF7A, s2;
	p2 =	seq.s32 @!p0 s5, $0x0  }
0x1f: {  	s9 =	smul.u32 $0xF7A, s1;
	s8 =	simm.s32 @!p0 $0x1BF5;
	p2 =	por !p2, p0  }
0x20: {  	[sflag:s8] =	ssyncset.s32 @!p0 $0xFFFFF086;
	s6 =	sadd.s32 @!p0 s3, s7;
	s7 =	simm.s32 @!p0 $0x108  }
0x21: {  	s3 =	sadd.s32 s3, s9;
	s6 =	sadd.s32 @!p0 $0x88, s6;
	s7 =	simm.s32 @p2 $0x1082  }
0x22: {  	[simem:s7], [sflag:s8] =	dma.local @!p0 [hbm:s6], $0xF7A  }
0x23: {  	s9 =	sor.u32 $0xD0000000, s2;
	s6 =	simm.s32 $0x108;
	_ =	swait.ge @!p0 [sflag:s8], $0x0  }
0x24: {  	s3 =	sadd.s32 $0x88, s3;
	s6 =	simm.s32 @!p1 $0x1082;
	[sflag:s4] =	ssyncset.s32 $0xFFFFF086  }
0x25: {  	[simem:s6], [sflag:s4] =	dma.local [hbm:s3], $0xF7A  }
0x26: {  	[smem:$0x3F9F] =	sst s1;
	(tag) =	ssettag s2;
	_ =	strace s9  }
0x27: {  	s1 =	sld [smem:$0x3FAF]  }
0x28: {  	s2 =	sld [smem:$0x3FB0]  }
0x29: {  	s4 =	sld [smem:$0x3FB2]  }
0x2a: {  	p0 =	seq.s32 s5, $0x0;
	s5 =	sld [smem:$0x3FB3]  }
0x2b: {  	s6 =	sld [smem:$0x3FB4]  }
0x2c: {  	s7 =	sld [smem:$0x3FB5]  }
0x2d: {  	s3 =	simm.s32 $0x108;
	s8 =	sld [smem:$0x3FB6]  }
0x2e: {  	s3 =	simm.s32 @!p0 $0x1082;
	s9 =	sld [smem:$0x3FB7]  }
0x2f: {  	lr =	sadd.s32 s0, s3;
	s0 =	sld [smem:$0x3FAE]  }
0x30: {  	s3 =	sld [smem:$0x3FB1]  }
0x31: {  	[smem:$0x3FBA] =	sst s10  }
0x32: {  	s10 =	sld [smem:$0x3FB8];
	_ =	sdelay $0x3  }
0x33: {  	p0 =	seq.s32 s10, $0x1;
	s10 =	sld [smem:$0x3FBA];
	_ =	sdelay $0x3  }
0x34: {  	[smem:$0x3FBA] =	sst s10  }
0x35: {  	s10 =	sld [smem:$0x3FB9];
	_ =	sdelay $0x3  }
0x36: {  	p1 =	seq.s32 s10, $0x1;
	s10 =	sld [smem:$0x3FBA];
	_ =	sdelay $0x3  }
0x37: {  	[smem:$0x3FBA] =	sst s10  }
0x38: {  	s10 =	sld [smem:$0x3FBB]  }
0x39: {  	_ = 	snop;
	(pc) =	sbr.ind lr, $3  }
0x3a: {  	_ = 	snop  }
0x3b: {  	_ = 	snop  }
0x3c: {  	p2 =	seq.s32 s10, $0x1;
	s10 =	sld [smem:$0x3FBA]  }
0x3d: {  	_ =	shalt  }
0x3e: {  	_ =	shalt  }
0x3f: {  	_ =	shalt  }
0x40: {  	_ =	shalt  }
0x41: {  	_ =	shalt  }
0x42: {  	_ =	shalt  }
0x43: {  	_ =	shalt  }
0x44: {  	_ =	shalt  }
0x45: {  	_ =	shalt  }
0x46: {  	_ =	shalt  }
0x47: {  	_ =	shalt  }
0x48: {  	_ =	shalt  }
0x49: {  	_ =	shalt  }
0x4a: {  	_ =	shalt  }
0x4b: {  	_ =	shalt  }
0x4c: {  	_ =	shalt  }
0x4d: {  	_ =	shalt  }
0x4e: {  	_ =	shalt  }
0x4f: {  	_ =	shalt  }
0x50: {  	_ =	shalt  }
0x51: {  	_ =	shalt  }
0x52: {  	_ =	shalt  }
0x53: {  	_ =	shalt  }
0x54: {  	_ =	shalt  }
0x55: {  	_ =	shalt  }
0x56: {  	_ =	shalt  }
0x57: {  	_ =	shalt  }
0x58: {  	_ =	shalt  }
0x59: {  	_ =	shalt  }
0x5a: {  	_ =	shalt  }
0x5b: {  	_ =	shalt  }
0x5c: {  	_ =	shalt  }
0x5d: {  	_ =	shalt  }
0x5e: {  	_ =	shalt  }
0x5f: {  	_ =	shalt  }
0x60: {  	_ =	shalt  }
0x61: {  	_ =	shalt  }
0x62: {  	_ =	shalt  }
0x63: {  	_ =	shalt  }
0x64: {  	_ =	shalt  }
0x65: {  	_ =	shalt  }
0x66: {  	_ =	shalt  }
0x67: {  	_ =	shalt  }
0x68: {  	_ =	shalt  }
0x69: {  	_ =	shalt  }
0x6a: {  	_ =	shalt  }
0x6b: {  	_ =	shalt  }
0x6c: {  	_ =	shalt  }
0x6d: {  	_ =	shalt  }
0x6e: {  	_ =	shalt  }
0x6f: {  	_ =	shalt  }
0x70: {  	_ =	shalt  }
0x71: {  	_ =	shalt  }
0x72: {  	_ =	shalt  }
0x73: {  	_ =	shalt  }
0x74: {  	_ =	shalt  }
0x75: {  	_ =	shalt  }
0x76: {  	_ =	shalt  }
0x77: {  	_ =	shalt  }
0x78: {  	_ =	shalt  }
0x79: {  	_ =	shalt  }
0x7a: {  	_ =	shalt  }
0x7b: {  	_ =	shalt  }
0x7c: {  	_ =	shalt  }
0x7d: {  	_ =	shalt  }
0x7e: {  	_ =	shalt  }
0x7f: {  	_ =	shalt  }
0x80: {  	_ =	shalt  }
0x81: {  	_ =	shalt  }
0x82: {  	_ =	shalt  }
0x83: {  	_ =	shalt  }
0x84: {  	_ =	shalt  }
0x85: {  	_ =	shalt  }
0x86: {  	_ =	shalt  }
0x87: {  	_ =	shalt  }
.Lfunc_end0:
.L_simem_size_0:
called_computation.1_lowered:
.L_overlay_start_0:
0x88: {  	s2 =	sld [smem:$0x3FD9]  }
0x89: {  	s3 =	sld [smem:$0x3FFE];
	_ =	sdelay $0x1  }
0x8a: {  	s1 =	srdreg.scid  }
0x8b: {  	s0 =	sand.u32 $0x1, s1  }
0x8c: {  	s17 =	sshll.u32 s0, $0xA;
	s2 =	sadd.s32 s3, s2  }
0x8d: {  	s2 =	sadd.s32 s2, s17  }
0x8e: {  	[smem:$0x3FC6] =	sst s2  }
0x8f: {  	_ = 	snop  }
0x90: {  	s2 =	sld [smem:$0x3FD0];
	(tm) =	ssettm $0x1  }
0x91: {  	s18 =	sld [smem:$0x3FFB];
	_ =	sdelay $0x3  }
0x92: {  	_ =	strace s18  }
0x93: {  	s3 =	sld [smem:$0x3FFC];
	_ =	sdelay $0x3  }
0x94: {  	_ =	strace s3  }
0x95: {  	s3 =	sld [smem:$0x3FFD];
	_ =	sdelay $0x3  }
0x96: {  	_ =	strace s3  }
0x97: {  	_ =	strace $0x8FFFFFFF  }
0x98: {  	s19 =	sld [smem:$0x3FDB];
	_ =	sdelay $0x1  }
0x99: {  	s4 =	simm.s32 $_scs_section_size  }
0x9a: {  	s5 =	simm.s32 $_size__tile_overlayer_lowered;
	s6 =	simm.s32 $_tile_overlayer_lowered  }
0x9b: {  	s22 =	simm.s32 $0x1BFF;
	s21 =	sshll.u32 s6, $0x1;
	s3 =	sadd.s32 s4, s19  }
0x9c: {  	s7 =	simm.s32 $0x0;
	s20 =	sshll.u32 s5, $0x1;
	s5 =	sadd.s32 s21, s3  }
0x9d: {  	[timem:s7], [sflag:s22] =	dma.local [hbm:s5], s20  }
0x9e: {  	_ =	swait.ge [sflag:s22], s20  }
0x9f: {  	s4 =	ssub.s32 $0x0, s20;
	[sflag:s22] =	ssyncset.done $0x0  }
0xa0: {  	[sflag:s22] =	ssyncadd.s32 s4;
	_ =	sdelay $0x1  }
0xa1: {  	s23 =	simm.s32 $0x1B8B  }
0xa2: {  	_ =	swait.ge [sflag:s23], $0x1  }
0xa3: {  	[sflag:s23] =	ssyncset.done $0x0  }
0xa4: {  	s25 =	simm.s32 $0x1B8E;
	s24 =	sld [smem:$0x3FFE];
	[sflag:s23] =	ssyncadd.s32 $0xFFFFFFFF  }
0xa5: {  	s26 =	simm.s32 $execute0_lowered;
	[smem:$0x3FD2] =	sst s25  }
0xa6: {  	s5 =	sshll.u32 s26, $0x1;
	_ =	strace $0x80000046;
	[dreg:$0x1] =	wrdreg $0xFFFFFFFF  }
0xa7: {  	s28 =	simm.s32 $_size_execute0_lowered;
	s3 =	sadd.s32 s3, s5;
	[dreg:$0x0] =	wrdreg $0x0  }
0xa8: {  	s5 =	sshll.u32 s28, $0x1;
	[dreg:$0x2] =	wrdreg s3  }
0xa9: {  	[dreg:$0x3] =	wrdreg s5  }
0xaa: {  	[dreg:$0x4] =	wrdreg $0xC0  }
0xab: {  	_ =	task [dreg:s7], $0x5FFFF  }
0xac: {  	[dreg:$0x1] =	wrdreg $0xFFFFFFFF  }
0xad: {  	[dreg:$0x0] =	wrdreg $0x60  }
0xae: {  	[dreg:$0x2] =	wrdreg s2  }
0xaf: {  	[dreg:$0x3] =	wrdreg s24  }
0xb0: {  	[dreg:$0x4] =	wrdreg $0x9  }
0xb1: {  	_ =	task.clear_ibuf [dreg:s7], $0x5FFFF;
	_ =	strace $0x90000046  }
0xb2: {  	s29 =	simm.s32 $0x9;
	_ =	strace $0x80000048  }
0xb3: {  	_ =	swait.ge [sflag:s29], $0x1  }
0xb4: {  	[sflag:s29] =	ssyncadd.s32 $0xFFFFFFFF  }
0xb5: {  	_ =	strace $0x90000048  }
0xb6: {  	_ =	sfence  }
0xb7: {  	s30 =	sld [smem:$0x0];
	_ =	sdelay $0x2  }
0xb8: {  	s31 =	sshll.u32 s1, $0xD;
	s1 =	sshrl.u32 s1, $0x2  }
0xb9: {  	s3 =	sand.u32 $0x4000, s31;
	s1 =	sadd.s32 s1, s30  }
0xba: {  	s0 =	sor.u32 s3, s0;
	s1 =	sshll.u32 s1, $0x11  }
0xbb: {  	s0 =	sor.u32 s1, s0  }
0xbc: {  	s0 =	sadd.s32 $0x8F2B, s0  }
0xbd: {  	[sflag:s0] =	ssyncadd.remote.s32 $0x1  }
0xbe: {  	_ =	sfence.sel $0xFFFF  }
0xbf: {  	[dreg:$0x0] =	wrdreg $0xFFFFFFFF;
	(pc) =	sbr.abs _section_cstart, $3  }
0xc0: {  	[dreg:$0x1] =	wrdreg $0xFFFFFFFF  }
0xc1: {  	_ =	task.clear_ibuf [dreg:s7], $0x2FFFF;
	_ =	strace $0x9FFFFFFF  }
0xc2: {  	(tm) =	ssettm $0x7FFFFFFF  }
0xc3: {  	_ =	shalt  }
tec
execute0_lowered:
.L_overlay_start_1:
0x0: {  	(tag) =	ssettag $0x1  }
0x1: {  	s0 =	rddreg [dreg:$0x0]  }
0x2: {  	s1 =	srdreg.scid;
	s3 =	stileid.u32  }
0x3: {  	s2 =	rddreg [dreg:$0x1];
	s4 =	simm.s32 $0x0;
	s12 =	simm.s32 $0x80  }
0x4: {  	s18 =	simm.s32 $0xC400;
	s19 =	simm.s32 $0x1;
	s20 =	simm.s32 $0x40  }
0x5: {  	s21 =	simm.s32 $0xE400;
	s28 =	simm.s32 $0x14400;
	s29 =	simm.s32 $0x5  }
0x6: {  	s30 =	simm.s32 $0x9;
	s31 =	simm.s32 $0x6;
	s15 =	simm.s32 $0xB  }
0x7: {  	s17 =	simm.s32 $0x8;
	s1 =	sand.u32 $0x1, s1;
	s3 =	sshll.u32 s3, $0x1  }
0x8: {  	s8 =	simm.s32 $0x0;
	[smem:$0x7FF] =	sst s4;
	s3 =	sor.u32 s1, s3  }
0x9: {  	s4 =	sadd.s32 $0xF42E00, s2;
	s5 =	sadd.s32 $0xA00, s2;
	s6 =	smul.u32 $0xC80, s3  }
0xa: {  	s2 =	simm.s32 $0xC;
	s1 =	ssub.s32 $0x2, s1;
	s3 =	smul.u32 $0x320000, s3  }
0xb: {  	_ =	strace $0x80000047;
	s22 =	sshrl.u32 s1, $0x1;
	s0 =	sadd.s32 s0, s6  }
0xc: {  	s1 =	ssub.s32 s1, s22;
	s23 =	sor.u32 $0x4000, s3;
	[dreg:$0x3] =	wrdreg s0  }
.Ltmp0:
0xd: {  	s24 =	sor.u32 $0x8000, s3;
	[dreg:$0x4] =	wrdreg s23;
	(pc) =	sbr.rel .LBB2_1-.Ltmp0, $4  }
0xe: {  	s22 =	simm.s32 $0x2;
	s25 =	sor.u32 $0xC000, s3;
	[dreg:$0x5] =	wrdreg s24  }
0xf: {  	s26 =	smax.u32 s1, $0x1;
	s1 =	simm.s32 $0xA;
	[dreg:$0x6] =	wrdreg s25  }
0x10: {  	[dreg:$0x7] =	wrdreg s26;
	s23 =	simm.s32 $0x10400;
	s24 =	simm.s32 $0x3  }
0x11: {  	s25 =	simm.s32 $0x12400;
	s26 =	simm.s32 $0x4;
	s0 =	simm.s32 $0x7  }
.LBB2_20:
0x12: {  	s6 =	simm.s32 $0xD  }
0x13: {  	_ =	swait.ge [sflag:s6], $0x2000  }
0x14: {  	[sflag:s6] =	ssyncset.done $0x0  }
0x15: {  	s13 =	simm.s32 $0xE;
	[sflag:s6] =	ssyncadd.s32 $0xFFFFE000  }
0x16: {  	_ =	swait.ge [sflag:s13], $0x2000  }
0x17: {  	[sflag:s13] =	ssyncset.done $0x0  }
0x18: {  	s14 =	simm.s32 $0xF;
	[sflag:s13] =	ssyncadd.s32 $0xFFFFE000  }
0x19: {  	_ =	swait.ge [sflag:s14], $0x2000  }
0x1a: {  	[sflag:s14] =	ssyncset.done $0x0  }
0x1b: {  	s7 =	simm.s32 $0x10;
	[sflag:s14] =	ssyncadd.s32 $0xFFFFE000  }
0x1c: {  	_ =	swait.ge [sflag:s7], $0x2000  }
0x1d: {  	s8 =	rddreg [dreg:$0x8]  }
0x1e: {  	s16 =	rddreg [dreg:$0x7];
	s8 =	sadd.s32 $0x1, s8  }
0x1f: {  	p0 =	sne.s32 s8, s16  }
.Ltmp1:
0x20: {  	_ = 	snop;
	(pc) =	sbr.rel @!p0 .LBB2_21-.Ltmp1, $3  }
0x21: {  	_ =	sdelay $0x1  }
0x22: {  	[sflag:s7] =	ssyncset.done $0x0  }
0x23: {  	[sflag:s7] =	ssyncadd.s32 $0xFFFFE000  }
.LBB2_1:
0x24: {  	[dreg:$0x8] =	wrdreg s8  }
0x25: {  	s6 =	simm.s32 $0x0;
	s7 =	rddreg [dreg:$0x3];
	s9 =	simm.s32 $0x11  }
0x26: {  	[tilespmem:s6], [sflag:$0x11] =	stream.linear.gather [hbm4b:s7+s6], $0x6400, $0x38;
	[tilespmem:$0x16400] =	vst v63  }
0x27: {  	_ =	swait.ge [sflag:s9], $0x6400  }
0x28: {  	[sflag:s9] =	ssyncset.done $0x0  }
0x29: {  	s10 =	simm.s32 $0x6400;
	[sflag:s9] =	ssyncadd.s32 $0xFFFF9C00  }
0x2a: {  	[tilespmem:s10], [sflag:$0x1] =	stream.indirect.gather [hbm4b:s4+s12], $0x40, s6, s12, $0xb8;
	[tilespmem:$0x16400] =	vst v63  }
0x2b: {  	s11 =	simm.s32 $0x8400  }
0x2c: {  	[tilespmem:s11], [sflag:$0x2] =	stream.indirect.gather [hbm4b:s4+s12], $0x40, s12, s12, $0xb8;
	[tilespmem:$0x16400] =	vst v63  }
0x2d: {  	s13 =	simm.s32 $0x100;
	s14 =	simm.s32 $0xA400  }
0x2e: {  	[tilespmem:s14], [sflag:$0x3] =	stream.indirect.gather [hbm4b:s4+s12], $0x40, s13, s12, $0xb8;
	[tilespmem:$0x16400] =	vst v63  }
0x2f: {  	s16 =	simm.s32 $0x180;
	s11 =	simm.s32 $0x0  }
0x30: {  	[tilespmem:s18], [sflag:$0x4] =	stream.indirect.gather [hbm4b:s4+s12], $0x40, s16, s12, $0xb8;
	[tilespmem:$0x16400] =	vst v63  }
.LBB2_2:
0x31: {  	_ =	swait.ge [sflag:s19], $0x2000  }
0x32: {  	[sflag:s19] =	ssyncset.done $0x0  }
0x33: {  	s6 =	simm.s32 $0x0;
	[sflag:s19] =	ssyncadd.s32 $0xFFFFE000  }
0x34: {  	v0 =	vld [tilespmem:s6+$0x6400]  }
0x35: {  	v1 =	vld [tilespmem:s6+$0x6410]  }
0x36: {  	v2 =	vld [tilespmem:s6+$0x6420]  }
0x37: {  	v3 =	vld [tilespmem:s6+$0x6430]  }
0x38: {  	v4 =	vld [tilespmem:s6+$0x6440]  }
0x39: {  	v5 =	vld [tilespmem:s6+$0x6450];
	v0 =	vmul.f32 $8.000000000e+00, v0  }
0x3a: {  	v6 =	vld [tilespmem:s6+$0x6460];
	v1 =	vmul.f32 $8.000000000e+00, v1  }
0x3b: {  	v2 =	vmul.f32 $8.000000000e+00, v2;
	[tilespmem:s6+$0x6400] =	vst v0;
	v0 =	vld [tilespmem:s6+$0x6470]  }
0x3c: {  	v3 =	vmul.f32 $8.000000000e+00, v3;
	[tilespmem:s6+$0x6410] =	vst v1;
	v1 =	vld [tilespmem:s6+$0x6480]  }
0x3d: {  	v4 =	vmul.f32 $8.000000000e+00, v4;
	[tilespmem:s6+$0x6420] =	vst v2;
	v2 =	vld [tilespmem:s6+$0x6490]  }
0x3e: {  	v5 =	vmul.f32 $8.000000000e+00, v5;
	[tilespmem:s6+$0x6430] =	vst v3;
	v3 =	vld [tilespmem:s6+$0x64A0]  }
0x3f: {  	v6 =	vmul.f32 $8.000000000e+00, v6;
	[tilespmem:s6+$0x6440] =	vst v4;
	v4 =	vld [tilespmem:s6+$0x64B0]  }
0x40: {  	[tilespmem:s6+$0x6450] =	vst v5;
	v5 =	vld [tilespmem:s6+$0x64C0];
	v0 =	vmul.f32 $8.000000000e+00, v0  }
0x41: {  	[tilespmem:s6+$0x6460] =	vst v6;
	v6 =	vld [tilespmem:s6+$0x64D0];
	v1 =	vmul.f32 $8.000000000e+00, v1  }
0x42: {  	v2 =	vmul.f32 $8.000000000e+00, v2;
	[tilespmem:s6+$0x6470] =	vst v0;
	v0 =	vld [tilespmem:s6+$0x64E0]  }
0x43: {  	v3 =	vmul.f32 $8.000000000e+00, v3;
	[tilespmem:s6+$0x6480] =	vst v1;
	v1 =	vld [tilespmem:s6+$0x64F0]  }
0x44: {  	v4 =	vmul.f32 $8.000000000e+00, v4;
	[tilespmem:s6+$0x6490] =	vst v2;
	v2 =	vld [tilespmem:s6+$0x6500]  }
0x45: {  	v5 =	vmul.f32 $8.000000000e+00, v5;
	[tilespmem:s6+$0x64A0] =	vst v3;
	v3 =	vld [tilespmem:s6+$0x6510]  }
0x46: {  	v6 =	vmul.f32 $8.000000000e+00, v6;
	[tilespmem:s6+$0x64B0] =	vst v4;
	v4 =	vld [tilespmem:s6+$0x6520]  }
0x47: {  	[tilespmem:s6+$0x64C0] =	vst v5;
	v5 =	vld [tilespmem:s6+$0x6530];
	v0 =	vmul.f32 $8.000000000e+00, v0  }
0x48: {  	[tilespmem:s6+$0x64D0] =	vst v6;
	v6 =	vld [tilespmem:s6+$0x6540]  }
0x49: {  	v1 =	vmul.f32 $8.000000000e+00, v1;
	[tilespmem:s6+$0x64E0] =	vst v0;
	v0 =	vld [tilespmem:s6+$0x6550]  }
0x4a: {  	v2 =	vmul.f32 $8.000000000e+00, v2  }
0x4b: {  	[tilespmem:s6+$0x64F0] =	vst v1;
	v1 =	vmul.f32 $8.000000000e+00, v3;
	v3 =	vld [tilespmem:s6+$0x6570]  }
0x4c: {  	v7 =	vld [tilespmem:s6+$0x6560];
	[tilespmem:s6+$0x6500] =	vst v2;
	v2 =	vmul.f32 $8.000000000e+00, v4  }
0x4d: {  	v4 =	vld [tilespmem:s6+$0x6580];
	[tilespmem:s6+$0x6510] =	vst v1;
	v1 =	vmul.f32 $8.000000000e+00, v5  }
0x4e: {  	[tilespmem:s6+$0x6520] =	vst v2;
	v5 =	vld [tilespmem:s6+$0x6590];
	v2 =	vmul.f32 $8.000000000e+00, v6;
	v6 =	vmul.f32 $8.000000000e+00, v0  }
0x4f: {  	[tilespmem:s6+$0x6530] =	vst v1;
	v1 =	vld [tilespmem:s6+$0x65A0]  }
0x50: {  	v0 =	vld [tilespmem:s6+$0x65B0];
	[tilespmem:s6+$0x6550] =	vst v6;
	v6 =	vmul.f32 $8.000000000e+00, v3  }
0x51: {  	v7 =	vmul.f32 $8.000000000e+00, v7;
	[tilespmem:s6+$0x6540] =	vst v2;
	v2 =	vld [tilespmem:s6+$0x65C0]  }
0x52: {  	v3 =	vld [tilespmem:s6+$0x65D0];
	[tilespmem:s6+$0x6570] =	vst v6;
	v6 =	vmul.f32 $8.000000000e+00, v4  }
0x53: {  	s7 =	simm.s32 $0x800;
	[tilespmem:s6+$0x6560] =	vst v7;
	v5 =	vmul.f32 $8.000000000e+00, v5;
	v4 =	vld [tilespmem:s6+$0x65E0]  }
.LBB2_3:
0x54: {  	s8 =	sshra.s32 s7, $0x2;
	p0 =	sne.s32 s7, $0x7800;
	[tilespmem:s6+$0x6580] =	vst v6;
	v1 =	vmul.f32 $8.000000000e+00, v1;
	v6 =	vld [tilespmem:s6+$0x65F0]  }
0x55: {  	v7 =	vld [tilespmem:s8+$0x6400];
	[tilespmem:s6+$0x6590] =	vst v5;
	v0 =	vmul.f32 $8.000000000e+00, v0  }
0x56: {  	v5 =	vld [tilespmem:s8+$0x6410];
	[tilespmem:s6+$0x65A0] =	vst v1;
	v1 =	vmul.f32 $8.000000000e+00, v2  }
0x57: {  	v2 =	vld [tilespmem:s8+$0x6420];
	[tilespmem:s6+$0x65B0] =	vst v0;
	v0 =	vmul.f32 $8.000000000e+00, v3  }
0x58: {  	v3 =	vld [tilespmem:s8+$0x6430];
	[tilespmem:s6+$0x65C0] =	vst v1;
	v1 =	vmul.f32 $8.000000000e+00, v4  }
0x59: {  	v4 =	vld [tilespmem:s8+$0x6440];
	[tilespmem:s6+$0x65D0] =	vst v0;
	v0 =	vmul.f32 $8.000000000e+00, v6  }
0x5a: {  	v6 =	vmul.f32 $8.000000000e+00, v7;
	v7 =	vld [tilespmem:s8+$0x6450];
	[tilespmem:s6+$0x65E0] =	vst v1  }
0x5b: {  	v1 =	vmul.f32 $8.000000000e+00, v5;
	v5 =	vld [tilespmem:s8+$0x6460];
	[tilespmem:s6+$0x65F0] =	vst v0;
	s6 =	smov.u32 s8  }
0x5c: {  	[tilespmem:s6+$0x6400] =	vst v6;
	v0 =	vmul.f32 $8.000000000e+00, v2;
	v2 =	vld [tilespmem:s6+$0x6470]  }
0x5d: {  	[tilespmem:s6+$0x6410] =	vst v1;
	v1 =	vmul.f32 $8.000000000e+00, v3;
	v3 =	vld [tilespmem:s6+$0x6480]  }
0x5e: {  	[tilespmem:s6+$0x6420] =	vst v0;
	v0 =	vmul.f32 $8.000000000e+00, v4;
	v4 =	vld [tilespmem:s6+$0x6490]  }
0x5f: {  	[tilespmem:s6+$0x6430] =	vst v1;
	v1 =	vmul.f32 $8.000000000e+00, v7;
	v6 =	vld [tilespmem:s6+$0x64A0]  }
0x60: {  	[tilespmem:s6+$0x6440] =	vst v0;
	v0 =	vmul.f32 $8.000000000e+00, v5;
	v5 =	vld [tilespmem:s6+$0x64B0]  }
0x61: {  	[tilespmem:s6+$0x6450] =	vst v1;
	v1 =	vmul.f32 $8.000000000e+00, v2;
	v2 =	vld [tilespmem:s6+$0x64C0]  }
0x62: {  	[tilespmem:s6+$0x6460] =	vst v0;
	v0 =	vmul.f32 $8.000000000e+00, v3;
	v3 =	vld [tilespmem:s6+$0x64D0]  }
0x63: {  	[tilespmem:s6+$0x6470] =	vst v1;
	v1 =	vmul.f32 $8.000000000e+00, v4;
	v4 =	vld [tilespmem:s6+$0x64E0]  }
0x64: {  	[tilespmem:s6+$0x6480] =	vst v0;
	v0 =	vmul.f32 $8.000000000e+00, v6;
	v6 =	vld [tilespmem:s6+$0x64F0]  }
0x65: {  	[tilespmem:s6+$0x6490] =	vst v1;
	v1 =	vmul.f32 $8.000000000e+00, v5;
	v5 =	vld [tilespmem:s6+$0x6500]  }
0x66: {  	[tilespmem:s6+$0x64A0] =	vst v0;
	v0 =	vmul.f32 $8.000000000e+00, v2;
	v2 =	vld [tilespmem:s6+$0x6510]  }
0x67: {  	[tilespmem:s6+$0x64B0] =	vst v1;
	v1 =	vmul.f32 $8.000000000e+00, v3;
	v3 =	vld [tilespmem:s6+$0x6520]  }
0x68: {  	[tilespmem:s6+$0x64C0] =	vst v0;
	v0 =	vmul.f32 $8.000000000e+00, v4;
	v4 =	vld [tilespmem:s6+$0x6530]  }
0x69: {  	[tilespmem:s6+$0x64D0] =	vst v1;
	v1 =	vmul.f32 $8.000000000e+00, v6;
	v6 =	vld [tilespmem:s6+$0x6540]  }
0x6a: {  	[tilespmem:s6+$0x64E0] =	vst v0;
	v0 =	vmul.f32 $8.000000000e+00, v5;
	v5 =	vld [tilespmem:s6+$0x6550]  }
0x6b: {  	[tilespmem:s6+$0x64F0] =	vst v1;
	v1 =	vmul.f32 $8.000000000e+00, v2;
	v2 =	vld [tilespmem:s6+$0x6560]  }
0x6c: {  	[tilespmem:s6+$0x6500] =	vst v0;
	v0 =	vmul.f32 $8.000000000e+00, v3;
	v3 =	vld [tilespmem:s6+$0x6570]  }
0x6d: {  	[tilespmem:s6+$0x6510] =	vst v1;
	v1 =	vmul.f32 $8.000000000e+00, v4;
	v4 =	vld [tilespmem:s6+$0x6580]  }
0x6e: {  	[tilespmem:s6+$0x6520] =	vst v0;
	v0 =	vmul.f32 $8.000000000e+00, v6;
	v7 =	vld [tilespmem:s6+$0x6590]  }
.Ltmp2:
0x6f: {  	[tilespmem:s6+$0x6530] =	vst v1;
	v5 =	vmul.f32 $8.000000000e+00, v5;
	v1 =	vld [tilespmem:s6+$0x65A0];
	(pc) =	sbr.rel @p0 .LBB2_3-.Ltmp2, $4  }
0x70: {  	[tilespmem:s6+$0x6540] =	vst v0;
	v6 =	vmul.f32 $8.000000000e+00, v2;
	v0 =	vld [tilespmem:s6+$0x65B0]  }
0x71: {  	[tilespmem:s6+$0x6550] =	vst v5;
	v5 =	vmul.f32 $8.000000000e+00, v3;
	v2 =	vld [tilespmem:s6+$0x65C0]  }
0x72: {  	[tilespmem:s6+$0x6560] =	vst v6;
	v6 =	vmul.f32 $8.000000000e+00, v4;
	v3 =	vld [tilespmem:s6+$0x65D0]  }
0x73: {  	s7 =	sadd.s32 $0x800, s7;
	[tilespmem:s6+$0x6570] =	vst v5;
	v5 =	vmul.f32 $8.000000000e+00, v7;
	v4 =	vld [tilespmem:s6+$0x65E0]  }
0x74: {  	[tilespmem:s6+$0x6580] =	vst v6;
	v1 =	vmul.f32 $8.000000000e+00, v1;
	v6 =	vld [tilespmem:s6+$0x65F0]  }
0x75: {  	[tilespmem:s6+$0x6590] =	vst v5;
	v0 =	vmul.f32 $8.000000000e+00, v0  }
0x76: {  	[tilespmem:s6+$0x65A0] =	vst v1;
	v1 =	vmul.f32 $8.000000000e+00, v2  }
0x77: {  	[tilespmem:s6+$0x65B0] =	vst v0;
	v0 =	vmul.f32 $8.000000000e+00, v3  }
0x78: {  	s13 =	sshll.u32 s11, $0x11;
	[tilespmem:s6+$0x65C0] =	vst v1;
	v1 =	vmul.f32 $8.000000000e+00, v4  }
0x79: {  	s7 =	sadd.s32 s3, s13;
	[tilespmem:s6+$0x65D0] =	vst v0;
	v0 =	vmul.f32 $8.000000000e+00, v6  }
0x7a: {  	s8 =	simm.s32 $0x6400;
	p0 =	seq.s32 s11, $0x0;
	s7 =	sshrl.u32 s7, $0x3;
	[tilespmem:s6+$0x65E0] =	vst v1  }
0x7b: {  	s16 =	sshll.u32 s11, $0x3;
	s7 =	sadd.s32 s5, s7;
	[tilespmem:s6+$0x65F0] =	vst v0;
	s6 =	simm.s32 @!p0 $0xD  }
0x7c: {  	[hbm4b:s7+s20] =	stream.strided.scatter [tilespmem:s8], [sflag:$0x9], $0x2000, s12, s20, $0x38;
	[tilespmem:$0x16400] =	vst v63  }
0x7d: {  	s14 =	sor.u32 $0x4, s16;
	_ =	swait.ge @!p0 [sflag:s6], $0x2000  }
0x7e: {  	s9 =	sshll.u32 s14, $0x7;
	[sflag:s6] =	ssyncset.done @!p0 $0x0  }
0x7f: {  	s10 =	sand.u32 $0x3FFFFF80, s9;
	[sflag:s6] =	ssyncadd.s32 @!p0 $0xFFFFE000  }
0x80: {  	[tilespmem:s21], [sflag:$0x5] =	stream.indirect.gather [hbm4b:s4+s12], $0x40, s10, s12, $0xb8;
	[tilespmem:$0x16400] =	vst v63  }
0x81: {  	_ =	swait.ge [sflag:s22], $0x2000  }
0x82: {  	[sflag:s22] =	ssyncset.done $0x0  }
0x83: {  	s6 =	simm.s32 $0x0;
	[sflag:s22] =	ssyncadd.s32 $0xFFFFE000  }
0x84: {  	v0 =	vld [tilespmem:s6+$0x8400]  }
0x85: {  	v1 =	vld [tilespmem:s6+$0x8410]  }
0x86: {  	v2 =	vld [tilespmem:s6+$0x8420]  }
0x87: {  	v3 =	vld [tilespmem:s6+$0x8430]  }
0x88: {  	v4 =	vld [tilespmem:s6+$0x8440]  }
0x89: {  	v5 =	vld [tilespmem:s6+$0x8450];
	v0 =	vmul.f32 $8.000000000e+00, v0  }
0x8a: {  	v6 =	vld [tilespmem:s6+$0x8460];
	v1 =	vmul.f32 $8.000000000e+00, v1  }
0x8b: {  	v2 =	vmul.f32 $8.000000000e+00, v2;
	[tilespmem:s6+$0x8400] =	vst v0;
	v0 =	vld [tilespmem:s6+$0x8470]  }
0x8c: {  	v3 =	vmul.f32 $8.000000000e+00, v3;
	[tilespmem:s6+$0x8410] =	vst v1;
	v1 =	vld [tilespmem:s6+$0x8480]  }
0x8d: {  	v4 =	vmul.f32 $8.000000000e+00, v4;
	[tilespmem:s6+$0x8420] =	vst v2;
	v2 =	vld [tilespmem:s6+$0x8490]  }
0x8e: {  	v5 =	vmul.f32 $8.000000000e+00, v5;
	[tilespmem:s6+$0x8430] =	vst v3;
	v3 =	vld [tilespmem:s6+$0x84A0]  }
0x8f: {  	v6 =	vmul.f32 $8.000000000e+00, v6;
	[tilespmem:s6+$0x8440] =	vst v4;
	v4 =	vld [tilespmem:s6+$0x84B0]  }
0x90: {  	[tilespmem:s6+$0x8450] =	vst v5;
	v5 =	vld [tilespmem:s6+$0x84C0];
	v0 =	vmul.f32 $8.000000000e+00, v0  }
0x91: {  	[tilespmem:s6+$0x8460] =	vst v6;
	v6 =	vld [tilespmem:s6+$0x84D0];
	v1 =	vmul.f32 $8.000000000e+00, v1  }
0x92: {  	v2 =	vmul.f32 $8.000000000e+00, v2;
	[tilespmem:s6+$0x8470] =	vst v0;
	v0 =	vld [tilespmem:s6+$0x84E0]  }
0x93: {  	v3 =	vmul.f32 $8.000000000e+00, v3;
	[tilespmem:s6+$0x8480] =	vst v1;
	v1 =	vld [tilespmem:s6+$0x84F0]  }
0x94: {  	v4 =	vmul.f32 $8.000000000e+00, v4;
	[tilespmem:s6+$0x8490] =	vst v2;
	v2 =	vld [tilespmem:s6+$0x8500]  }
0x95: {  	v5 =	vmul.f32 $8.000000000e+00, v5;
	[tilespmem:s6+$0x84A0] =	vst v3;
	v3 =	vld [tilespmem:s6+$0x8510]  }
0x96: {  	v6 =	vmul.f32 $8.000000000e+00, v6;
	[tilespmem:s6+$0x84B0] =	vst v4;
	v4 =	vld [tilespmem:s6+$0x8520]  }
0x97: {  	[tilespmem:s6+$0x84C0] =	vst v5;
	v5 =	vld [tilespmem:s6+$0x8530];
	v0 =	vmul.f32 $8.000000000e+00, v0  }
0x98: {  	[tilespmem:s6+$0x84D0] =	vst v6;
	v6 =	vld [tilespmem:s6+$0x8540]  }
0x99: {  	v1 =	vmul.f32 $8.000000000e+00, v1;
	[tilespmem:s6+$0x84E0] =	vst v0;
	v0 =	vld [tilespmem:s6+$0x8550]  }
0x9a: {  	v2 =	vmul.f32 $8.000000000e+00, v2  }
0x9b: {  	[tilespmem:s6+$0x84F0] =	vst v1;
	v1 =	vmul.f32 $8.000000000e+00, v3;
	v3 =	vld [tilespmem:s6+$0x8570]  }
0x9c: {  	v7 =	vld [tilespmem:s6+$0x8560];
	[tilespmem:s6+$0x8500] =	vst v2;
	v2 =	vmul.f32 $8.000000000e+00, v4  }
0x9d: {  	v4 =	vld [tilespmem:s6+$0x8580];
	[tilespmem:s6+$0x8510] =	vst v1;
	v1 =	vmul.f32 $8.000000000e+00, v5  }
0x9e: {  	[tilespmem:s6+$0x8520] =	vst v2;
	v5 =	vld [tilespmem:s6+$0x8590];
	v2 =	vmul.f32 $8.000000000e+00, v6;
	v6 =	vmul.f32 $8.000000000e+00, v0  }
0x9f: {  	[tilespmem:s6+$0x8530] =	vst v1;
	v1 =	vld [tilespmem:s6+$0x85A0]  }
0xa0: {  	v0 =	vld [tilespmem:s6+$0x85B0];
	[tilespmem:s6+$0x8550] =	vst v6;
	v6 =	vmul.f32 $8.000000000e+00, v3  }
0xa1: {  	v7 =	vmul.f32 $8.000000000e+00, v7;
	[tilespmem:s6+$0x8540] =	vst v2;
	v2 =	vld [tilespmem:s6+$0x85C0]  }
0xa2: {  	v3 =	vld [tilespmem:s6+$0x85D0];
	[tilespmem:s6+$0x8570] =	vst v6;
	v6 =	vmul.f32 $8.000000000e+00, v4  }
0xa3: {  	s7 =	simm.s32 $0x800;
	[tilespmem:s6+$0x8560] =	vst v7;
	v5 =	vmul.f32 $8.000000000e+00, v5;
	v4 =	vld [tilespmem:s6+$0x85E0]  }
.LBB2_5:
0xa4: {  	s8 =	sshra.s32 s7, $0x2;
	p1 =	sne.s32 s7, $0x7800;
	[tilespmem:s6+$0x8580] =	vst v6;
	v1 =	vmul.f32 $8.000000000e+00, v1;
	v6 =	vld [tilespmem:s6+$0x85F0]  }
0xa5: {  	v7 =	vld [tilespmem:s8+$0x8400];
	[tilespmem:s6+$0x8590] =	vst v5;
	v0 =	vmul.f32 $8.000000000e+00, v0  }
0xa6: {  	v5 =	vld [tilespmem:s8+$0x8410];
	[tilespmem:s6+$0x85A0] =	vst v1;
	v1 =	vmul.f32 $8.000000000e+00, v2  }
0xa7: {  	v2 =	vld [tilespmem:s8+$0x8420];
	[tilespmem:s6+$0x85B0] =	vst v0;
	v0 =	vmul.f32 $8.000000000e+00, v3  }
0xa8: {  	v3 =	vld [tilespmem:s8+$0x8430];
	[tilespmem:s6+$0x85C0] =	vst v1;
	v1 =	vmul.f32 $8.000000000e+00, v4  }
0xa9: {  	v4 =	vld [tilespmem:s8+$0x8440];
	[tilespmem:s6+$0x85D0] =	vst v0;
	v0 =	vmul.f32 $8.000000000e+00, v6  }
0xaa: {  	v6 =	vmul.f32 $8.000000000e+00, v7;
	v7 =	vld [tilespmem:s8+$0x8450];
	[tilespmem:s6+$0x85E0] =	vst v1  }
0xab: {  	v1 =	vmul.f32 $8.000000000e+00, v5;
	v5 =	vld [tilespmem:s8+$0x8460];
	[tilespmem:s6+$0x85F0] =	vst v0;
	s6 =	smov.u32 s8  }
0xac: {  	[tilespmem:s6+$0x8400] =	vst v6;
	v0 =	vmul.f32 $8.000000000e+00, v2;
	v2 =	vld [tilespmem:s6+$0x8470]  }
0xad: {  	[tilespmem:s6+$0x8410] =	vst v1;
	v1 =	vmul.f32 $8.000000000e+00, v3;
	v3 =	vld [tilespmem:s6+$0x8480]  }
0xae: {  	[tilespmem:s6+$0x8420] =	vst v0;
	v0 =	vmul.f32 $8.000000000e+00, v4;
	v4 =	vld [tilespmem:s6+$0x8490]  }
0xaf: {  	[tilespmem:s6+$0x8430] =	vst v1;
	v1 =	vmul.f32 $8.000000000e+00, v7;
	v6 =	vld [tilespmem:s6+$0x84A0]  }
0xb0: {  	[tilespmem:s6+$0x8440] =	vst v0;
	v0 =	vmul.f32 $8.000000000e+00, v5;
	v5 =	vld [tilespmem:s6+$0x84B0]  }
0xb1: {  	[tilespmem:s6+$0x8450] =	vst v1;
	v1 =	vmul.f32 $8.000000000e+00, v2;
	v2 =	vld [tilespmem:s6+$0x84C0]  }
0xb2: {  	[tilespmem:s6+$0x8460] =	vst v0;
	v0 =	vmul.f32 $8.000000000e+00, v3;
	v3 =	vld [tilespmem:s6+$0x84D0]  }
0xb3: {  	[tilespmem:s6+$0x8470] =	vst v1;
	v1 =	vmul.f32 $8.000000000e+00, v4;
	v4 =	vld [tilespmem:s6+$0x84E0]  }
0xb4: {  	[tilespmem:s6+$0x8480] =	vst v0;
	v0 =	vmul.f32 $8.000000000e+00, v6;
	v6 =	vld [tilespmem:s6+$0x84F0]  }
0xb5: {  	[tilespmem:s6+$0x8490] =	vst v1;
	v1 =	vmul.f32 $8.000000000e+00, v5;
	v5 =	vld [tilespmem:s6+$0x8500]  }
0xb6: {  	[tilespmem:s6+$0x84A0] =	vst v0;
	v0 =	vmul.f32 $8.000000000e+00, v2;
	v2 =	vld [tilespmem:s6+$0x8510]  }
0xb7: {  	[tilespmem:s6+$0x84B0] =	vst v1;
	v1 =	vmul.f32 $8.000000000e+00, v3;
	v3 =	vld [tilespmem:s6+$0x8520]  }
0xb8: {  	[tilespmem:s6+$0x84C0] =	vst v0;
	v0 =	vmul.f32 $8.000000000e+00, v4;
	v4 =	vld [tilespmem:s6+$0x8530]  }
0xb9: {  	[tilespmem:s6+$0x84D0] =	vst v1;
	v1 =	vmul.f32 $8.000000000e+00, v6;
	v6 =	vld [tilespmem:s6+$0x8540]  }
0xba: {  	[tilespmem:s6+$0x84E0] =	vst v0;
	v0 =	vmul.f32 $8.000000000e+00, v5;
	v5 =	vld [tilespmem:s6+$0x8550]  }
0xbb: {  	[tilespmem:s6+$0x84F0] =	vst v1;
	v1 =	vmul.f32 $8.000000000e+00, v2;
	v2 =	vld [tilespmem:s6+$0x8560]  }
0xbc: {  	[tilespmem:s6+$0x8500] =	vst v0;
	v0 =	vmul.f32 $8.000000000e+00, v3;
	v3 =	vld [tilespmem:s6+$0x8570]  }
0xbd: {  	[tilespmem:s6+$0x8510] =	vst v1;
	v1 =	vmul.f32 $8.000000000e+00, v4;
	v4 =	vld [tilespmem:s6+$0x8580]  }
0xbe: {  	[tilespmem:s6+$0x8520] =	vst v0;
	v0 =	vmul.f32 $8.000000000e+00, v6;
	v7 =	vld [tilespmem:s6+$0x8590]  }
.Ltmp3:
0xbf: {  	[tilespmem:s6+$0x8530] =	vst v1;
	v5 =	vmul.f32 $8.000000000e+00, v5;
	v1 =	vld [tilespmem:s6+$0x85A0];
	(pc) =	sbr.rel @p1 .LBB2_5-.Ltmp3, $4  }
0xc0: {  	[tilespmem:s6+$0x8540] =	vst v0;
	v6 =	vmul.f32 $8.000000000e+00, v2;
	v0 =	vld [tilespmem:s6+$0x85B0]  }
0xc1: {  	[tilespmem:s6+$0x8550] =	vst v5;
	v5 =	vmul.f32 $8.000000000e+00, v3;
	v2 =	vld [tilespmem:s6+$0x85C0]  }
0xc2: {  	[tilespmem:s6+$0x8560] =	vst v6;
	v6 =	vmul.f32 $8.000000000e+00, v4;
	v3 =	vld [tilespmem:s6+$0x85D0]  }
0xc3: {  	s7 =	sadd.s32 $0x800, s7;
	[tilespmem:s6+$0x8570] =	vst v5;
	v5 =	vmul.f32 $8.000000000e+00, v7;
	v4 =	vld [tilespmem:s6+$0x85E0]  }
0xc4: {  	[tilespmem:s6+$0x8580] =	vst v6;
	v1 =	vmul.f32 $8.000000000e+00, v1;
	v6 =	vld [tilespmem:s6+$0x85F0]  }
0xc5: {  	[tilespmem:s6+$0x8590] =	vst v5;
	v0 =	vmul.f32 $8.000000000e+00, v0  }
0xc6: {  	[tilespmem:s6+$0x85A0] =	vst v1;
	v1 =	vmul.f32 $8.000000000e+00, v2  }
0xc7: {  	[tilespmem:s6+$0x85B0] =	vst v0;
	v0 =	vmul.f32 $8.000000000e+00, v3  }
0xc8: {  	s7 =	rddreg [dreg:$0x4];
	[tilespmem:s6+$0x85C0] =	vst v1;
	v1 =	vmul.f32 $8.000000000e+00, v4  }
0xc9: {  	s7 =	sadd.s32 s13, s7;
	[tilespmem:s6+$0x85D0] =	vst v0;
	v0 =	vmul.f32 $8.000000000e+00, v6  }
0xca: {  	s7 =	sshrl.u32 s7, $0x3;
	[tilespmem:s6+$0x85E0] =	vst v1  }
0xcb: {  	s9 =	simm.s32 $0x8400;
	s8 =	sadd.s32 s5, s7;
	s7 =	simm.s32 @!p0 $0xE;
	[tilespmem:s6+$0x85F0] =	vst v0  }
0xcc: {  	[hbm4b:s8+s20] =	stream.strided.scatter [tilespmem:s9], [sflag:$0xA], $0x2000, s12, s20, $0x38;
	[tilespmem:$0x16400] =	vst v63  }
0xcd: {  	s6 =	sor.u32 $0x5, s16;
	_ =	swait.ge @!p0 [sflag:s7], $0x2000  }
0xce: {  	s8 =	sshll.u32 s6, $0x7;
	[sflag:s7] =	ssyncset.done @!p0 $0x0  }
0xcf: {  	s10 =	sand.u32 $0x3FFFFF80, s8;
	[sflag:s7] =	ssyncadd.s32 @!p0 $0xFFFFE000  }
0xd0: {  	[tilespmem:s23], [sflag:$0x6] =	stream.indirect.gather [hbm4b:s4+s12], $0x40, s10, s12, $0xb8;
	[tilespmem:$0x16400] =	vst v63  }
0xd1: {  	_ =	swait.ge [sflag:s24], $0x2000  }
0xd2: {  	[sflag:s24] =	ssyncset.done $0x0  }
0xd3: {  	s10 =	simm.s32 $0x0;
	[sflag:s24] =	ssyncadd.s32 $0xFFFFE000  }
0xd4: {  	v0 =	vld [tilespmem:s10+$0xA400]  }
0xd5: {  	v1 =	vld [tilespmem:s10+$0xA410]  }
0xd6: {  	v2 =	vld [tilespmem:s10+$0xA420]  }
0xd7: {  	v3 =	vld [tilespmem:s10+$0xA430]  }
0xd8: {  	v4 =	vld [tilespmem:s10+$0xA440]  }
0xd9: {  	v5 =	vld [tilespmem:s10+$0xA450];
	v0 =	vmul.f32 $8.000000000e+00, v0  }
0xda: {  	v6 =	vld [tilespmem:s10+$0xA460];
	v1 =	vmul.f32 $8.000000000e+00, v1  }
0xdb: {  	v2 =	vmul.f32 $8.000000000e+00, v2;
	[tilespmem:s10+$0xA400] =	vst v0;
	v0 =	vld [tilespmem:s10+$0xA470]  }
0xdc: {  	v3 =	vmul.f32 $8.000000000e+00, v3;
	[tilespmem:s10+$0xA410] =	vst v1;
	v1 =	vld [tilespmem:s10+$0xA480]  }
0xdd: {  	v4 =	vmul.f32 $8.000000000e+00, v4;
	[tilespmem:s10+$0xA420] =	vst v2;
	v2 =	vld [tilespmem:s10+$0xA490]  }
0xde: {  	v5 =	vmul.f32 $8.000000000e+00, v5;
	[tilespmem:s10+$0xA430] =	vst v3;
	v3 =	vld [tilespmem:s10+$0xA4A0]  }
0xdf: {  	v6 =	vmul.f32 $8.000000000e+00, v6;
	[tilespmem:s10+$0xA440] =	vst v4;
	v4 =	vld [tilespmem:s10+$0xA4B0]  }
0xe0: {  	[tilespmem:s10+$0xA450] =	vst v5;
	v5 =	vld [tilespmem:s10+$0xA4C0];
	v0 =	vmul.f32 $8.000000000e+00, v0  }
0xe1: {  	[tilespmem:s10+$0xA460] =	vst v6;
	v6 =	vld [tilespmem:s10+$0xA4D0];
	v1 =	vmul.f32 $8.000000000e+00, v1  }
0xe2: {  	v2 =	vmul.f32 $8.000000000e+00, v2;
	[tilespmem:s10+$0xA470] =	vst v0;
	v0 =	vld [tilespmem:s10+$0xA4E0]  }
0xe3: {  	v3 =	vmul.f32 $8.000000000e+00, v3;
	[tilespmem:s10+$0xA480] =	vst v1;
	v1 =	vld [tilespmem:s10+$0xA4F0]  }
0xe4: {  	v4 =	vmul.f32 $8.000000000e+00, v4;
	[tilespmem:s10+$0xA490] =	vst v2;
	v2 =	vld [tilespmem:s10+$0xA500]  }
0xe5: {  	v5 =	vmul.f32 $8.000000000e+00, v5;
	[tilespmem:s10+$0xA4A0] =	vst v3;
	v3 =	vld [tilespmem:s10+$0xA510]  }
0xe6: {  	v6 =	vmul.f32 $8.000000000e+00, v6;
	[tilespmem:s10+$0xA4B0] =	vst v4;
	v4 =	vld [tilespmem:s10+$0xA520]  }
0xe7: {  	[tilespmem:s10+$0xA4C0] =	vst v5;
	v5 =	vld [tilespmem:s10+$0xA530];
	v0 =	vmul.f32 $8.000000000e+00, v0  }
0xe8: {  	[tilespmem:s10+$0xA4D0] =	vst v6;
	v6 =	vld [tilespmem:s10+$0xA540]  }
0xe9: {  	v1 =	vmul.f32 $8.000000000e+00, v1;
	[tilespmem:s10+$0xA4E0] =	vst v0;
	v0 =	vld [tilespmem:s10+$0xA550]  }
0xea: {  	v2 =	vmul.f32 $8.000000000e+00, v2  }
0xeb: {  	[tilespmem:s10+$0xA4F0] =	vst v1;
	v1 =	vmul.f32 $8.000000000e+00, v3;
	v3 =	vld [tilespmem:s10+$0xA570]  }
0xec: {  	v7 =	vld [tilespmem:s10+$0xA560];
	[tilespmem:s10+$0xA500] =	vst v2;
	v2 =	vmul.f32 $8.000000000e+00, v4  }
0xed: {  	v4 =	vld [tilespmem:s10+$0xA580];
	[tilespmem:s10+$0xA510] =	vst v1;
	v1 =	vmul.f32 $8.000000000e+00, v5  }
0xee: {  	[tilespmem:s10+$0xA520] =	vst v2;
	v5 =	vld [tilespmem:s10+$0xA590];
	v2 =	vmul.f32 $8.000000000e+00, v6;
	v6 =	vmul.f32 $8.000000000e+00, v0  }
0xef: {  	[tilespmem:s10+$0xA530] =	vst v1;
	v1 =	vld [tilespmem:s10+$0xA5A0]  }
0xf0: {  	v0 =	vld [tilespmem:s10+$0xA5B0];
	[tilespmem:s10+$0xA550] =	vst v6;
	v6 =	vmul.f32 $8.000000000e+00, v3  }
0xf1: {  	v7 =	vmul.f32 $8.000000000e+00, v7;
	[tilespmem:s10+$0xA540] =	vst v2;
	v2 =	vld [tilespmem:s10+$0xA5C0]  }
0xf2: {  	v3 =	vld [tilespmem:s10+$0xA5D0];
	[tilespmem:s10+$0xA570] =	vst v6;
	v6 =	vmul.f32 $8.000000000e+00, v4  }
0xf3: {  	s7 =	simm.s32 $0x800;
	[tilespmem:s10+$0xA560] =	vst v7;
	v5 =	vmul.f32 $8.000000000e+00, v5;
	v4 =	vld [tilespmem:s10+$0xA5E0]  }
.LBB2_7:
0xf4: {  	s8 =	sshra.s32 s7, $0x2;
	p1 =	sne.s32 s7, $0x7800;
	[tilespmem:s10+$0xA580] =	vst v6;
	v1 =	vmul.f32 $8.000000000e+00, v1;
	v6 =	vld [tilespmem:s10+$0xA5F0]  }
0xf5: {  	v7 =	vld [tilespmem:s8+$0xA400];
	[tilespmem:s10+$0xA590] =	vst v5;
	v0 =	vmul.f32 $8.000000000e+00, v0  }
0xf6: {  	v5 =	vld [tilespmem:s8+$0xA410];
	[tilespmem:s10+$0xA5A0] =	vst v1;
	v1 =	vmul.f32 $8.000000000e+00, v2  }
0xf7: {  	v2 =	vld [tilespmem:s8+$0xA420];
	[tilespmem:s10+$0xA5B0] =	vst v0;
	v0 =	vmul.f32 $8.000000000e+00, v3  }
0xf8: {  	v3 =	vld [tilespmem:s8+$0xA430];
	[tilespmem:s10+$0xA5C0] =	vst v1;
	v1 =	vmul.f32 $8.000000000e+00, v4  }
0xf9: {  	v4 =	vld [tilespmem:s8+$0xA440];
	[tilespmem:s10+$0xA5D0] =	vst v0;
	v0 =	vmul.f32 $8.000000000e+00, v6  }
0xfa: {  	v6 =	vmul.f32 $8.000000000e+00, v7;
	v7 =	vld [tilespmem:s8+$0xA450];
	[tilespmem:s10+$0xA5E0] =	vst v1  }
0xfb: {  	v1 =	vmul.f32 $8.000000000e+00, v5;
	v5 =	vld [tilespmem:s8+$0xA460];
	[tilespmem:s10+$0xA5F0] =	vst v0;
	s10 =	smov.u32 s8  }
0xfc: {  	[tilespmem:s10+$0xA400] =	vst v6;
	v0 =	vmul.f32 $8.000000000e+00, v2;
	v2 =	vld [tilespmem:s10+$0xA470]  }
0xfd: {  	[tilespmem:s10+$0xA410] =	vst v1;
	v1 =	vmul.f32 $8.000000000e+00, v3;
	v3 =	vld [tilespmem:s10+$0xA480]  }
0xfe: {  	[tilespmem:s10+$0xA420] =	vst v0;
	v0 =	vmul.f32 $8.000000000e+00, v4;
	v4 =	vld [tilespmem:s10+$0xA490]  }
0xff: {  	[tilespmem:s10+$0xA430] =	vst v1;
	v1 =	vmul.f32 $8.000000000e+00, v7;
	v6 =	vld [tilespmem:s10+$0xA4A0]  }
0x100: {  	[tilespmem:s10+$0xA440] =	vst v0;
	v0 =	vmul.f32 $8.000000000e+00, v5;
	v5 =	vld [tilespmem:s10+$0xA4B0]  }
0x101: {  	[tilespmem:s10+$0xA450] =	vst v1;
	v1 =	vmul.f32 $8.000000000e+00, v2;
	v2 =	vld [tilespmem:s10+$0xA4C0]  }
0x102: {  	[tilespmem:s10+$0xA460] =	vst v0;
	v0 =	vmul.f32 $8.000000000e+00, v3;
	v3 =	vld [tilespmem:s10+$0xA4D0]  }
0x103: {  	[tilespmem:s10+$0xA470] =	vst v1;
	v1 =	vmul.f32 $8.000000000e+00, v4;
	v4 =	vld [tilespmem:s10+$0xA4E0]  }
0x104: {  	[tilespmem:s10+$0xA480] =	vst v0;
	v0 =	vmul.f32 $8.000000000e+00, v6;
	v6 =	vld [tilespmem:s10+$0xA4F0]  }
0x105: {  	[tilespmem:s10+$0xA490] =	vst v1;
	v1 =	vmul.f32 $8.000000000e+00, v5;
	v5 =	vld [tilespmem:s10+$0xA500]  }
0x106: {  	[tilespmem:s10+$0xA4A0] =	vst v0;
	v0 =	vmul.f32 $8.000000000e+00, v2;
	v2 =	vld [tilespmem:s10+$0xA510]  }
0x107: {  	[tilespmem:s10+$0xA4B0] =	vst v1;
	v1 =	vmul.f32 $8.000000000e+00, v3;
	v3 =	vld [tilespmem:s10+$0xA520]  }
0x108: {  	[tilespmem:s10+$0xA4C0] =	vst v0;
	v0 =	vmul.f32 $8.000000000e+00, v4;
	v4 =	vld [tilespmem:s10+$0xA530]  }
0x109: {  	[tilespmem:s10+$0xA4D0] =	vst v1;
	v1 =	vmul.f32 $8.000000000e+00, v6;
	v6 =	vld [tilespmem:s10+$0xA540]  }
0x10a: {  	[tilespmem:s10+$0xA4E0] =	vst v0;
	v0 =	vmul.f32 $8.000000000e+00, v5;
	v5 =	vld [tilespmem:s10+$0xA550]  }
0x10b: {  	[tilespmem:s10+$0xA4F0] =	vst v1;
	v1 =	vmul.f32 $8.000000000e+00, v2;
	v2 =	vld [tilespmem:s10+$0xA560]  }
0x10c: {  	[tilespmem:s10+$0xA500] =	vst v0;
	v0 =	vmul.f32 $8.000000000e+00, v3;
	v3 =	vld [tilespmem:s10+$0xA570]  }
0x10d: {  	[tilespmem:s10+$0xA510] =	vst v1;
	v1 =	vmul.f32 $8.000000000e+00, v4;
	v4 =	vld [tilespmem:s10+$0xA580]  }
0x10e: {  	[tilespmem:s10+$0xA520] =	vst v0;
	v0 =	vmul.f32 $8.000000000e+00, v6;
	v7 =	vld [tilespmem:s10+$0xA590]  }
.Ltmp4:
0x10f: {  	[tilespmem:s10+$0xA530] =	vst v1;
	v5 =	vmul.f32 $8.000000000e+00, v5;
	v1 =	vld [tilespmem:s10+$0xA5A0];
	(pc) =	sbr.rel @p1 .LBB2_7-.Ltmp4, $4  }
0x110: {  	[tilespmem:s10+$0xA540] =	vst v0;
	v6 =	vmul.f32 $8.000000000e+00, v2;
	v0 =	vld [tilespmem:s10+$0xA5B0]  }
0x111: {  	[tilespmem:s10+$0xA550] =	vst v5;
	v5 =	vmul.f32 $8.000000000e+00, v3;
	v2 =	vld [tilespmem:s10+$0xA5C0]  }
0x112: {  	[tilespmem:s10+$0xA560] =	vst v6;
	v6 =	vmul.f32 $8.000000000e+00, v4;
	v3 =	vld [tilespmem:s10+$0xA5D0]  }
0x113: {  	s7 =	sadd.s32 $0x800, s7;
	[tilespmem:s10+$0xA570] =	vst v5;
	v5 =	vmul.f32 $8.000000000e+00, v7;
	v4 =	vld [tilespmem:s10+$0xA5E0]  }
0x114: {  	[tilespmem:s10+$0xA580] =	vst v6;
	v1 =	vmul.f32 $8.000000000e+00, v1;
	v6 =	vld [tilespmem:s10+$0xA5F0]  }
0x115: {  	[tilespmem:s10+$0xA590] =	vst v5;
	v0 =	vmul.f32 $8.000000000e+00, v0  }
0x116: {  	[tilespmem:s10+$0xA5A0] =	vst v1;
	v1 =	vmul.f32 $8.000000000e+00, v2  }
0x117: {  	[tilespmem:s10+$0xA5B0] =	vst v0;
	v0 =	vmul.f32 $8.000000000e+00, v3  }
0x118: {  	s7 =	rddreg [dreg:$0x5];
	[tilespmem:s10+$0xA5C0] =	vst v1;
	v1 =	vmul.f32 $8.000000000e+00, v4  }
0x119: {  	s7 =	sadd.s32 s13, s7;
	[tilespmem:s10+$0xA5D0] =	vst v0;
	v0 =	vmul.f32 $8.000000000e+00, v6  }
0x11a: {  	s7 =	sshrl.u32 s7, $0x3;
	[tilespmem:s10+$0xA5E0] =	vst v1  }
0x11b: {  	s8 =	simm.s32 $0xA400;
	s7 =	sadd.s32 s5, s7;
	[tilespmem:s10+$0xA5F0] =	vst v0  }
0x11c: {  	[hbm4b:s7+s20] =	stream.strided.scatter [tilespmem:s8], [sflag:$0xB], $0x2000, s12, s20, $0x38;
	[tilespmem:$0x16400] =	vst v63  }
0x11d: {  	s7 =	simm.s32 @!p0 $0xF  }
0x11e: {  	s10 =	sor.u32 $0x6, s16;
	_ =	swait.ge @!p0 [sflag:s7], $0x2000  }
0x11f: {  	s9 =	sshll.u32 s10, $0x7;
	[sflag:s7] =	ssyncset.done @!p0 $0x0  }
0x120: {  	s9 =	sand.u32 $0x3FFFFF80, s9;
	[sflag:s7] =	ssyncadd.s32 @!p0 $0xFFFFE000  }
0x121: {  	[tilespmem:s25], [sflag:$0x7] =	stream.indirect.gather [hbm4b:s4+s12], $0x40, s9, s12, $0xb8;
	[tilespmem:$0x16400] =	vst v63  }
0x122: {  	_ =	swait.ge [sflag:s26], $0x2000  }
0x123: {  	[sflag:s26] =	ssyncset.done $0x0  }
0x124: {  	s7 =	simm.s32 $0x0;
	[sflag:s26] =	ssyncadd.s32 $0xFFFFE000  }
0x125: {  	v0 =	vld [tilespmem:s7+$0xC400]  }
0x126: {  	v1 =	vld [tilespmem:s7+$0xC410]  }
0x127: {  	v2 =	vld [tilespmem:s7+$0xC420]  }
0x128: {  	v3 =	vld [tilespmem:s7+$0xC430]  }
0x129: {  	v4 =	vld [tilespmem:s7+$0xC440]  }
0x12a: {  	v5 =	vld [tilespmem:s7+$0xC450];
	v0 =	vmul.f32 $8.000000000e+00, v0  }
0x12b: {  	v6 =	vld [tilespmem:s7+$0xC460];
	v1 =	vmul.f32 $8.000000000e+00, v1  }
0x12c: {  	v2 =	vmul.f32 $8.000000000e+00, v2;
	[tilespmem:s7+$0xC400] =	vst v0;
	v0 =	vld [tilespmem:s7+$0xC470]  }
0x12d: {  	v3 =	vmul.f32 $8.000000000e+00, v3;
	[tilespmem:s7+$0xC410] =	vst v1;
	v1 =	vld [tilespmem:s7+$0xC480]  }
0x12e: {  	v4 =	vmul.f32 $8.000000000e+00, v4;
	[tilespmem:s7+$0xC420] =	vst v2;
	v2 =	vld [tilespmem:s7+$0xC490]  }
0x12f: {  	v5 =	vmul.f32 $8.000000000e+00, v5;
	[tilespmem:s7+$0xC430] =	vst v3;
	v3 =	vld [tilespmem:s7+$0xC4A0]  }
0x130: {  	v6 =	vmul.f32 $8.000000000e+00, v6;
	[tilespmem:s7+$0xC440] =	vst v4;
	v4 =	vld [tilespmem:s7+$0xC4B0]  }
0x131: {  	[tilespmem:s7+$0xC450] =	vst v5;
	v5 =	vld [tilespmem:s7+$0xC4C0];
	v0 =	vmul.f32 $8.000000000e+00, v0  }
0x132: {  	[tilespmem:s7+$0xC460] =	vst v6;
	v6 =	vld [tilespmem:s7+$0xC4D0];
	v1 =	vmul.f32 $8.000000000e+00, v1  }
0x133: {  	v2 =	vmul.f32 $8.000000000e+00, v2;
	[tilespmem:s7+$0xC470] =	vst v0;
	v0 =	vld [tilespmem:s7+$0xC4E0]  }
0x134: {  	v3 =	vmul.f32 $8.000000000e+00, v3;
	[tilespmem:s7+$0xC480] =	vst v1;
	v1 =	vld [tilespmem:s7+$0xC4F0]  }
0x135: {  	v4 =	vmul.f32 $8.000000000e+00, v4;
	[tilespmem:s7+$0xC490] =	vst v2;
	v2 =	vld [tilespmem:s7+$0xC500]  }
0x136: {  	v5 =	vmul.f32 $8.000000000e+00, v5;
	[tilespmem:s7+$0xC4A0] =	vst v3;
	v3 =	vld [tilespmem:s7+$0xC510]  }
0x137: {  	v6 =	vmul.f32 $8.000000000e+00, v6;
	[tilespmem:s7+$0xC4B0] =	vst v4;
	v4 =	vld [tilespmem:s7+$0xC520]  }
0x138: {  	[tilespmem:s7+$0xC4C0] =	vst v5;
	v5 =	vld [tilespmem:s7+$0xC530];
	v0 =	vmul.f32 $8.000000000e+00, v0  }
0x139: {  	[tilespmem:s7+$0xC4D0] =	vst v6;
	v6 =	vld [tilespmem:s7+$0xC540]  }
0x13a: {  	v1 =	vmul.f32 $8.000000000e+00, v1;
	[tilespmem:s7+$0xC4E0] =	vst v0;
	v0 =	vld [tilespmem:s7+$0xC550]  }
0x13b: {  	v2 =	vmul.f32 $8.000000000e+00, v2  }
0x13c: {  	[tilespmem:s7+$0xC4F0] =	vst v1;
	v1 =	vmul.f32 $8.000000000e+00, v3;
	v3 =	vld [tilespmem:s7+$0xC570]  }
0x13d: {  	v7 =	vld [tilespmem:s7+$0xC560];
	[tilespmem:s7+$0xC500] =	vst v2;
	v2 =	vmul.f32 $8.000000000e+00, v4  }
0x13e: {  	v4 =	vld [tilespmem:s7+$0xC580];
	[tilespmem:s7+$0xC510] =	vst v1;
	v1 =	vmul.f32 $8.000000000e+00, v5  }
0x13f: {  	[tilespmem:s7+$0xC520] =	vst v2;
	v5 =	vld [tilespmem:s7+$0xC590];
	v2 =	vmul.f32 $8.000000000e+00, v6;
	v6 =	vmul.f32 $8.000000000e+00, v0  }
0x140: {  	[tilespmem:s7+$0xC530] =	vst v1;
	v1 =	vld [tilespmem:s7+$0xC5A0]  }
0x141: {  	v0 =	vld [tilespmem:s7+$0xC5B0];
	[tilespmem:s7+$0xC550] =	vst v6;
	v6 =	vmul.f32 $8.000000000e+00, v3  }
0x142: {  	v7 =	vmul.f32 $8.000000000e+00, v7;
	[tilespmem:s7+$0xC540] =	vst v2;
	v2 =	vld [tilespmem:s7+$0xC5C0]  }
0x143: {  	v3 =	vld [tilespmem:s7+$0xC5D0];
	[tilespmem:s7+$0xC570] =	vst v6;
	v6 =	vmul.f32 $8.000000000e+00, v4  }
0x144: {  	s8 =	simm.s32 $0x800;
	[tilespmem:s7+$0xC560] =	vst v7;
	v5 =	vmul.f32 $8.000000000e+00, v5;
	v4 =	vld [tilespmem:s7+$0xC5E0]  }
.LBB2_9:
0x145: {  	s9 =	sshra.s32 s8, $0x2;
	p1 =	sne.s32 s8, $0x7800;
	[tilespmem:s7+$0xC580] =	vst v6;
	v1 =	vmul.f32 $8.000000000e+00, v1;
	v6 =	vld [tilespmem:s7+$0xC5F0]  }
0x146: {  	v7 =	vld [tilespmem:s9+$0xC400];
	[tilespmem:s7+$0xC590] =	vst v5;
	v0 =	vmul.f32 $8.000000000e+00, v0  }
0x147: {  	v5 =	vld [tilespmem:s9+$0xC410];
	[tilespmem:s7+$0xC5A0] =	vst v1;
	v1 =	vmul.f32 $8.000000000e+00, v2  }
0x148: {  	v2 =	vld [tilespmem:s9+$0xC420];
	[tilespmem:s7+$0xC5B0] =	vst v0;
	v0 =	vmul.f32 $8.000000000e+00, v3  }
0x149: {  	v3 =	vld [tilespmem:s9+$0xC430];
	[tilespmem:s7+$0xC5C0] =	vst v1;
	v1 =	vmul.f32 $8.000000000e+00, v4  }
0x14a: {  	v4 =	vld [tilespmem:s9+$0xC440];
	[tilespmem:s7+$0xC5D0] =	vst v0;
	v0 =	vmul.f32 $8.000000000e+00, v6  }
0x14b: {  	v6 =	vmul.f32 $8.000000000e+00, v7;
	v7 =	vld [tilespmem:s9+$0xC450];
	[tilespmem:s7+$0xC5E0] =	vst v1  }
0x14c: {  	v1 =	vmul.f32 $8.000000000e+00, v5;
	v5 =	vld [tilespmem:s9+$0xC460];
	[tilespmem:s7+$0xC5F0] =	vst v0;
	s7 =	smov.u32 s9  }
0x14d: {  	[tilespmem:s7+$0xC400] =	vst v6;
	v0 =	vmul.f32 $8.000000000e+00, v2;
	v2 =	vld [tilespmem:s7+$0xC470]  }
0x14e: {  	[tilespmem:s7+$0xC410] =	vst v1;
	v1 =	vmul.f32 $8.000000000e+00, v3;
	v3 =	vld [tilespmem:s7+$0xC480]  }
0x14f: {  	[tilespmem:s7+$0xC420] =	vst v0;
	v0 =	vmul.f32 $8.000000000e+00, v4;
	v4 =	vld [tilespmem:s7+$0xC490]  }
0x150: {  	[tilespmem:s7+$0xC430] =	vst v1;
	v1 =	vmul.f32 $8.000000000e+00, v7;
	v6 =	vld [tilespmem:s7+$0xC4A0]  }
0x151: {  	[tilespmem:s7+$0xC440] =	vst v0;
	v0 =	vmul.f32 $8.000000000e+00, v5;
	v5 =	vld [tilespmem:s7+$0xC4B0]  }
0x152: {  	[tilespmem:s7+$0xC450] =	vst v1;
	v1 =	vmul.f32 $8.000000000e+00, v2;
	v2 =	vld [tilespmem:s7+$0xC4C0]  }
0x153: {  	[tilespmem:s7+$0xC460] =	vst v0;
	v0 =	vmul.f32 $8.000000000e+00, v3;
	v3 =	vld [tilespmem:s7+$0xC4D0]  }
0x154: {  	[tilespmem:s7+$0xC470] =	vst v1;
	v1 =	vmul.f32 $8.000000000e+00, v4;
	v4 =	vld [tilespmem:s7+$0xC4E0]  }
0x155: {  	[tilespmem:s7+$0xC480] =	vst v0;
	v0 =	vmul.f32 $8.000000000e+00, v6;
	v6 =	vld [tilespmem:s7+$0xC4F0]  }
0x156: {  	[tilespmem:s7+$0xC490] =	vst v1;
	v1 =	vmul.f32 $8.000000000e+00, v5;
	v5 =	vld [tilespmem:s7+$0xC500]  }
0x157: {  	[tilespmem:s7+$0xC4A0] =	vst v0;
	v0 =	vmul.f32 $8.000000000e+00, v2;
	v2 =	vld [tilespmem:s7+$0xC510]  }
0x158: {  	[tilespmem:s7+$0xC4B0] =	vst v1;
	v1 =	vmul.f32 $8.000000000e+00, v3;
	v3 =	vld [tilespmem:s7+$0xC520]  }
0x159: {  	[tilespmem:s7+$0xC4C0] =	vst v0;
	v0 =	vmul.f32 $8.000000000e+00, v4;
	v4 =	vld [tilespmem:s7+$0xC530]  }
0x15a: {  	[tilespmem:s7+$0xC4D0] =	vst v1;
	v1 =	vmul.f32 $8.000000000e+00, v6;
	v6 =	vld [tilespmem:s7+$0xC540]  }
0x15b: {  	[tilespmem:s7+$0xC4E0] =	vst v0;
	v0 =	vmul.f32 $8.000000000e+00, v5;
	v5 =	vld [tilespmem:s7+$0xC550]  }
0x15c: {  	[tilespmem:s7+$0xC4F0] =	vst v1;
	v1 =	vmul.f32 $8.000000000e+00, v2;
	v2 =	vld [tilespmem:s7+$0xC560]  }
0x15d: {  	[tilespmem:s7+$0xC500] =	vst v0;
	v0 =	vmul.f32 $8.000000000e+00, v3;
	v3 =	vld [tilespmem:s7+$0xC570]  }
0x15e: {  	[tilespmem:s7+$0xC510] =	vst v1;
	v1 =	vmul.f32 $8.000000000e+00, v4;
	v4 =	vld [tilespmem:s7+$0xC580]  }
0x15f: {  	[tilespmem:s7+$0xC520] =	vst v0;
	v0 =	vmul.f32 $8.000000000e+00, v6;
	v7 =	vld [tilespmem:s7+$0xC590]  }
.Ltmp5:
0x160: {  	[tilespmem:s7+$0xC530] =	vst v1;
	v5 =	vmul.f32 $8.000000000e+00, v5;
	v1 =	vld [tilespmem:s7+$0xC5A0];
	(pc) =	sbr.rel @p1 .LBB2_9-.Ltmp5, $4  }
0x161: {  	[tilespmem:s7+$0xC540] =	vst v0;
	v6 =	vmul.f32 $8.000000000e+00, v2;
	v0 =	vld [tilespmem:s7+$0xC5B0]  }
0x162: {  	[tilespmem:s7+$0xC550] =	vst v5;
	v5 =	vmul.f32 $8.000000000e+00, v3;
	v2 =	vld [tilespmem:s7+$0xC5C0]  }
0x163: {  	[tilespmem:s7+$0xC560] =	vst v6;
	v6 =	vmul.f32 $8.000000000e+00, v4;
	v3 =	vld [tilespmem:s7+$0xC5D0]  }
0x164: {  	s8 =	sadd.s32 $0x800, s8;
	[tilespmem:s7+$0xC570] =	vst v5;
	v5 =	vmul.f32 $8.000000000e+00, v7;
	v4 =	vld [tilespmem:s7+$0xC5E0]  }
0x165: {  	[tilespmem:s7+$0xC580] =	vst v6;
	v1 =	vmul.f32 $8.000000000e+00, v1;
	v6 =	vld [tilespmem:s7+$0xC5F0]  }
0x166: {  	[tilespmem:s7+$0xC590] =	vst v5;
	v0 =	vmul.f32 $8.000000000e+00, v0  }
0x167: {  	[tilespmem:s7+$0xC5A0] =	vst v1;
	v1 =	vmul.f32 $8.000000000e+00, v2  }
0x168: {  	[tilespmem:s7+$0xC5B0] =	vst v0;
	v0 =	vmul.f32 $8.000000000e+00, v3  }
0x169: {  	s8 =	rddreg [dreg:$0x6];
	[tilespmem:s7+$0xC5C0] =	vst v1;
	v1 =	vmul.f32 $8.000000000e+00, v4  }
0x16a: {  	s8 =	sadd.s32 s13, s8;
	[tilespmem:s7+$0xC5D0] =	vst v0;
	v0 =	vmul.f32 $8.000000000e+00, v6  }
0x16b: {  	s8 =	sshrl.u32 s8, $0x3;
	[tilespmem:s7+$0xC5E0] =	vst v1  }
0x16c: {  	s8 =	sadd.s32 s5, s8;
	[tilespmem:s7+$0xC5F0] =	vst v0;
	s7 =	simm.s32 @!p0 $0x10  }
0x16d: {  	[hbm4b:s8+s20] =	stream.strided.scatter [tilespmem:s18], [sflag:$0xC], $0x2000, s12, s20, $0x38;
	[tilespmem:$0x16400] =	vst v63  }
0x16e: {  	s13 =	sor.u32 $0x7, s16;
	_ =	swait.ge @!p0 [sflag:s7], $0x2000  }
0x16f: {  	s9 =	sshll.u32 s13, $0x7;
	[sflag:s7] =	ssyncset.done @!p0 $0x0  }
0x170: {  	s16 =	sand.u32 $0x3FFFFF80, s9;
	[sflag:s7] =	ssyncadd.s32 @!p0 $0xFFFFE000  }
0x171: {  	[tilespmem:s28], [sflag:$0x8] =	stream.indirect.gather [hbm4b:s4+s12], $0x40, s16, s12, $0xb8;
	[tilespmem:$0x16400] =	vst v63  }
0x172: {  	_ =	swait.ge [sflag:s29], $0x2000  }
0x173: {  	[sflag:s29] =	ssyncset.done $0x0  }
0x174: {  	s16 =	simm.s32 $0x0;
	[sflag:s29] =	ssyncadd.s32 $0xFFFFE000  }
0x175: {  	v0 =	vld [tilespmem:s16+$0xE400]  }
0x176: {  	v1 =	vld [tilespmem:s16+$0xE410]  }
0x177: {  	v2 =	vld [tilespmem:s16+$0xE420]  }
0x178: {  	v3 =	vld [tilespmem:s16+$0xE430]  }
0x179: {  	v4 =	vld [tilespmem:s16+$0xE440]  }
0x17a: {  	v5 =	vld [tilespmem:s16+$0xE450];
	v0 =	vmul.f32 $8.000000000e+00, v0  }
0x17b: {  	v6 =	vld [tilespmem:s16+$0xE460];
	v1 =	vmul.f32 $8.000000000e+00, v1  }
0x17c: {  	v2 =	vmul.f32 $8.000000000e+00, v2;
	[tilespmem:s16+$0xE400] =	vst v0;
	v0 =	vld [tilespmem:s16+$0xE470]  }
0x17d: {  	v3 =	vmul.f32 $8.000000000e+00, v3;
	[tilespmem:s16+$0xE410] =	vst v1;
	v1 =	vld [tilespmem:s16+$0xE480]  }
0x17e: {  	v4 =	vmul.f32 $8.000000000e+00, v4;
	[tilespmem:s16+$0xE420] =	vst v2;
	v2 =	vld [tilespmem:s16+$0xE490]  }
0x17f: {  	v5 =	vmul.f32 $8.000000000e+00, v5;
	[tilespmem:s16+$0xE430] =	vst v3;
	v3 =	vld [tilespmem:s16+$0xE4A0]  }
0x180: {  	v6 =	vmul.f32 $8.000000000e+00, v6;
	[tilespmem:s16+$0xE440] =	vst v4;
	v4 =	vld [tilespmem:s16+$0xE4B0]  }
0x181: {  	[tilespmem:s16+$0xE450] =	vst v5;
	v5 =	vld [tilespmem:s16+$0xE4C0];
	v0 =	vmul.f32 $8.000000000e+00, v0  }
0x182: {  	[tilespmem:s16+$0xE460] =	vst v6;
	v6 =	vld [tilespmem:s16+$0xE4D0];
	v1 =	vmul.f32 $8.000000000e+00, v1  }
0x183: {  	v2 =	vmul.f32 $8.000000000e+00, v2;
	[tilespmem:s16+$0xE470] =	vst v0;
	v0 =	vld [tilespmem:s16+$0xE4E0]  }
0x184: {  	v3 =	vmul.f32 $8.000000000e+00, v3;
	[tilespmem:s16+$0xE480] =	vst v1;
	v1 =	vld [tilespmem:s16+$0xE4F0]  }
0x185: {  	v4 =	vmul.f32 $8.000000000e+00, v4;
	[tilespmem:s16+$0xE490] =	vst v2;
	v2 =	vld [tilespmem:s16+$0xE500]  }
0x186: {  	v5 =	vmul.f32 $8.000000000e+00, v5;
	[tilespmem:s16+$0xE4A0] =	vst v3;
	v3 =	vld [tilespmem:s16+$0xE510]  }
0x187: {  	v6 =	vmul.f32 $8.000000000e+00, v6;
	[tilespmem:s16+$0xE4B0] =	vst v4;
	v4 =	vld [tilespmem:s16+$0xE520]  }
0x188: {  	[tilespmem:s16+$0xE4C0] =	vst v5;
	v5 =	vld [tilespmem:s16+$0xE530];
	v0 =	vmul.f32 $8.000000000e+00, v0  }
0x189: {  	[tilespmem:s16+$0xE4D0] =	vst v6;
	v6 =	vld [tilespmem:s16+$0xE540]  }
0x18a: {  	v1 =	vmul.f32 $8.000000000e+00, v1;
	[tilespmem:s16+$0xE4E0] =	vst v0;
	v0 =	vld [tilespmem:s16+$0xE550]  }
0x18b: {  	v2 =	vmul.f32 $8.000000000e+00, v2  }
0x18c: {  	[tilespmem:s16+$0xE4F0] =	vst v1;
	v1 =	vmul.f32 $8.000000000e+00, v3;
	v3 =	vld [tilespmem:s16+$0xE570]  }
0x18d: {  	v7 =	vld [tilespmem:s16+$0xE560];
	[tilespmem:s16+$0xE500] =	vst v2;
	v2 =	vmul.f32 $8.000000000e+00, v4  }
0x18e: {  	v4 =	vld [tilespmem:s16+$0xE580];
	[tilespmem:s16+$0xE510] =	vst v1;
	v1 =	vmul.f32 $8.000000000e+00, v5  }
0x18f: {  	[tilespmem:s16+$0xE520] =	vst v2;
	v5 =	vld [tilespmem:s16+$0xE590];
	v2 =	vmul.f32 $8.000000000e+00, v6;
	v6 =	vmul.f32 $8.000000000e+00, v0  }
0x190: {  	[tilespmem:s16+$0xE530] =	vst v1;
	v1 =	vld [tilespmem:s16+$0xE5A0]  }
0x191: {  	v0 =	vld [tilespmem:s16+$0xE5B0];
	[tilespmem:s16+$0xE550] =	vst v6;
	v6 =	vmul.f32 $8.000000000e+00, v3  }
0x192: {  	v7 =	vmul.f32 $8.000000000e+00, v7;
	[tilespmem:s16+$0xE540] =	vst v2;
	v2 =	vld [tilespmem:s16+$0xE5C0]  }
0x193: {  	v3 =	vld [tilespmem:s16+$0xE5D0];
	[tilespmem:s16+$0xE570] =	vst v6;
	v6 =	vmul.f32 $8.000000000e+00, v4  }
0x194: {  	s7 =	simm.s32 $0x800;
	[tilespmem:s16+$0xE560] =	vst v7;
	v5 =	vmul.f32 $8.000000000e+00, v5;
	v4 =	vld [tilespmem:s16+$0xE5E0]  }
.LBB2_11:
0x195: {  	s8 =	sshra.s32 s7, $0x2;
	p0 =	sne.s32 s7, $0x7800;
	[tilespmem:s16+$0xE580] =	vst v6;
	v1 =	vmul.f32 $8.000000000e+00, v1;
	v6 =	vld [tilespmem:s16+$0xE5F0]  }
0x196: {  	v7 =	vld [tilespmem:s8+$0xE400];
	[tilespmem:s16+$0xE590] =	vst v5;
	v0 =	vmul.f32 $8.000000000e+00, v0  }
0x197: {  	v5 =	vld [tilespmem:s8+$0xE410];
	[tilespmem:s16+$0xE5A0] =	vst v1;
	v1 =	vmul.f32 $8.000000000e+00, v2  }
0x198: {  	v2 =	vld [tilespmem:s8+$0xE420];
	[tilespmem:s16+$0xE5B0] =	vst v0;
	v0 =	vmul.f32 $8.000000000e+00, v3  }
0x199: {  	v3 =	vld [tilespmem:s8+$0xE430];
	[tilespmem:s16+$0xE5C0] =	vst v1;
	v1 =	vmul.f32 $8.000000000e+00, v4  }
0x19a: {  	v4 =	vld [tilespmem:s8+$0xE440];
	[tilespmem:s16+$0xE5D0] =	vst v0;
	v0 =	vmul.f32 $8.000000000e+00, v6  }
0x19b: {  	v6 =	vmul.f32 $8.000000000e+00, v7;
	v7 =	vld [tilespmem:s8+$0xE450];
	[tilespmem:s16+$0xE5E0] =	vst v1  }
0x19c: {  	v1 =	vmul.f32 $8.000000000e+00, v5;
	v5 =	vld [tilespmem:s8+$0xE460];
	[tilespmem:s16+$0xE5F0] =	vst v0;
	s16 =	smov.u32 s8  }
0x19d: {  	[tilespmem:s16+$0xE400] =	vst v6;
	v0 =	vmul.f32 $8.000000000e+00, v2;
	v2 =	vld [tilespmem:s16+$0xE470]  }
0x19e: {  	[tilespmem:s16+$0xE410] =	vst v1;
	v1 =	vmul.f32 $8.000000000e+00, v3;
	v3 =	vld [tilespmem:s16+$0xE480]  }
0x19f: {  	[tilespmem:s16+$0xE420] =	vst v0;
	v0 =	vmul.f32 $8.000000000e+00, v4;
	v4 =	vld [tilespmem:s16+$0xE490]  }
0x1a0: {  	[tilespmem:s16+$0xE430] =	vst v1;
	v1 =	vmul.f32 $8.000000000e+00, v7;
	v6 =	vld [tilespmem:s16+$0xE4A0]  }
0x1a1: {  	[tilespmem:s16+$0xE440] =	vst v0;
	v0 =	vmul.f32 $8.000000000e+00, v5;
	v5 =	vld [tilespmem:s16+$0xE4B0]  }
0x1a2: {  	[tilespmem:s16+$0xE450] =	vst v1;
	v1 =	vmul.f32 $8.000000000e+00, v2;
	v2 =	vld [tilespmem:s16+$0xE4C0]  }
0x1a3: {  	[tilespmem:s16+$0xE460] =	vst v0;
	v0 =	vmul.f32 $8.000000000e+00, v3;
	v3 =	vld [tilespmem:s16+$0xE4D0]  }
0x1a4: {  	[tilespmem:s16+$0xE470] =	vst v1;
	v1 =	vmul.f32 $8.000000000e+00, v4;
	v4 =	vld [tilespmem:s16+$0xE4E0]  }
0x1a5: {  	[tilespmem:s16+$0xE480] =	vst v0;
	v0 =	vmul.f32 $8.000000000e+00, v6;
	v6 =	vld [tilespmem:s16+$0xE4F0]  }
0x1a6: {  	[tilespmem:s16+$0xE490] =	vst v1;
	v1 =	vmul.f32 $8.000000000e+00, v5;
	v5 =	vld [tilespmem:s16+$0xE500]  }
0x1a7: {  	[tilespmem:s16+$0xE4A0] =	vst v0;
	v0 =	vmul.f32 $8.000000000e+00, v2;
	v2 =	vld [tilespmem:s16+$0xE510]  }
0x1a8: {  	[tilespmem:s16+$0xE4B0] =	vst v1;
	v1 =	vmul.f32 $8.000000000e+00, v3;
	v3 =	vld [tilespmem:s16+$0xE520]  }
0x1a9: {  	[tilespmem:s16+$0xE4C0] =	vst v0;
	v0 =	vmul.f32 $8.000000000e+00, v4;
	v4 =	vld [tilespmem:s16+$0xE530]  }
0x1aa: {  	[tilespmem:s16+$0xE4D0] =	vst v1;
	v1 =	vmul.f32 $8.000000000e+00, v6;
	v6 =	vld [tilespmem:s16+$0xE540]  }
0x1ab: {  	[tilespmem:s16+$0xE4E0] =	vst v0;
	v0 =	vmul.f32 $8.000000000e+00, v5;
	v5 =	vld [tilespmem:s16+$0xE550]  }
0x1ac: {  	[tilespmem:s16+$0xE4F0] =	vst v1;
	v1 =	vmul.f32 $8.000000000e+00, v2;
	v2 =	vld [tilespmem:s16+$0xE560]  }
0x1ad: {  	[tilespmem:s16+$0xE500] =	vst v0;
	v0 =	vmul.f32 $8.000000000e+00, v3;
	v3 =	vld [tilespmem:s16+$0xE570]  }
0x1ae: {  	[tilespmem:s16+$0xE510] =	vst v1;
	v1 =	vmul.f32 $8.000000000e+00, v4;
	v4 =	vld [tilespmem:s16+$0xE580]  }
0x1af: {  	[tilespmem:s16+$0xE520] =	vst v0;
	v0 =	vmul.f32 $8.000000000e+00, v6;
	v7 =	vld [tilespmem:s16+$0xE590]  }
.Ltmp6:
0x1b0: {  	[tilespmem:s16+$0xE530] =	vst v1;
	v5 =	vmul.f32 $8.000000000e+00, v5;
	v1 =	vld [tilespmem:s16+$0xE5A0];
	(pc) =	sbr.rel @p0 .LBB2_11-.Ltmp6, $4  }
0x1b1: {  	[tilespmem:s16+$0xE540] =	vst v0;
	v6 =	vmul.f32 $8.000000000e+00, v2;
	v0 =	vld [tilespmem:s16+$0xE5B0]  }
0x1b2: {  	[tilespmem:s16+$0xE550] =	vst v5;
	v5 =	vmul.f32 $8.000000000e+00, v3;
	v2 =	vld [tilespmem:s16+$0xE5C0]  }
0x1b3: {  	[tilespmem:s16+$0xE560] =	vst v6;
	v6 =	vmul.f32 $8.000000000e+00, v4;
	v3 =	vld [tilespmem:s16+$0xE5D0]  }
0x1b4: {  	s7 =	sadd.s32 $0x800, s7;
	[tilespmem:s16+$0xE570] =	vst v5;
	v5 =	vmul.f32 $8.000000000e+00, v7;
	v4 =	vld [tilespmem:s16+$0xE5E0]  }
0x1b5: {  	[tilespmem:s16+$0xE580] =	vst v6;
	v1 =	vmul.f32 $8.000000000e+00, v1;
	v6 =	vld [tilespmem:s16+$0xE5F0]  }
0x1b6: {  	[tilespmem:s16+$0xE590] =	vst v5;
	v0 =	vmul.f32 $8.000000000e+00, v0  }
0x1b7: {  	[tilespmem:s16+$0xE5A0] =	vst v1;
	v1 =	vmul.f32 $8.000000000e+00, v2  }
0x1b8: {  	[tilespmem:s16+$0xE5B0] =	vst v0;
	v0 =	vmul.f32 $8.000000000e+00, v3  }
0x1b9: {  	s7 =	sshll.u32 s14, $0xE;
	[tilespmem:s16+$0xE5C0] =	vst v1;
	v1 =	vmul.f32 $8.000000000e+00, v4  }
0x1ba: {  	s7 =	sadd.s32 s3, s7;
	[tilespmem:s16+$0xE5D0] =	vst v0;
	v0 =	vmul.f32 $8.000000000e+00, v6  }
0x1bb: {  	s7 =	sshrl.u32 s7, $0x3;
	[tilespmem:s16+$0xE5E0] =	vst v1  }
0x1bc: {  	p0 =	seq.s32 s11, $0x18;
	s7 =	sadd.s32 s5, s7;
	[tilespmem:s16+$0xE5F0] =	vst v0  }
0x1bd: {  	[hbm4b:s7+s20] =	stream.strided.scatter [tilespmem:s21], [sflag:$0xD], $0x2000, s12, s20, $0x38;
	[tilespmem:$0x16400] =	vst v63  }
0x1be: {  	s7 =	sshll.u32 @!p0 s11, $0xA;
	_ =	swait.ge [sflag:s30], $0x2000  }
0x1bf: {  	s8 =	simm.s32 @!p0 $0x80;
	s14 =	sand.u32 @!p0 $0x3FFFFC00, s7;
	[sflag:s30] =	ssyncset.done $0x0  }
0x1c0: {  	s9 =	simm.s32 @!p0 $0x6400;
	s7 =	sadd.s32 @!p0 $0x400, s14;
	[sflag:s30] =	ssyncadd.s32 $0xFFFFE000  }
0x1c1: {  	[tilespmem:s9], [sflag:$0x1] =	stream.indirect.gather @!p0 [hbm4b:s4+s8], $0x40, s7, s8, $0xb8;
	[tilespmem:$0x16400] =	vst v63  }
0x1c2: {  	_ =	swait.ge [sflag:s31], $0x2000  }
0x1c3: {  	[sflag:s31] =	ssyncset.done $0x0  }
0x1c4: {  	s16 =	simm.s32 $0x0;
	[sflag:s31] =	ssyncadd.s32 $0xFFFFE000  }
0x1c5: {  	v0 =	vld [tilespmem:s16+$0x10400]  }
0x1c6: {  	v1 =	vld [tilespmem:s16+$0x10410]  }
0x1c7: {  	v2 =	vld [tilespmem:s16+$0x10420]  }
0x1c8: {  	v3 =	vld [tilespmem:s16+$0x10430]  }
0x1c9: {  	v4 =	vld [tilespmem:s16+$0x10440]  }
0x1ca: {  	v5 =	vld [tilespmem:s16+$0x10450];
	v0 =	vmul.f32 $8.000000000e+00, v0  }
0x1cb: {  	v6 =	vld [tilespmem:s16+$0x10460];
	v1 =	vmul.f32 $8.000000000e+00, v1  }
0x1cc: {  	v2 =	vmul.f32 $8.000000000e+00, v2;
	[tilespmem:s16+$0x10400] =	vst v0;
	v0 =	vld [tilespmem:s16+$0x10470]  }
0x1cd: {  	v3 =	vmul.f32 $8.000000000e+00, v3;
	[tilespmem:s16+$0x10410] =	vst v1;
	v1 =	vld [tilespmem:s16+$0x10480]  }
0x1ce: {  	v4 =	vmul.f32 $8.000000000e+00, v4;
	[tilespmem:s16+$0x10420] =	vst v2;
	v2 =	vld [tilespmem:s16+$0x10490]  }
0x1cf: {  	v5 =	vmul.f32 $8.000000000e+00, v5;
	[tilespmem:s16+$0x10430] =	vst v3;
	v3 =	vld [tilespmem:s16+$0x104A0]  }
0x1d0: {  	v6 =	vmul.f32 $8.000000000e+00, v6;
	[tilespmem:s16+$0x10440] =	vst v4;
	v4 =	vld [tilespmem:s16+$0x104B0]  }
0x1d1: {  	[tilespmem:s16+$0x10450] =	vst v5;
	v5 =	vld [tilespmem:s16+$0x104C0];
	v0 =	vmul.f32 $8.000000000e+00, v0  }
0x1d2: {  	[tilespmem:s16+$0x10460] =	vst v6;
	v6 =	vld [tilespmem:s16+$0x104D0];
	v1 =	vmul.f32 $8.000000000e+00, v1  }
0x1d3: {  	v2 =	vmul.f32 $8.000000000e+00, v2;
	[tilespmem:s16+$0x10470] =	vst v0;
	v0 =	vld [tilespmem:s16+$0x104E0]  }
0x1d4: {  	v3 =	vmul.f32 $8.000000000e+00, v3;
	[tilespmem:s16+$0x10480] =	vst v1;
	v1 =	vld [tilespmem:s16+$0x104F0]  }
0x1d5: {  	v4 =	vmul.f32 $8.000000000e+00, v4;
	[tilespmem:s16+$0x10490] =	vst v2;
	v2 =	vld [tilespmem:s16+$0x10500]  }
0x1d6: {  	v5 =	vmul.f32 $8.000000000e+00, v5;
	[tilespmem:s16+$0x104A0] =	vst v3;
	v3 =	vld [tilespmem:s16+$0x10510]  }
0x1d7: {  	v6 =	vmul.f32 $8.000000000e+00, v6;
	[tilespmem:s16+$0x104B0] =	vst v4;
	v4 =	vld [tilespmem:s16+$0x10520]  }
0x1d8: {  	[tilespmem:s16+$0x104C0] =	vst v5;
	v5 =	vld [tilespmem:s16+$0x10530];
	v0 =	vmul.f32 $8.000000000e+00, v0  }
0x1d9: {  	[tilespmem:s16+$0x104D0] =	vst v6;
	v6 =	vld [tilespmem:s16+$0x10540]  }
0x1da: {  	v1 =	vmul.f32 $8.000000000e+00, v1;
	[tilespmem:s16+$0x104E0] =	vst v0;
	v0 =	vld [tilespmem:s16+$0x10550]  }
0x1db: {  	v2 =	vmul.f32 $8.000000000e+00, v2  }
0x1dc: {  	[tilespmem:s16+$0x104F0] =	vst v1;
	v1 =	vmul.f32 $8.000000000e+00, v3;
	v3 =	vld [tilespmem:s16+$0x10570]  }
0x1dd: {  	v7 =	vld [tilespmem:s16+$0x10560];
	[tilespmem:s16+$0x10500] =	vst v2;
	v2 =	vmul.f32 $8.000000000e+00, v4  }
0x1de: {  	v4 =	vld [tilespmem:s16+$0x10580];
	[tilespmem:s16+$0x10510] =	vst v1;
	v1 =	vmul.f32 $8.000000000e+00, v5  }
0x1df: {  	[tilespmem:s16+$0x10520] =	vst v2;
	v5 =	vld [tilespmem:s16+$0x10590];
	v2 =	vmul.f32 $8.000000000e+00, v6;
	v6 =	vmul.f32 $8.000000000e+00, v0  }
0x1e0: {  	[tilespmem:s16+$0x10530] =	vst v1;
	v1 =	vld [tilespmem:s16+$0x105A0]  }
0x1e1: {  	v0 =	vld [tilespmem:s16+$0x105B0];
	[tilespmem:s16+$0x10550] =	vst v6;
	v6 =	vmul.f32 $8.000000000e+00, v3  }
0x1e2: {  	v7 =	vmul.f32 $8.000000000e+00, v7;
	[tilespmem:s16+$0x10540] =	vst v2;
	v2 =	vld [tilespmem:s16+$0x105C0]  }
0x1e3: {  	v3 =	vld [tilespmem:s16+$0x105D0];
	[tilespmem:s16+$0x10570] =	vst v6;
	v6 =	vmul.f32 $8.000000000e+00, v4  }
0x1e4: {  	s7 =	simm.s32 $0x800;
	[tilespmem:s16+$0x10560] =	vst v7;
	v5 =	vmul.f32 $8.000000000e+00, v5;
	v4 =	vld [tilespmem:s16+$0x105E0]  }
.LBB2_13:
0x1e5: {  	s8 =	sshra.s32 s7, $0x2;
	p1 =	sne.s32 s7, $0x7800;
	[tilespmem:s16+$0x10580] =	vst v6;
	v1 =	vmul.f32 $8.000000000e+00, v1;
	v6 =	vld [tilespmem:s16+$0x105F0]  }
0x1e6: {  	v7 =	vld [tilespmem:s8+$0x10400];
	[tilespmem:s16+$0x10590] =	vst v5;
	v0 =	vmul.f32 $8.000000000e+00, v0  }
0x1e7: {  	v5 =	vld [tilespmem:s8+$0x10410];
	[tilespmem:s16+$0x105A0] =	vst v1;
	v1 =	vmul.f32 $8.000000000e+00, v2  }
0x1e8: {  	v2 =	vld [tilespmem:s8+$0x10420];
	[tilespmem:s16+$0x105B0] =	vst v0;
	v0 =	vmul.f32 $8.000000000e+00, v3  }
0x1e9: {  	v3 =	vld [tilespmem:s8+$0x10430];
	[tilespmem:s16+$0x105C0] =	vst v1;
	v1 =	vmul.f32 $8.000000000e+00, v4  }
0x1ea: {  	v4 =	vld [tilespmem:s8+$0x10440];
	[tilespmem:s16+$0x105D0] =	vst v0;
	v0 =	vmul.f32 $8.000000000e+00, v6  }
0x1eb: {  	v6 =	vmul.f32 $8.000000000e+00, v7;
	v7 =	vld [tilespmem:s8+$0x10450];
	[tilespmem:s16+$0x105E0] =	vst v1  }
0x1ec: {  	v1 =	vmul.f32 $8.000000000e+00, v5;
	v5 =	vld [tilespmem:s8+$0x10460];
	[tilespmem:s16+$0x105F0] =	vst v0;
	s16 =	smov.u32 s8  }
0x1ed: {  	[tilespmem:s16+$0x10400] =	vst v6;
	v0 =	vmul.f32 $8.000000000e+00, v2;
	v2 =	vld [tilespmem:s16+$0x10470]  }
0x1ee: {  	[tilespmem:s16+$0x10410] =	vst v1;
	v1 =	vmul.f32 $8.000000000e+00, v3;
	v3 =	vld [tilespmem:s16+$0x10480]  }
0x1ef: {  	[tilespmem:s16+$0x10420] =	vst v0;
	v0 =	vmul.f32 $8.000000000e+00, v4;
	v4 =	vld [tilespmem:s16+$0x10490]  }
0x1f0: {  	[tilespmem:s16+$0x10430] =	vst v1;
	v1 =	vmul.f32 $8.000000000e+00, v7;
	v6 =	vld [tilespmem:s16+$0x104A0]  }
0x1f1: {  	[tilespmem:s16+$0x10440] =	vst v0;
	v0 =	vmul.f32 $8.000000000e+00, v5;
	v5 =	vld [tilespmem:s16+$0x104B0]  }
0x1f2: {  	[tilespmem:s16+$0x10450] =	vst v1;
	v1 =	vmul.f32 $8.000000000e+00, v2;
	v2 =	vld [tilespmem:s16+$0x104C0]  }
0x1f3: {  	[tilespmem:s16+$0x10460] =	vst v0;
	v0 =	vmul.f32 $8.000000000e+00, v3;
	v3 =	vld [tilespmem:s16+$0x104D0]  }
0x1f4: {  	[tilespmem:s16+$0x10470] =	vst v1;
	v1 =	vmul.f32 $8.000000000e+00, v4;
	v4 =	vld [tilespmem:s16+$0x104E0]  }
0x1f5: {  	[tilespmem:s16+$0x10480] =	vst v0;
	v0 =	vmul.f32 $8.000000000e+00, v6;
	v6 =	vld [tilespmem:s16+$0x104F0]  }
0x1f6: {  	[tilespmem:s16+$0x10490] =	vst v1;
	v1 =	vmul.f32 $8.000000000e+00, v5;
	v5 =	vld [tilespmem:s16+$0x10500]  }
0x1f7: {  	[tilespmem:s16+$0x104A0] =	vst v0;
	v0 =	vmul.f32 $8.000000000e+00, v2;
	v2 =	vld [tilespmem:s16+$0x10510]  }
0x1f8: {  	[tilespmem:s16+$0x104B0] =	vst v1;
	v1 =	vmul.f32 $8.000000000e+00, v3;
	v3 =	vld [tilespmem:s16+$0x10520]  }
0x1f9: {  	[tilespmem:s16+$0x104C0] =	vst v0;
	v0 =	vmul.f32 $8.000000000e+00, v4;
	v4 =	vld [tilespmem:s16+$0x10530]  }
0x1fa: {  	[tilespmem:s16+$0x104D0] =	vst v1;
	v1 =	vmul.f32 $8.000000000e+00, v6;
	v6 =	vld [tilespmem:s16+$0x10540]  }
0x1fb: {  	[tilespmem:s16+$0x104E0] =	vst v0;
	v0 =	vmul.f32 $8.000000000e+00, v5;
	v5 =	vld [tilespmem:s16+$0x10550]  }
0x1fc: {  	[tilespmem:s16+$0x104F0] =	vst v1;
	v1 =	vmul.f32 $8.000000000e+00, v2;
	v2 =	vld [tilespmem:s16+$0x10560]  }
0x1fd: {  	[tilespmem:s16+$0x10500] =	vst v0;
	v0 =	vmul.f32 $8.000000000e+00, v3;
	v3 =	vld [tilespmem:s16+$0x10570]  }
0x1fe: {  	[tilespmem:s16+$0x10510] =	vst v1;
	v1 =	vmul.f32 $8.000000000e+00, v4;
	v4 =	vld [tilespmem:s16+$0x10580]  }
0x1ff: {  	[tilespmem:s16+$0x10520] =	vst v0;
	v0 =	vmul.f32 $8.000000000e+00, v6;
	v7 =	vld [tilespmem:s16+$0x10590]  }
.Ltmp7:
0x200: {  	[tilespmem:s16+$0x10530] =	vst v1;
	v5 =	vmul.f32 $8.000000000e+00, v5;
	v1 =	vld [tilespmem:s16+$0x105A0];
	(pc) =	sbr.rel @p1 .LBB2_13-.Ltmp7, $4  }
0x201: {  	[tilespmem:s16+$0x10540] =	vst v0;
	v6 =	vmul.f32 $8.000000000e+00, v2;
	v0 =	vld [tilespmem:s16+$0x105B0]  }
0x202: {  	[tilespmem:s16+$0x10550] =	vst v5;
	v5 =	vmul.f32 $8.000000000e+00, v3;
	v2 =	vld [tilespmem:s16+$0x105C0]  }
0x203: {  	[tilespmem:s16+$0x10560] =	vst v6;
	v6 =	vmul.f32 $8.000000000e+00, v4;
	v3 =	vld [tilespmem:s16+$0x105D0]  }
0x204: {  	s7 =	sadd.s32 $0x800, s7;
	[tilespmem:s16+$0x10570] =	vst v5;
	v5 =	vmul.f32 $8.000000000e+00, v7;
	v4 =	vld [tilespmem:s16+$0x105E0]  }
0x205: {  	[tilespmem:s16+$0x10580] =	vst v6;
	v1 =	vmul.f32 $8.000000000e+00, v1;
	v6 =	vld [tilespmem:s16+$0x105F0]  }
0x206: {  	[tilespmem:s16+$0x10590] =	vst v5;
	v0 =	vmul.f32 $8.000000000e+00, v0  }
0x207: {  	[tilespmem:s16+$0x105A0] =	vst v1;
	v1 =	vmul.f32 $8.000000000e+00, v2  }
0x208: {  	[tilespmem:s16+$0x105B0] =	vst v0;
	v0 =	vmul.f32 $8.000000000e+00, v3  }
0x209: {  	s6 =	sshll.u32 s6, $0xE;
	[tilespmem:s16+$0x105C0] =	vst v1;
	v1 =	vmul.f32 $8.000000000e+00, v4  }
0x20a: {  	s6 =	sadd.s32 s3, s6;
	[tilespmem:s16+$0x105D0] =	vst v0;
	v0 =	vmul.f32 $8.000000000e+00, v6  }
0x20b: {  	s6 =	sshrl.u32 s6, $0x3;
	[tilespmem:s16+$0x105E0] =	vst v1  }
0x20c: {  	s6 =	sadd.s32 s5, s6;
	[tilespmem:s16+$0x105F0] =	vst v0  }
0x20d: {  	[hbm4b:s6+s20] =	stream.strided.scatter [tilespmem:s23], [sflag:$0xE], $0x2000, s12, s20, $0x38;
	[tilespmem:$0x16400] =	vst v63  }
0x20e: {  	_ =	swait.ge [sflag:s1], $0x2000  }
0x20f: {  	s7 =	simm.s32 @!p0 $0x80;
	[sflag:s1] =	ssyncset.done $0x0  }
0x210: {  	s8 =	simm.s32 @!p0 $0x8400;
	s6 =	sadd.s32 @!p0 $0x480, s14;
	[sflag:s1] =	ssyncadd.s32 $0xFFFFE000  }
0x211: {  	[tilespmem:s8], [sflag:$0x2] =	stream.indirect.gather @!p0 [hbm4b:s4+s7], $0x40, s6, s7, $0xb8;
	[tilespmem:$0x16400] =	vst v63  }
0x212: {  	_ =	swait.ge [sflag:s0], $0x2000  }
0x213: {  	[sflag:s0] =	ssyncset.done $0x0  }
0x214: {  	s6 =	simm.s32 $0x0;
	[sflag:s0] =	ssyncadd.s32 $0xFFFFE000  }
0x215: {  	v0 =	vld [tilespmem:s6+$0x12400]  }
0x216: {  	v1 =	vld [tilespmem:s6+$0x12410]  }
0x217: {  	v2 =	vld [tilespmem:s6+$0x12420]  }
0x218: {  	v3 =	vld [tilespmem:s6+$0x12430]  }
0x219: {  	v4 =	vld [tilespmem:s6+$0x12440]  }
0x21a: {  	v5 =	vld [tilespmem:s6+$0x12450];
	v0 =	vmul.f32 $8.000000000e+00, v0  }
0x21b: {  	v6 =	vld [tilespmem:s6+$0x12460];
	v1 =	vmul.f32 $8.000000000e+00, v1  }
0x21c: {  	v2 =	vmul.f32 $8.000000000e+00, v2;
	[tilespmem:s6+$0x12400] =	vst v0;
	v0 =	vld [tilespmem:s6+$0x12470]  }
0x21d: {  	v3 =	vmul.f32 $8.000000000e+00, v3;
	[tilespmem:s6+$0x12410] =	vst v1;
	v1 =	vld [tilespmem:s6+$0x12480]  }
0x21e: {  	v4 =	vmul.f32 $8.000000000e+00, v4;
	[tilespmem:s6+$0x12420] =	vst v2;
	v2 =	vld [tilespmem:s6+$0x12490]  }
0x21f: {  	v5 =	vmul.f32 $8.000000000e+00, v5;
	[tilespmem:s6+$0x12430] =	vst v3;
	v3 =	vld [tilespmem:s6+$0x124A0]  }
0x220: {  	v6 =	vmul.f32 $8.000000000e+00, v6;
	[tilespmem:s6+$0x12440] =	vst v4;
	v4 =	vld [tilespmem:s6+$0x124B0]  }
0x221: {  	[tilespmem:s6+$0x12450] =	vst v5;
	v5 =	vld [tilespmem:s6+$0x124C0];
	v0 =	vmul.f32 $8.000000000e+00, v0  }
0x222: {  	[tilespmem:s6+$0x12460] =	vst v6;
	v6 =	vld [tilespmem:s6+$0x124D0];
	v1 =	vmul.f32 $8.000000000e+00, v1  }
0x223: {  	v2 =	vmul.f32 $8.000000000e+00, v2;
	[tilespmem:s6+$0x12470] =	vst v0;
	v0 =	vld [tilespmem:s6+$0x124E0]  }
0x224: {  	v3 =	vmul.f32 $8.000000000e+00, v3;
	[tilespmem:s6+$0x12480] =	vst v1;
	v1 =	vld [tilespmem:s6+$0x124F0]  }
0x225: {  	v4 =	vmul.f32 $8.000000000e+00, v4;
	[tilespmem:s6+$0x12490] =	vst v2;
	v2 =	vld [tilespmem:s6+$0x12500]  }
0x226: {  	v5 =	vmul.f32 $8.000000000e+00, v5;
	[tilespmem:s6+$0x124A0] =	vst v3;
	v3 =	vld [tilespmem:s6+$0x12510]  }
0x227: {  	v6 =	vmul.f32 $8.000000000e+00, v6;
	[tilespmem:s6+$0x124B0] =	vst v4;
	v4 =	vld [tilespmem:s6+$0x12520]  }
0x228: {  	[tilespmem:s6+$0x124C0] =	vst v5;
	v5 =	vld [tilespmem:s6+$0x12530];
	v0 =	vmul.f32 $8.000000000e+00, v0  }
0x229: {  	[tilespmem:s6+$0x124D0] =	vst v6;
	v6 =	vld [tilespmem:s6+$0x12540]  }
0x22a: {  	v1 =	vmul.f32 $8.000000000e+00, v1;
	[tilespmem:s6+$0x124E0] =	vst v0;
	v0 =	vld [tilespmem:s6+$0x12550]  }
0x22b: {  	v2 =	vmul.f32 $8.000000000e+00, v2  }
0x22c: {  	[tilespmem:s6+$0x124F0] =	vst v1;
	v1 =	vmul.f32 $8.000000000e+00, v3;
	v3 =	vld [tilespmem:s6+$0x12570]  }
0x22d: {  	v7 =	vld [tilespmem:s6+$0x12560];
	[tilespmem:s6+$0x12500] =	vst v2;
	v2 =	vmul.f32 $8.000000000e+00, v4  }
0x22e: {  	v4 =	vld [tilespmem:s6+$0x12580];
	[tilespmem:s6+$0x12510] =	vst v1;
	v1 =	vmul.f32 $8.000000000e+00, v5  }
0x22f: {  	[tilespmem:s6+$0x12520] =	vst v2;
	v5 =	vld [tilespmem:s6+$0x12590];
	v2 =	vmul.f32 $8.000000000e+00, v6;
	v6 =	vmul.f32 $8.000000000e+00, v0  }
0x230: {  	[tilespmem:s6+$0x12530] =	vst v1;
	v1 =	vld [tilespmem:s6+$0x125A0]  }
0x231: {  	v0 =	vld [tilespmem:s6+$0x125B0];
	[tilespmem:s6+$0x12550] =	vst v6;
	v6 =	vmul.f32 $8.000000000e+00, v3  }
0x232: {  	v7 =	vmul.f32 $8.000000000e+00, v7;
	[tilespmem:s6+$0x12540] =	vst v2;
	v2 =	vld [tilespmem:s6+$0x125C0]  }
0x233: {  	v3 =	vld [tilespmem:s6+$0x125D0];
	[tilespmem:s6+$0x12570] =	vst v6;
	v6 =	vmul.f32 $8.000000000e+00, v4  }
0x234: {  	s7 =	simm.s32 $0x800;
	[tilespmem:s6+$0x12560] =	vst v7;
	v5 =	vmul.f32 $8.000000000e+00, v5;
	v4 =	vld [tilespmem:s6+$0x125E0]  }
.LBB2_15:
0x235: {  	s8 =	sshra.s32 s7, $0x2;
	p1 =	sne.s32 s7, $0x7800;
	[tilespmem:s6+$0x12580] =	vst v6;
	v1 =	vmul.f32 $8.000000000e+00, v1;
	v6 =	vld [tilespmem:s6+$0x125F0]  }
0x236: {  	v7 =	vld [tilespmem:s8+$0x12400];
	[tilespmem:s6+$0x12590] =	vst v5;
	v0 =	vmul.f32 $8.000000000e+00, v0  }
0x237: {  	v5 =	vld [tilespmem:s8+$0x12410];
	[tilespmem:s6+$0x125A0] =	vst v1;
	v1 =	vmul.f32 $8.000000000e+00, v2  }
0x238: {  	v2 =	vld [tilespmem:s8+$0x12420];
	[tilespmem:s6+$0x125B0] =	vst v0;
	v0 =	vmul.f32 $8.000000000e+00, v3  }
0x239: {  	v3 =	vld [tilespmem:s8+$0x12430];
	[tilespmem:s6+$0x125C0] =	vst v1;
	v1 =	vmul.f32 $8.000000000e+00, v4  }
0x23a: {  	v4 =	vld [tilespmem:s8+$0x12440];
	[tilespmem:s6+$0x125D0] =	vst v0;
	v0 =	vmul.f32 $8.000000000e+00, v6  }
0x23b: {  	v6 =	vmul.f32 $8.000000000e+00, v7;
	v7 =	vld [tilespmem:s8+$0x12450];
	[tilespmem:s6+$0x125E0] =	vst v1  }
0x23c: {  	v1 =	vmul.f32 $8.000000000e+00, v5;
	v5 =	vld [tilespmem:s8+$0x12460];
	[tilespmem:s6+$0x125F0] =	vst v0;
	s6 =	smov.u32 s8  }
0x23d: {  	[tilespmem:s6+$0x12400] =	vst v6;
	v0 =	vmul.f32 $8.000000000e+00, v2;
	v2 =	vld [tilespmem:s6+$0x12470]  }
0x23e: {  	[tilespmem:s6+$0x12410] =	vst v1;
	v1 =	vmul.f32 $8.000000000e+00, v3;
	v3 =	vld [tilespmem:s6+$0x12480]  }
0x23f: {  	[tilespmem:s6+$0x12420] =	vst v0;
	v0 =	vmul.f32 $8.000000000e+00, v4;
	v4 =	vld [tilespmem:s6+$0x12490]  }
0x240: {  	[tilespmem:s6+$0x12430] =	vst v1;
	v1 =	vmul.f32 $8.000000000e+00, v7;
	v6 =	vld [tilespmem:s6+$0x124A0]  }
0x241: {  	[tilespmem:s6+$0x12440] =	vst v0;
	v0 =	vmul.f32 $8.000000000e+00, v5;
	v5 =	vld [tilespmem:s6+$0x124B0]  }
0x242: {  	[tilespmem:s6+$0x12450] =	vst v1;
	v1 =	vmul.f32 $8.000000000e+00, v2;
	v2 =	vld [tilespmem:s6+$0x124C0]  }
0x243: {  	[tilespmem:s6+$0x12460] =	vst v0;
	v0 =	vmul.f32 $8.000000000e+00, v3;
	v3 =	vld [tilespmem:s6+$0x124D0]  }
0x244: {  	[tilespmem:s6+$0x12470] =	vst v1;
	v1 =	vmul.f32 $8.000000000e+00, v4;
	v4 =	vld [tilespmem:s6+$0x124E0]  }
0x245: {  	[tilespmem:s6+$0x12480] =	vst v0;
	v0 =	vmul.f32 $8.000000000e+00, v6;
	v6 =	vld [tilespmem:s6+$0x124F0]  }
0x246: {  	[tilespmem:s6+$0x12490] =	vst v1;
	v1 =	vmul.f32 $8.000000000e+00, v5;
	v5 =	vld [tilespmem:s6+$0x12500]  }
0x247: {  	[tilespmem:s6+$0x124A0] =	vst v0;
	v0 =	vmul.f32 $8.000000000e+00, v2;
	v2 =	vld [tilespmem:s6+$0x12510]  }
0x248: {  	[tilespmem:s6+$0x124B0] =	vst v1;
	v1 =	vmul.f32 $8.000000000e+00, v3;
	v3 =	vld [tilespmem:s6+$0x12520]  }
0x249: {  	[tilespmem:s6+$0x124C0] =	vst v0;
	v0 =	vmul.f32 $8.000000000e+00, v4;
	v4 =	vld [tilespmem:s6+$0x12530]  }
0x24a: {  	[tilespmem:s6+$0x124D0] =	vst v1;
	v1 =	vmul.f32 $8.000000000e+00, v6;
	v6 =	vld [tilespmem:s6+$0x12540]  }
0x24b: {  	[tilespmem:s6+$0x124E0] =	vst v0;
	v0 =	vmul.f32 $8.000000000e+00, v5;
	v5 =	vld [tilespmem:s6+$0x12550]  }
0x24c: {  	[tilespmem:s6+$0x124F0] =	vst v1;
	v1 =	vmul.f32 $8.000000000e+00, v2;
	v2 =	vld [tilespmem:s6+$0x12560]  }
0x24d: {  	[tilespmem:s6+$0x12500] =	vst v0;
	v0 =	vmul.f32 $8.000000000e+00, v3;
	v3 =	vld [tilespmem:s6+$0x12570]  }
0x24e: {  	[tilespmem:s6+$0x12510] =	vst v1;
	v1 =	vmul.f32 $8.000000000e+00, v4;
	v4 =	vld [tilespmem:s6+$0x12580]  }
0x24f: {  	[tilespmem:s6+$0x12520] =	vst v0;
	v0 =	vmul.f32 $8.000000000e+00, v6;
	v7 =	vld [tilespmem:s6+$0x12590]  }
.Ltmp8:
0x250: {  	[tilespmem:s6+$0x12530] =	vst v1;
	v5 =	vmul.f32 $8.000000000e+00, v5;
	v1 =	vld [tilespmem:s6+$0x125A0];
	(pc) =	sbr.rel @p1 .LBB2_15-.Ltmp8, $4  }
0x251: {  	[tilespmem:s6+$0x12540] =	vst v0;
	v6 =	vmul.f32 $8.000000000e+00, v2;
	v0 =	vld [tilespmem:s6+$0x125B0]  }
0x252: {  	[tilespmem:s6+$0x12550] =	vst v5;
	v5 =	vmul.f32 $8.000000000e+00, v3;
	v2 =	vld [tilespmem:s6+$0x125C0]  }
0x253: {  	[tilespmem:s6+$0x12560] =	vst v6;
	v6 =	vmul.f32 $8.000000000e+00, v4;
	v3 =	vld [tilespmem:s6+$0x125D0]  }
0x254: {  	s7 =	sadd.s32 $0x800, s7;
	[tilespmem:s6+$0x12570] =	vst v5;
	v5 =	vmul.f32 $8.000000000e+00, v7;
	v4 =	vld [tilespmem:s6+$0x125E0]  }
0x255: {  	[tilespmem:s6+$0x12580] =	vst v6;
	v1 =	vmul.f32 $8.000000000e+00, v1;
	v6 =	vld [tilespmem:s6+$0x125F0]  }
0x256: {  	[tilespmem:s6+$0x12590] =	vst v5;
	v0 =	vmul.f32 $8.000000000e+00, v0  }
0x257: {  	[tilespmem:s6+$0x125A0] =	vst v1;
	v1 =	vmul.f32 $8.000000000e+00, v2  }
0x258: {  	[tilespmem:s6+$0x125B0] =	vst v0;
	v0 =	vmul.f32 $8.000000000e+00, v3  }
0x259: {  	s7 =	sshll.u32 s10, $0xE;
	[tilespmem:s6+$0x125C0] =	vst v1;
	v1 =	vmul.f32 $8.000000000e+00, v4  }
0x25a: {  	s7 =	sadd.s32 s3, s7;
	[tilespmem:s6+$0x125D0] =	vst v0;
	v0 =	vmul.f32 $8.000000000e+00, v6  }
0x25b: {  	s7 =	sshrl.u32 s7, $0x3;
	[tilespmem:s6+$0x125E0] =	vst v1  }
0x25c: {  	s16 =	sadd.s32 s5, s7;
	[tilespmem:s6+$0x125F0] =	vst v0  }
0x25d: {  	[hbm4b:s16+s20] =	stream.strided.scatter [tilespmem:s25], [sflag:$0xF], $0x2000, s12, s20, $0x38;
	[tilespmem:$0x16400] =	vst v63  }
0x25e: {  	_ =	swait.ge [sflag:s15], $0x2000  }
0x25f: {  	s8 =	simm.s32 @!p0 $0xA400;
	[sflag:s15] =	ssyncset.done $0x0  }
0x260: {  	s7 =	simm.s32 @!p0 $0x80;
	s6 =	sadd.s32 @!p0 $0x500, s14;
	[sflag:s15] =	ssyncadd.s32 $0xFFFFE000  }
0x261: {  	[tilespmem:s8], [sflag:$0x3] =	stream.indirect.gather @!p0 [hbm4b:s4+s7], $0x40, s6, s7, $0xb8;
	[tilespmem:$0x16400] =	vst v63  }
0x262: {  	_ =	swait.ge [sflag:s17], $0x2000  }
0x263: {  	[sflag:s17] =	ssyncset.done $0x0  }
0x264: {  	s6 =	simm.s32 $0x0;
	[sflag:s17] =	ssyncadd.s32 $0xFFFFE000  }
0x265: {  	v0 =	vld [tilespmem:s6+$0x14400]  }
0x266: {  	v1 =	vld [tilespmem:s6+$0x14410]  }
0x267: {  	v2 =	vld [tilespmem:s6+$0x14420]  }
0x268: {  	v3 =	vld [tilespmem:s6+$0x14430]  }
0x269: {  	v4 =	vld [tilespmem:s6+$0x14440]  }
0x26a: {  	v5 =	vld [tilespmem:s6+$0x14450];
	v0 =	vmul.f32 $8.000000000e+00, v0  }
0x26b: {  	v6 =	vld [tilespmem:s6+$0x14460];
	v1 =	vmul.f32 $8.000000000e+00, v1  }
0x26c: {  	v2 =	vmul.f32 $8.000000000e+00, v2;
	[tilespmem:s6+$0x14400] =	vst v0;
	v0 =	vld [tilespmem:s6+$0x14470]  }
0x26d: {  	v3 =	vmul.f32 $8.000000000e+00, v3;
	[tilespmem:s6+$0x14410] =	vst v1;
	v1 =	vld [tilespmem:s6+$0x14480]  }
0x26e: {  	v4 =	vmul.f32 $8.000000000e+00, v4;
	[tilespmem:s6+$0x14420] =	vst v2;
	v2 =	vld [tilespmem:s6+$0x14490]  }
0x26f: {  	v5 =	vmul.f32 $8.000000000e+00, v5;
	[tilespmem:s6+$0x14430] =	vst v3;
	v3 =	vld [tilespmem:s6+$0x144A0]  }
0x270: {  	v6 =	vmul.f32 $8.000000000e+00, v6;
	[tilespmem:s6+$0x14440] =	vst v4;
	v4 =	vld [tilespmem:s6+$0x144B0]  }
0x271: {  	[tilespmem:s6+$0x14450] =	vst v5;
	v5 =	vld [tilespmem:s6+$0x144C0];
	v0 =	vmul.f32 $8.000000000e+00, v0  }
0x272: {  	[tilespmem:s6+$0x14460] =	vst v6;
	v6 =	vld [tilespmem:s6+$0x144D0];
	v1 =	vmul.f32 $8.000000000e+00, v1  }
0x273: {  	v2 =	vmul.f32 $8.000000000e+00, v2;
	[tilespmem:s6+$0x14470] =	vst v0;
	v0 =	vld [tilespmem:s6+$0x144E0]  }
0x274: {  	v3 =	vmul.f32 $8.000000000e+00, v3;
	[tilespmem:s6+$0x14480] =	vst v1;
	v1 =	vld [tilespmem:s6+$0x144F0]  }
0x275: {  	v4 =	vmul.f32 $8.000000000e+00, v4;
	[tilespmem:s6+$0x14490] =	vst v2;
	v2 =	vld [tilespmem:s6+$0x14500]  }
0x276: {  	v5 =	vmul.f32 $8.000000000e+00, v5;
	[tilespmem:s6+$0x144A0] =	vst v3;
	v3 =	vld [tilespmem:s6+$0x14510]  }
0x277: {  	v6 =	vmul.f32 $8.000000000e+00, v6;
	[tilespmem:s6+$0x144B0] =	vst v4;
	v4 =	vld [tilespmem:s6+$0x14520]  }
0x278: {  	[tilespmem:s6+$0x144C0] =	vst v5;
	v5 =	vld [tilespmem:s6+$0x14530];
	v0 =	vmul.f32 $8.000000000e+00, v0  }
0x279: {  	[tilespmem:s6+$0x144D0] =	vst v6;
	v6 =	vld [tilespmem:s6+$0x14540]  }
0x27a: {  	v1 =	vmul.f32 $8.000000000e+00, v1;
	[tilespmem:s6+$0x144E0] =	vst v0;
	v0 =	vld [tilespmem:s6+$0x14550]  }
0x27b: {  	v2 =	vmul.f32 $8.000000000e+00, v2  }
0x27c: {  	[tilespmem:s6+$0x144F0] =	vst v1;
	v1 =	vmul.f32 $8.000000000e+00, v3;
	v3 =	vld [tilespmem:s6+$0x14570]  }
0x27d: {  	v7 =	vld [tilespmem:s6+$0x14560];
	[tilespmem:s6+$0x14500] =	vst v2;
	v2 =	vmul.f32 $8.000000000e+00, v4  }
0x27e: {  	v4 =	vld [tilespmem:s6+$0x14580];
	[tilespmem:s6+$0x14510] =	vst v1;
	v1 =	vmul.f32 $8.000000000e+00, v5  }
0x27f: {  	[tilespmem:s6+$0x14520] =	vst v2;
	v5 =	vld [tilespmem:s6+$0x14590];
	v2 =	vmul.f32 $8.000000000e+00, v6;
	v6 =	vmul.f32 $8.000000000e+00, v0  }
0x280: {  	[tilespmem:s6+$0x14530] =	vst v1;
	v1 =	vld [tilespmem:s6+$0x145A0]  }
0x281: {  	v0 =	vld [tilespmem:s6+$0x145B0];
	[tilespmem:s6+$0x14550] =	vst v6;
	v6 =	vmul.f32 $8.000000000e+00, v3  }
0x282: {  	v7 =	vmul.f32 $8.000000000e+00, v7;
	[tilespmem:s6+$0x14540] =	vst v2;
	v2 =	vld [tilespmem:s6+$0x145C0]  }
0x283: {  	v3 =	vld [tilespmem:s6+$0x145D0];
	[tilespmem:s6+$0x14570] =	vst v6;
	v6 =	vmul.f32 $8.000000000e+00, v4  }
0x284: {  	s7 =	simm.s32 $0x800;
	[tilespmem:s6+$0x14560] =	vst v7;
	v5 =	vmul.f32 $8.000000000e+00, v5;
	v4 =	vld [tilespmem:s6+$0x145E0]  }
.LBB2_17:
0x285: {  	s8 =	sshra.s32 s7, $0x2;
	p1 =	sne.s32 s7, $0x7800;
	[tilespmem:s6+$0x14580] =	vst v6;
	v1 =	vmul.f32 $8.000000000e+00, v1;
	v6 =	vld [tilespmem:s6+$0x145F0]  }
0x286: {  	v7 =	vld [tilespmem:s8+$0x14400];
	[tilespmem:s6+$0x14590] =	vst v5;
	v0 =	vmul.f32 $8.000000000e+00, v0  }
0x287: {  	v5 =	vld [tilespmem:s8+$0x14410];
	[tilespmem:s6+$0x145A0] =	vst v1;
	v1 =	vmul.f32 $8.000000000e+00, v2  }
0x288: {  	v2 =	vld [tilespmem:s8+$0x14420];
	[tilespmem:s6+$0x145B0] =	vst v0;
	v0 =	vmul.f32 $8.000000000e+00, v3  }
0x289: {  	v3 =	vld [tilespmem:s8+$0x14430];
	[tilespmem:s6+$0x145C0] =	vst v1;
	v1 =	vmul.f32 $8.000000000e+00, v4  }
0x28a: {  	v4 =	vld [tilespmem:s8+$0x14440];
	[tilespmem:s6+$0x145D0] =	vst v0;
	v0 =	vmul.f32 $8.000000000e+00, v6  }
0x28b: {  	v6 =	vmul.f32 $8.000000000e+00, v7;
	v7 =	vld [tilespmem:s8+$0x14450];
	[tilespmem:s6+$0x145E0] =	vst v1  }
0x28c: {  	v1 =	vmul.f32 $8.000000000e+00, v5;
	v5 =	vld [tilespmem:s8+$0x14460];
	[tilespmem:s6+$0x145F0] =	vst v0;
	s6 =	smov.u32 s8  }
0x28d: {  	[tilespmem:s6+$0x14400] =	vst v6;
	v0 =	vmul.f32 $8.000000000e+00, v2;
	v2 =	vld [tilespmem:s6+$0x14470]  }
0x28e: {  	[tilespmem:s6+$0x14410] =	vst v1;
	v1 =	vmul.f32 $8.000000000e+00, v3;
	v3 =	vld [tilespmem:s6+$0x14480]  }
0x28f: {  	[tilespmem:s6+$0x14420] =	vst v0;
	v0 =	vmul.f32 $8.000000000e+00, v4;
	v4 =	vld [tilespmem:s6+$0x14490]  }
0x290: {  	[tilespmem:s6+$0x14430] =	vst v1;
	v1 =	vmul.f32 $8.000000000e+00, v7;
	v6 =	vld [tilespmem:s6+$0x144A0]  }
0x291: {  	[tilespmem:s6+$0x14440] =	vst v0;
	v0 =	vmul.f32 $8.000000000e+00, v5;
	v5 =	vld [tilespmem:s6+$0x144B0]  }
0x292: {  	[tilespmem:s6+$0x14450] =	vst v1;
	v1 =	vmul.f32 $8.000000000e+00, v2;
	v2 =	vld [tilespmem:s6+$0x144C0]  }
0x293: {  	[tilespmem:s6+$0x14460] =	vst v0;
	v0 =	vmul.f32 $8.000000000e+00, v3;
	v3 =	vld [tilespmem:s6+$0x144D0]  }
0x294: {  	[tilespmem:s6+$0x14470] =	vst v1;
	v1 =	vmul.f32 $8.000000000e+00, v4;
	v4 =	vld [tilespmem:s6+$0x144E0]  }
0x295: {  	[tilespmem:s6+$0x14480] =	vst v0;
	v0 =	vmul.f32 $8.000000000e+00, v6;
	v6 =	vld [tilespmem:s6+$0x144F0]  }
0x296: {  	[tilespmem:s6+$0x14490] =	vst v1;
	v1 =	vmul.f32 $8.000000000e+00, v5;
	v5 =	vld [tilespmem:s6+$0x14500]  }
0x297: {  	[tilespmem:s6+$0x144A0] =	vst v0;
	v0 =	vmul.f32 $8.000000000e+00, v2;
	v2 =	vld [tilespmem:s6+$0x14510]  }
0x298: {  	[tilespmem:s6+$0x144B0] =	vst v1;
	v1 =	vmul.f32 $8.000000000e+00, v3;
	v3 =	vld [tilespmem:s6+$0x14520]  }
0x299: {  	[tilespmem:s6+$0x144C0] =	vst v0;
	v0 =	vmul.f32 $8.000000000e+00, v4;
	v4 =	vld [tilespmem:s6+$0x14530]  }
0x29a: {  	[tilespmem:s6+$0x144D0] =	vst v1;
	v1 =	vmul.f32 $8.000000000e+00, v6;
	v6 =	vld [tilespmem:s6+$0x14540]  }
0x29b: {  	[tilespmem:s6+$0x144E0] =	vst v0;
	v0 =	vmul.f32 $8.000000000e+00, v5;
	v5 =	vld [tilespmem:s6+$0x14550]  }
0x29c: {  	[tilespmem:s6+$0x144F0] =	vst v1;
	v1 =	vmul.f32 $8.000000000e+00, v2;
	v2 =	vld [tilespmem:s6+$0x14560]  }
0x29d: {  	[tilespmem:s6+$0x14500] =	vst v0;
	v0 =	vmul.f32 $8.000000000e+00, v3;
	v3 =	vld [tilespmem:s6+$0x14570]  }
0x29e: {  	[tilespmem:s6+$0x14510] =	vst v1;
	v1 =	vmul.f32 $8.000000000e+00, v4;
	v4 =	vld [tilespmem:s6+$0x14580]  }
0x29f: {  	[tilespmem:s6+$0x14520] =	vst v0;
	v0 =	vmul.f32 $8.000000000e+00, v6;
	v7 =	vld [tilespmem:s6+$0x14590]  }
.Ltmp9:
0x2a0: {  	[tilespmem:s6+$0x14530] =	vst v1;
	v5 =	vmul.f32 $8.000000000e+00, v5;
	v1 =	vld [tilespmem:s6+$0x145A0];
	(pc) =	sbr.rel @p1 .LBB2_17-.Ltmp9, $4  }
0x2a1: {  	[tilespmem:s6+$0x14540] =	vst v0;
	v6 =	vmul.f32 $8.000000000e+00, v2;
	v0 =	vld [tilespmem:s6+$0x145B0]  }
0x2a2: {  	[tilespmem:s6+$0x14550] =	vst v5;
	v5 =	vmul.f32 $8.000000000e+00, v3;
	v2 =	vld [tilespmem:s6+$0x145C0]  }
0x2a3: {  	[tilespmem:s6+$0x14560] =	vst v6;
	v6 =	vmul.f32 $8.000000000e+00, v4;
	v3 =	vld [tilespmem:s6+$0x145D0]  }
0x2a4: {  	s7 =	sadd.s32 $0x800, s7;
	[tilespmem:s6+$0x14570] =	vst v5;
	v5 =	vmul.f32 $8.000000000e+00, v7;
	v4 =	vld [tilespmem:s6+$0x145E0]  }
0x2a5: {  	[tilespmem:s6+$0x14580] =	vst v6;
	v1 =	vmul.f32 $8.000000000e+00, v1;
	v59 =	vld [tilespmem:s6+$0x145F0]  }
0x2a6: {  	[tilespmem:s6+$0x14590] =	vst v5;
	v0 =	vmul.f32 $8.000000000e+00, v0  }
0x2a7: {  	[tilespmem:s6+$0x145A0] =	vst v1;
	v60 =	vmul.f32 $8.000000000e+00, v2  }
0x2a8: {  	[tilespmem:s6+$0x145B0] =	vst v0;
	v61 =	vmul.f32 $8.000000000e+00, v3  }
0x2a9: {  	s7 =	sshll.u32 s13, $0xE;
	[tilespmem:s6+$0x145C0] =	vst v60;
	v62 =	vmul.f32 $8.000000000e+00, v4  }
0x2aa: {  	s7 =	sadd.s32 s3, s7;
	[tilespmem:s6+$0x145D0] =	vst v61;
	v63 =	vmul.f32 $8.000000000e+00, v59  }
0x2ab: {  	s7 =	sshrl.u32 s7, $0x3;
	[tilespmem:s6+$0x145E0] =	vst v62  }
.Ltmp10:
0x2ac: {  	s16 =	sadd.s32 s5, s7;
	[tilespmem:s6+$0x145F0] =	vst v63;
	(pc) =	sbr.rel @p0 .LBB2_20-.Ltmp10, $4  }
0x2ad: {  	[hbm4b:s16+s20] =	stream.strided.scatter [tilespmem:s28], [sflag:$0x10], $0x2000, s12, s20, $0x38;
	[tilespmem:$0x16400] =	vst v63  }
0x2ae: {  	_ =	swait.ge [sflag:s2], $0x2000  }
0x2af: {  	[sflag:s2] =	ssyncset.done $0x0  }
0x2b0: {  	[sflag:s2] =	ssyncadd.s32 $0xFFFFE000  }
.Ltmp11:
0x2b1: {  	(pc) =	sbr.rel .LBB2_2-.Ltmp11, $4  }
0x2b2: {  	s6 =	sshll.u32 s11, $0xA  }
0x2b3: {  	s6 =	sand.u32 $0x3FFFFC00, s6  }
0x2b4: {  	s11 =	sadd.s32 $0x1, s11;
	s6 =	sadd.s32 $0x580, s6  }
0x2b5: {  	[tilespmem:s18], [sflag:$0x4] =	stream.indirect.gather [hbm4b:s4+s12], $0x40, s6, s12, $0xb8;
	[tilespmem:$0x16400] =	vst v63  }
.LBB2_21:
0x2b6: {  	_ =	sfence.sel $0x180000  }
0x2b7: {  	[bflag:$0x0] =	sbarrier.arrive $0xFFFF  }
0x2b8: {  	_ =	strace $0x90000047  }
0x2b9: {  	s0 =	stileid.u32;
	[bflag:$0x2] =	sbarrier.arrive $0xFFFF  }
0x2ba: {  	p0 =	sne.s32 s0, $0x0;
	s0 =	rddreg [dreg:$0x2]  }
0x2bb: {  	s0 =	sadd.s32 @!p0 $0x100000, s0  }
0x2bc: {  	[sflag:s0] =	ssyncadd.tile.s32 @!p0 $0x1;
	_ =	shalt  }
.Lfunc_end2:
_tile_overlayer_lowered:
.L_overlay_start_2:
0x2bd: {  	(tag) =	ssettag $0x2  }
0x2be: {  	s0 =	rddreg [dreg:$0x0];
	s2 =	stileid.u32  }
0x2bf: {  	s1 =	rddreg [dreg:$0x1];
	p0 =	sne.s32 s2, $0x0  }
0x2c0: {  	s3 =	rddreg [dreg:$0x2];
	[bflag:$0x3] =	sbarrier.arrive $0xFFFF;
	s2 =	simm.s32 @!p0 $0x1C12  }
0x2c1: {  	[timem:s3], [sflag:s2] =	dma.local @!p0 [hbm:s0], s1  }
0x2c2: {  	s0 =	simm.s32 @!p0 $0x12  }
0x2c3: {  	_ =	swait.ge @!p0 [sflag:s0], s1  }
0x2c4: {  	s1 =	ssub.s32 @!p0 $0x0, s1;
	[sflag:s0] =	ssyncset.done @!p0 $0x0  }
0x2c5: {  	[sflag:s0] =	ssyncadd.s32 @!p0 s1  }
0x2c6: {  	[bflag:$0x3] =	sbarrier.arrive $0xFFFF  }
0x2c7: {  	_ =	shalt  }

// kernel: sparse-core-data-format-call.cloned.1.call-start
scs
called_computation_lowered:
.L_overlay_start_0:
0x0: {  	s2 =	sld [smem:$0x3FD9]  }
0x1: {  	s3 =	sld [smem:$0x3FFE];
	_ =	sdelay $0x1  }
0x2: {  	s1 =	srdreg.scid  }
0x3: {  	s0 =	sand.u32 $0x1, s1  }
0x4: {  	s18 =	sshll.u32 s0, $0xA;
	s2 =	sadd.s32 s3, s2  }
0x5: {  	s2 =	sadd.s32 s2, s18  }
0x6: {  	[smem:$0x3FC6] =	sst s2  }
0x7: {  	_ = 	snop  }
0x8: {  	s2 =	sld [smem:$0x3FD0];
	(tm) =	ssettm $0x1  }
0x9: {  	s19 =	sld [smem:$0x3FFB];
	_ =	sdelay $0x3  }
0xa: {  	_ =	strace s19  }
0xb: {  	s3 =	sld [smem:$0x3FFC];
	_ =	sdelay $0x3  }
0xc: {  	_ =	strace s3  }
0xd: {  	s3 =	sld [smem:$0x3FFD];
	_ =	sdelay $0x3  }
0xe: {  	_ =	strace s3  }
0xf: {  	_ =	strace $0x8FFFFFFF  }
0x10: {  	s20 =	sld [smem:$0x3FDB];
	_ =	sdelay $0x1  }
0x11: {  	s4 =	simm.s32 $_scs_section_size  }
0x12: {  	s5 =	simm.s32 $_size__tile_overlayer_lowered;
	s6 =	simm.s32 $_tile_overlayer_lowered  }
0x13: {  	s23 =	simm.s32 $0x1BFF;
	s22 =	sshll.u32 s6, $0x1;
	s3 =	sadd.s32 s4, s20  }
0x14: {  	s7 =	simm.s32 $0x0;
	s21 =	sshll.u32 s5, $0x1;
	s5 =	sadd.s32 s22, s3  }
0x15: {  	[timem:s7], [sflag:s23] =	dma.local [hbm:s5], s21  }
0x16: {  	_ =	swait.ge [sflag:s23], s21  }
0x17: {  	s4 =	ssub.s32 $0x0, s21;
	[sflag:s23] =	ssyncset.done $0x0  }
0x18: {  	[sflag:s23] =	ssyncadd.s32 s4;
	_ =	sdelay $0x1  }
0x19: {  	s24 =	simm.s32 $0x1B8B  }
0x1a: {  	_ =	swait.ge [sflag:s24], $0x1  }
0x1b: {  	[sflag:s24] =	ssyncset.done $0x0  }
0x1c: {  	s26 =	simm.s32 $0x1B8E;
	s25 =	sld [smem:$0x3FFE];
	[sflag:s24] =	ssyncadd.s32 $0xFFFFFFFF  }
0x1d: {  	s27 =	simm.s32 $execute0_lowered;
	[smem:$0x3FD2] =	sst s26  }
0x1e: {  	s5 =	sshll.u32 s27, $0x1;
	_ =	strace $0x80000049;
	[dreg:$0x1] =	wrdreg $0xFFFFFFFF  }
0x1f: {  	s28 =	simm.s32 $_size_execute0_lowered;
	s3 =	sadd.s32 s3, s5;
	[dreg:$0x0] =	wrdreg $0x0  }
0x20: {  	s5 =	sshll.u32 s28, $0x1;
	[dreg:$0x2] =	wrdreg s3  }
0x21: {  	[dreg:$0x3] =	wrdreg s5  }
0x22: {  	[dreg:$0x4] =	wrdreg $0xC0  }
0x23: {  	_ =	task [dreg:s7], $0x5FFFF  }
0x24: {  	[dreg:$0x1] =	wrdreg $0xFFFFFFFF  }
0x25: {  	[dreg:$0x0] =	wrdreg $0x60  }
0x26: {  	[dreg:$0x2] =	wrdreg s25  }
0x27: {  	[dreg:$0x3] =	wrdreg s2  }
0x28: {  	[dreg:$0x4] =	wrdreg $0x9  }
0x29: {  	_ =	task.clear_ibuf [dreg:s7], $0x5FFFF;
	_ =	strace $0x90000049  }
0x2a: {  	s29 =	simm.s32 $0x9;
	_ =	strace $0x8000004B  }
0x2b: {  	_ =	swait.ge [sflag:s29], $0x1  }
0x2c: {  	[sflag:s29] =	ssyncadd.s32 $0xFFFFFFFF  }
0x2d: {  	_ =	strace $0x9000004B  }
0x2e: {  	_ =	sfence  }
0x2f: {  	s30 =	sld [smem:$0x0];
	_ =	sdelay $0x2  }
0x30: {  	s31 =	sshll.u32 s1, $0xD;
	s1 =	sshrl.u32 s1, $0x2  }
0x31: {  	s3 =	sand.u32 $0x4000, s31;
	s1 =	sadd.s32 s1, s30  }
0x32: {  	s0 =	sor.u32 s3, s0;
	s1 =	sshll.u32 s1, $0x11  }
0x33: {  	s0 =	sor.u32 s1, s0  }
0x34: {  	s0 =	sadd.s32 $0x8F2B, s0  }
0x35: {  	[sflag:s0] =	ssyncadd.remote.s32 $0x1  }
0x36: {  	_ =	sfence.sel $0xFFFF  }
0x37: {  	[dreg:$0x0] =	wrdreg $0xFFFFFFFF;
	(pc) =	sbr.abs _section_cstart, $3  }
0x38: {  	[dreg:$0x1] =	wrdreg $0xFFFFFFFF  }
0x39: {  	_ =	task.clear_ibuf [dreg:s7], $0x2FFFF;
	_ =	strace $0x9FFFFFFF  }
0x3a: {  	(tm) =	ssettm $0x7FFFFFFF  }
0x3b: {  	_ =	shalt  }
tec
execute0_lowered:
.L_overlay_start_1:
0x0: {  	(tag) =	ssettag $0x1  }
0x1: {  	s0 =	srdreg.scid  }
0x2: {  	s1 =	sshll.u32 s0, $0x4  }
0x3: {  	s0 =	stileid.u32;
	s1 =	sand.u32 $0x10, s1  }
0x4: {  	s1 =	sor.u32 s0, s1  }
0x5: {  	s6 =	rddreg [dreg:$0x0];
	s4 =	simm.s32 $0x1;
	s2 =	sshll.u32 s1, $0x7  }
0x6: {  	s7 =	simm.s32 $0x2;
	s12 =	simm.s32 $0x0;
	s1 =	ssub.s32 $0x1000, s2  }
0x7: {  	s8 =	simm.s32 $0x8000;
	s13 =	simm.s32 $0x0;
	s3 =	sand.u32 $0xF80, s1  }
0x8: {  	s9 =	simm.s32 $0x0;
	s5 =	sshrl.u32 s1, $0xC;
	p0 =	sne.s32 s3, $0x0  }
.Ltmp0:
0x9: {  	s1 =	rddreg [dreg:$0x2];
	s4 =	simm.s32 @!p0 $0x0;
	(pc) =	sbr.rel .LBB1_1-.Ltmp0, $4  }
0xa: {  	s11 =	simm.s32 $0x0;
	s3 =	rddreg [dreg:$0x1];
	s5 =	sadd.s32 s4, s5  }
0xb: {  	_ =	strace $0x8000004A;
	s4 =	simm.s32 $0x1;
	s5 =	smul.u32 $0xC8, s5  }
0xc: {  	s6 =	sadd.s32 $0xA00, s6;
	s10 =	smov.u32 s2;
	[sflag:s4] =	ssyncpa.u1 $0x0  }
0xd: {  	p0 =	por $0x0, $0x0;
	[sflag:s7] =	ssyncpa.u1 $0x0;
	s7 =	sor.u32 $0x1, s5  }
.LBB1_4:
0xe: {  	s16 =	sshll.u32 s13, $0x3;
	s17 =	sand.u32 $0x78, s13  }
0xf: {  	s30 =	sand.u32 $0x7E00, s13;
	s12 =	sshll.u32 s12, $0xF;
	s16 =	sand.u32 $0xC00, s16  }
0x10: {  	[tilespmem:s15+$0x810 ss:$0x81] =	vst.msk $0xffff, v2;
	s31 =	sand.u32 $0x7, s13;
	s16 =	sor.u32 s17, s16;
	s17 =	sadd.s32 s3, s30  }
0x11: {  	[tilespmem:s15+$0x1020 ss:$0x81] =	vst.msk $0xffff, v0;
	s13 =	sshll.u32 s31, $0x12;
	s12 =	sadd.s32 s12, s17;
	s16 =	sshrl.u32 s16, $0x3  }
0x12: {  	[tilespmem:s15+$0x0 ss:$0x81] =	vst.msk $0xffff, v1;
	s13 =	sor.u32 $0x400, s13;
	s12 =	sadd.s32 s16, s12  }
0x13: {  	[hbm4b:s12+s13] =	stream.strided.scatter [tilespmem:s14], [sflag:$0x2], $0x2000, s8, s13, $0x20;
	[tilespmem:$0x8080] =	vst v63  }
.LBB1_5:
0x14: {  	s14 =	sadd.s32 $0x1, s9  }
0x15: {  	s12 =	sadd.s32 $0x1000, s10;
	s16 =	smov.u32 s10;
	p2 =	sgt.s32 s14, $0xC7  }
0x16: {  	s16 =	smov.u32 @p2 s12  }
0x17: {  	s14 =	simm.s32 @p2 $0x0;
	p2 =	sgt.s32 s16, $0xFFF  }
0x18: {  	s16 =	smov.u32 @p2 s2;
	p2 =	sne.s32 s11, s7  }
.Ltmp1:
0x19: {  	p1 =	slt.u32 s11, $0x2;
	(pc) =	sbr.rel @!p2 .LBB1_6-.Ltmp1, $4  }
0x1a: {  	s15 =	simm.s32 @!p1 $0x2  }
0x1b: {  	s13 =	smov.u32 s10;
	p0 =	por !p0, !p0;
	_ =	swait.ge @!p1 [sflag:s15], $0x2000  }
0x1c: {  	s12 =	smov.u32 s9;
	[sflag:s15] =	ssyncset.done @!p1 $0x0;
	s9 =	smov.u32 s14  }
0x1d: {  	s11 =	sadd.s32 $0x1, s11;
	[sflag:s15] =	ssyncadd.s32 @!p1 $0xFFFFE000;
	s10 =	smov.u32 s16  }
.LBB1_1:
0x1e: {  	p1 =	sge.u32 s11, s5  }
0x1f: {  	s14 =	sand.u32 @!p1 $0x1FFFFFF, s9  }
0x20: {  	s15 =	smulhi.u32 @!p1 $0x147AE15, s14;
	_ =	sdelay $0x1  }
0x21: {  	s15 =	smul.u32 @!p1 $0xC8, s15  }
0x22: {  	s16 =	sxor.u32 @!p1 $0xFFFFFFFF, s11;
	s17 =	smul.u32 @!p1 $0xC80, s10  }
0x23: {  	s31 =	sadd.s32 $0xFFFFFFFF, s11;
	s16 =	sshll.u32 @!p1 s16, $0xD;
	s14 =	ssub.s32 @!p1 s14, s15  }
0x24: {  	s15 =	sand.u32 @!p1 $0x2000, s16;
	s16 =	sadd.s32 @!p1 s6, s17;
	s14 =	sshll.u32 @!p1 s14, $0x4  }
0x25: {  	s17 =	simm.s32 @!p1 $0x6400;
	s14 =	sadd.s32 @!p1 s14, s16;
	s16 =	simm.s32 @!p1 $0x40  }
0x26: {  	[tilespmem:s15], [sflag:$0x1] =	stream.strided.gather @!p1 [hbm4b:s14+s16], $0x2000, s17, s16, $0x38;
	[tilespmem:$0x8080] =	vst v63  }
0x27: {  	p1 =	sge.u32 s31, s5  }
.Ltmp2:
0x28: {  	_ = 	snop;
	(pc) =	sbr.rel @p1 .LBB1_5-.Ltmp2, $1  }
0x29: {  	_ =	sdelay $0x3  }
0x2a: {  	s14 =	simm.s32 $0x1  }
0x2b: {  	_ =	swait.ge [sflag:s4], $0x2000;
	s14 =	simm.s32 @!p0 $0x0  }
0x2c: {  	[sflag:s4] =	ssyncset.done $0x0;
	s15 =	sshll.u32 s14, $0xD  }
0x2d: {  	[sflag:s4] =	ssyncadd.s32 $0xFFFFE000;
	s18 =	sor.u32 $0x20, s15  }
0x2e: {  	s14 =	smul.u32 $0x8100, s14;
	v3 =	vld [tilespmem:s18+$0x10]  }
0x2f: {  	s30 =	sand.u32 $0x1, s11;
	v2 =	vld [tilespmem:s18+$0xFFFFFFF0]  }
0x30: {  	s15 =	smul.u32 $0x8100, s30;
	s14 =	sshrl.u32 s14, $0x2;
	v0 =	vld [tilespmem:s18+$0x0]  }
0x31: {  	v1 =	vld [tilespmem:s18+$0xFFFFFFE0];
	s16 =	sor.u32 $0x4000, s14  }
0x32: {  	s31 =	sshrl.u32 s15, $0x2;
	s15 =	sadd.s32 $0x0, s16  }
0x33: {  	s17 =	simm.s32 $0x4;
	s18 =	sadd.s32 $0x40, s18;
	s14 =	sor.u32 $0x4000, s31;
	[tilespmem:s15+$0x1830 ss:$0x81] =	vst.msk $0xffff, v3  }
.LBB1_3:
0x34: {  	v3 =	vld [tilespmem:s18+$0x10];
	p1 =	sne.s32 s17, $0x1FC;
	[tilespmem:s15+$0x810 ss:$0x81] =	vst.msk $0xffff, v2;
	s19 =	smov.u32 s17;
	s17 =	sadd.s32 $0x4, s17  }
.Ltmp3:
0x35: {  	v2 =	vld [tilespmem:s18+$0xFFFFFFF0];
	[tilespmem:s15+$0x1020 ss:$0x81] =	vst.msk $0xffff, v0;
	(pc) =	sbr.rel @p1 .LBB1_3-.Ltmp3, $4  }
0x36: {  	v0 =	vld [tilespmem:s18+$0x0];
	[tilespmem:s15+$0x0 ss:$0x81] =	vst.msk $0xffff, v1  }
0x37: {  	s15 =	sshra.s32 s19, $0x2;
	v1 =	vld [tilespmem:s18+$0xFFFFFFE0]  }
0x38: {  	s15 =	sadd.s32 s15, s16  }
0x39: {  	s18 =	sadd.s32 $0x40, s18;
	[tilespmem:s15+$0x1830 ss:$0x81] =	vst.msk $0xffff, v3  }
.Ltmp4:
0x3a: {  	_ = 	snop;
	(pc) =	sbr.rel .LBB1_4-.Ltmp4, $1  }
0x3b: {  	_ =	sdelay $0x3  }
.LBB1_6:
0x3c: {  	_ =	sfence.sel $0x180000  }
0x3d: {  	s2 =	simm.s32 $0x1;
	[bflag:$0x0] =	sbarrier.arrive $0xFFFF  }
0x3e: {  	s31 =	simm.s32 $0x2;
	[sflag:s2] =	ssyncpa.u1 $0x1  }
0x3f: {  	[sflag:s31] =	ssyncpa.u1 $0x1  }
0x40: {  	p0 =	sne.s32 s0, $0x0;
	_ =	strace $0x9000004A  }
0x41: {  	s0 =	sadd.s32 @!p0 $0x100000, s1;
	[bflag:$0x2] =	sbarrier.arrive $0xFFFF  }
0x42: {  	[sflag:s0] =	ssyncadd.tile.s32 @!p0 $0x1;
	_ =	shalt  }
.Lfunc_end1:
_tile_overlayer_lowered:
.L_overlay_start_2:
0x43: {  	(tag) =	ssettag $0x2  }
0x44: {  	s0 =	rddreg [dreg:$0x0];
	s2 =	stileid.u32  }
0x45: {  	s1 =	rddreg [dreg:$0x1];
	p0 =	sne.s32 s2, $0x0  }
0x46: {  	s3 =	rddreg [dreg:$0x2];
	[bflag:$0x3] =	sbarrier.arrive $0xFFFF;
	s2 =	simm.s32 @!p0 $0x1C01  }
0x47: {  	[timem:s3], [sflag:s2] =	dma.local @!p0 [hbm:s0], s1  }
0x48: {  	s0 =	simm.s32 @!p0 $0x1  }
0x49: {  	_ =	swait.ge @!p0 [sflag:s0], s1  }
0x4a: {  	s1 =	ssub.s32 @!p0 $0x0, s1;
	[sflag:s0] =	ssyncset.done @!p0 $0x0  }
0x4b: {  	[sflag:s0] =	ssyncadd.s32 @!p0 s1  }
0x4c: {  	[bflag:$0x3] =	sbarrier.arrive $0xFFFF  }
0x4d: {  	_ =	shalt  }

</sc_bundles>
